<compile_context>
chip_gen: v7x
topology: tpu7x:2x2x1
jax: 0.10.2.dev20260603
libtpu: 0.0.44.dev20260713+nightly
codegen_flags: <defaults>
</compile_context>

<pallas_src>
import functools

import jax
import jax.numpy as jnp
from jax import lax
from jax.experimental import pallas as pl
from jax.experimental.pallas import tpu as pltpu
from jax.experimental.pallas import tpu_sc as plsc

BN_EPS = 1e-5

_NC = 2
_NS = 16
_NW = _NC * _NS
_K = 80


def _sc_agg(h, packed, n):
    d = h.shape[1]
    e = packed.shape[0]
    ew = e // _NW
    nch = ew // _K
    rt = (n // _NS) // 8 * 8
    tail = n - rt * _NS

    nb = 3

    mesh = plsc.VectorSubcoreMesh(core_axis_name="c", subcore_axis_name="s")

    @functools.partial(
        pl.kernel,
        out_type=(
            jax.ShapeDtypeStruct((n, d), jnp.float32),
            jax.ShapeDtypeStruct((n, d), jnp.float32),
        ),
        mesh=mesh,
        scratch_types=[
            pltpu.VMEM_SHARED((n, d), jnp.float32),
            pltpu.VMEM((ew,), jnp.int32),
            pltpu.VMEM((nb, _K), jnp.int32),
            pltpu.VMEM((nb, _K), jnp.int32),
            pltpu.VMEM((nb, _K, d), jnp.float32),
        ] + [pltpu.SemaphoreType.DMA] * (2 * nb),
    )
    def agg_kernel(h_hbm, pk_hbm, zeros_hbm, out0, out1,
                   accs, pslab, sring, dring, bufs, *sems):
        gsems, ssems = sems[:nb], sems[nb:]
        c = lax.axis_index("c")
        s = lax.axis_index("s")
        wid = c * _NS + s
        base0 = wid * ew

        pltpu.sync_copy(pk_hbm.at[pl.ds(base0, ew)], pslab)

        def _unpack(ci, b):
            def _vec(j, _):
                pk = pslab[pl.ds(ci * _K + j * 16, 16)]
                sring[b, pl.ds(j * 16, 16)] = lax.shift_right_logical(pk, 14)
                dring[b, pl.ds(j * 16, 16)] = lax.bitwise_and(pk, 16383)
                return 0
            lax.fori_loop(0, _K // 16, _vec, 0)

        def _gather_start(ci, b):
            _unpack(ci, b)
            pltpu.async_copy(h_hbm.at[sring.at[b]], bufs.at[b], gsems[b])

        def _gather_wait(b):
            pltpu.make_async_copy(
                h_hbm.at[sring.at[b]], bufs.at[b], gsems[b]).wait()

        def _scatter_start(b):
            pltpu.async_copy(bufs.at[b], accs.at[dring.at[b]], ssems[b],
                             add=True)

        def _scatter_wait(b):
            pltpu.make_async_copy(bufs.at[b], accs.at[dring.at[b]],
                                  ssems[b]).wait()

        for b in range(nb):
            _gather_start(b, b)

        pltpu.sync_copy(zeros_hbm.at[pl.ds(0, rt)], accs.at[pl.ds(s * rt, rt)])

        @pl.when(s == 0)
        def _():
            pltpu.sync_copy(zeros_hbm.at[pl.ds(0, tail)],
                            accs.at[pl.ds(rt * _NS, tail)])
        plsc.subcore_barrier()

        def _body(g, _):
            for b in range(nb):
                ci = g * nb + b
                _gather_wait(b)
                _scatter_start(b)
                _scatter_wait(b)
                _gather_start(ci + nb, b)
            return 0
        lax.fori_loop(0, (nch - nb) // nb, _body, 0)
        rem = nch - nb - (nch - nb) // nb * nb
        for j in range(rem + nb):
            ci = (nch - nb - rem) + j
            b = ci % nb
            _gather_wait(b)
            _scatter_start(b)
            _scatter_wait(b)
            if j < rem:
                _gather_start(ci + nb, b)
        plsc.subcore_barrier()

        @pl.when(c == 0)
        def _():
            pltpu.sync_copy(accs.at[pl.ds(s * rt, rt)],
                            out0.at[pl.ds(s * rt, rt)])

            @pl.when(s == 0)
            def _():
                pltpu.sync_copy(accs.at[pl.ds(rt * _NS, tail)],
                                out0.at[pl.ds(rt * _NS, tail)])

        @pl.when(c == 1)
        def _():
            pltpu.sync_copy(accs.at[pl.ds(s * rt, rt)],
                            out1.at[pl.ds(s * rt, rt)])

            @pl.when(s == 0)
            def _():
                pltpu.sync_copy(accs.at[pl.ds(rt * _NS, tail)],
                                out1.at[pl.ds(rt * _NS, tail)])

    return agg_kernel(h, packed, jnp.zeros((rt, d), jnp.float32))


def _bn_relu(t, g, be):
    mu = jnp.mean(t, axis=0, keepdims=True)
    var = jnp.mean((t - mu) * (t - mu), axis=0, keepdims=True)
    return jnp.maximum(g * (t - mu) * lax.rsqrt(var + BN_EPS) + be, 0.0)


def _mlp_body(h_ref, a0_ref, a1_ref, eps_ref, w1_ref, b1_ref, g1_ref,
              be1_ref, w2_ref, b2_ref, g2_ref, be2_ref):
    z = (1.0 + eps_ref[0, 0]) * h_ref[...] + a0_ref[...] + a1_ref[...]
    t = jnp.dot(z, w1_ref[...], preferred_element_type=jnp.float32) + b1_ref[...]
    u = _bn_relu(t, g1_ref[...], be1_ref[...])
    v = jnp.dot(u, w2_ref[...], preferred_element_type=jnp.float32) + b2_ref[...]
    return _bn_relu(v, g2_ref[...], be2_ref[...])


def _tc_mlp(h, a0, a1, p):
    n, d = h.shape
    hdim = p["W1"].shape[1]

    def body(*refs):
        out_ref = refs[-1]
        out_ref[...] = _mlp_body(*refs[:-1])

    return pl.pallas_call(
        body,
        out_shape=jax.ShapeDtypeStruct((n, hdim), jnp.float32),
    )(h, a0, a1, p["eps"].reshape(1, 1),
      p["W1"], p["b1"].reshape(1, hdim), p["g1"].reshape(1, hdim),
      p["be1"].reshape(1, hdim),
      p["W2"], p["b2"].reshape(1, hdim), p["g2"].reshape(1, hdim),
      p["be2"].reshape(1, hdim))


def _tc_mlp_pool(h, a0, a1, p, batch2d, num_graphs):
    n, d = h.shape
    hdim = p["W1"].shape[1]

    def body(*refs):
        batch_ref, out_ref = refs[-2], refs[-1]
        w = _mlp_body(*refs[:-2])
        onehot = (batch_ref[...] ==
                  lax.broadcasted_iota(jnp.int32, (n, num_graphs), 1)
                  ).astype(jnp.float32)
        psum = lax.dot_general(onehot, w, (((0,), (0,)), ((), ())),
                               preferred_element_type=jnp.float32)
        ones = jnp.ones((n, 1), jnp.float32)
        cnt = lax.dot_general(onehot, ones, (((0,), (0,)), ((), ())),
                              preferred_element_type=jnp.float32)
        out_ref[...] = psum / jnp.maximum(cnt, 1.0)

    return pl.pallas_call(
        body,
        out_shape=jax.ShapeDtypeStruct((num_graphs, hdim), jnp.float32),
    )(h, a0, a1, p["eps"].reshape(1, 1),
      p["W1"], p["b1"].reshape(1, hdim), p["g1"].reshape(1, hdim),
      p["be1"].reshape(1, hdim),
      p["W2"], p["b2"].reshape(1, hdim), p["g2"].reshape(1, hdim),
      p["be2"].reshape(1, hdim), batch2d)


def kernel(x, edge_index, batch, params):
    n = x.shape[0]
    packed = jnp.bitwise_or(jnp.left_shift(edge_index[0], 14), edge_index[1])
    num_graphs = 64
    batch2d = batch.reshape(-1, 1)
    h = x
    for p in params[:-1]:
        a0, a1 = _sc_agg(h, packed, n)
        h = _tc_mlp(h, a0, a1, p)
    a0, a1 = _sc_agg(h, packed, n)
    return _tc_mlp_pool(h, a0, a1, params[-1], batch2d, num_graphs)

# --- scband reference (transcript-rebuilt; emitter-appended) ---
"""Pipeline reference for scband-topology-channel-42992622633779 (READ-ONLY COPY).

The authoritative reference and input builder live on the scoring server;
editing this copy changes nothing except your own understanding.
"""

import jax, jax.numpy as jnp
import numpy as np

N = 10000
E = 320000
D = 128
H = 128
G = 64
L = 3
BN_EPS = 1e-5


def _batch_norm(h, gamma, beta):
    # training-mode BatchNorm1d: batch statistics, biased variance
    mu = jnp.mean(h, axis=0)
    var = jnp.var(h, axis=0)
    return gamma * (h - mu) / jnp.sqrt(var + BN_EPS) + beta


def setup_inputs(seed: int = 0) -> dict:
    key = jax.random.key(seed)
    ks = jax.random.split(key, 16)
    x = jax.random.normal(ks[0], (N, D), dtype=jnp.float32)
    edge_index = jax.random.randint(ks[1], (2, E), 0, N, dtype=jnp.int32)
    batch = jnp.sort(jax.random.randint(ks[2], (N,), 0, G, dtype=jnp.int32))
    params = []
    in_dim = D
    kidx = 3
    for i in range(L):
        W1 = jax.random.normal(ks[kidx], (in_dim, H), dtype=jnp.float32) * (1.0 / np.sqrt(in_dim))
        b1 = jnp.zeros((H,), dtype=jnp.float32)
        g1 = jnp.ones((H,), dtype=jnp.float32)
        be1 = jnp.zeros((H,), dtype=jnp.float32)
        W2 = jax.random.normal(ks[kidx + 1], (H, H), dtype=jnp.float32) * (1.0 / np.sqrt(H))
        b2 = jnp.zeros((H,), dtype=jnp.float32)
        g2 = jnp.ones((H,), dtype=jnp.float32)
        be2 = jnp.zeros((H,), dtype=jnp.float32)
        eps = jnp.zeros((), dtype=jnp.float32)  # train_eps=True, init 0
        params.append({"eps": eps, "W1": W1, "b1": b1, "g1": g1, "be1": be1,
                       "W2": W2, "b2": b2, "g2": g2, "be2": be2})
        kidx += 2
        in_dim = H
    return {"x": x, "edge_index": edge_index, "batch": batch, "params": params}


def reference(x, edge_index, batch, params):
    # gat=False branch: stack of GINConv(mlp), then scatter-mean pooling by graph id
    src = edge_index[0]
    dst = edge_index[1]
    h = x
    for p in params:
        # GINConv, flow=source_to_target, aggr=add: agg[i] = sum_{(j->i)} h[j]
        msgs = jnp.take(h, src, axis=0)
        agg = jax.ops.segment_sum(msgs, dst, num_segments=N)
        z = (1.0 + p["eps"]) * h + agg
        # MLP: Linear -> BN -> ReLU -> Dropout(p=0.0, identity) -> Linear -> BN -> ReLU
        z = z @ p["W1"] + p["b1"]
        z = _batch_norm(z, p["g1"], p["be1"])
        z = jax.nn.relu(z)
        z = z @ p["W2"] + p["b2"]
        z = _batch_norm(z, p["g2"], p["be2"])
        z = jax.nn.relu(z)
        h = z
    # scatter(x, batch, reduce='mean')
    counts = jax.ops.segment_sum(jnp.ones((N,), dtype=jnp.float32), batch, num_segments=G)
    pooled = jax.ops.segment_sum(h, batch, num_segments=G) / jnp.clip(counts, 1.0)[:, None]
    return pooled

if __name__ == "__main__":
    import jax
    _d = setup_inputs()
    print(jax.jit(kernel)(*tuple(_d.values())))

</pallas_src>

<mosaic_0001>
#map = affine_map<(d0, d1) -> (0, 0)>
#map1 = affine_map<(d0, d1) -> (0)>
module attributes {stable_mosaic.version = 14 : i64} {
  func.func @agg_kernel(%arg0: i32, %arg1: i32, %arg2: memref<10000x128xf32, #tpu.memory_space<hbm>>, %arg3: memref<320000xi32, #tpu.memory_space<hbm>>, %arg4: memref<624x128xf32, #tpu.memory_space<hbm>>, %arg5: memref<10000x128xf32, #tpu.memory_space<hbm>>, %arg6: memref<10000x128xf32, #tpu.memory_space<hbm>>, %arg7: memref<10000x128xf32, #tpu.memory_space<vmem_shared>>, %arg8: memref<10000xi32, #tpu.memory_space<vmem>>, %arg9: memref<3x80xi32, #tpu.memory_space<vmem>>, %arg10: memref<3x80xi32, #tpu.memory_space<vmem>>, %arg11: memref<3x80x128xf32, #tpu.memory_space<vmem>>, %arg12: memref<!tpu.dma_semaphore, #tpu.memory_space<semaphore_mem>>, %arg13: memref<!tpu.dma_semaphore, #tpu.memory_space<semaphore_mem>>, %arg14: memref<!tpu.dma_semaphore, #tpu.memory_space<semaphore_mem>>, %arg15: memref<!tpu.dma_semaphore, #tpu.memory_space<semaphore_mem>>, %arg16: memref<!tpu.dma_semaphore, #tpu.memory_space<semaphore_mem>>, %arg17: memref<!tpu.dma_semaphore, #tpu.memory_space<semaphore_mem>>) attributes {dimension_semantics = [#tpu.dimension_semantics<core_parallel>, #tpu.dimension_semantics<subcore_parallel>], iteration_bounds = array<i64: 2, 16>, scalar_prefetch = 0 : i64, scratch_operands = 11 : i64, tpu.core_type = #tpu.core_type<sc_vector_subcore>, window_params = [{transform_indices = #map}, {transform_indices = #map1}, {transform_indices = #map}, {transform_indices = #map}, {transform_indices = #map}]} {
    %mul3A = arith.constant 16 : i32
    %mul3A_0 = arith.muli %arg0, %mul3A : i32
    %add3A = arith.addi %mul3A_0, %arg1 : i32
    %mul3A_1 = arith.constant 10000 : i32
    %mul3A_2 = arith.muli %add3A, %mul3A_1 : i32
    "tpu.region"() ({
      %run_scoped3A = tpu.sem_alloc : memref<!tpu.dma_semaphore, #tpu.memory_space<semaphore_mem>>
      %dma_start3A_297 = tpu.memref_slice %arg3[%mul3A_2] : memref<320000xi32, #tpu.memory_space<hbm>> -> memref<10000xi32, #tpu.memory_space<hbm>>
      %dma_start3A_298 = tpu.memref_slice %arg3[%mul3A_2] : memref<320000xi32, #tpu.memory_space<hbm>> -> memref<10000xi32, #tpu.memory_space<hbm>>
      tpu.enqueue_dma source(%dma_start3A_298 : memref<10000xi32, #tpu.memory_space<hbm>>) target(%arg8 : memref<10000xi32, #tpu.memory_space<vmem>>) target_semaphore(%run_scoped3A : memref<!tpu.dma_semaphore, #tpu.memory_space<semaphore_mem>>)
      %dma_wait3A_299 = tpu.memref_slice %arg3[%mul3A_2] : memref<320000xi32, #tpu.memory_space<hbm>> -> memref<10000xi32, #tpu.memory_space<hbm>>
      %dma_wait3A_300 = tpu.memref_slice %arg3[%mul3A_2] : memref<320000xi32, #tpu.memory_space<hbm>> -> memref<10000xi32, #tpu.memory_space<hbm>>
      tpu.wait_dma2 semaphore(%run_scoped3A : memref<!tpu.dma_semaphore, #tpu.memory_space<semaphore_mem>>) src(%dma_wait3A_300 : memref<10000xi32, #tpu.memory_space<hbm>>) dst(%arg8 : memref<10000xi32, #tpu.memory_space<vmem>>)
      tpu.yield
    }) : () -> ()
    %scan3A = arith.constant 0 : i32
    %scan3A_3 = arith.constant 0 : i32
    %scan3A_4 = arith.constant 5 : i32
    %scan3A_5 = arith.addi %scan3A_3, %scan3A_4 : i32
    %scan3A_6 = arith.constant 1 : i32
    %scan3A_7 = scf.for %scan3A_297 = %scan3A_3 to %scan3A_5 step %scan3A_6 iter_args(%scan3A_298 = %scan3A) -> (i32)  : i32 {
      %mul3A_299 = arith.constant 16 : i32
      %mul3A_300 = arith.muli %scan3A_297, %mul3A_299 : i32
      %add3A_301 = arith.constant 0 : i32
      %add3A_302 = arith.addi %add3A_301, %mul3A_300 : i32
      %get3A = arith.index_cast %add3A_302 : i32 to index
      %get3A_303 = tpu.vector_load %arg8[%get3A] {strides = array<i32>} : memref<10000xi32, #tpu.memory_space<vmem>>, vector<16xi32>,
      %get3A_304 = vector.shape_cast %get3A_303 : vector<16xi32> to vector<16xi32>
      %shift_right_logical3A = arith.constant 14 : i32
      %shift_right_logical3A_305 = vector.broadcast %shift_right_logical3A : i32 to vector<16xi32>
      %shift_right_logical3A_306 = arith.shrui %get3A_304, %shift_right_logical3A_305 : vector<16xi32>
      %mul3A_307 = arith.constant 16 : i32
      %mul3A_308 = arith.muli %scan3A_297, %mul3A_307 : i32
      %swap3A = arith.constant 0 : i32
      %swap3A_309 = arith.index_cast %swap3A : i32 to index
      %swap3A_310 = arith.index_cast %mul3A_308 : i32 to index
      %swap3A_311 = tpu.vector_load %arg9[%swap3A_309, %swap3A_310] {strides = array<i32>} : memref<3x80xi32, #tpu.memory_space<vmem>>, vector<1x16xi32>,
      %swap3A_312 = vector.shape_cast %swap3A_311 : vector<1x16xi32> to vector<16xi32>
      %swap3A_313 = vector.shape_cast %shift_right_logical3A_306 : vector<16xi32> to vector<1x16xi32>
      tpu.vector_store %arg9[%swap3A_309, %swap3A_310], %swap3A_313 {strides = array<i32>} : memref<3x80xi32, #tpu.memory_space<vmem>>, vector<1x16xi32>,
      %and3A = arith.constant 16383 : i32
      %and3A_314 = vector.broadcast %and3A : i32 to vector<16xi32>
      %and3A_315 = arith.andi %get3A_304, %and3A_314 : vector<16xi32>
      %mul3A_316 = arith.constant 16 : i32
      %mul3A_317 = arith.muli %scan3A_297, %mul3A_316 : i32
      %swap3A_318 = arith.constant 0 : i32
      %swap3A_319 = arith.index_cast %swap3A_318 : i32 to index
      %swap3A_320 = arith.index_cast %mul3A_317 : i32 to index
      %swap3A_321 = tpu.vector_load %arg10[%swap3A_319, %swap3A_320] {strides = array<i32>} : memref<3x80xi32, #tpu.memory_space<vmem>>, vector<1x16xi32>,
      %swap3A_322 = vector.shape_cast %swap3A_321 : vector<1x16xi32> to vector<16xi32>
      %swap3A_323 = vector.shape_cast %and3A_315 : vector<16xi32> to vector<1x16xi32>
      tpu.vector_store %arg10[%swap3A_319, %swap3A_320], %swap3A_323 {strides = array<i32>} : memref<3x80xi32, #tpu.memory_space<vmem>>, vector<1x16xi32>,
      %scan3A_324 = arith.constant 0 : i32
      scf.yield %scan3A_324 : i32
    }
    %scan3A_8 = arith.constant 5 : i32
    %dma_start3A = arith.constant 0 : i32
    %dma_start3A_9 = arith.constant 0 : i32
    %dma_start3A_10 = arith.constant 0 : i32
    %dma_start3A_11 = arith.constant 0 : i32
    %dma_start3A_12 = tpu.memref_slice %arg11[%dma_start3A_9, %dma_start3A_10, %dma_start3A_11] : memref<3x80x128xf32, #tpu.memory_space<vmem>> -> memref<1x80x128xf32, #tpu.memory_space<vmem>>
    %dma_start3A_13 = tpu.memref_squeeze %dma_start3A_12 : memref<1x80x128xf32, #tpu.memory_space<vmem>> -> memref<80x128xf32, #tpu.memory_space<vmem>>
    %dma_start3A_14 = arith.constant 0 : i32
    %dma_start3A_15 = tpu.memref_slice %arg9[%dma_start3A, %dma_start3A_14] : memref<3x80xi32, #tpu.memory_space<vmem>> -> memref<1x80xi32, #tpu.memory_space<vmem>>
    %dma_start3A_16 = tpu.memref_squeeze %dma_start3A_15 : memref<1x80xi32, #tpu.memory_space<vmem>> -> memref<80xi32, #tpu.memory_space<vmem>>
    %dma_start3A_17 = arith.constant 0 : i32
    %dma_start3A_18 = arith.constant 0 : i32
    %dma_start3A_19 = tpu.memref_slice %arg2[%dma_start3A_17, %dma_start3A_18] : memref<10000x128xf32, #tpu.memory_space<hbm>> -> memref<10000x128xf32, #tpu.memory_space<hbm>>
    tpu.enqueue_indirect_dma source(%dma_start3A_19 : memref<10000x128xf32, #tpu.memory_space<hbm>>) target(%dma_start3A_13 : memref<80x128xf32, #tpu.memory_space<vmem>>) offsets(%dma_start3A_16 : memref<80xi32, #tpu.memory_space<vmem>>) semaphore(%arg12 : memref<!tpu.dma_semaphore, #tpu.memory_space<semaphore_mem>>)
    %scan3A_20 = arith.constant 0 : i32
    %scan3A_21 = arith.constant 0 : i32
    %scan3A_22 = arith.constant 5 : i32
    %scan3A_23 = arith.addi %scan3A_21, %scan3A_22 : i32
    %scan3A_24 = arith.constant 1 : i32
    %scan3A_25 = scf.for %scan3A_297 = %scan3A_21 to %scan3A_23 step %scan3A_24 iter_args(%scan3A_298 = %scan3A_20) -> (i32)  : i32 {
      %mul3A_299 = arith.constant 16 : i32
      %mul3A_300 = arith.muli %scan3A_297, %mul3A_299 : i32
      %add3A_301 = arith.constant 80 : i32
      %add3A_302 = arith.addi %add3A_301, %mul3A_300 : i32
      %get3A = arith.index_cast %add3A_302 : i32 to index
      %get3A_303 = tpu.vector_load %arg8[%get3A] {strides = array<i32>} : memref<10000xi32, #tpu.memory_space<vmem>>, vector<16xi32>,
      %get3A_304 = vector.shape_cast %get3A_303 : vector<16xi32> to vector<16xi32>
      %shift_right_logical3A = arith.constant 14 : i32
      %shift_right_logical3A_305 = vector.broadcast %shift_right_logical3A : i32 to vector<16xi32>
      %shift_right_logical3A_306 = arith.shrui %get3A_304, %shift_right_logical3A_305 : vector<16xi32>
      %mul3A_307 = arith.constant 16 : i32
      %mul3A_308 = arith.muli %scan3A_297, %mul3A_307 : i32
      %swap3A = arith.constant 1 : i32
      %swap3A_309 = arith.index_cast %swap3A : i32 to index
      %swap3A_310 = arith.index_cast %mul3A_308 : i32 to index
      %swap3A_311 = tpu.vector_load %arg9[%swap3A_309, %swap3A_310] {strides = array<i32>} : memref<3x80xi32, #tpu.memory_space<vmem>>, vector<1x16xi32>,
      %swap3A_312 = vector.shape_cast %swap3A_311 : vector<1x16xi32> to vector<16xi32>
      %swap3A_313 = vector.shape_cast %shift_right_logical3A_306 : vector<16xi32> to vector<1x16xi32>
      tpu.vector_store %arg9[%swap3A_309, %swap3A_310], %swap3A_313 {strides = array<i32>} : memref<3x80xi32, #tpu.memory_space<vmem>>, vector<1x16xi32>,
      %and3A = arith.constant 16383 : i32
      %and3A_314 = vector.broadcast %and3A : i32 to vector<16xi32>
      %and3A_315 = arith.andi %get3A_304, %and3A_314 : vector<16xi32>
      %mul3A_316 = arith.constant 16 : i32
      %mul3A_317 = arith.muli %scan3A_297, %mul3A_316 : i32
      %swap3A_318 = arith.constant 1 : i32
      %swap3A_319 = arith.index_cast %swap3A_318 : i32 to index
      %swap3A_320 = arith.index_cast %mul3A_317 : i32 to index
      %swap3A_321 = tpu.vector_load %arg10[%swap3A_319, %swap3A_320] {strides = array<i32>} : memref<3x80xi32, #tpu.memory_space<vmem>>, vector<1x16xi32>,
      %swap3A_322 = vector.shape_cast %swap3A_321 : vector<1x16xi32> to vector<16xi32>
      %swap3A_323 = vector.shape_cast %and3A_315 : vector<16xi32> to vector<1x16xi32>
      tpu.vector_store %arg10[%swap3A_319, %swap3A_320], %swap3A_323 {strides = array<i32>} : memref<3x80xi32, #tpu.memory_space<vmem>>, vector<1x16xi32>,
      %scan3A_324 = arith.constant 0 : i32
      scf.yield %scan3A_324 : i32
    }
    %scan3A_26 = arith.constant 5 : i32
    %dma_start3A_27 = arith.constant 1 : i32
    %dma_start3A_28 = arith.constant 1 : i32
    %dma_start3A_29 = arith.constant 0 : i32
    %dma_start3A_30 = arith.constant 0 : i32
    %dma_start3A_31 = tpu.memref_slice %arg11[%dma_start3A_28, %dma_start3A_29, %dma_start3A_30] : memref<3x80x128xf32, #tpu.memory_space<vmem>> -> memref<1x80x128xf32, #tpu.memory_space<vmem>>
    %dma_start3A_32 = tpu.memref_squeeze %dma_start3A_31 : memref<1x80x128xf32, #tpu.memory_space<vmem>> -> memref<80x128xf32, #tpu.memory_space<vmem>>
    %dma_start3A_33 = arith.constant 0 : i32
    %dma_start3A_34 = tpu.memref_slice %arg9[%dma_start3A_27, %dma_start3A_33] : memref<3x80xi32, #tpu.memory_space<vmem>> -> memref<1x80xi32, #tpu.memory_space<vmem>>
    %dma_start3A_35 = tpu.memref_squeeze %dma_start3A_34 : memref<1x80xi32, #tpu.memory_space<vmem>> -> memref<80xi32, #tpu.memory_space<vmem>>
    %dma_start3A_36 = arith.constant 0 : i32
    %dma_start3A_37 = arith.constant 0 : i32
    %dma_start3A_38 = tpu.memref_slice %arg2[%dma_start3A_36, %dma_start3A_37] : memref<10000x128xf32, #tpu.memory_space<hbm>> -> memref<10000x128xf32, #tpu.memory_space<hbm>>
    tpu.enqueue_indirect_dma source(%dma_start3A_38 : memref<10000x128xf32, #tpu.memory_space<hbm>>) target(%dma_start3A_32 : memref<80x128xf32, #tpu.memory_space<vmem>>) offsets(%dma_start3A_35 : memref<80xi32, #tpu.memory_space<vmem>>) semaphore(%arg13 : memref<!tpu.dma_semaphore, #tpu.memory_space<semaphore_mem>>)
    %scan3A_39 = arith.constant 0 : i32
    %scan3A_40 = arith.constant 0 : i32
    %scan3A_41 = arith.constant 5 : i32
    %scan3A_42 = arith.addi %scan3A_40, %scan3A_41 : i32
    %scan3A_43 = arith.constant 1 : i32
    %scan3A_44 = scf.for %scan3A_297 = %scan3A_40 to %scan3A_42 step %scan3A_43 iter_args(%scan3A_298 = %scan3A_39) -> (i32)  : i32 {
      %mul3A_299 = arith.constant 16 : i32
      %mul3A_300 = arith.muli %scan3A_297, %mul3A_299 : i32
      %add3A_301 = arith.constant 160 : i32
      %add3A_302 = arith.addi %add3A_301, %mul3A_300 : i32
      %get3A = arith.index_cast %add3A_302 : i32 to index
      %get3A_303 = tpu.vector_load %arg8[%get3A] {strides = array<i32>} : memref<10000xi32, #tpu.memory_space<vmem>>, vector<16xi32>,
      %get3A_304 = vector.shape_cast %get3A_303 : vector<16xi32> to vector<16xi32>
      %shift_right_logical3A = arith.constant 14 : i32
      %shift_right_logical3A_305 = vector.broadcast %shift_right_logical3A : i32 to vector<16xi32>
      %shift_right_logical3A_306 = arith.shrui %get3A_304, %shift_right_logical3A_305 : vector<16xi32>
      %mul3A_307 = arith.constant 16 : i32
      %mul3A_308 = arith.muli %scan3A_297, %mul3A_307 : i32
      %swap3A = arith.constant 2 : i32
      %swap3A_309 = arith.index_cast %swap3A : i32 to index
      %swap3A_310 = arith.index_cast %mul3A_308 : i32 to index
      %swap3A_311 = tpu.vector_load %arg9[%swap3A_309, %swap3A_310] {strides = array<i32>} : memref<3x80xi32, #tpu.memory_space<vmem>>, vector<1x16xi32>,
      %swap3A_312 = vector.shape_cast %swap3A_311 : vector<1x16xi32> to vector<16xi32>
      %swap3A_313 = vector.shape_cast %shift_right_logical3A_306 : vector<16xi32> to vector<1x16xi32>
      tpu.vector_store %arg9[%swap3A_309, %swap3A_310], %swap3A_313 {strides = array<i32>} : memref<3x80xi32, #tpu.memory_space<vmem>>, vector<1x16xi32>,
      %and3A = arith.constant 16383 : i32
      %and3A_314 = vector.broadcast %and3A : i32 to vector<16xi32>
      %and3A_315 = arith.andi %get3A_304, %and3A_314 : vector<16xi32>
      %mul3A_316 = arith.constant 16 : i32
      %mul3A_317 = arith.muli %scan3A_297, %mul3A_316 : i32
      %swap3A_318 = arith.constant 2 : i32
      %swap3A_319 = arith.index_cast %swap3A_318 : i32 to index
      %swap3A_320 = arith.index_cast %mul3A_317 : i32 to index
      %swap3A_321 = tpu.vector_load %arg10[%swap3A_319, %swap3A_320] {strides = array<i32>} : memref<3x80xi32, #tpu.memory_space<vmem>>, vector<1x16xi32>,
      %swap3A_322 = vector.shape_cast %swap3A_321 : vector<1x16xi32> to vector<16xi32>
      %swap3A_323 = vector.shape_cast %and3A_315 : vector<16xi32> to vector<1x16xi32>
      tpu.vector_store %arg10[%swap3A_319, %swap3A_320], %swap3A_323 {strides = array<i32>} : memref<3x80xi32, #tpu.memory_space<vmem>>, vector<1x16xi32>,
      %scan3A_324 = arith.constant 0 : i32
      scf.yield %scan3A_324 : i32
    }
    %scan3A_45 = arith.constant 5 : i32
    %dma_start3A_46 = arith.constant 2 : i32
    %dma_start3A_47 = arith.constant 2 : i32
    %dma_start3A_48 = arith.constant 0 : i32
    %dma_start3A_49 = arith.constant 0 : i32
    %dma_start3A_50 = tpu.memref_slice %arg11[%dma_start3A_47, %dma_start3A_48, %dma_start3A_49] : memref<3x80x128xf32, #tpu.memory_space<vmem>> -> memref<1x80x128xf32, #tpu.memory_space<vmem>>
    %dma_start3A_51 = tpu.memref_squeeze %dma_start3A_50 : memref<1x80x128xf32, #tpu.memory_space<vmem>> -> memref<80x128xf32, #tpu.memory_space<vmem>>
    %dma_start3A_52 = arith.constant 0 : i32
    %dma_start3A_53 = tpu.memref_slice %arg9[%dma_start3A_46, %dma_start3A_52] : memref<3x80xi32, #tpu.memory_space<vmem>> -> memref<1x80xi32, #tpu.memory_space<vmem>>
    %dma_start3A_54 = tpu.memref_squeeze %dma_start3A_53 : memref<1x80xi32, #tpu.memory_space<vmem>> -> memref<80xi32, #tpu.memory_space<vmem>>
    %dma_start3A_55 = arith.constant 0 : i32
    %dma_start3A_56 = arith.constant 0 : i32
    %dma_start3A_57 = tpu.memref_slice %arg2[%dma_start3A_55, %dma_start3A_56] : memref<10000x128xf32, #tpu.memory_space<hbm>> -> memref<10000x128xf32, #tpu.memory_space<hbm>>
    tpu.enqueue_indirect_dma source(%dma_start3A_57 : memref<10000x128xf32, #tpu.memory_space<hbm>>) target(%dma_start3A_51 : memref<80x128xf32, #tpu.memory_space<vmem>>) offsets(%dma_start3A_54 : memref<80xi32, #tpu.memory_space<vmem>>) semaphore(%arg14 : memref<!tpu.dma_semaphore, #tpu.memory_space<semaphore_mem>>)
    %mul3A_58 = arith.constant 624 : i32
    %mul3A_59 = arith.muli %arg1, %mul3A_58 : i32
    "tpu.region"() ({
      %run_scoped3A = tpu.sem_alloc : memref<!tpu.dma_semaphore, #tpu.memory_space<semaphore_mem>>
      %dma_start3A_297 = arith.constant 0 : i32
      %dma_start3A_298 = tpu.memref_slice %arg7[%mul3A_59, %dma_start3A_297] : memref<10000x128xf32, #tpu.memory_space<vmem_shared>> -> memref<624x128xf32, #tpu.memory_space<vmem_shared>>
      %dma_start3A_299 = arith.constant 0 : i32
      %dma_start3A_300 = arith.constant 0 : i32
      %dma_start3A_301 = tpu.memref_slice %arg4[%dma_start3A_299, %dma_start3A_300] : memref<624x128xf32, #tpu.memory_space<hbm>> -> memref<624x128xf32, #tpu.memory_space<hbm>>
      tpu.enqueue_dma source(%dma_start3A_301 : memref<624x128xf32, #tpu.memory_space<hbm>>) target(%dma_start3A_298 : memref<624x128xf32, #tpu.memory_space<vmem_shared>>) target_semaphore(%run_scoped3A : memref<!tpu.dma_semaphore, #tpu.memory_space<semaphore_mem>>)
      %dma_wait3A_302 = arith.constant 0 : i32
      %dma_wait3A_303 = tpu.memref_slice %arg7[%mul3A_59, %dma_wait3A_302] : memref<10000x128xf32, #tpu.memory_space<vmem_shared>> -> memref<624x128xf32, #tpu.memory_space<vmem_shared>>
      %dma_wait3A_304 = arith.constant 0 : i32
      %dma_wait3A_305 = arith.constant 0 : i32
      %dma_wait3A_306 = tpu.memref_slice %arg4[%dma_wait3A_304, %dma_wait3A_305] : memref<624x128xf32, #tpu.memory_space<hbm>> -> memref<624x128xf32, #tpu.memory_space<hbm>>
      tpu.wait_dma2 semaphore(%run_scoped3A : memref<!tpu.dma_semaphore, #tpu.memory_space<semaphore_mem>>) src(%dma_wait3A_306 : memref<624x128xf32, #tpu.memory_space<hbm>>) dst(%dma_wait3A_303 : memref<624x128xf32, #tpu.memory_space<vmem_shared>>)
      tpu.yield
    }) : () -> ()
    %eq3A = arith.constant 0 : i32
    %eq3A_60 = arith.cmpi eq, %arg1, %eq3A : i32
    %convert_element_type3A = arith.extui %eq3A_60 : i1 to i32
    %cond3A = arith.constant 0 : i32
    %cond3A_61 = arith.cmpi ne, %convert_element_type3A, %cond3A : i32
    scf.if %cond3A_61 {
      "tpu.region"() ({
        %run_scoped3A = tpu.sem_alloc : memref<!tpu.dma_semaphore, #tpu.memory_space<semaphore_mem>>
        %dma_start3A_297 = arith.constant 9984 : i32
        %dma_start3A_298 = arith.constant 0 : i32
        %dma_start3A_299 = tpu.memref_slice %arg7[%dma_start3A_297, %dma_start3A_298] : memref<10000x128xf32, #tpu.memory_space<vmem_shared>> -> memref<16x128xf32, #tpu.memory_space<vmem_shared>>
        %dma_start3A_300 = arith.constant 0 : i32
        %dma_start3A_301 = arith.constant 0 : i32
        %dma_start3A_302 = tpu.memref_slice %arg4[%dma_start3A_300, %dma_start3A_301] : memref<624x128xf32, #tpu.memory_space<hbm>> -> memref<16x128xf32, #tpu.memory_space<hbm>>
        tpu.enqueue_dma source(%dma_start3A_302 : memref<16x128xf32, #tpu.memory_space<hbm>>) target(%dma_start3A_299 : memref<16x128xf32, #tpu.memory_space<vmem_shared>>) target_semaphore(%run_scoped3A : memref<!tpu.dma_semaphore, #tpu.memory_space<semaphore_mem>>)
        %dma_wait3A_303 = arith.constant 9984 : i32
        %dma_wait3A_304 = arith.constant 0 : i32
        %dma_wait3A_305 = tpu.memref_slice %arg7[%dma_wait3A_303, %dma_wait3A_304] : memref<10000x128xf32, #tpu.memory_space<vmem_shared>> -> memref<16x128xf32, #tpu.memory_space<vmem_shared>>
        %dma_wait3A_306 = arith.constant 0 : i32
        %dma_wait3A_307 = arith.constant 0 : i32
        %dma_wait3A_308 = tpu.memref_slice %arg4[%dma_wait3A_306, %dma_wait3A_307] : memref<624x128xf32, #tpu.memory_space<hbm>> -> memref<16x128xf32, #tpu.memory_space<hbm>>
        tpu.wait_dma2 semaphore(%run_scoped3A : memref<!tpu.dma_semaphore, #tpu.memory_space<semaphore_mem>>) src(%dma_wait3A_308 : memref<16x128xf32, #tpu.memory_space<hbm>>) dst(%dma_wait3A_305 : memref<16x128xf32, #tpu.memory_space<vmem_shared>>)
        tpu.yield
      }) : () -> ()
    } else {
    }
    %barrier3A = arith.constant 0 : index
    tpu.barrier barrier_id(%barrier3A)
    %scan3A_62 = arith.constant 0 : i32
    %scan3A_63 = arith.constant 0 : i32
    %scan3A_64 = arith.constant 40 : i32
    %scan3A_65 = arith.addi %scan3A_63, %scan3A_64 : i32
    %scan3A_66 = arith.constant 1 : i32
    %scan3A_67 = scf.for %scan3A_297 = %scan3A_63 to %scan3A_65 step %scan3A_66 iter_args(%scan3A_298 = %scan3A_62) -> (i32)  : i32 {
      %mul3A_299 = arith.constant 3 : i32
      %mul3A_300 = arith.muli %scan3A_297, %mul3A_299 : i32
      %add3A_301 = arith.constant 0 : i32
      %add3A_302 = arith.addi %mul3A_300, %add3A_301 : i32
      %dma_wait3A_303 = arith.constant 0 : i32
      %dma_wait3A_304 = arith.constant 0 : i32
      %dma_wait3A_305 = arith.constant 0 : i32
      %dma_wait3A_306 = arith.constant 0 : i32
      %dma_wait3A_307 = tpu.memref_slice %arg11[%dma_wait3A_304, %dma_wait3A_305, %dma_wait3A_306] : memref<3x80x128xf32, #tpu.memory_space<vmem>> -> memref<1x80x128xf32, #tpu.memory_space<vmem>>
      %dma_wait3A_308 = tpu.memref_squeeze %dma_wait3A_307 : memref<1x80x128xf32, #tpu.memory_space<vmem>> -> memref<80x128xf32, #tpu.memory_space<vmem>>
      %dma_wait3A_309 = arith.constant 0 : i32
      %dma_wait3A_310 = tpu.memref_slice %arg9[%dma_wait3A_303, %dma_wait3A_309] : memref<3x80xi32, #tpu.memory_space<vmem>> -> memref<1x80xi32, #tpu.memory_space<vmem>>
      %dma_wait3A_311 = tpu.memref_squeeze %dma_wait3A_310 : memref<1x80xi32, #tpu.memory_space<vmem>> -> memref<80xi32, #tpu.memory_space<vmem>>
      %dma_wait3A_312 = arith.constant 0 : i32
      %dma_wait3A_313 = arith.constant 0 : i32
      %dma_wait3A_314 = tpu.memref_slice %arg2[%dma_wait3A_312, %dma_wait3A_313] : memref<10000x128xf32, #tpu.memory_space<hbm>> -> memref<10000x128xf32, #tpu.memory_space<hbm>>
      tpu.wait_indirect_dma semaphore(%arg12 : memref<!tpu.dma_semaphore, #tpu.memory_space<semaphore_mem>>) src(%dma_wait3A_314 : memref<10000x128xf32, #tpu.memory_space<hbm>>) dst(%dma_wait3A_308 : memref<80x128xf32, #tpu.memory_space<vmem>>)
      %dma_start3A_315 = arith.constant 0 : i32
      %dma_start3A_316 = arith.constant 0 : i32
      %dma_start3A_317 = arith.constant 0 : i32
      %dma_start3A_318 = arith.constant 0 : i32
      %dma_start3A_319 = tpu.memref_slice %arg11[%dma_start3A_315, %dma_start3A_317, %dma_start3A_318] : memref<3x80x128xf32, #tpu.memory_space<vmem>> -> memref<1x80x128xf32, #tpu.memory_space<vmem>>
      %dma_start3A_320 = tpu.memref_squeeze %dma_start3A_319 : memref<1x80x128xf32, #tpu.memory_space<vmem>> -> memref<80x128xf32, #tpu.memory_space<vmem>>
      %dma_start3A_321 = arith.constant 0 : i32
      %dma_start3A_322 = tpu.memref_slice %arg10[%dma_start3A_316, %dma_start3A_321] : memref<3x80xi32, #tpu.memory_space<vmem>> -> memref<1x80xi32, #tpu.memory_space<vmem>>
      %dma_start3A_323 = tpu.memref_squeeze %dma_start3A_322 : memref<1x80xi32, #tpu.memory_space<vmem>> -> memref<80xi32, #tpu.memory_space<vmem>>
      %dma_start3A_324 = arith.constant 0 : i32
      %dma_start3A_325 = arith.constant 0 : i32
      %dma_start3A_326 = tpu.memref_slice %arg7[%dma_start3A_324, %dma_start3A_325] : memref<10000x128xf32, #tpu.memory_space<vmem_shared>> -> memref<10000x128xf32, #tpu.memory_space<vmem_shared>>
      tpu.enqueue_indirect_dma source(%dma_start3A_320 : memref<80x128xf32, #tpu.memory_space<vmem>>) target(%dma_start3A_326 : memref<10000x128xf32, #tpu.memory_space<vmem_shared>>) offsets(%dma_start3A_323 : memref<80xi32, #tpu.memory_space<vmem>>) semaphore(%arg15 : memref<!tpu.dma_semaphore, #tpu.memory_space<semaphore_mem>>) {add = true}
      %dma_wait3A_327 = arith.constant 0 : i32
      %dma_wait3A_328 = arith.constant 0 : i32
      %dma_wait3A_329 = arith.constant 0 : i32
      %dma_wait3A_330 = arith.constant 0 : i32
      %dma_wait3A_331 = tpu.memref_slice %arg11[%dma_wait3A_327, %dma_wait3A_329, %dma_wait3A_330] : memref<3x80x128xf32, #tpu.memory_space<vmem>> -> memref<1x80x128xf32, #tpu.memory_space<vmem>>
      %dma_wait3A_332 = tpu.memref_squeeze %dma_wait3A_331 : memref<1x80x128xf32, #tpu.memory_space<vmem>> -> memref<80x128xf32, #tpu.memory_space<vmem>>
      %dma_wait3A_333 = arith.constant 0 : i32
      %dma_wait3A_334 = tpu.memref_slice %arg10[%dma_wait3A_328, %dma_wait3A_333] : memref<3x80xi32, #tpu.memory_space<vmem>> -> memref<1x80xi32, #tpu.memory_space<vmem>>
      %dma_wait3A_335 = tpu.memref_squeeze %dma_wait3A_334 : memref<1x80xi32, #tpu.memory_space<vmem>> -> memref<80xi32, #tpu.memory_space<vmem>>
      %dma_wait3A_336 = arith.constant 0 : i32
      %dma_wait3A_337 = arith.constant 0 : i32
      %dma_wait3A_338 = tpu.memref_slice %arg7[%dma_wait3A_336, %dma_wait3A_337] : memref<10000x128xf32, #tpu.memory_space<vmem_shared>> -> memref<10000x128xf32, #tpu.memory_space<vmem_shared>>
      tpu.wait_indirect_dma semaphore(%arg15 : memref<!tpu.dma_semaphore, #tpu.memory_space<semaphore_mem>>) src(%dma_wait3A_332 : memref<80x128xf32, #tpu.memory_space<vmem>>) dst(%dma_wait3A_338 : memref<10000x128xf32, #tpu.memory_space<vmem_shared>>)
      %add3A_339 = arith.constant 3 : i32
      %add3A_340 = arith.addi %add3A_302, %add3A_339 : i32
      %scan3A_341 = arith.constant 0 : i32
      %scan3A_342 = arith.constant 0 : i32
      %scan3A_343 = arith.constant 5 : i32
      %scan3A_344 = arith.addi %scan3A_342, %scan3A_343 : i32
      %scan3A_345 = arith.constant 1 : i32
      %scan3A_346 = scf.for %scan3A_483 = %scan3A_342 to %scan3A_344 step %scan3A_345 iter_args(%scan3A_484 = %scan3A_341) -> (i32)  : i32 {
        %mul3A_485 = arith.constant 80 : i32
        %mul3A_486 = arith.muli %add3A_340, %mul3A_485 : i32
        %mul3A_487 = arith.constant 16 : i32
        %mul3A_488 = arith.muli %scan3A_483, %mul3A_487 : i32
        %add3A_489 = arith.addi %mul3A_486, %mul3A_488 : i32
        %get3A = arith.index_cast %add3A_489 : i32 to index
        %get3A_490 = tpu.vector_load %arg8[%get3A] {strides = array<i32>} : memref<10000xi32, #tpu.memory_space<vmem>>, vector<16xi32>,
        %get3A_491 = vector.shape_cast %get3A_490 : vector<16xi32> to vector<16xi32>
        %shift_right_logical3A = arith.constant 14 : i32
        %shift_right_logical3A_492 = vector.broadcast %shift_right_logical3A : i32 to vector<16xi32>
        %shift_right_logical3A_493 = arith.shrui %get3A_491, %shift_right_logical3A_492 : vector<16xi32>
        %mul3A_494 = arith.constant 16 : i32
        %mul3A_495 = arith.muli %scan3A_483, %mul3A_494 : i32
        %swap3A = arith.constant 0 : i32
        %swap3A_496 = arith.index_cast %swap3A : i32 to index
        %swap3A_497 = arith.index_cast %mul3A_495 : i32 to index
        %swap3A_498 = tpu.vector_load %arg9[%swap3A_496, %swap3A_497] {strides = array<i32>} : memref<3x80xi32, #tpu.memory_space<vmem>>, vector<1x16xi32>,
        %swap3A_499 = vector.shape_cast %swap3A_498 : vector<1x16xi32> to vector<16xi32>
        %swap3A_500 = vector.shape_cast %shift_right_logical3A_493 : vector<16xi32> to vector<1x16xi32>
        tpu.vector_store %arg9[%swap3A_496, %swap3A_497], %swap3A_500 {strides = array<i32>} : memref<3x80xi32, #tpu.memory_space<vmem>>, vector<1x16xi32>,
        %and3A = arith.constant 16383 : i32
        %and3A_501 = vector.broadcast %and3A : i32 to vector<16xi32>
        %and3A_502 = arith.andi %get3A_491, %and3A_501 : vector<16xi32>
        %mul3A_503 = arith.constant 16 : i32
        %mul3A_504 = arith.muli %scan3A_483, %mul3A_503 : i32
        %swap3A_505 = arith.constant 0 : i32
        %swap3A_506 = arith.index_cast %swap3A_505 : i32 to index
        %swap3A_507 = arith.index_cast %mul3A_504 : i32 to index
        %swap3A_508 = tpu.vector_load %arg10[%swap3A_506, %swap3A_507] {strides = array<i32>} : memref<3x80xi32, #tpu.memory_space<vmem>>, vector<1x16xi32>,
        %swap3A_509 = vector.shape_cast %swap3A_508 : vector<1x16xi32> to vector<16xi32>
        %swap3A_510 = vector.shape_cast %and3A_502 : vector<16xi32> to vector<1x16xi32>
        tpu.vector_store %arg10[%swap3A_506, %swap3A_507], %swap3A_510 {strides = array<i32>} : memref<3x80xi32, #tpu.memory_space<vmem>>, vector<1x16xi32>,
        %scan3A_511 = arith.constant 0 : i32
        scf.yield %scan3A_511 : i32
      }
      %scan3A_347 = arith.constant 5 : i32
      %dma_start3A_348 = arith.constant 0 : i32
      %dma_start3A_349 = arith.constant 0 : i32
      %dma_start3A_350 = arith.constant 0 : i32
      %dma_start3A_351 = arith.constant 0 : i32
      %dma_start3A_352 = tpu.memref_slice %arg11[%dma_start3A_349, %dma_start3A_350, %dma_start3A_351] : memref<3x80x128xf32, #tpu.memory_space<vmem>> -> memref<1x80x128xf32, #tpu.memory_space<vmem>>
      %dma_start3A_353 = tpu.memref_squeeze %dma_start3A_352 : memref<1x80x128xf32, #tpu.memory_space<vmem>> -> memref<80x128xf32, #tpu.memory_space<vmem>>
      %dma_start3A_354 = arith.constant 0 : i32
      %dma_start3A_355 = tpu.memref_slice %arg9[%dma_start3A_348, %dma_start3A_354] : memref<3x80xi32, #tpu.memory_space<vmem>> -> memref<1x80xi32, #tpu.memory_space<vmem>>
      %dma_start3A_356 = tpu.memref_squeeze %dma_start3A_355 : memref<1x80xi32, #tpu.memory_space<vmem>> -> memref<80xi32, #tpu.memory_space<vmem>>
      %dma_start3A_357 = arith.constant 0 : i32
      %dma_start3A_358 = arith.constant 0 : i32
      %dma_start3A_359 = tpu.memref_slice %arg2[%dma_start3A_357, %dma_start3A_358] : memref<10000x128xf32, #tpu.memory_space<hbm>> -> memref<10000x128xf32, #tpu.memory_space<hbm>>
      tpu.enqueue_indirect_dma source(%dma_start3A_359 : memref<10000x128xf32, #tpu.memory_space<hbm>>) target(%dma_start3A_353 : memref<80x128xf32, #tpu.memory_space<vmem>>) offsets(%dma_start3A_356 : memref<80xi32, #tpu.memory_space<vmem>>) semaphore(%arg12 : memref<!tpu.dma_semaphore, #tpu.memory_space<semaphore_mem>>)
      %mul3A_360 = arith.constant 3 : i32
      %mul3A_361 = arith.muli %scan3A_297, %mul3A_360 : i32
      %add3A_362 = arith.constant 1 : i32
      %add3A_363 = arith.addi %mul3A_361, %add3A_362 : i32
      %dma_wait3A_364 = arith.constant 1 : i32
      %dma_wait3A_365 = arith.constant 1 : i32
      %dma_wait3A_366 = arith.constant 0 : i32
      %dma_wait3A_367 = arith.constant 0 : i32
      %dma_wait3A_368 = tpu.memref_slice %arg11[%dma_wait3A_365, %dma_wait3A_366, %dma_wait3A_367] : memref<3x80x128xf32, #tpu.memory_space<vmem>> -> memref<1x80x128xf32, #tpu.memory_space<vmem>>
      %dma_wait3A_369 = tpu.memref_squeeze %dma_wait3A_368 : memref<1x80x128xf32, #tpu.memory_space<vmem>> -> memref<80x128xf32, #tpu.memory_space<vmem>>
      %dma_wait3A_370 = arith.constant 0 : i32
      %dma_wait3A_371 = tpu.memref_slice %arg9[%dma_wait3A_364, %dma_wait3A_370] : memref<3x80xi32, #tpu.memory_space<vmem>> -> memref<1x80xi32, #tpu.memory_space<vmem>>
      %dma_wait3A_372 = tpu.memref_squeeze %dma_wait3A_371 : memref<1x80xi32, #tpu.memory_space<vmem>> -> memref<80xi32, #tpu.memory_space<vmem>>
      %dma_wait3A_373 = arith.constant 0 : i32
      %dma_wait3A_374 = arith.constant 0 : i32
      %dma_wait3A_375 = tpu.memref_slice %arg2[%dma_wait3A_373, %dma_wait3A_374] : memref<10000x128xf32, #tpu.memory_space<hbm>> -> memref<10000x128xf32, #tpu.memory_space<hbm>>
      tpu.wait_indirect_dma semaphore(%arg13 : memref<!tpu.dma_semaphore, #tpu.memory_space<semaphore_mem>>) src(%dma_wait3A_375 : memref<10000x128xf32, #tpu.memory_space<hbm>>) dst(%dma_wait3A_369 : memref<80x128xf32, #tpu.memory_space<vmem>>)
      %dma_start3A_376 = arith.constant 1 : i32
      %dma_start3A_377 = arith.constant 1 : i32
      %dma_start3A_378 = arith.constant 0 : i32
      %dma_start3A_379 = arith.constant 0 : i32
      %dma_start3A_380 = tpu.memref_slice %arg11[%dma_start3A_376, %dma_start3A_378, %dma_start3A_379] : memref<3x80x128xf32, #tpu.memory_space<vmem>> -> memref<1x80x128xf32, #tpu.memory_space<vmem>>
      %dma_start3A_381 = tpu.memref_squeeze %dma_start3A_380 : memref<1x80x128xf32, #tpu.memory_space<vmem>> -> memref<80x128xf32, #tpu.memory_space<vmem>>
      %dma_start3A_382 = arith.constant 0 : i32
      %dma_start3A_383 = tpu.memref_slice %arg10[%dma_start3A_377, %dma_start3A_382] : memref<3x80xi32, #tpu.memory_space<vmem>> -> memref<1x80xi32, #tpu.memory_space<vmem>>
      %dma_start3A_384 = tpu.memref_squeeze %dma_start3A_383 : memref<1x80xi32, #tpu.memory_space<vmem>> -> memref<80xi32, #tpu.memory_space<vmem>>
      %dma_start3A_385 = arith.constant 0 : i32
      %dma_start3A_386 = arith.constant 0 : i32
      %dma_start3A_387 = tpu.memref_slice %arg7[%dma_start3A_385, %dma_start3A_386] : memref<10000x128xf32, #tpu.memory_space<vmem_shared>> -> memref<10000x128xf32, #tpu.memory_space<vmem_shared>>
      tpu.enqueue_indirect_dma source(%dma_start3A_381 : memref<80x128xf32, #tpu.memory_space<vmem>>) target(%dma_start3A_387 : memref<10000x128xf32, #tpu.memory_space<vmem_shared>>) offsets(%dma_start3A_384 : memref<80xi32, #tpu.memory_space<vmem>>) semaphore(%arg16 : memref<!tpu.dma_semaphore, #tpu.memory_space<semaphore_mem>>) {add = true}
      %dma_wait3A_388 = arith.constant 1 : i32
      %dma_wait3A_389 = arith.constant 1 : i32
      %dma_wait3A_390 = arith.constant 0 : i32
      %dma_wait3A_391 = arith.constant 0 : i32
      %dma_wait3A_392 = tpu.memref_slice %arg11[%dma_wait3A_388, %dma_wait3A_390, %dma_wait3A_391] : memref<3x80x128xf32, #tpu.memory_space<vmem>> -> memref<1x80x128xf32, #tpu.memory_space<vmem>>
      %dma_wait3A_393 = tpu.memref_squeeze %dma_wait3A_392 : memref<1x80x128xf32, #tpu.memory_space<vmem>> -> memref<80x128xf32, #tpu.memory_space<vmem>>
      %dma_wait3A_394 = arith.constant 0 : i32
      %dma_wait3A_395 = tpu.memref_slice %arg10[%dma_wait3A_389, %dma_wait3A_394] : memref<3x80xi32, #tpu.memory_space<vmem>> -> memref<1x80xi32, #tpu.memory_space<vmem>>
      %dma_wait3A_396 = tpu.memref_squeeze %dma_wait3A_395 : memref<1x80xi32, #tpu.memory_space<vmem>> -> memref<80xi32, #tpu.memory_space<vmem>>
      %dma_wait3A_397 = arith.constant 0 : i32
      %dma_wait3A_398 = arith.constant 0 : i32
      %dma_wait3A_399 = tpu.memref_slice %arg7[%dma_wait3A_397, %dma_wait3A_398] : memref<10000x128xf32, #tpu.memory_space<vmem_shared>> -> memref<10000x128xf32, #tpu.memory_space<vmem_shared>>
      tpu.wait_indirect_dma semaphore(%arg16 : memref<!tpu.dma_semaphore, #tpu.memory_space<semaphore_mem>>) src(%dma_wait3A_393 : memref<80x128xf32, #tpu.memory_space<vmem>>) dst(%dma_wait3A_399 : memref<10000x128xf32, #tpu.memory_space<vmem_shared>>)
      %add3A_400 = arith.constant 3 : i32
      %add3A_401 = arith.addi %add3A_363, %add3A_400 : i32
      %scan3A_402 = arith.constant 0 : i32
      %scan3A_403 = arith.constant 0 : i32
      %scan3A_404 = arith.constant 5 : i32
      %scan3A_405 = arith.addi %scan3A_403, %scan3A_404 : i32
      %scan3A_406 = arith.constant 1 : i32
      %scan3A_407 = scf.for %scan3A_483 = %scan3A_403 to %scan3A_405 step %scan3A_406 iter_args(%scan3A_484 = %scan3A_402) -> (i32)  : i32 {
        %mul3A_485 = arith.constant 80 : i32
        %mul3A_486 = arith.muli %add3A_401, %mul3A_485 : i32
        %mul3A_487 = arith.constant 16 : i32
        %mul3A_488 = arith.muli %scan3A_483, %mul3A_487 : i32
        %add3A_489 = arith.addi %mul3A_486, %mul3A_488 : i32
        %get3A = arith.index_cast %add3A_489 : i32 to index
        %get3A_490 = tpu.vector_load %arg8[%get3A] {strides = array<i32>} : memref<10000xi32, #tpu.memory_space<vmem>>, vector<16xi32>,
        %get3A_491 = vector.shape_cast %get3A_490 : vector<16xi32> to vector<16xi32>
        %shift_right_logical3A = arith.constant 14 : i32
        %shift_right_logical3A_492 = vector.broadcast %shift_right_logical3A : i32 to vector<16xi32>
        %shift_right_logical3A_493 = arith.shrui %get3A_491, %shift_right_logical3A_492 : vector<16xi32>
        %mul3A_494 = arith.constant 16 : i32
        %mul3A_495 = arith.muli %scan3A_483, %mul3A_494 : i32
        %swap3A = arith.constant 1 : i32
        %swap3A_496 = arith.index_cast %swap3A : i32 to index
        %swap3A_497 = arith.index_cast %mul3A_495 : i32 to index
        %swap3A_498 = tpu.vector_load %arg9[%swap3A_496, %swap3A_497] {strides = array<i32>} : memref<3x80xi32, #tpu.memory_space<vmem>>, vector<1x16xi32>,
        %swap3A_499 = vector.shape_cast %swap3A_498 : vector<1x16xi32> to vector<16xi32>
        %swap3A_500 = vector.shape_cast %shift_right_logical3A_493 : vector<16xi32> to vector<1x16xi32>
        tpu.vector_store %arg9[%swap3A_496, %swap3A_497], %swap3A_500 {strides = array<i32>} : memref<3x80xi32, #tpu.memory_space<vmem>>, vector<1x16xi32>,
        %and3A = arith.constant 16383 : i32
        %and3A_501 = vector.broadcast %and3A : i32 to vector<16xi32>
        %and3A_502 = arith.andi %get3A_491, %and3A_501 : vector<16xi32>
        %mul3A_503 = arith.constant 16 : i32
        %mul3A_504 = arith.muli %scan3A_483, %mul3A_503 : i32
        %swap3A_505 = arith.constant 1 : i32
        %swap3A_506 = arith.index_cast %swap3A_505 : i32 to index
        %swap3A_507 = arith.index_cast %mul3A_504 : i32 to index
        %swap3A_508 = tpu.vector_load %arg10[%swap3A_506, %swap3A_507] {strides = array<i32>} : memref<3x80xi32, #tpu.memory_space<vmem>>, vector<1x16xi32>,
        %swap3A_509 = vector.shape_cast %swap3A_508 : vector<1x16xi32> to vector<16xi32>
        %swap3A_510 = vector.shape_cast %and3A_502 : vector<16xi32> to vector<1x16xi32>
        tpu.vector_store %arg10[%swap3A_506, %swap3A_507], %swap3A_510 {strides = array<i32>} : memref<3x80xi32, #tpu.memory_space<vmem>>, vector<1x16xi32>,
        %scan3A_511 = arith.constant 0 : i32
        scf.yield %scan3A_511 : i32
      }
      %scan3A_408 = arith.constant 5 : i32
      %dma_start3A_409 = arith.constant 1 : i32
      %dma_start3A_410 = arith.constant 1 : i32
      %dma_start3A_411 = arith.constant 0 : i32
      %dma_start3A_412 = arith.constant 0 : i32
      %dma_start3A_413 = tpu.memref_slice %arg11[%dma_start3A_410, %dma_start3A_411, %dma_start3A_412] : memref<3x80x128xf32, #tpu.memory_space<vmem>> -> memref<1x80x128xf32, #tpu.memory_space<vmem>>
      %dma_start3A_414 = tpu.memref_squeeze %dma_start3A_413 : memref<1x80x128xf32, #tpu.memory_space<vmem>> -> memref<80x128xf32, #tpu.memory_space<vmem>>
      %dma_start3A_415 = arith.constant 0 : i32
      %dma_start3A_416 = tpu.memref_slice %arg9[%dma_start3A_409, %dma_start3A_415] : memref<3x80xi32, #tpu.memory_space<vmem>> -> memref<1x80xi32, #tpu.memory_space<vmem>>
      %dma_start3A_417 = tpu.memref_squeeze %dma_start3A_416 : memref<1x80xi32, #tpu.memory_space<vmem>> -> memref<80xi32, #tpu.memory_space<vmem>>
      %dma_start3A_418 = arith.constant 0 : i32
      %dma_start3A_419 = arith.constant 0 : i32
      %dma_start3A_420 = tpu.memref_slice %arg2[%dma_start3A_418, %dma_start3A_419] : memref<10000x128xf32, #tpu.memory_space<hbm>> -> memref<10000x128xf32, #tpu.memory_space<hbm>>
      tpu.enqueue_indirect_dma source(%dma_start3A_420 : memref<10000x128xf32, #tpu.memory_space<hbm>>) target(%dma_start3A_414 : memref<80x128xf32, #tpu.memory_space<vmem>>) offsets(%dma_start3A_417 : memref<80xi32, #tpu.memory_space<vmem>>) semaphore(%arg13 : memref<!tpu.dma_semaphore, #tpu.memory_space<semaphore_mem>>)
      %mul3A_421 = arith.constant 3 : i32
      %mul3A_422 = arith.muli %scan3A_297, %mul3A_421 : i32
      %add3A_423 = arith.constant 2 : i32
      %add3A_424 = arith.addi %mul3A_422, %add3A_423 : i32
      %dma_wait3A_425 = arith.constant 2 : i32
      %dma_wait3A_426 = arith.constant 2 : i32
      %dma_wait3A_427 = arith.constant 0 : i32
      %dma_wait3A_428 = arith.constant 0 : i32
      %dma_wait3A_429 = tpu.memref_slice %arg11[%dma_wait3A_426, %dma_wait3A_427, %dma_wait3A_428] : memref<3x80x128xf32, #tpu.memory_space<vmem>> -> memref<1x80x128xf32, #tpu.memory_space<vmem>>
      %dma_wait3A_430 = tpu.memref_squeeze %dma_wait3A_429 : memref<1x80x128xf32, #tpu.memory_space<vmem>> -> memref<80x128xf32, #tpu.memory_space<vmem>>
      %dma_wait3A_431 = arith.constant 0 : i32
      %dma_wait3A_432 = tpu.memref_slice %arg9[%dma_wait3A_425, %dma_wait3A_431] : memref<3x80xi32, #tpu.memory_space<vmem>> -> memref<1x80xi32, #tpu.memory_space<vmem>>
      %dma_wait3A_433 = tpu.memref_squeeze %dma_wait3A_432 : memref<1x80xi32, #tpu.memory_space<vmem>> -> memref<80xi32, #tpu.memory_space<vmem>>
      %dma_wait3A_434 = arith.constant 0 : i32
      %dma_wait3A_435 = arith.constant 0 : i32
      %dma_wait3A_436 = tpu.memref_slice %arg2[%dma_wait3A_434, %dma_wait3A_435] : memref<10000x128xf32, #tpu.memory_space<hbm>> -> memref<10000x128xf32, #tpu.memory_space<hbm>>
      tpu.wait_indirect_dma semaphore(%arg14 : memref<!tpu.dma_semaphore, #tpu.memory_space<semaphore_mem>>) src(%dma_wait3A_436 : memref<10000x128xf32, #tpu.memory_space<hbm>>) dst(%dma_wait3A_430 : memref<80x128xf32, #tpu.memory_space<vmem>>)
      %dma_start3A_437 = arith.constant 2 : i32
      %dma_start3A_438 = arith.constant 2 : i32
      %dma_start3A_439 = arith.constant 0 : i32
      %dma_start3A_440 = arith.constant 0 : i32
      %dma_start3A_441 = tpu.memref_slice %arg11[%dma_start3A_437, %dma_start3A_439, %dma_start3A_440] : memref<3x80x128xf32, #tpu.memory_space<vmem>> -> memref<1x80x128xf32, #tpu.memory_space<vmem>>
      %dma_start3A_442 = tpu.memref_squeeze %dma_start3A_441 : memref<1x80x128xf32, #tpu.memory_space<vmem>> -> memref<80x128xf32, #tpu.memory_space<vmem>>
      %dma_start3A_443 = arith.constant 0 : i32
      %dma_start3A_444 = tpu.memref_slice %arg10[%dma_start3A_438, %dma_start3A_443] : memref<3x80xi32, #tpu.memory_space<vmem>> -> memref<1x80xi32, #tpu.memory_space<vmem>>
      %dma_start3A_445 = tpu.memref_squeeze %dma_start3A_444 : memref<1x80xi32, #tpu.memory_space<vmem>> -> memref<80xi32, #tpu.memory_space<vmem>>
      %dma_start3A_446 = arith.constant 0 : i32
      %dma_start3A_447 = arith.constant 0 : i32
      %dma_start3A_448 = tpu.memref_slice %arg7[%dma_start3A_446, %dma_start3A_447] : memref<10000x128xf32, #tpu.memory_space<vmem_shared>> -> memref<10000x128xf32, #tpu.memory_space<vmem_shared>>
      tpu.enqueue_indirect_dma source(%dma_start3A_442 : memref<80x128xf32, #tpu.memory_space<vmem>>) target(%dma_start3A_448 : memref<10000x128xf32, #tpu.memory_space<vmem_shared>>) offsets(%dma_start3A_445 : memref<80xi32, #tpu.memory_space<vmem>>) semaphore(%arg17 : memref<!tpu.dma_semaphore, #tpu.memory_space<semaphore_mem>>) {add = true}
      %dma_wait3A_449 = arith.constant 2 : i32
      %dma_wait3A_450 = arith.constant 2 : i32
      %dma_wait3A_451 = arith.constant 0 : i32
      %dma_wait3A_452 = arith.constant 0 : i32
      %dma_wait3A_453 = tpu.memref_slice %arg11[%dma_wait3A_449, %dma_wait3A_451, %dma_wait3A_452] : memref<3x80x128xf32, #tpu.memory_space<vmem>> -> memref<1x80x128xf32, #tpu.memory_space<vmem>>
      %dma_wait3A_454 = tpu.memref_squeeze %dma_wait3A_453 : memref<1x80x128xf32, #tpu.memory_space<vmem>> -> memref<80x128xf32, #tpu.memory_space<vmem>>
      %dma_wait3A_455 = arith.constant 0 : i32
      %dma_wait3A_456 = tpu.memref_slice %arg10[%dma_wait3A_450, %dma_wait3A_455] : memref<3x80xi32, #tpu.memory_space<vmem>> -> memref<1x80xi32, #tpu.memory_space<vmem>>
      %dma_wait3A_457 = tpu.memref_squeeze %dma_wait3A_456 : memref<1x80xi32, #tpu.memory_space<vmem>> -> memref<80xi32, #tpu.memory_space<vmem>>
      %dma_wait3A_458 = arith.constant 0 : i32
      %dma_wait3A_459 = arith.constant 0 : i32
      %dma_wait3A_460 = tpu.memref_slice %arg7[%dma_wait3A_458, %dma_wait3A_459] : memref<10000x128xf32, #tpu.memory_space<vmem_shared>> -> memref<10000x128xf32, #tpu.memory_space<vmem_shared>>
      tpu.wait_indirect_dma semaphore(%arg17 : memref<!tpu.dma_semaphore, #tpu.memory_space<semaphore_mem>>) src(%dma_wait3A_454 : memref<80x128xf32, #tpu.memory_space<vmem>>) dst(%dma_wait3A_460 : memref<10000x128xf32, #tpu.memory_space<vmem_shared>>)
      %add3A_461 = arith.constant 3 : i32
      %add3A_462 = arith.addi %add3A_424, %add3A_461 : i32
      %scan3A_463 = arith.constant 0 : i32
      %scan3A_464 = arith.constant 0 : i32
      %scan3A_465 = arith.constant 5 : i32
      %scan3A_466 = arith.addi %scan3A_464, %scan3A_465 : i32
      %scan3A_467 = arith.constant 1 : i32
      %scan3A_468 = scf.for %scan3A_483 = %scan3A_464 to %scan3A_466 step %scan3A_467 iter_args(%scan3A_484 = %scan3A_463) -> (i32)  : i32 {
        %mul3A_485 = arith.constant 80 : i32
        %mul3A_486 = arith.muli %add3A_462, %mul3A_485 : i32
        %mul3A_487 = arith.constant 16 : i32
        %mul3A_488 = arith.muli %scan3A_483, %mul3A_487 : i32
        %add3A_489 = arith.addi %mul3A_486, %mul3A_488 : i32
        %get3A = arith.index_cast %add3A_489 : i32 to index
        %get3A_490 = tpu.vector_load %arg8[%get3A] {strides = array<i32>} : memref<10000xi32, #tpu.memory_space<vmem>>, vector<16xi32>,
        %get3A_491 = vector.shape_cast %get3A_490 : vector<16xi32> to vector<16xi32>
        %shift_right_logical3A = arith.constant 14 : i32
        %shift_right_logical3A_492 = vector.broadcast %shift_right_logical3A : i32 to vector<16xi32>
        %shift_right_logical3A_493 = arith.shrui %get3A_491, %shift_right_logical3A_492 : vector<16xi32>
        %mul3A_494 = arith.constant 16 : i32
        %mul3A_495 = arith.muli %scan3A_483, %mul3A_494 : i32
        %swap3A = arith.constant 2 : i32
        %swap3A_496 = arith.index_cast %swap3A : i32 to index
        %swap3A_497 = arith.index_cast %mul3A_495 : i32 to index
        %swap3A_498 = tpu.vector_load %arg9[%swap3A_496, %swap3A_497] {strides = array<i32>} : memref<3x80xi32, #tpu.memory_space<vmem>>, vector<1x16xi32>,
        %swap3A_499 = vector.shape_cast %swap3A_498 : vector<1x16xi32> to vector<16xi32>
        %swap3A_500 = vector.shape_cast %shift_right_logical3A_493 : vector<16xi32> to vector<1x16xi32>
        tpu.vector_store %arg9[%swap3A_496, %swap3A_497], %swap3A_500 {strides = array<i32>} : memref<3x80xi32, #tpu.memory_space<vmem>>, vector<1x16xi32>,
        %and3A = arith.constant 16383 : i32
        %and3A_501 = vector.broadcast %and3A : i32 to vector<16xi32>
        %and3A_502 = arith.andi %get3A_491, %and3A_501 : vector<16xi32>
        %mul3A_503 = arith.constant 16 : i32
        %mul3A_504 = arith.muli %scan3A_483, %mul3A_503 : i32
        %swap3A_505 = arith.constant 2 : i32
        %swap3A_506 = arith.index_cast %swap3A_505 : i32 to index
        %swap3A_507 = arith.index_cast %mul3A_504 : i32 to index
        %swap3A_508 = tpu.vector_load %arg10[%swap3A_506, %swap3A_507] {strides = array<i32>} : memref<3x80xi32, #tpu.memory_space<vmem>>, vector<1x16xi32>,
        %swap3A_509 = vector.shape_cast %swap3A_508 : vector<1x16xi32> to vector<16xi32>
        %swap3A_510 = vector.shape_cast %and3A_502 : vector<16xi32> to vector<1x16xi32>
        tpu.vector_store %arg10[%swap3A_506, %swap3A_507], %swap3A_510 {strides = array<i32>} : memref<3x80xi32, #tpu.memory_space<vmem>>, vector<1x16xi32>,
        %scan3A_511 = arith.constant 0 : i32
        scf.yield %scan3A_511 : i32
      }
      %scan3A_469 = arith.constant 5 : i32
      %dma_start3A_470 = arith.constant 2 : i32
      %dma_start3A_471 = arith.constant 2 : i32
      %dma_start3A_472 = arith.constant 0 : i32
      %dma_start3A_473 = arith.constant 0 : i32
      %dma_start3A_474 = tpu.memref_slice %arg11[%dma_start3A_471, %dma_start3A_472, %dma_start3A_473] : memref<3x80x128xf32, #tpu.memory_space<vmem>> -> memref<1x80x128xf32, #tpu.memory_space<vmem>>
      %dma_start3A_475 = tpu.memref_squeeze %dma_start3A_474 : memref<1x80x128xf32, #tpu.memory_space<vmem>> -> memref<80x128xf32, #tpu.memory_space<vmem>>
      %dma_start3A_476 = arith.constant 0 : i32
      %dma_start3A_477 = tpu.memref_slice %arg9[%dma_start3A_470, %dma_start3A_476] : memref<3x80xi32, #tpu.memory_space<vmem>> -> memref<1x80xi32, #tpu.memory_space<vmem>>
      %dma_start3A_478 = tpu.memref_squeeze %dma_start3A_477 : memref<1x80xi32, #tpu.memory_space<vmem>> -> memref<80xi32, #tpu.memory_space<vmem>>
      %dma_start3A_479 = arith.constant 0 : i32
      %dma_start3A_480 = arith.constant 0 : i32
      %dma_start3A_481 = tpu.memref_slice %arg2[%dma_start3A_479, %dma_start3A_480] : memref<10000x128xf32, #tpu.memory_space<hbm>> -> memref<10000x128xf32, #tpu.memory_space<hbm>>
      tpu.enqueue_indirect_dma source(%dma_start3A_481 : memref<10000x128xf32, #tpu.memory_space<hbm>>) target(%dma_start3A_475 : memref<80x128xf32, #tpu.memory_space<vmem>>) offsets(%dma_start3A_478 : memref<80xi32, #tpu.memory_space<vmem>>) semaphore(%arg14 : memref<!tpu.dma_semaphore, #tpu.memory_space<semaphore_mem>>)
      %scan3A_482 = arith.constant 0 : i32
      scf.yield %scan3A_482 : i32
    }
    %scan3A_68 = arith.constant 40 : i32
    %dma_wait3A = arith.constant 0 : i32
    %dma_wait3A_69 = arith.constant 0 : i32
    %dma_wait3A_70 = arith.constant 0 : i32
    %dma_wait3A_71 = arith.constant 0 : i32
    %dma_wait3A_72 = tpu.memref_slice %arg11[%dma_wait3A_69, %dma_wait3A_70, %dma_wait3A_71] : memref<3x80x128xf32, #tpu.memory_space<vmem>> -> memref<1x80x128xf32, #tpu.memory_space<vmem>>
    %dma_wait3A_73 = tpu.memref_squeeze %dma_wait3A_72 : memref<1x80x128xf32, #tpu.memory_space<vmem>> -> memref<80x128xf32, #tpu.memory_space<vmem>>
    %dma_wait3A_74 = arith.constant 0 : i32
    %dma_wait3A_75 = tpu.memref_slice %arg9[%dma_wait3A, %dma_wait3A_74] : memref<3x80xi32, #tpu.memory_space<vmem>> -> memref<1x80xi32, #tpu.memory_space<vmem>>
    %dma_wait3A_76 = tpu.memref_squeeze %dma_wait3A_75 : memref<1x80xi32, #tpu.memory_space<vmem>> -> memref<80xi32, #tpu.memory_space<vmem>>
    %dma_wait3A_77 = arith.constant 0 : i32
    %dma_wait3A_78 = arith.constant 0 : i32
    %dma_wait3A_79 = tpu.memref_slice %arg2[%dma_wait3A_77, %dma_wait3A_78] : memref<10000x128xf32, #tpu.memory_space<hbm>> -> memref<10000x128xf32, #tpu.memory_space<hbm>>
    tpu.wait_indirect_dma semaphore(%arg12 : memref<!tpu.dma_semaphore, #tpu.memory_space<semaphore_mem>>) src(%dma_wait3A_79 : memref<10000x128xf32, #tpu.memory_space<hbm>>) dst(%dma_wait3A_73 : memref<80x128xf32, #tpu.memory_space<vmem>>)
    %dma_start3A_80 = arith.constant 0 : i32
    %dma_start3A_81 = arith.constant 0 : i32
    %dma_start3A_82 = arith.constant 0 : i32
    %dma_start3A_83 = arith.constant 0 : i32
    %dma_start3A_84 = tpu.memref_slice %arg11[%dma_start3A_80, %dma_start3A_82, %dma_start3A_83] : memref<3x80x128xf32, #tpu.memory_space<vmem>> -> memref<1x80x128xf32, #tpu.memory_space<vmem>>
    %dma_start3A_85 = tpu.memref_squeeze %dma_start3A_84 : memref<1x80x128xf32, #tpu.memory_space<vmem>> -> memref<80x128xf32, #tpu.memory_space<vmem>>
    %dma_start3A_86 = arith.constant 0 : i32
    %dma_start3A_87 = tpu.memref_slice %arg10[%dma_start3A_81, %dma_start3A_86] : memref<3x80xi32, #tpu.memory_space<vmem>> -> memref<1x80xi32, #tpu.memory_space<vmem>>
    %dma_start3A_88 = tpu.memref_squeeze %dma_start3A_87 : memref<1x80xi32, #tpu.memory_space<vmem>> -> memref<80xi32, #tpu.memory_space<vmem>>
    %dma_start3A_89 = arith.constant 0 : i32
    %dma_start3A_90 = arith.constant 0 : i32
    %dma_start3A_91 = tpu.memref_slice %arg7[%dma_start3A_89, %dma_start3A_90] : memref<10000x128xf32, #tpu.memory_space<vmem_shared>> -> memref<10000x128xf32, #tpu.memory_space<vmem_shared>>
    tpu.enqueue_indirect_dma source(%dma_start3A_85 : memref<80x128xf32, #tpu.memory_space<vmem>>) target(%dma_start3A_91 : memref<10000x128xf32, #tpu.memory_space<vmem_shared>>) offsets(%dma_start3A_88 : memref<80xi32, #tpu.memory_space<vmem>>) semaphore(%arg15 : memref<!tpu.dma_semaphore, #tpu.memory_space<semaphore_mem>>) {add = true}
    %dma_wait3A_92 = arith.constant 0 : i32
    %dma_wait3A_93 = arith.constant 0 : i32
    %dma_wait3A_94 = arith.constant 0 : i32
    %dma_wait3A_95 = arith.constant 0 : i32
    %dma_wait3A_96 = tpu.memref_slice %arg11[%dma_wait3A_92, %dma_wait3A_94, %dma_wait3A_95] : memref<3x80x128xf32, #tpu.memory_space<vmem>> -> memref<1x80x128xf32, #tpu.memory_space<vmem>>
    %dma_wait3A_97 = tpu.memref_squeeze %dma_wait3A_96 : memref<1x80x128xf32, #tpu.memory_space<vmem>> -> memref<80x128xf32, #tpu.memory_space<vmem>>
    %dma_wait3A_98 = arith.constant 0 : i32
    %dma_wait3A_99 = tpu.memref_slice %arg10[%dma_wait3A_93, %dma_wait3A_98] : memref<3x80xi32, #tpu.memory_space<vmem>> -> memref<1x80xi32, #tpu.memory_space<vmem>>
    %dma_wait3A_100 = tpu.memref_squeeze %dma_wait3A_99 : memref<1x80xi32, #tpu.memory_space<vmem>> -> memref<80xi32, #tpu.memory_space<vmem>>
    %dma_wait3A_101 = arith.constant 0 : i32
    %dma_wait3A_102 = arith.constant 0 : i32
    %dma_wait3A_103 = tpu.memref_slice %arg7[%dma_wait3A_101, %dma_wait3A_102] : memref<10000x128xf32, #tpu.memory_space<vmem_shared>> -> memref<10000x128xf32, #tpu.memory_space<vmem_shared>>
    tpu.wait_indirect_dma semaphore(%arg15 : memref<!tpu.dma_semaphore, #tpu.memory_space<semaphore_mem>>) src(%dma_wait3A_97 : memref<80x128xf32, #tpu.memory_space<vmem>>) dst(%dma_wait3A_103 : memref<10000x128xf32, #tpu.memory_space<vmem_shared>>)
    %scan3A_104 = arith.constant 0 : i32
    %scan3A_105 = arith.constant 0 : i32
    %scan3A_106 = arith.constant 5 : i32
    %scan3A_107 = arith.addi %scan3A_105, %scan3A_106 : i32
    %scan3A_108 = arith.constant 1 : i32
    %scan3A_109 = scf.for %scan3A_297 = %scan3A_105 to %scan3A_107 step %scan3A_108 iter_args(%scan3A_298 = %scan3A_104) -> (i32)  : i32 {
      %mul3A_299 = arith.constant 16 : i32
      %mul3A_300 = arith.muli %scan3A_297, %mul3A_299 : i32
      %add3A_301 = arith.constant 9840 : i32
      %add3A_302 = arith.addi %add3A_301, %mul3A_300 : i32
      %get3A = arith.index_cast %add3A_302 : i32 to index
      %get3A_303 = tpu.vector_load %arg8[%get3A] {strides = array<i32>} : memref<10000xi32, #tpu.memory_space<vmem>>, vector<16xi32>,
      %get3A_304 = vector.shape_cast %get3A_303 : vector<16xi32> to vector<16xi32>
      %shift_right_logical3A = arith.constant 14 : i32
      %shift_right_logical3A_305 = vector.broadcast %shift_right_logical3A : i32 to vector<16xi32>
      %shift_right_logical3A_306 = arith.shrui %get3A_304, %shift_right_logical3A_305 : vector<16xi32>
      %mul3A_307 = arith.constant 16 : i32
      %mul3A_308 = arith.muli %scan3A_297, %mul3A_307 : i32
      %swap3A = arith.constant 0 : i32
      %swap3A_309 = arith.index_cast %swap3A : i32 to index
      %swap3A_310 = arith.index_cast %mul3A_308 : i32 to index
      %swap3A_311 = tpu.vector_load %arg9[%swap3A_309, %swap3A_310] {strides = array<i32>} : memref<3x80xi32, #tpu.memory_space<vmem>>, vector<1x16xi32>,
      %swap3A_312 = vector.shape_cast %swap3A_311 : vector<1x16xi32> to vector<16xi32>
      %swap3A_313 = vector.shape_cast %shift_right_logical3A_306 : vector<16xi32> to vector<1x16xi32>
      tpu.vector_store %arg9[%swap3A_309, %swap3A_310], %swap3A_313 {strides = array<i32>} : memref<3x80xi32, #tpu.memory_space<vmem>>, vector<1x16xi32>,
      %and3A = arith.constant 16383 : i32
      %and3A_314 = vector.broadcast %and3A : i32 to vector<16xi32>
      %and3A_315 = arith.andi %get3A_304, %and3A_314 : vector<16xi32>
      %mul3A_316 = arith.constant 16 : i32
      %mul3A_317 = arith.muli %scan3A_297, %mul3A_316 : i32
      %swap3A_318 = arith.constant 0 : i32
      %swap3A_319 = arith.index_cast %swap3A_318 : i32 to index
      %swap3A_320 = arith.index_cast %mul3A_317 : i32 to index
      %swap3A_321 = tpu.vector_load %arg10[%swap3A_319, %swap3A_320] {strides = array<i32>} : memref<3x80xi32, #tpu.memory_space<vmem>>, vector<1x16xi32>,
      %swap3A_322 = vector.shape_cast %swap3A_321 : vector<1x16xi32> to vector<16xi32>
      %swap3A_323 = vector.shape_cast %and3A_315 : vector<16xi32> to vector<1x16xi32>
      tpu.vector_store %arg10[%swap3A_319, %swap3A_320], %swap3A_323 {strides = array<i32>} : memref<3x80xi32, #tpu.memory_space<vmem>>, vector<1x16xi32>,
      %scan3A_324 = arith.constant 0 : i32
      scf.yield %scan3A_324 : i32
    }
    %scan3A_110 = arith.constant 5 : i32
    %dma_start3A_111 = arith.constant 0 : i32
    %dma_start3A_112 = arith.constant 0 : i32
    %dma_start3A_113 = arith.constant 0 : i32
    %dma_start3A_114 = arith.constant 0 : i32
    %dma_start3A_115 = tpu.memref_slice %arg11[%dma_start3A_112, %dma_start3A_113, %dma_start3A_114] : memref<3x80x128xf32, #tpu.memory_space<vmem>> -> memref<1x80x128xf32, #tpu.memory_space<vmem>>
    %dma_start3A_116 = tpu.memref_squeeze %dma_start3A_115 : memref<1x80x128xf32, #tpu.memory_space<vmem>> -> memref<80x128xf32, #tpu.memory_space<vmem>>
    %dma_start3A_117 = arith.constant 0 : i32
    %dma_start3A_118 = tpu.memref_slice %arg9[%dma_start3A_111, %dma_start3A_117] : memref<3x80xi32, #tpu.memory_space<vmem>> -> memref<1x80xi32, #tpu.memory_space<vmem>>
    %dma_start3A_119 = tpu.memref_squeeze %dma_start3A_118 : memref<1x80xi32, #tpu.memory_space<vmem>> -> memref<80xi32, #tpu.memory_space<vmem>>
    %dma_start3A_120 = arith.constant 0 : i32
    %dma_start3A_121 = arith.constant 0 : i32
    %dma_start3A_122 = tpu.memref_slice %arg2[%dma_start3A_120, %dma_start3A_121] : memref<10000x128xf32, #tpu.memory_space<hbm>> -> memref<10000x128xf32, #tpu.memory_space<hbm>>
    tpu.enqueue_indirect_dma source(%dma_start3A_122 : memref<10000x128xf32, #tpu.memory_space<hbm>>) target(%dma_start3A_116 : memref<80x128xf32, #tpu.memory_space<vmem>>) offsets(%dma_start3A_119 : memref<80xi32, #tpu.memory_space<vmem>>) semaphore(%arg12 : memref<!tpu.dma_semaphore, #tpu.memory_space<semaphore_mem>>)
    %dma_wait3A_123 = arith.constant 1 : i32
    %dma_wait3A_124 = arith.constant 1 : i32
    %dma_wait3A_125 = arith.constant 0 : i32
    %dma_wait3A_126 = arith.constant 0 : i32
    %dma_wait3A_127 = tpu.memref_slice %arg11[%dma_wait3A_124, %dma_wait3A_125, %dma_wait3A_126] : memref<3x80x128xf32, #tpu.memory_space<vmem>> -> memref<1x80x128xf32, #tpu.memory_space<vmem>>
    %dma_wait3A_128 = tpu.memref_squeeze %dma_wait3A_127 : memref<1x80x128xf32, #tpu.memory_space<vmem>> -> memref<80x128xf32, #tpu.memory_space<vmem>>
    %dma_wait3A_129 = arith.constant 0 : i32
    %dma_wait3A_130 = tpu.memref_slice %arg9[%dma_wait3A_123, %dma_wait3A_129] : memref<3x80xi32, #tpu.memory_space<vmem>> -> memref<1x80xi32, #tpu.memory_space<vmem>>
    %dma_wait3A_131 = tpu.memref_squeeze %dma_wait3A_130 : memref<1x80xi32, #tpu.memory_space<vmem>> -> memref<80xi32, #tpu.memory_space<vmem>>
    %dma_wait3A_132 = arith.constant 0 : i32
    %dma_wait3A_133 = arith.constant 0 : i32
    %dma_wait3A_134 = tpu.memref_slice %arg2[%dma_wait3A_132, %dma_wait3A_133] : memref<10000x128xf32, #tpu.memory_space<hbm>> -> memref<10000x128xf32, #tpu.memory_space<hbm>>
    tpu.wait_indirect_dma semaphore(%arg13 : memref<!tpu.dma_semaphore, #tpu.memory_space<semaphore_mem>>) src(%dma_wait3A_134 : memref<10000x128xf32, #tpu.memory_space<hbm>>) dst(%dma_wait3A_128 : memref<80x128xf32, #tpu.memory_space<vmem>>)
    %dma_start3A_135 = arith.constant 1 : i32
    %dma_start3A_136 = arith.constant 1 : i32
    %dma_start3A_137 = arith.constant 0 : i32
    %dma_start3A_138 = arith.constant 0 : i32
    %dma_start3A_139 = tpu.memref_slice %arg11[%dma_start3A_135, %dma_start3A_137, %dma_start3A_138] : memref<3x80x128xf32, #tpu.memory_space<vmem>> -> memref<1x80x128xf32, #tpu.memory_space<vmem>>
    %dma_start3A_140 = tpu.memref_squeeze %dma_start3A_139 : memref<1x80x128xf32, #tpu.memory_space<vmem>> -> memref<80x128xf32, #tpu.memory_space<vmem>>
    %dma_start3A_141 = arith.constant 0 : i32
    %dma_start3A_142 = tpu.memref_slice %arg10[%dma_start3A_136, %dma_start3A_141] : memref<3x80xi32, #tpu.memory_space<vmem>> -> memref<1x80xi32, #tpu.memory_space<vmem>>
    %dma_start3A_143 = tpu.memref_squeeze %dma_start3A_142 : memref<1x80xi32, #tpu.memory_space<vmem>> -> memref<80xi32, #tpu.memory_space<vmem>>
    %dma_start3A_144 = arith.constant 0 : i32
    %dma_start3A_145 = arith.constant 0 : i32
    %dma_start3A_146 = tpu.memref_slice %arg7[%dma_start3A_144, %dma_start3A_145] : memref<10000x128xf32, #tpu.memory_space<vmem_shared>> -> memref<10000x128xf32, #tpu.memory_space<vmem_shared>>
    tpu.enqueue_indirect_dma source(%dma_start3A_140 : memref<80x128xf32, #tpu.memory_space<vmem>>) target(%dma_start3A_146 : memref<10000x128xf32, #tpu.memory_space<vmem_shared>>) offsets(%dma_start3A_143 : memref<80xi32, #tpu.memory_space<vmem>>) semaphore(%arg16 : memref<!tpu.dma_semaphore, #tpu.memory_space<semaphore_mem>>) {add = true}
    %dma_wait3A_147 = arith.constant 1 : i32
    %dma_wait3A_148 = arith.constant 1 : i32
    %dma_wait3A_149 = arith.constant 0 : i32
    %dma_wait3A_150 = arith.constant 0 : i32
    %dma_wait3A_151 = tpu.memref_slice %arg11[%dma_wait3A_147, %dma_wait3A_149, %dma_wait3A_150] : memref<3x80x128xf32, #tpu.memory_space<vmem>> -> memref<1x80x128xf32, #tpu.memory_space<vmem>>
    %dma_wait3A_152 = tpu.memref_squeeze %dma_wait3A_151 : memref<1x80x128xf32, #tpu.memory_space<vmem>> -> memref<80x128xf32, #tpu.memory_space<vmem>>
    %dma_wait3A_153 = arith.constant 0 : i32
    %dma_wait3A_154 = tpu.memref_slice %arg10[%dma_wait3A_148, %dma_wait3A_153] : memref<3x80xi32, #tpu.memory_space<vmem>> -> memref<1x80xi32, #tpu.memory_space<vmem>>
    %dma_wait3A_155 = tpu.memref_squeeze %dma_wait3A_154 : memref<1x80xi32, #tpu.memory_space<vmem>> -> memref<80xi32, #tpu.memory_space<vmem>>
    %dma_wait3A_156 = arith.constant 0 : i32
    %dma_wait3A_157 = arith.constant 0 : i32
    %dma_wait3A_158 = tpu.memref_slice %arg7[%dma_wait3A_156, %dma_wait3A_157] : memref<10000x128xf32, #tpu.memory_space<vmem_shared>> -> memref<10000x128xf32, #tpu.memory_space<vmem_shared>>
    tpu.wait_indirect_dma semaphore(%arg16 : memref<!tpu.dma_semaphore, #tpu.memory_space<semaphore_mem>>) src(%dma_wait3A_152 : memref<80x128xf32, #tpu.memory_space<vmem>>) dst(%dma_wait3A_158 : memref<10000x128xf32, #tpu.memory_space<vmem_shared>>)
    %scan3A_159 = arith.constant 0 : i32
    %scan3A_160 = arith.constant 0 : i32
    %scan3A_161 = arith.constant 5 : i32
    %scan3A_162 = arith.addi %scan3A_160, %scan3A_161 : i32
    %scan3A_163 = arith.constant 1 : i32
    %scan3A_164 = scf.for %scan3A_297 = %scan3A_160 to %scan3A_162 step %scan3A_163 iter_args(%scan3A_298 = %scan3A_159) -> (i32)  : i32 {
      %mul3A_299 = arith.constant 16 : i32
      %mul3A_300 = arith.muli %scan3A_297, %mul3A_299 : i32
      %add3A_301 = arith.constant 9920 : i32
      %add3A_302 = arith.addi %add3A_301, %mul3A_300 : i32
      %get3A = arith.index_cast %add3A_302 : i32 to index
      %get3A_303 = tpu.vector_load %arg8[%get3A] {strides = array<i32>} : memref<10000xi32, #tpu.memory_space<vmem>>, vector<16xi32>,
      %get3A_304 = vector.shape_cast %get3A_303 : vector<16xi32> to vector<16xi32>
      %shift_right_logical3A = arith.constant 14 : i32
      %shift_right_logical3A_305 = vector.broadcast %shift_right_logical3A : i32 to vector<16xi32>
      %shift_right_logical3A_306 = arith.shrui %get3A_304, %shift_right_logical3A_305 : vector<16xi32>
      %mul3A_307 = arith.constant 16 : i32
      %mul3A_308 = arith.muli %scan3A_297, %mul3A_307 : i32
      %swap3A = arith.constant 1 : i32
      %swap3A_309 = arith.index_cast %swap3A : i32 to index
      %swap3A_310 = arith.index_cast %mul3A_308 : i32 to index
      %swap3A_311 = tpu.vector_load %arg9[%swap3A_309, %swap3A_310] {strides = array<i32>} : memref<3x80xi32, #tpu.memory_space<vmem>>, vector<1x16xi32>,
      %swap3A_312 = vector.shape_cast %swap3A_311 : vector<1x16xi32> to vector<16xi32>
      %swap3A_313 = vector.shape_cast %shift_right_logical3A_306 : vector<16xi32> to vector<1x16xi32>
      tpu.vector_store %arg9[%swap3A_309, %swap3A_310], %swap3A_313 {strides = array<i32>} : memref<3x80xi32, #tpu.memory_space<vmem>>, vector<1x16xi32>,
      %and3A = arith.constant 16383 : i32
      %and3A_314 = vector.broadcast %and3A : i32 to vector<16xi32>
      %and3A_315 = arith.andi %get3A_304, %and3A_314 : vector<16xi32>
      %mul3A_316 = arith.constant 16 : i32
      %mul3A_317 = arith.muli %scan3A_297, %mul3A_316 : i32
      %swap3A_318 = arith.constant 1 : i32
      %swap3A_319 = arith.index_cast %swap3A_318 : i32 to index
      %swap3A_320 = arith.index_cast %mul3A_317 : i32 to index
      %swap3A_321 = tpu.vector_load %arg10[%swap3A_319, %swap3A_320] {strides = array<i32>} : memref<3x80xi32, #tpu.memory_space<vmem>>, vector<1x16xi32>,
      %swap3A_322 = vector.shape_cast %swap3A_321 : vector<1x16xi32> to vector<16xi32>
      %swap3A_323 = vector.shape_cast %and3A_315 : vector<16xi32> to vector<1x16xi32>
      tpu.vector_store %arg10[%swap3A_319, %swap3A_320], %swap3A_323 {strides = array<i32>} : memref<3x80xi32, #tpu.memory_space<vmem>>, vector<1x16xi32>,
      %scan3A_324 = arith.constant 0 : i32
      scf.yield %scan3A_324 : i32
    }
    %scan3A_165 = arith.constant 5 : i32
    %dma_start3A_166 = arith.constant 1 : i32
    %dma_start3A_167 = arith.constant 1 : i32
    %dma_start3A_168 = arith.constant 0 : i32
    %dma_start3A_169 = arith.constant 0 : i32
    %dma_start3A_170 = tpu.memref_slice %arg11[%dma_start3A_167, %dma_start3A_168, %dma_start3A_169] : memref<3x80x128xf32, #tpu.memory_space<vmem>> -> memref<1x80x128xf32, #tpu.memory_space<vmem>>
    %dma_start3A_171 = tpu.memref_squeeze %dma_start3A_170 : memref<1x80x128xf32, #tpu.memory_space<vmem>> -> memref<80x128xf32, #tpu.memory_space<vmem>>
    %dma_start3A_172 = arith.constant 0 : i32
    %dma_start3A_173 = tpu.memref_slice %arg9[%dma_start3A_166, %dma_start3A_172] : memref<3x80xi32, #tpu.memory_space<vmem>> -> memref<1x80xi32, #tpu.memory_space<vmem>>
    %dma_start3A_174 = tpu.memref_squeeze %dma_start3A_173 : memref<1x80xi32, #tpu.memory_space<vmem>> -> memref<80xi32, #tpu.memory_space<vmem>>
    %dma_start3A_175 = arith.constant 0 : i32
    %dma_start3A_176 = arith.constant 0 : i32
    %dma_start3A_177 = tpu.memref_slice %arg2[%dma_start3A_175, %dma_start3A_176] : memref<10000x128xf32, #tpu.memory_space<hbm>> -> memref<10000x128xf32, #tpu.memory_space<hbm>>
    tpu.enqueue_indirect_dma source(%dma_start3A_177 : memref<10000x128xf32, #tpu.memory_space<hbm>>) target(%dma_start3A_171 : memref<80x128xf32, #tpu.memory_space<vmem>>) offsets(%dma_start3A_174 : memref<80xi32, #tpu.memory_space<vmem>>) semaphore(%arg13 : memref<!tpu.dma_semaphore, #tpu.memory_space<semaphore_mem>>)
    %dma_wait3A_178 = arith.constant 2 : i32
    %dma_wait3A_179 = arith.constant 2 : i32
    %dma_wait3A_180 = arith.constant 0 : i32
    %dma_wait3A_181 = arith.constant 0 : i32
    %dma_wait3A_182 = tpu.memref_slice %arg11[%dma_wait3A_179, %dma_wait3A_180, %dma_wait3A_181] : memref<3x80x128xf32, #tpu.memory_space<vmem>> -> memref<1x80x128xf32, #tpu.memory_space<vmem>>
    %dma_wait3A_183 = tpu.memref_squeeze %dma_wait3A_182 : memref<1x80x128xf32, #tpu.memory_space<vmem>> -> memref<80x128xf32, #tpu.memory_space<vmem>>
    %dma_wait3A_184 = arith.constant 0 : i32
    %dma_wait3A_185 = tpu.memref_slice %arg9[%dma_wait3A_178, %dma_wait3A_184] : memref<3x80xi32, #tpu.memory_space<vmem>> -> memref<1x80xi32, #tpu.memory_space<vmem>>
    %dma_wait3A_186 = tpu.memref_squeeze %dma_wait3A_185 : memref<1x80xi32, #tpu.memory_space<vmem>> -> memref<80xi32, #tpu.memory_space<vmem>>
    %dma_wait3A_187 = arith.constant 0 : i32
    %dma_wait3A_188 = arith.constant 0 : i32
    %dma_wait3A_189 = tpu.memref_slice %arg2[%dma_wait3A_187, %dma_wait3A_188] : memref<10000x128xf32, #tpu.memory_space<hbm>> -> memref<10000x128xf32, #tpu.memory_space<hbm>>
    tpu.wait_indirect_dma semaphore(%arg14 : memref<!tpu.dma_semaphore, #tpu.memory_space<semaphore_mem>>) src(%dma_wait3A_189 : memref<10000x128xf32, #tpu.memory_space<hbm>>) dst(%dma_wait3A_183 : memref<80x128xf32, #tpu.memory_space<vmem>>)
    %dma_start3A_190 = arith.constant 2 : i32
    %dma_start3A_191 = arith.constant 2 : i32
    %dma_start3A_192 = arith.constant 0 : i32
    %dma_start3A_193 = arith.constant 0 : i32
    %dma_start3A_194 = tpu.memref_slice %arg11[%dma_start3A_190, %dma_start3A_192, %dma_start3A_193] : memref<3x80x128xf32, #tpu.memory_space<vmem>> -> memref<1x80x128xf32, #tpu.memory_space<vmem>>
    %dma_start3A_195 = tpu.memref_squeeze %dma_start3A_194 : memref<1x80x128xf32, #tpu.memory_space<vmem>> -> memref<80x128xf32, #tpu.memory_space<vmem>>
    %dma_start3A_196 = arith.constant 0 : i32
    %dma_start3A_197 = tpu.memref_slice %arg10[%dma_start3A_191, %dma_start3A_196] : memref<3x80xi32, #tpu.memory_space<vmem>> -> memref<1x80xi32, #tpu.memory_space<vmem>>
    %dma_start3A_198 = tpu.memref_squeeze %dma_start3A_197 : memref<1x80xi32, #tpu.memory_space<vmem>> -> memref<80xi32, #tpu.memory_space<vmem>>
    %dma_start3A_199 = arith.constant 0 : i32
    %dma_start3A_200 = arith.constant 0 : i32
    %dma_start3A_201 = tpu.memref_slice %arg7[%dma_start3A_199, %dma_start3A_200] : memref<10000x128xf32, #tpu.memory_space<vmem_shared>> -> memref<10000x128xf32, #tpu.memory_space<vmem_shared>>
    tpu.enqueue_indirect_dma source(%dma_start3A_195 : memref<80x128xf32, #tpu.memory_space<vmem>>) target(%dma_start3A_201 : memref<10000x128xf32, #tpu.memory_space<vmem_shared>>) offsets(%dma_start3A_198 : memref<80xi32, #tpu.memory_space<vmem>>) semaphore(%arg17 : memref<!tpu.dma_semaphore, #tpu.memory_space<semaphore_mem>>) {add = true}
    %dma_wait3A_202 = arith.constant 2 : i32
    %dma_wait3A_203 = arith.constant 2 : i32
    %dma_wait3A_204 = arith.constant 0 : i32
    %dma_wait3A_205 = arith.constant 0 : i32
    %dma_wait3A_206 = tpu.memref_slice %arg11[%dma_wait3A_202, %dma_wait3A_204, %dma_wait3A_205] : memref<3x80x128xf32, #tpu.memory_space<vmem>> -> memref<1x80x128xf32, #tpu.memory_space<vmem>>
    %dma_wait3A_207 = tpu.memref_squeeze %dma_wait3A_206 : memref<1x80x128xf32, #tpu.memory_space<vmem>> -> memref<80x128xf32, #tpu.memory_space<vmem>>
    %dma_wait3A_208 = arith.constant 0 : i32
    %dma_wait3A_209 = tpu.memref_slice %arg10[%dma_wait3A_203, %dma_wait3A_208] : memref<3x80xi32, #tpu.memory_space<vmem>> -> memref<1x80xi32, #tpu.memory_space<vmem>>
    %dma_wait3A_210 = tpu.memref_squeeze %dma_wait3A_209 : memref<1x80xi32, #tpu.memory_space<vmem>> -> memref<80xi32, #tpu.memory_space<vmem>>
    %dma_wait3A_211 = arith.constant 0 : i32
    %dma_wait3A_212 = arith.constant 0 : i32
    %dma_wait3A_213 = tpu.memref_slice %arg7[%dma_wait3A_211, %dma_wait3A_212] : memref<10000x128xf32, #tpu.memory_space<vmem_shared>> -> memref<10000x128xf32, #tpu.memory_space<vmem_shared>>
    tpu.wait_indirect_dma semaphore(%arg17 : memref<!tpu.dma_semaphore, #tpu.memory_space<semaphore_mem>>) src(%dma_wait3A_207 : memref<80x128xf32, #tpu.memory_space<vmem>>) dst(%dma_wait3A_213 : memref<10000x128xf32, #tpu.memory_space<vmem_shared>>)
    %dma_wait3A_214 = arith.constant 0 : i32
    %dma_wait3A_215 = arith.constant 0 : i32
    %dma_wait3A_216 = arith.constant 0 : i32
    %dma_wait3A_217 = arith.constant 0 : i32
    %dma_wait3A_218 = tpu.memref_slice %arg11[%dma_wait3A_215, %dma_wait3A_216, %dma_wait3A_217] : memref<3x80x128xf32, #tpu.memory_space<vmem>> -> memref<1x80x128xf32, #tpu.memory_space<vmem>>
    %dma_wait3A_219 = tpu.memref_squeeze %dma_wait3A_218 : memref<1x80x128xf32, #tpu.memory_space<vmem>> -> memref<80x128xf32, #tpu.memory_space<vmem>>
    %dma_wait3A_220 = arith.constant 0 : i32
    %dma_wait3A_221 = tpu.memref_slice %arg9[%dma_wait3A_214, %dma_wait3A_220] : memref<3x80xi32, #tpu.memory_space<vmem>> -> memref<1x80xi32, #tpu.memory_space<vmem>>
    %dma_wait3A_222 = tpu.memref_squeeze %dma_wait3A_221 : memref<1x80xi32, #tpu.memory_space<vmem>> -> memref<80xi32, #tpu.memory_space<vmem>>
    %dma_wait3A_223 = arith.constant 0 : i32
    %dma_wait3A_224 = arith.constant 0 : i32
    %dma_wait3A_225 = tpu.memref_slice %arg2[%dma_wait3A_223, %dma_wait3A_224] : memref<10000x128xf32, #tpu.memory_space<hbm>> -> memref<10000x128xf32, #tpu.memory_space<hbm>>
    tpu.wait_indirect_dma semaphore(%arg12 : memref<!tpu.dma_semaphore, #tpu.memory_space<semaphore_mem>>) src(%dma_wait3A_225 : memref<10000x128xf32, #tpu.memory_space<hbm>>) dst(%dma_wait3A_219 : memref<80x128xf32, #tpu.memory_space<vmem>>)
    %dma_start3A_226 = arith.constant 0 : i32
    %dma_start3A_227 = arith.constant 0 : i32
    %dma_start3A_228 = arith.constant 0 : i32
    %dma_start3A_229 = arith.constant 0 : i32
    %dma_start3A_230 = tpu.memref_slice %arg11[%dma_start3A_226, %dma_start3A_228, %dma_start3A_229] : memref<3x80x128xf32, #tpu.memory_space<vmem>> -> memref<1x80x128xf32, #tpu.memory_space<vmem>>
    %dma_start3A_231 = tpu.memref_squeeze %dma_start3A_230 : memref<1x80x128xf32, #tpu.memory_space<vmem>> -> memref<80x128xf32, #tpu.memory_space<vmem>>
    %dma_start3A_232 = arith.constant 0 : i32
    %dma_start3A_233 = tpu.memref_slice %arg10[%dma_start3A_227, %dma_start3A_232] : memref<3x80xi32, #tpu.memory_space<vmem>> -> memref<1x80xi32, #tpu.memory_space<vmem>>
    %dma_start3A_234 = tpu.memref_squeeze %dma_start3A_233 : memref<1x80xi32, #tpu.memory_space<vmem>> -> memref<80xi32, #tpu.memory_space<vmem>>
    %dma_start3A_235 = arith.constant 0 : i32
    %dma_start3A_236 = arith.constant 0 : i32
    %dma_start3A_237 = tpu.memref_slice %arg7[%dma_start3A_235, %dma_start3A_236] : memref<10000x128xf32, #tpu.memory_space<vmem_shared>> -> memref<10000x128xf32, #tpu.memory_space<vmem_shared>>
    tpu.enqueue_indirect_dma source(%dma_start3A_231 : memref<80x128xf32, #tpu.memory_space<vmem>>) target(%dma_start3A_237 : memref<10000x128xf32, #tpu.memory_space<vmem_shared>>) offsets(%dma_start3A_234 : memref<80xi32, #tpu.memory_space<vmem>>) semaphore(%arg15 : memref<!tpu.dma_semaphore, #tpu.memory_space<semaphore_mem>>) {add = true}
    %dma_wait3A_238 = arith.constant 0 : i32
    %dma_wait3A_239 = arith.constant 0 : i32
    %dma_wait3A_240 = arith.constant 0 : i32
    %dma_wait3A_241 = arith.constant 0 : i32
    %dma_wait3A_242 = tpu.memref_slice %arg11[%dma_wait3A_238, %dma_wait3A_240, %dma_wait3A_241] : memref<3x80x128xf32, #tpu.memory_space<vmem>> -> memref<1x80x128xf32, #tpu.memory_space<vmem>>
    %dma_wait3A_243 = tpu.memref_squeeze %dma_wait3A_242 : memref<1x80x128xf32, #tpu.memory_space<vmem>> -> memref<80x128xf32, #tpu.memory_space<vmem>>
    %dma_wait3A_244 = arith.constant 0 : i32
    %dma_wait3A_245 = tpu.memref_slice %arg10[%dma_wait3A_239, %dma_wait3A_244] : memref<3x80xi32, #tpu.memory_space<vmem>> -> memref<1x80xi32, #tpu.memory_space<vmem>>
    %dma_wait3A_246 = tpu.memref_squeeze %dma_wait3A_245 : memref<1x80xi32, #tpu.memory_space<vmem>> -> memref<80xi32, #tpu.memory_space<vmem>>
    %dma_wait3A_247 = arith.constant 0 : i32
    %dma_wait3A_248 = arith.constant 0 : i32
    %dma_wait3A_249 = tpu.memref_slice %arg7[%dma_wait3A_247, %dma_wait3A_248] : memref<10000x128xf32, #tpu.memory_space<vmem_shared>> -> memref<10000x128xf32, #tpu.memory_space<vmem_shared>>
    tpu.wait_indirect_dma semaphore(%arg15 : memref<!tpu.dma_semaphore, #tpu.memory_space<semaphore_mem>>) src(%dma_wait3A_243 : memref<80x128xf32, #tpu.memory_space<vmem>>) dst(%dma_wait3A_249 : memref<10000x128xf32, #tpu.memory_space<vmem_shared>>)
    %dma_wait3A_250 = arith.constant 1 : i32
    %dma_wait3A_251 = arith.constant 1 : i32
    %dma_wait3A_252 = arith.constant 0 : i32
    %dma_wait3A_253 = arith.constant 0 : i32
    %dma_wait3A_254 = tpu.memref_slice %arg11[%dma_wait3A_251, %dma_wait3A_252, %dma_wait3A_253] : memref<3x80x128xf32, #tpu.memory_space<vmem>> -> memref<1x80x128xf32, #tpu.memory_space<vmem>>
    %dma_wait3A_255 = tpu.memref_squeeze %dma_wait3A_254 : memref<1x80x128xf32, #tpu.memory_space<vmem>> -> memref<80x128xf32, #tpu.memory_space<vmem>>
    %dma_wait3A_256 = arith.constant 0 : i32
    %dma_wait3A_257 = tpu.memref_slice %arg9[%dma_wait3A_250, %dma_wait3A_256] : memref<3x80xi32, #tpu.memory_space<vmem>> -> memref<1x80xi32, #tpu.memory_space<vmem>>
    %dma_wait3A_258 = tpu.memref_squeeze %dma_wait3A_257 : memref<1x80xi32, #tpu.memory_space<vmem>> -> memref<80xi32, #tpu.memory_space<vmem>>
    %dma_wait3A_259 = arith.constant 0 : i32
    %dma_wait3A_260 = arith.constant 0 : i32
    %dma_wait3A_261 = tpu.memref_slice %arg2[%dma_wait3A_259, %dma_wait3A_260] : memref<10000x128xf32, #tpu.memory_space<hbm>> -> memref<10000x128xf32, #tpu.memory_space<hbm>>
    tpu.wait_indirect_dma semaphore(%arg13 : memref<!tpu.dma_semaphore, #tpu.memory_space<semaphore_mem>>) src(%dma_wait3A_261 : memref<10000x128xf32, #tpu.memory_space<hbm>>) dst(%dma_wait3A_255 : memref<80x128xf32, #tpu.memory_space<vmem>>)
    %dma_start3A_262 = arith.constant 1 : i32
    %dma_start3A_263 = arith.constant 1 : i32
    %dma_start3A_264 = arith.constant 0 : i32
    %dma_start3A_265 = arith.constant 0 : i32
    %dma_start3A_266 = tpu.memref_slice %arg11[%dma_start3A_262, %dma_start3A_264, %dma_start3A_265] : memref<3x80x128xf32, #tpu.memory_space<vmem>> -> memref<1x80x128xf32, #tpu.memory_space<vmem>>
    %dma_start3A_267 = tpu.memref_squeeze %dma_start3A_266 : memref<1x80x128xf32, #tpu.memory_space<vmem>> -> memref<80x128xf32, #tpu.memory_space<vmem>>
    %dma_start3A_268 = arith.constant 0 : i32
    %dma_start3A_269 = tpu.memref_slice %arg10[%dma_start3A_263, %dma_start3A_268] : memref<3x80xi32, #tpu.memory_space<vmem>> -> memref<1x80xi32, #tpu.memory_space<vmem>>
    %dma_start3A_270 = tpu.memref_squeeze %dma_start3A_269 : memref<1x80xi32, #tpu.memory_space<vmem>> -> memref<80xi32, #tpu.memory_space<vmem>>
    %dma_start3A_271 = arith.constant 0 : i32
    %dma_start3A_272 = arith.constant 0 : i32
    %dma_start3A_273 = tpu.memref_slice %arg7[%dma_start3A_271, %dma_start3A_272] : memref<10000x128xf32, #tpu.memory_space<vmem_shared>> -> memref<10000x128xf32, #tpu.memory_space<vmem_shared>>
    tpu.enqueue_indirect_dma source(%dma_start3A_267 : memref<80x128xf32, #tpu.memory_space<vmem>>) target(%dma_start3A_273 : memref<10000x128xf32, #tpu.memory_space<vmem_shared>>) offsets(%dma_start3A_270 : memref<80xi32, #tpu.memory_space<vmem>>) semaphore(%arg16 : memref<!tpu.dma_semaphore, #tpu.memory_space<semaphore_mem>>) {add = true}
    %dma_wait3A_274 = arith.constant 1 : i32
    %dma_wait3A_275 = arith.constant 1 : i32
    %dma_wait3A_276 = arith.constant 0 : i32
    %dma_wait3A_277 = arith.constant 0 : i32
    %dma_wait3A_278 = tpu.memref_slice %arg11[%dma_wait3A_274, %dma_wait3A_276, %dma_wait3A_277] : memref<3x80x128xf32, #tpu.memory_space<vmem>> -> memref<1x80x128xf32, #tpu.memory_space<vmem>>
    %dma_wait3A_279 = tpu.memref_squeeze %dma_wait3A_278 : memref<1x80x128xf32, #tpu.memory_space<vmem>> -> memref<80x128xf32, #tpu.memory_space<vmem>>
    %dma_wait3A_280 = arith.constant 0 : i32
    %dma_wait3A_281 = tpu.memref_slice %arg10[%dma_wait3A_275, %dma_wait3A_280] : memref<3x80xi32, #tpu.memory_space<vmem>> -> memref<1x80xi32, #tpu.memory_space<vmem>>
    %dma_wait3A_282 = tpu.memref_squeeze %dma_wait3A_281 : memref<1x80xi32, #tpu.memory_space<vmem>> -> memref<80xi32, #tpu.memory_space<vmem>>
    %dma_wait3A_283 = arith.constant 0 : i32
    %dma_wait3A_284 = arith.constant 0 : i32
    %dma_wait3A_285 = tpu.memref_slice %arg7[%dma_wait3A_283, %dma_wait3A_284] : memref<10000x128xf32, #tpu.memory_space<vmem_shared>> -> memref<10000x128xf32, #tpu.memory_space<vmem_shared>>
    tpu.wait_indirect_dma semaphore(%arg16 : memref<!tpu.dma_semaphore, #tpu.memory_space<semaphore_mem>>) src(%dma_wait3A_279 : memref<80x128xf32, #tpu.memory_space<vmem>>) dst(%dma_wait3A_285 : memref<10000x128xf32, #tpu.memory_space<vmem_shared>>)
    %barrier3A_286 = arith.constant 0 : index
    tpu.barrier barrier_id(%barrier3A_286)
    %eq3A_287 = arith.constant 0 : i32
    %eq3A_288 = arith.cmpi eq, %arg0, %eq3A_287 : i32
    %convert_element_type3A_289 = arith.extui %eq3A_288 : i1 to i32
    %cond3A_290 = arith.constant 0 : i32
    %cond3A_291 = arith.cmpi ne, %convert_element_type3A_289, %cond3A_290 : i32
    scf.if %cond3A_291 {
      %mul3A_297 = arith.constant 624 : i32
      %mul3A_298 = arith.muli %arg1, %mul3A_297 : i32
      %mul3A_299 = arith.constant 624 : i32
      %mul3A_300 = arith.muli %arg1, %mul3A_299 : i32
      "tpu.region"() ({
        %run_scoped3A = tpu.sem_alloc : memref<!tpu.dma_semaphore, #tpu.memory_space<semaphore_mem>>
        %dma_start3A_306 = arith.constant 0 : i32
        %dma_start3A_307 = tpu.memref_slice %arg5[%mul3A_300, %dma_start3A_306] : memref<10000x128xf32, #tpu.memory_space<hbm>> -> memref<624x128xf32, #tpu.memory_space<hbm>>
        %dma_start3A_308 = arith.constant 0 : i32
        %dma_start3A_309 = tpu.memref_slice %arg7[%mul3A_298, %dma_start3A_308] : memref<10000x128xf32, #tpu.memory_space<vmem_shared>> -> memref<624x128xf32, #tpu.memory_space<vmem_shared>>
        tpu.enqueue_dma source(%dma_start3A_309 : memref<624x128xf32, #tpu.memory_space<vmem_shared>>) target(%dma_start3A_307 : memref<624x128xf32, #tpu.memory_space<hbm>>) target_semaphore(%run_scoped3A : memref<!tpu.dma_semaphore, #tpu.memory_space<semaphore_mem>>)
        %dma_wait3A_310 = arith.constant 0 : i32
        %dma_wait3A_311 = tpu.memref_slice %arg5[%mul3A_300, %dma_wait3A_310] : memref<10000x128xf32, #tpu.memory_space<hbm>> -> memref<624x128xf32, #tpu.memory_space<hbm>>
        %dma_wait3A_312 = arith.constant 0 : i32
        %dma_wait3A_313 = tpu.memref_slice %arg7[%mul3A_298, %dma_wait3A_312] : memref<10000x128xf32, #tpu.memory_space<vmem_shared>> -> memref<624x128xf32, #tpu.memory_space<vmem_shared>>
        tpu.wait_dma2 semaphore(%run_scoped3A : memref<!tpu.dma_semaphore, #tpu.memory_space<semaphore_mem>>) src(%dma_wait3A_313 : memref<624x128xf32, #tpu.memory_space<vmem_shared>>) dst(%dma_wait3A_311 : memref<624x128xf32, #tpu.memory_space<hbm>>)
        tpu.yield
      }) : () -> ()
      %eq3A_301 = arith.constant 0 : i32
      %eq3A_302 = arith.cmpi eq, %arg1, %eq3A_301 : i32
      %convert_element_type3A_303 = arith.extui %eq3A_302 : i1 to i32
      %cond3A_304 = arith.constant 0 : i32
      %cond3A_305 = arith.cmpi ne, %convert_element_type3A_303, %cond3A_304 : i32
      scf.if %cond3A_305 {
        "tpu.region"() ({
          %run_scoped3A = tpu.sem_alloc : memref<!tpu.dma_semaphore, #tpu.memory_space<semaphore_mem>>
          %dma_start3A_306 = arith.constant 9984 : i32
          %dma_start3A_307 = arith.constant 0 : i32
          %dma_start3A_308 = tpu.memref_slice %arg5[%dma_start3A_306, %dma_start3A_307] : memref<10000x128xf32, #tpu.memory_space<hbm>> -> memref<16x128xf32, #tpu.memory_space<hbm>>
          %dma_start3A_309 = arith.constant 9984 : i32
          %dma_start3A_310 = arith.constant 0 : i32
          %dma_start3A_311 = tpu.memref_slice %arg7[%dma_start3A_309, %dma_start3A_310] : memref<10000x128xf32, #tpu.memory_space<vmem_shared>> -> memref<16x128xf32, #tpu.memory_space<vmem_shared>>
          tpu.enqueue_dma source(%dma_start3A_311 : memref<16x128xf32, #tpu.memory_space<vmem_shared>>) target(%dma_start3A_308 : memref<16x128xf32, #tpu.memory_space<hbm>>) target_semaphore(%run_scoped3A : memref<!tpu.dma_semaphore, #tpu.memory_space<semaphore_mem>>)
          %dma_wait3A_312 = arith.constant 9984 : i32
          %dma_wait3A_313 = arith.constant 0 : i32
          %dma_wait3A_314 = tpu.memref_slice %arg5[%dma_wait3A_312, %dma_wait3A_313] : memref<10000x128xf32, #tpu.memory_space<hbm>> -> memref<16x128xf32, #tpu.memory_space<hbm>>
          %dma_wait3A_315 = arith.constant 9984 : i32
          %dma_wait3A_316 = arith.constant 0 : i32
          %dma_wait3A_317 = tpu.memref_slice %arg7[%dma_wait3A_315, %dma_wait3A_316] : memref<10000x128xf32, #tpu.memory_space<vmem_shared>> -> memref<16x128xf32, #tpu.memory_space<vmem_shared>>
          tpu.wait_dma2 semaphore(%run_scoped3A : memref<!tpu.dma_semaphore, #tpu.memory_space<semaphore_mem>>) src(%dma_wait3A_317 : memref<16x128xf32, #tpu.memory_space<vmem_shared>>) dst(%dma_wait3A_314 : memref<16x128xf32, #tpu.memory_space<hbm>>)
          tpu.yield
        }) : () -> ()
      } else {
      }
    } else {
    }
    %eq3A_292 = arith.constant 1 : i32
    %eq3A_293 = arith.cmpi eq, %arg0, %eq3A_292 : i32
    %convert_element_type3A_294 = arith.extui %eq3A_293 : i1 to i32
    %cond3A_295 = arith.constant 0 : i32
    %cond3A_296 = arith.cmpi ne, %convert_element_type3A_294, %cond3A_295 : i32
    scf.if %cond3A_296 {
      %mul3A_297 = arith.constant 624 : i32
      %mul3A_298 = arith.muli %arg1, %mul3A_297 : i32
      %mul3A_299 = arith.constant 624 : i32
      %mul3A_300 = arith.muli %arg1, %mul3A_299 : i32
      "tpu.region"() ({
        %run_scoped3A = tpu.sem_alloc : memref<!tpu.dma_semaphore, #tpu.memory_space<semaphore_mem>>
        %dma_start3A_306 = arith.constant 0 : i32
        %dma_start3A_307 = tpu.memref_slice %arg6[%mul3A_300, %dma_start3A_306] : memref<10000x128xf32, #tpu.memory_space<hbm>> -> memref<624x128xf32, #tpu.memory_space<hbm>>
        %dma_start3A_308 = arith.constant 0 : i32
        %dma_start3A_309 = tpu.memref_slice %arg7[%mul3A_298, %dma_start3A_308] : memref<10000x128xf32, #tpu.memory_space<vmem_shared>> -> memref<624x128xf32, #tpu.memory_space<vmem_shared>>
        tpu.enqueue_dma source(%dma_start3A_309 : memref<624x128xf32, #tpu.memory_space<vmem_shared>>) target(%dma_start3A_307 : memref<624x128xf32, #tpu.memory_space<hbm>>) target_semaphore(%run_scoped3A : memref<!tpu.dma_semaphore, #tpu.memory_space<semaphore_mem>>)
        %dma_wait3A_310 = arith.constant 0 : i32
        %dma_wait3A_311 = tpu.memref_slice %arg6[%mul3A_300, %dma_wait3A_310] : memref<10000x128xf32, #tpu.memory_space<hbm>> -> memref<624x128xf32, #tpu.memory_space<hbm>>
        %dma_wait3A_312 = arith.constant 0 : i32
        %dma_wait3A_313 = tpu.memref_slice %arg7[%mul3A_298, %dma_wait3A_312] : memref<10000x128xf32, #tpu.memory_space<vmem_shared>> -> memref<624x128xf32, #tpu.memory_space<vmem_shared>>
        tpu.wait_dma2 semaphore(%run_scoped3A : memref<!tpu.dma_semaphore, #tpu.memory_space<semaphore_mem>>) src(%dma_wait3A_313 : memref<624x128xf32, #tpu.memory_space<vmem_shared>>) dst(%dma_wait3A_311 : memref<624x128xf32, #tpu.memory_space<hbm>>)
        tpu.yield
      }) : () -> ()
      %eq3A_301 = arith.constant 0 : i32
      %eq3A_302 = arith.cmpi eq, %arg1, %eq3A_301 : i32
      %convert_element_type3A_303 = arith.extui %eq3A_302 : i1 to i32
      %cond3A_304 = arith.constant 0 : i32
      %cond3A_305 = arith.cmpi ne, %convert_element_type3A_303, %cond3A_304 : i32
      scf.if %cond3A_305 {
        "tpu.region"() ({
          %run_scoped3A = tpu.sem_alloc : memref<!tpu.dma_semaphore, #tpu.memory_space<semaphore_mem>>
          %dma_start3A_306 = arith.constant 9984 : i32
          %dma_start3A_307 = arith.constant 0 : i32
          %dma_start3A_308 = tpu.memref_slice %arg6[%dma_start3A_306, %dma_start3A_307] : memref<10000x128xf32, #tpu.memory_space<hbm>> -> memref<16x128xf32, #tpu.memory_space<hbm>>
          %dma_start3A_309 = arith.constant 9984 : i32
          %dma_start3A_310 = arith.constant 0 : i32
          %dma_start3A_311 = tpu.memref_slice %arg7[%dma_start3A_309, %dma_start3A_310] : memref<10000x128xf32, #tpu.memory_space<vmem_shared>> -> memref<16x128xf32, #tpu.memory_space<vmem_shared>>
          tpu.enqueue_dma source(%dma_start3A_311 : memref<16x128xf32, #tpu.memory_space<vmem_shared>>) target(%dma_start3A_308 : memref<16x128xf32, #tpu.memory_space<hbm>>) target_semaphore(%run_scoped3A : memref<!tpu.dma_semaphore, #tpu.memory_space<semaphore_mem>>)
          %dma_wait3A_312 = arith.constant 9984 : i32
          %dma_wait3A_313 = arith.constant 0 : i32
          %dma_wait3A_314 = tpu.memref_slice %arg6[%dma_wait3A_312, %dma_wait3A_313] : memref<10000x128xf32, #tpu.memory_space<hbm>> -> memref<16x128xf32, #tpu.memory_space<hbm>>
          %dma_wait3A_315 = arith.constant 9984 : i32
          %dma_wait3A_316 = arith.constant 0 : i32
          %dma_wait3A_317 = tpu.memref_slice %arg7[%dma_wait3A_315, %dma_wait3A_316] : memref<10000x128xf32, #tpu.memory_space<vmem_shared>> -> memref<16x128xf32, #tpu.memory_space<vmem_shared>>
          tpu.wait_dma2 semaphore(%run_scoped3A : memref<!tpu.dma_semaphore, #tpu.memory_space<semaphore_mem>>) src(%dma_wait3A_317 : memref<16x128xf32, #tpu.memory_space<vmem_shared>>) dst(%dma_wait3A_314 : memref<16x128xf32, #tpu.memory_space<hbm>>)
          tpu.yield
        }) : () -> ()
      } else {
      }
    } else {
    }
    return
  }
}

#map = affine_map<(d0, d1) -> (0, 0)>
#map1 = affine_map<(d0, d1) -> (0)>
module attributes {stable_mosaic.version = 14 : i64} {
  func.func @agg_kernel(%arg0: i32, %arg1: i32, %arg2: memref<10000x128xf32, #tpu.memory_space<hbm>>, %arg3: memref<320000xi32, #tpu.memory_space<hbm>>, %arg4: memref<624x128xf32, #tpu.memory_space<hbm>>, %arg5: memref<10000x128xf32, #tpu.memory_space<hbm>>, %arg6: memref<10000x128xf32, #tpu.memory_space<hbm>>, %arg7: memref<10000x128xf32, #tpu.memory_space<vmem_shared>>, %arg8: memref<10000xi32, #tpu.memory_space<vmem>>, %arg9: memref<3x80xi32, #tpu.memory_space<vmem>>, %arg10: memref<3x80xi32, #tpu.memory_space<vmem>>, %arg11: memref<3x80x128xf32, #tpu.memory_space<vmem>>, %arg12: memref<!tpu.dma_semaphore, #tpu.memory_space<semaphore_mem>>, %arg13: memref<!tpu.dma_semaphore, #tpu.memory_space<semaphore_mem>>, %arg14: memref<!tpu.dma_semaphore, #tpu.memory_space<semaphore_mem>>, %arg15: memref<!tpu.dma_semaphore, #tpu.memory_space<semaphore_mem>>, %arg16: memref<!tpu.dma_semaphore, #tpu.memory_space<semaphore_mem>>, %arg17: memref<!tpu.dma_semaphore, #tpu.memory_space<semaphore_mem>>) attributes {dimension_semantics = [#tpu.dimension_semantics<core_parallel>, #tpu.dimension_semantics<subcore_parallel>], iteration_bounds = array<i64: 2, 16>, scalar_prefetch = 0 : i64, scratch_operands = 11 : i64, tpu.core_type = #tpu.core_type<sc_vector_subcore>, window_params = [{transform_indices = #map}, {transform_indices = #map1}, {transform_indices = #map}, {transform_indices = #map}, {transform_indices = #map}]} {
    %mul3A = arith.constant 16 : i32
    %mul3A_0 = arith.muli %arg0, %mul3A : i32
    %add3A = arith.addi %mul3A_0, %arg1 : i32
    %mul3A_1 = arith.constant 10000 : i32
    %mul3A_2 = arith.muli %add3A, %mul3A_1 : i32
    "tpu.region"() ({
      %run_scoped3A = tpu.sem_alloc : memref<!tpu.dma_semaphore, #tpu.memory_space<semaphore_mem>>
      %dma_start3A_297 = tpu.memref_slice %arg3[%mul3A_2] : memref<320000xi32, #tpu.memory_space<hbm>> -> memref<10000xi32, #tpu.memory_space<hbm>>
      %dma_start3A_298 = tpu.memref_slice %arg3[%mul3A_2] : memref<320000xi32, #tpu.memory_space<hbm>> -> memref<10000xi32, #tpu.memory_space<hbm>>
      tpu.enqueue_dma source(%dma_start3A_298 : memref<10000xi32, #tpu.memory_space<hbm>>) target(%arg8 : memref<10000xi32, #tpu.memory_space<vmem>>) target_semaphore(%run_scoped3A : memref<!tpu.dma_semaphore, #tpu.memory_space<semaphore_mem>>)
      %dma_wait3A_299 = tpu.memref_slice %arg3[%mul3A_2] : memref<320000xi32, #tpu.memory_space<hbm>> -> memref<10000xi32, #tpu.memory_space<hbm>>
      %dma_wait3A_300 = tpu.memref_slice %arg3[%mul3A_2] : memref<320000xi32, #tpu.memory_space<hbm>> -> memref<10000xi32, #tpu.memory_space<hbm>>
      tpu.wait_dma2 semaphore(%run_scoped3A : memref<!tpu.dma_semaphore, #tpu.memory_space<semaphore_mem>>) src(%dma_wait3A_300 : memref<10000xi32, #tpu.memory_space<hbm>>) dst(%arg8 : memref<10000xi32, #tpu.memory_space<vmem>>)
      tpu.yield
    }) : () -> ()
    %scan3A = arith.constant 0 : i32
    %scan3A_3 = arith.constant 0 : i32
    %scan3A_4 = arith.constant 5 : i32
    %scan3A_5 = arith.addi %scan3A_3, %scan3A_4 : i32
    %scan3A_6 = arith.constant 1 : i32
    %scan3A_7 = scf.for %scan3A_297 = %scan3A_3 to %scan3A_5 step %scan3A_6 iter_args(%scan3A_298 = %scan3A) -> (i32)  : i32 {
      %mul3A_299 = arith.constant 16 : i32
      %mul3A_300 = arith.muli %scan3A_297, %mul3A_299 : i32
      %add3A_301 = arith.constant 0 : i32
      %add3A_302 = arith.addi %add3A_301, %mul3A_300 : i32
      %get3A = arith.index_cast %add3A_302 : i32 to index
      %get3A_303 = tpu.vector_load %arg8[%get3A] {strides = array<i32>} : memref<10000xi32, #tpu.memory_space<vmem>>, vector<16xi32>,
      %get3A_304 = vector.shape_cast %get3A_303 : vector<16xi32> to vector<16xi32>
      %shift_right_logical3A = arith.constant 14 : i32
      %shift_right_logical3A_305 = vector.broadcast %shift_right_logical3A : i32 to vector<16xi32>
      %shift_right_logical3A_306 = arith.shrui %get3A_304, %shift_right_logical3A_305 : vector<16xi32>
      %mul3A_307 = arith.constant 16 : i32
      %mul3A_308 = arith.muli %scan3A_297, %mul3A_307 : i32
      %swap3A = arith.constant 0 : i32
      %swap3A_309 = arith.index_cast %swap3A : i32 to index
      %swap3A_310 = arith.index_cast %mul3A_308 : i32 to index
      %swap3A_311 = tpu.vector_load %arg9[%swap3A_309, %swap3A_310] {strides = array<i32>} : memref<3x80xi32, #tpu.memory_space<vmem>>, vector<1x16xi32>,
      %swap3A_312 = vector.shape_cast %swap3A_311 : vector<1x16xi32> to vector<16xi32>
      %swap3A_313 = vector.shape_cast %shift_right_logical3A_306 : vector<16xi32> to vector<1x16xi32>
      tpu.vector_store %arg9[%swap3A_309, %swap3A_310], %swap3A_313 {strides = array<i32>} : memref<3x80xi32, #tpu.memory_space<vmem>>, vector<1x16xi32>,
      %and3A = arith.constant 16383 : i32
      %and3A_314 = vector.broadcast %and3A : i32 to vector<16xi32>
      %and3A_315 = arith.andi %get3A_304, %and3A_314 : vector<16xi32>
      %mul3A_316 = arith.constant 16 : i32
      %mul3A_317 = arith.muli %scan3A_297, %mul3A_316 : i32
      %swap3A_318 = arith.constant 0 : i32
      %swap3A_319 = arith.index_cast %swap3A_318 : i32 to index
      %swap3A_320 = arith.index_cast %mul3A_317 : i32 to index
      %swap3A_321 = tpu.vector_load %arg10[%swap3A_319, %swap3A_320] {strides = array<i32>} : memref<3x80xi32, #tpu.memory_space<vmem>>, vector<1x16xi32>,
      %swap3A_322 = vector.shape_cast %swap3A_321 : vector<1x16xi32> to vector<16xi32>
      %swap3A_323 = vector.shape_cast %and3A_315 : vector<16xi32> to vector<1x16xi32>
      tpu.vector_store %arg10[%swap3A_319, %swap3A_320], %swap3A_323 {strides = array<i32>} : memref<3x80xi32, #tpu.memory_space<vmem>>, vector<1x16xi32>,
      %scan3A_324 = arith.constant 0 : i32
      scf.yield %scan3A_324 : i32
    }
    %scan3A_8 = arith.constant 5 : i32
    %dma_start3A = arith.constant 0 : i32
    %dma_start3A_9 = arith.constant 0 : i32
    %dma_start3A_10 = arith.constant 0 : i32
    %dma_start3A_11 = arith.constant 0 : i32
    %dma_start3A_12 = tpu.memref_slice %arg11[%dma_start3A_9, %dma_start3A_10, %dma_start3A_11] : memref<3x80x128xf32, #tpu.memory_space<vmem>> -> memref<1x80x128xf32, #tpu.memory_space<vmem>>
    %dma_start3A_13 = tpu.memref_squeeze %dma_start3A_12 : memref<1x80x128xf32, #tpu.memory_space<vmem>> -> memref<80x128xf32, #tpu.memory_space<vmem>>
    %dma_start3A_14 = arith.constant 0 : i32
    %dma_start3A_15 = tpu.memref_slice %arg9[%dma_start3A, %dma_start3A_14] : memref<3x80xi32, #tpu.memory_space<vmem>> -> memref<1x80xi32, #tpu.memory_space<vmem>>
    %dma_start3A_16 = tpu.memref_squeeze %dma_start3A_15 : memref<1x80xi32, #tpu.memory_space<vmem>> -> memref<80xi32, #tpu.memory_space<vmem>>
    %dma_start3A_17 = arith.constant 0 : i32
    %dma_start3A_18 = arith.constant 0 : i32
    %dma_start3A_19 = tpu.memref_slice %arg2[%dma_start3A_17, %dma_start3A_18] : memref<10000x128xf32, #tpu.memory_space<hbm>> -> memref<10000x128xf32, #tpu.memory_space<hbm>>
    tpu.enqueue_indirect_dma source(%dma_start3A_19 : memref<10000x128xf32, #tpu.memory_space<hbm>>) target(%dma_start3A_13 : memref<80x128xf32, #tpu.memory_space<vmem>>) offsets(%dma_start3A_16 : memref<80xi32, #tpu.memory_space<vmem>>) semaphore(%arg12 : memref<!tpu.dma_semaphore, #tpu.memory_space<semaphore_mem>>)
    %scan3A_20 = arith.constant 0 : i32
    %scan3A_21 = arith.constant 0 : i32
    %scan3A_22 = arith.constant 5 : i32
    %scan3A_23 = arith.addi %scan3A_21, %scan3A_22 : i32
    %scan3A_24 = arith.constant 1 : i32
    %scan3A_25 = scf.for %scan3A_297 = %scan3A_21 to %scan3A_23 step %scan3A_24 iter_args(%scan3A_298 = %scan3A_20) -> (i32)  : i32 {
      %mul3A_299 = arith.constant 16 : i32
      %mul3A_300 = arith.muli %scan3A_297, %mul3A_299 : i32
      %add3A_301 = arith.constant 80 : i32
      %add3A_302 = arith.addi %add3A_301, %mul3A_300 : i32
      %get3A = arith.index_cast %add3A_302 : i32 to index
      %get3A_303 = tpu.vector_load %arg8[%get3A] {strides = array<i32>} : memref<10000xi32, #tpu.memory_space<vmem>>, vector<16xi32>,
      %get3A_304 = vector.shape_cast %get3A_303 : vector<16xi32> to vector<16xi32>
      %shift_right_logical3A = arith.constant 14 : i32
      %shift_right_logical3A_305 = vector.broadcast %shift_right_logical3A : i32 to vector<16xi32>
      %shift_right_logical3A_306 = arith.shrui %get3A_304, %shift_right_logical3A_305 : vector<16xi32>
      %mul3A_307 = arith.constant 16 : i32
      %mul3A_308 = arith.muli %scan3A_297, %mul3A_307 : i32
      %swap3A = arith.constant 1 : i32
      %swap3A_309 = arith.index_cast %swap3A : i32 to index
      %swap3A_310 = arith.index_cast %mul3A_308 : i32 to index
      %swap3A_311 = tpu.vector_load %arg9[%swap3A_309, %swap3A_310] {strides = array<i32>} : memref<3x80xi32, #tpu.memory_space<vmem>>, vector<1x16xi32>,
      %swap3A_312 = vector.shape_cast %swap3A_311 : vector<1x16xi32> to vector<16xi32>
      %swap3A_313 = vector.shape_cast %shift_right_logical3A_306 : vector<16xi32> to vector<1x16xi32>
      tpu.vector_store %arg9[%swap3A_309, %swap3A_310], %swap3A_313 {strides = array<i32>} : memref<3x80xi32, #tpu.memory_space<vmem>>, vector<1x16xi32>,
      %and3A = arith.constant 16383 : i32
      %and3A_314 = vector.broadcast %and3A : i32 to vector<16xi32>
      %and3A_315 = arith.andi %get3A_304, %and3A_314 : vector<16xi32>
      %mul3A_316 = arith.constant 16 : i32
      %mul3A_317 = arith.muli %scan3A_297, %mul3A_316 : i32
      %swap3A_318 = arith.constant 1 : i32
      %swap3A_319 = arith.index_cast %swap3A_318 : i32 to index
      %swap3A_320 = arith.index_cast %mul3A_317 : i32 to index
      %swap3A_321 = tpu.vector_load %arg10[%swap3A_319, %swap3A_320] {strides = array<i32>} : memref<3x80xi32, #tpu.memory_space<vmem>>, vector<1x16xi32>,
      %swap3A_322 = vector.shape_cast %swap3A_321 : vector<1x16xi32> to vector<16xi32>
      %swap3A_323 = vector.shape_cast %and3A_315 : vector<16xi32> to vector<1x16xi32>
      tpu.vector_store %arg10[%swap3A_319, %swap3A_320], %swap3A_323 {strides = array<i32>} : memref<3x80xi32, #tpu.memory_space<vmem>>, vector<1x16xi32>,
      %scan3A_324 = arith.constant 0 : i32
      scf.yield %scan3A_324 : i32
    }
    %scan3A_26 = arith.constant 5 : i32
    %dma_start3A_27 = arith.constant 1 : i32
    %dma_start3A_28 = arith.constant 1 : i32
    %dma_start3A_29 = arith.constant 0 : i32
    %dma_start3A_30 = arith.constant 0 : i32
    %dma_start3A_31 = tpu.memref_slice %arg11[%dma_start3A_28, %dma_start3A_29, %dma_start3A_30] : memref<3x80x128xf32, #tpu.memory_space<vmem>> -> memref<1x80x128xf32, #tpu.memory_space<vmem>>
    %dma_start3A_32 = tpu.memref_squeeze %dma_start3A_31 : memref<1x80x128xf32, #tpu.memory_space<vmem>> -> memref<80x128xf32, #tpu.memory_space<vmem>>
    %dma_start3A_33 = arith.constant 0 : i32
    %dma_start3A_34 = tpu.memref_slice %arg9[%dma_start3A_27, %dma_start3A_33] : memref<3x80xi32, #tpu.memory_space<vmem>> -> memref<1x80xi32, #tpu.memory_space<vmem>>
    %dma_start3A_35 = tpu.memref_squeeze %dma_start3A_34 : memref<1x80xi32, #tpu.memory_space<vmem>> -> memref<80xi32, #tpu.memory_space<vmem>>
    %dma_start3A_36 = arith.constant 0 : i32
    %dma_start3A_37 = arith.constant 0 : i32
    %dma_start3A_38 = tpu.memref_slice %arg2[%dma_start3A_36, %dma_start3A_37] : memref<10000x128xf32, #tpu.memory_space<hbm>> -> memref<10000x128xf32, #tpu.memory_space<hbm>>
    tpu.enqueue_indirect_dma source(%dma_start3A_38 : memref<10000x128xf32, #tpu.memory_space<hbm>>) target(%dma_start3A_32 : memref<80x128xf32, #tpu.memory_space<vmem>>) offsets(%dma_start3A_35 : memref<80xi32, #tpu.memory_space<vmem>>) semaphore(%arg13 : memref<!tpu.dma_semaphore, #tpu.memory_space<semaphore_mem>>)
    %scan3A_39 = arith.constant 0 : i32
    %scan3A_40 = arith.constant 0 : i32
    %scan3A_41 = arith.constant 5 : i32
    %scan3A_42 = arith.addi %scan3A_40, %scan3A_41 : i32
    %scan3A_43 = arith.constant 1 : i32
    %scan3A_44 = scf.for %scan3A_297 = %scan3A_40 to %scan3A_42 step %scan3A_43 iter_args(%scan3A_298 = %scan3A_39) -> (i32)  : i32 {
      %mul3A_299 = arith.constant 16 : i32
      %mul3A_300 = arith.muli %scan3A_297, %mul3A_299 : i32
      %add3A_301 = arith.constant 160 : i32
      %add3A_302 = arith.addi %add3A_301, %mul3A_300 : i32
      %get3A = arith.index_cast %add3A_302 : i32 to index
      %get3A_303 = tpu.vector_load %arg8[%get3A] {strides = array<i32>} : memref<10000xi32, #tpu.memory_space<vmem>>, vector<16xi32>,
      %get3A_304 = vector.shape_cast %get3A_303 : vector<16xi32> to vector<16xi32>
      %shift_right_logical3A = arith.constant 14 : i32
      %shift_right_logical3A_305 = vector.broadcast %shift_right_logical3A : i32 to vector<16xi32>
      %shift_right_logical3A_306 = arith.shrui %get3A_304, %shift_right_logical3A_305 : vector<16xi32>
      %mul3A_307 = arith.constant 16 : i32
      %mul3A_308 = arith.muli %scan3A_297, %mul3A_307 : i32
      %swap3A = arith.constant 2 : i32
      %swap3A_309 = arith.index_cast %swap3A : i32 to index
      %swap3A_310 = arith.index_cast %mul3A_308 : i32 to index
      %swap3A_311 = tpu.vector_load %arg9[%swap3A_309, %swap3A_310] {strides = array<i32>} : memref<3x80xi32, #tpu.memory_space<vmem>>, vector<1x16xi32>,
      %swap3A_312 = vector.shape_cast %swap3A_311 : vector<1x16xi32> to vector<16xi32>
      %swap3A_313 = vector.shape_cast %shift_right_logical3A_306 : vector<16xi32> to vector<1x16xi32>
      tpu.vector_store %arg9[%swap3A_309, %swap3A_310], %swap3A_313 {strides = array<i32>} : memref<3x80xi32, #tpu.memory_space<vmem>>, vector<1x16xi32>,
      %and3A = arith.constant 16383 : i32
      %and3A_314 = vector.broadcast %and3A : i32 to vector<16xi32>
      %and3A_315 = arith.andi %get3A_304, %and3A_314 : vector<16xi32>
      %mul3A_316 = arith.constant 16 : i32
      %mul3A_317 = arith.muli %scan3A_297, %mul3A_316 : i32
      %swap3A_318 = arith.constant 2 : i32
      %swap3A_319 = arith.index_cast %swap3A_318 : i32 to index
      %swap3A_320 = arith.index_cast %mul3A_317 : i32 to index
      %swap3A_321 = tpu.vector_load %arg10[%swap3A_319, %swap3A_320] {strides = array<i32>} : memref<3x80xi32, #tpu.memory_space<vmem>>, vector<1x16xi32>,
      %swap3A_322 = vector.shape_cast %swap3A_321 : vector<1x16xi32> to vector<16xi32>
      %swap3A_323 = vector.shape_cast %and3A_315 : vector<16xi32> to vector<1x16xi32>
      tpu.vector_store %arg10[%swap3A_319, %swap3A_320], %swap3A_323 {strides = array<i32>} : memref<3x80xi32, #tpu.memory_space<vmem>>, vector<1x16xi32>,
      %scan3A_324 = arith.constant 0 : i32
      scf.yield %scan3A_324 : i32
    }
    %scan3A_45 = arith.constant 5 : i32
    %dma_start3A_46 = arith.constant 2 : i32
    %dma_start3A_47 = arith.constant 2 : i32
    %dma_start3A_48 = arith.constant 0 : i32
    %dma_start3A_49 = arith.constant 0 : i32
    %dma_start3A_50 = tpu.memref_slice %arg11[%dma_start3A_47, %dma_start3A_48, %dma_start3A_49] : memref<3x80x128xf32, #tpu.memory_space<vmem>> -> memref<1x80x128xf32, #tpu.memory_space<vmem>>
    %dma_start3A_51 = tpu.memref_squeeze %dma_start3A_50 : memref<1x80x128xf32, #tpu.memory_space<vmem>> -> memref<80x128xf32, #tpu.memory_space<vmem>>
    %dma_start3A_52 = arith.constant 0 : i32
    %dma_start3A_53 = tpu.memref_slice %arg9[%dma_start3A_46, %dma_start3A_52] : memref<3x80xi32, #tpu.memory_space<vmem>> -> memref<1x80xi32, #tpu.memory_space<vmem>>
    %dma_start3A_54 = tpu.memref_squeeze %dma_start3A_53 : memref<1x80xi32, #tpu.memory_space<vmem>> -> memref<80xi32, #tpu.memory_space<vmem>>
    %dma_start3A_55 = arith.constant 0 : i32
    %dma_start3A_56 = arith.constant 0 : i32
    %dma_start3A_57 = tpu.memref_slice %arg2[%dma_start3A_55, %dma_start3A_56] : memref<10000x128xf32, #tpu.memory_space<hbm>> -> memref<10000x128xf32, #tpu.memory_space<hbm>>
    tpu.enqueue_indirect_dma source(%dma_start3A_57 : memref<10000x128xf32, #tpu.memory_space<hbm>>) target(%dma_start3A_51 : memref<80x128xf32, #tpu.memory_space<vmem>>) offsets(%dma_start3A_54 : memref<80xi32, #tpu.memory_space<vmem>>) semaphore(%arg14 : memref<!tpu.dma_semaphore, #tpu.memory_space<semaphore_mem>>)
    %mul3A_58 = arith.constant 624 : i32
    %mul3A_59 = arith.muli %arg1, %mul3A_58 : i32
    "tpu.region"() ({
      %run_scoped3A = tpu.sem_alloc : memref<!tpu.dma_semaphore, #tpu.memory_space<semaphore_mem>>
      %dma_start3A_297 = arith.constant 0 : i32
      %dma_start3A_298 = tpu.memref_slice %arg7[%mul3A_59, %dma_start3A_297] : memref<10000x128xf32, #tpu.memory_space<vmem_shared>> -> memref<624x128xf32, #tpu.memory_space<vmem_shared>>
      %dma_start3A_299 = arith.constant 0 : i32
      %dma_start3A_300 = arith.constant 0 : i32
      %dma_start3A_301 = tpu.memref_slice %arg4[%dma_start3A_299, %dma_start3A_300] : memref<624x128xf32, #tpu.memory_space<hbm>> -> memref<624x128xf32, #tpu.memory_space<hbm>>
      tpu.enqueue_dma source(%dma_start3A_301 : memref<624x128xf32, #tpu.memory_space<hbm>>) target(%dma_start3A_298 : memref<624x128xf32, #tpu.memory_space<vmem_shared>>) target_semaphore(%run_scoped3A : memref<!tpu.dma_semaphore, #tpu.memory_space<semaphore_mem>>)
      %dma_wait3A_302 = arith.constant 0 : i32
      %dma_wait3A_303 = tpu.memref_slice %arg7[%mul3A_59, %dma_wait3A_302] : memref<10000x128xf32, #tpu.memory_space<vmem_shared>> -> memref<624x128xf32, #tpu.memory_space<vmem_shared>>
      %dma_wait3A_304 = arith.constant 0 : i32
      %dma_wait3A_305 = arith.constant 0 : i32
      %dma_wait3A_306 = tpu.memref_slice %arg4[%dma_wait3A_304, %dma_wait3A_305] : memref<624x128xf32, #tpu.memory_space<hbm>> -> memref<624x128xf32, #tpu.memory_space<hbm>>
      tpu.wait_dma2 semaphore(%run_scoped3A : memref<!tpu.dma_semaphore, #tpu.memory_space<semaphore_mem>>) src(%dma_wait3A_306 : memref<624x128xf32, #tpu.memory_space<hbm>>) dst(%dma_wait3A_303 : memref<624x128xf32, #tpu.memory_space<vmem_shared>>)
      tpu.yield
    }) : () -> ()
    %eq3A = arith.constant 0 : i32
    %eq3A_60 = arith.cmpi eq, %arg1, %eq3A : i32
    %convert_element_type3A = arith.extui %eq3A_60 : i1 to i32
    %cond3A = arith.constant 0 : i32
    %cond3A_61 = arith.cmpi ne, %convert_element_type3A, %cond3A : i32
    scf.if %cond3A_61 {
      "tpu.region"() ({
        %run_scoped3A = tpu.sem_alloc : memref<!tpu.dma_semaphore, #tpu.memory_space<semaphore_mem>>
        %dma_start3A_297 = arith.constant 9984 : i32
        %dma_start3A_298 = arith.constant 0 : i32
        %dma_start3A_299 = tpu.memref_slice %arg7[%dma_start3A_297, %dma_start3A_298] : memref<10000x128xf32, #tpu.memory_space<vmem_shared>> -> memref<16x128xf32, #tpu.memory_space<vmem_shared>>
        %dma_start3A_300 = arith.constant 0 : i32
        %dma_start3A_301 = arith.constant 0 : i32
        %dma_start3A_302 = tpu.memref_slice %arg4[%dma_start3A_300, %dma_start3A_301] : memref<624x128xf32, #tpu.memory_space<hbm>> -> memref<16x128xf32, #tpu.memory_space<hbm>>
        tpu.enqueue_dma source(%dma_start3A_302 : memref<16x128xf32, #tpu.memory_space<hbm>>) target(%dma_start3A_299 : memref<16x128xf32, #tpu.memory_space<vmem_shared>>) target_semaphore(%run_scoped3A : memref<!tpu.dma_semaphore, #tpu.memory_space<semaphore_mem>>)
        %dma_wait3A_303 = arith.constant 9984 : i32
        %dma_wait3A_304 = arith.constant 0 : i32
        %dma_wait3A_305 = tpu.memref_slice %arg7[%dma_wait3A_303, %dma_wait3A_304] : memref<10000x128xf32, #tpu.memory_space<vmem_shared>> -> memref<16x128xf32, #tpu.memory_space<vmem_shared>>
        %dma_wait3A_306 = arith.constant 0 : i32
        %dma_wait3A_307 = arith.constant 0 : i32
        %dma_wait3A_308 = tpu.memref_slice %arg4[%dma_wait3A_306, %dma_wait3A_307] : memref<624x128xf32, #tpu.memory_space<hbm>> -> memref<16x128xf32, #tpu.memory_space<hbm>>
        tpu.wait_dma2 semaphore(%run_scoped3A : memref<!tpu.dma_semaphore, #tpu.memory_space<semaphore_mem>>) src(%dma_wait3A_308 : memref<16x128xf32, #tpu.memory_space<hbm>>) dst(%dma_wait3A_305 : memref<16x128xf32, #tpu.memory_space<vmem_shared>>)
        tpu.yield
      }) : () -> ()
    } else {
    }
    %barrier3A = arith.constant 0 : index
    tpu.barrier barrier_id(%barrier3A)
    %scan3A_62 = arith.constant 0 : i32
    %scan3A_63 = arith.constant 0 : i32
    %scan3A_64 = arith.constant 40 : i32
    %scan3A_65 = arith.addi %scan3A_63, %scan3A_64 : i32
    %scan3A_66 = arith.constant 1 : i32
    %scan3A_67 = scf.for %scan3A_297 = %scan3A_63 to %scan3A_65 step %scan3A_66 iter_args(%scan3A_298 = %scan3A_62) -> (i32)  : i32 {
      %mul3A_299 = arith.constant 3 : i32
      %mul3A_300 = arith.muli %scan3A_297, %mul3A_299 : i32
      %add3A_301 = arith.constant 0 : i32
      %add3A_302 = arith.addi %mul3A_300, %add3A_301 : i32
      %dma_wait3A_303 = arith.constant 0 : i32
      %dma_wait3A_304 = arith.constant 0 : i32
      %dma_wait3A_305 = arith.constant 0 : i32
      %dma_wait3A_306 = arith.constant 0 : i32
      %dma_wait3A_307 = tpu.memref_slice %arg11[%dma_wait3A_304, %dma_wait3A_305, %dma_wait3A_306] : memref<3x80x128xf32, #tpu.memory_space<vmem>> -> memref<1x80x128xf32, #tpu.memory_space<vmem>>
      %dma_wait3A_308 = tpu.memref_squeeze %dma_wait3A_307 : memref<1x80x128xf32, #tpu.memory_space<vmem>> -> memref<80x128xf32, #tpu.memory_space<vmem>>
      %dma_wait3A_309 = arith.constant 0 : i32
      %dma_wait3A_310 = tpu.memref_slice %arg9[%dma_wait3A_303, %dma_wait3A_309] : memref<3x80xi32, #tpu.memory_space<vmem>> -> memref<1x80xi32, #tpu.memory_space<vmem>>
      %dma_wait3A_311 = tpu.memref_squeeze %dma_wait3A_310 : memref<1x80xi32, #tpu.memory_space<vmem>> -> memref<80xi32, #tpu.memory_space<vmem>>
      %dma_wait3A_312 = arith.constant 0 : i32
      %dma_wait3A_313 = arith.constant 0 : i32
      %dma_wait3A_314 = tpu.memref_slice %arg2[%dma_wait3A_312, %dma_wait3A_313] : memref<10000x128xf32, #tpu.memory_space<hbm>> -> memref<10000x128xf32, #tpu.memory_space<hbm>>
      tpu.wait_indirect_dma semaphore(%arg12 : memref<!tpu.dma_semaphore, #tpu.memory_space<semaphore_mem>>) src(%dma_wait3A_314 : memref<10000x128xf32, #tpu.memory_space<hbm>>) dst(%dma_wait3A_308 : memref<80x128xf32, #tpu.memory_space<vmem>>)
      %dma_start3A_315 = arith.constant 0 : i32
      %dma_start3A_316 = arith.constant 0 : i32
      %dma_start3A_317 = arith.constant 0 : i32
      %dma_start3A_318 = arith.constant 0 : i32
      %dma_start3A_319 = tpu.memref_slice %arg11[%dma_start3A_315, %dma_start3A_317, %dma_start3A_318] : memref<3x80x128xf32, #tpu.memory_space<vmem>> -> memref<1x80x128xf32, #tpu.memory_space<vmem>>
      %dma_start3A_320 = tpu.memref_squeeze %dma_start3A_319 : memref<1x80x128xf32, #tpu.memory_space<vmem>> -> memref<80x128xf32, #tpu.memory_space<vmem>>
      %dma_start3A_321 = arith.constant 0 : i32
      %dma_start3A_322 = tpu.memref_slice %arg10[%dma_start3A_316, %dma_start3A_321] : memref<3x80xi32, #tpu.memory_space<vmem>> -> memref<1x80xi32, #tpu.memory_space<vmem>>
      %dma_start3A_323 = tpu.memref_squeeze %dma_start3A_322 : memref<1x80xi32, #tpu.memory_space<vmem>> -> memref<80xi32, #tpu.memory_space<vmem>>
      %dma_start3A_324 = arith.constant 0 : i32
      %dma_start3A_325 = arith.constant 0 : i32
      %dma_start3A_326 = tpu.memref_slice %arg7[%dma_start3A_324, %dma_start3A_325] : memref<10000x128xf32, #tpu.memory_space<vmem_shared>> -> memref<10000x128xf32, #tpu.memory_space<vmem_shared>>
      tpu.enqueue_indirect_dma source(%dma_start3A_320 : memref<80x128xf32, #tpu.memory_space<vmem>>) target(%dma_start3A_326 : memref<10000x128xf32, #tpu.memory_space<vmem_shared>>) offsets(%dma_start3A_323 : memref<80xi32, #tpu.memory_space<vmem>>) semaphore(%arg15 : memref<!tpu.dma_semaphore, #tpu.memory_space<semaphore_mem>>) {add = true}
      %dma_wait3A_327 = arith.constant 0 : i32
      %dma_wait3A_328 = arith.constant 0 : i32
      %dma_wait3A_329 = arith.constant 0 : i32
      %dma_wait3A_330 = arith.constant 0 : i32
      %dma_wait3A_331 = tpu.memref_slice %arg11[%dma_wait3A_327, %dma_wait3A_329, %dma_wait3A_330] : memref<3x80x128xf32, #tpu.memory_space<vmem>> -> memref<1x80x128xf32, #tpu.memory_space<vmem>>
      %dma_wait3A_332 = tpu.memref_squeeze %dma_wait3A_331 : memref<1x80x128xf32, #tpu.memory_space<vmem>> -> memref<80x128xf32, #tpu.memory_space<vmem>>
      %dma_wait3A_333 = arith.constant 0 : i32
      %dma_wait3A_334 = tpu.memref_slice %arg10[%dma_wait3A_328, %dma_wait3A_333] : memref<3x80xi32, #tpu.memory_space<vmem>> -> memref<1x80xi32, #tpu.memory_space<vmem>>
      %dma_wait3A_335 = tpu.memref_squeeze %dma_wait3A_334 : memref<1x80xi32, #tpu.memory_space<vmem>> -> memref<80xi32, #tpu.memory_space<vmem>>
      %dma_wait3A_336 = arith.constant 0 : i32
      %dma_wait3A_337 = arith.constant 0 : i32
      %dma_wait3A_338 = tpu.memref_slice %arg7[%dma_wait3A_336, %dma_wait3A_337] : memref<10000x128xf32, #tpu.memory_space<vmem_shared>> -> memref<10000x128xf32, #tpu.memory_space<vmem_shared>>
      tpu.wait_indirect_dma semaphore(%arg15 : memref<!tpu.dma_semaphore, #tpu.memory_space<semaphore_mem>>) src(%dma_wait3A_332 : memref<80x128xf32, #tpu.memory_space<vmem>>) dst(%dma_wait3A_338 : memref<10000x128xf32, #tpu.memory_space<vmem_shared>>)
      %add3A_339 = arith.constant 3 : i32
      %add3A_340 = arith.addi %add3A_302, %add3A_339 : i32
      %scan3A_341 = arith.constant 0 : i32
      %scan3A_342 = arith.constant 0 : i32
      %scan3A_343 = arith.constant 5 : i32
      %scan3A_344 = arith.addi %scan3A_342, %scan3A_343 : i32
      %scan3A_345 = arith.constant 1 : i32
      %scan3A_346 = scf.for %scan3A_483 = %scan3A_342 to %scan3A_344 step %scan3A_345 iter_args(%scan3A_484 = %scan3A_341) -> (i32)  : i32 {
        %mul3A_485 = arith.constant 80 : i32
        %mul3A_486 = arith.muli %add3A_340, %mul3A_485 : i32
        %mul3A_487 = arith.constant 16 : i32
        %mul3A_488 = arith.muli %scan3A_483, %mul3A_487 : i32
        %add3A_489 = arith.addi %mul3A_486, %mul3A_488 : i32
        %get3A = arith.index_cast %add3A_489 : i32 to index
        %get3A_490 = tpu.vector_load %arg8[%get3A] {strides = array<i32>} : memref<10000xi32, #tpu.memory_space<vmem>>, vector<16xi32>,
        %get3A_491 = vector.shape_cast %get3A_490 : vector<16xi32> to vector<16xi32>
        %shift_right_logical3A = arith.constant 14 : i32
        %shift_right_logical3A_492 = vector.broadcast %shift_right_logical3A : i32 to vector<16xi32>
        %shift_right_logical3A_493 = arith.shrui %get3A_491, %shift_right_logical3A_492 : vector<16xi32>
        %mul3A_494 = arith.constant 16 : i32
        %mul3A_495 = arith.muli %scan3A_483, %mul3A_494 : i32
        %swap3A = arith.constant 0 : i32
        %swap3A_496 = arith.index_cast %swap3A : i32 to index
        %swap3A_497 = arith.index_cast %mul3A_495 : i32 to index
        %swap3A_498 = tpu.vector_load %arg9[%swap3A_496, %swap3A_497] {strides = array<i32>} : memref<3x80xi32, #tpu.memory_space<vmem>>, vector<1x16xi32>,
        %swap3A_499 = vector.shape_cast %swap3A_498 : vector<1x16xi32> to vector<16xi32>
        %swap3A_500 = vector.shape_cast %shift_right_logical3A_493 : vector<16xi32> to vector<1x16xi32>
        tpu.vector_store %arg9[%swap3A_496, %swap3A_497], %swap3A_500 {strides = array<i32>} : memref<3x80xi32, #tpu.memory_space<vmem>>, vector<1x16xi32>,
        %and3A = arith.constant 16383 : i32
        %and3A_501 = vector.broadcast %and3A : i32 to vector<16xi32>
        %and3A_502 = arith.andi %get3A_491, %and3A_501 : vector<16xi32>
        %mul3A_503 = arith.constant 16 : i32
        %mul3A_504 = arith.muli %scan3A_483, %mul3A_503 : i32
        %swap3A_505 = arith.constant 0 : i32
        %swap3A_506 = arith.index_cast %swap3A_505 : i32 to index
        %swap3A_507 = arith.index_cast %mul3A_504 : i32 to index
        %swap3A_508 = tpu.vector_load %arg10[%swap3A_506, %swap3A_507] {strides = array<i32>} : memref<3x80xi32, #tpu.memory_space<vmem>>, vector<1x16xi32>,
        %swap3A_509 = vector.shape_cast %swap3A_508 : vector<1x16xi32> to vector<16xi32>
        %swap3A_510 = vector.shape_cast %and3A_502 : vector<16xi32> to vector<1x16xi32>
        tpu.vector_store %arg10[%swap3A_506, %swap3A_507], %swap3A_510 {strides = array<i32>} : memref<3x80xi32, #tpu.memory_space<vmem>>, vector<1x16xi32>,
        %scan3A_511 = arith.constant 0 : i32
        scf.yield %scan3A_511 : i32
      }
      %scan3A_347 = arith.constant 5 : i32
      %dma_start3A_348 = arith.constant 0 : i32
      %dma_start3A_349 = arith.constant 0 : i32
      %dma_start3A_350 = arith.constant 0 : i32
      %dma_start3A_351 = arith.constant 0 : i32
      %dma_start3A_352 = tpu.memref_slice %arg11[%dma_start3A_349, %dma_start3A_350, %dma_start3A_351] : memref<3x80x128xf32, #tpu.memory_space<vmem>> -> memref<1x80x128xf32, #tpu.memory_space<vmem>>
      %dma_start3A_353 = tpu.memref_squeeze %dma_start3A_352 : memref<1x80x128xf32, #tpu.memory_space<vmem>> -> memref<80x128xf32, #tpu.memory_space<vmem>>
      %dma_start3A_354 = arith.constant 0 : i32
      %dma_start3A_355 = tpu.memref_slice %arg9[%dma_start3A_348, %dma_start3A_354] : memref<3x80xi32, #tpu.memory_space<vmem>> -> memref<1x80xi32, #tpu.memory_space<vmem>>
      %dma_start3A_356 = tpu.memref_squeeze %dma_start3A_355 : memref<1x80xi32, #tpu.memory_space<vmem>> -> memref<80xi32, #tpu.memory_space<vmem>>
      %dma_start3A_357 = arith.constant 0 : i32
      %dma_start3A_358 = arith.constant 0 : i32
      %dma_start3A_359 = tpu.memref_slice %arg2[%dma_start3A_357, %dma_start3A_358] : memref<10000x128xf32, #tpu.memory_space<hbm>> -> memref<10000x128xf32, #tpu.memory_space<hbm>>
      tpu.enqueue_indirect_dma source(%dma_start3A_359 : memref<10000x128xf32, #tpu.memory_space<hbm>>) target(%dma_start3A_353 : memref<80x128xf32, #tpu.memory_space<vmem>>) offsets(%dma_start3A_356 : memref<80xi32, #tpu.memory_space<vmem>>) semaphore(%arg12 : memref<!tpu.dma_semaphore, #tpu.memory_space<semaphore_mem>>)
      %mul3A_360 = arith.constant 3 : i32
      %mul3A_361 = arith.muli %scan3A_297, %mul3A_360 : i32
      %add3A_362 = arith.constant 1 : i32
      %add3A_363 = arith.addi %mul3A_361, %add3A_362 : i32
      %dma_wait3A_364 = arith.constant 1 : i32
      %dma_wait3A_365 = arith.constant 1 : i32
      %dma_wait3A_366 = arith.constant 0 : i32
      %dma_wait3A_367 = arith.constant 0 : i32
      %dma_wait3A_368 = tpu.memref_slice %arg11[%dma_wait3A_365, %dma_wait3A_366, %dma_wait3A_367] : memref<3x80x128xf32, #tpu.memory_space<vmem>> -> memref<1x80x128xf32, #tpu.memory_space<vmem>>
      %dma_wait3A_369 = tpu.memref_squeeze %dma_wait3A_368 : memref<1x80x128xf32, #tpu.memory_space<vmem>> -> memref<80x128xf32, #tpu.memory_space<vmem>>
      %dma_wait3A_370 = arith.constant 0 : i32
      %dma_wait3A_371 = tpu.memref_slice %arg9[%dma_wait3A_364, %dma_wait3A_370] : memref<3x80xi32, #tpu.memory_space<vmem>> -> memref<1x80xi32, #tpu.memory_space<vmem>>
      %dma_wait3A_372 = tpu.memref_squeeze %dma_wait3A_371 : memref<1x80xi32, #tpu.memory_space<vmem>> -> memref<80xi32, #tpu.memory_space<vmem>>
      %dma_wait3A_373 = arith.constant 0 : i32
      %dma_wait3A_374 = arith.constant 0 : i32
      %dma_wait3A_375 = tpu.memref_slice %arg2[%dma_wait3A_373, %dma_wait3A_374] : memref<10000x128xf32, #tpu.memory_space<hbm>> -> memref<10000x128xf32, #tpu.memory_space<hbm>>
      tpu.wait_indirect_dma semaphore(%arg13 : memref<!tpu.dma_semaphore, #tpu.memory_space<semaphore_mem>>) src(%dma_wait3A_375 : memref<10000x128xf32, #tpu.memory_space<hbm>>) dst(%dma_wait3A_369 : memref<80x128xf32, #tpu.memory_space<vmem>>)
      %dma_start3A_376 = arith.constant 1 : i32
      %dma_start3A_377 = arith.constant 1 : i32
      %dma_start3A_378 = arith.constant 0 : i32
      %dma_start3A_379 = arith.constant 0 : i32
      %dma_start3A_380 = tpu.memref_slice %arg11[%dma_start3A_376, %dma_start3A_378, %dma_start3A_379] : memref<3x80x128xf32, #tpu.memory_space<vmem>> -> memref<1x80x128xf32, #tpu.memory_space<vmem>>
      %dma_start3A_381 = tpu.memref_squeeze %dma_start3A_380 : memref<1x80x128xf32, #tpu.memory_space<vmem>> -> memref<80x128xf32, #tpu.memory_space<vmem>>
      %dma_start3A_382 = arith.constant 0 : i32
      %dma_start3A_383 = tpu.memref_slice %arg10[%dma_start3A_377, %dma_start3A_382] : memref<3x80xi32, #tpu.memory_space<vmem>> -> memref<1x80xi32, #tpu.memory_space<vmem>>
      %dma_start3A_384 = tpu.memref_squeeze %dma_start3A_383 : memref<1x80xi32, #tpu.memory_space<vmem>> -> memref<80xi32, #tpu.memory_space<vmem>>
      %dma_start3A_385 = arith.constant 0 : i32
      %dma_start3A_386 = arith.constant 0 : i32
      %dma_start3A_387 = tpu.memref_slice %arg7[%dma_start3A_385, %dma_start3A_386] : memref<10000x128xf32, #tpu.memory_space<vmem_shared>> -> memref<10000x128xf32, #tpu.memory_space<vmem_shared>>
      tpu.enqueue_indirect_dma source(%dma_start3A_381 : memref<80x128xf32, #tpu.memory_space<vmem>>) target(%dma_start3A_387 : memref<10000x128xf32, #tpu.memory_space<vmem_shared>>) offsets(%dma_start3A_384 : memref<80xi32, #tpu.memory_space<vmem>>) semaphore(%arg16 : memref<!tpu.dma_semaphore, #tpu.memory_space<semaphore_mem>>) {add = true}
      %dma_wait3A_388 = arith.constant 1 : i32
      %dma_wait3A_389 = arith.constant 1 : i32
      %dma_wait3A_390 = arith.constant 0 : i32
      %dma_wait3A_391 = arith.constant 0 : i32
      %dma_wait3A_392 = tpu.memref_slice %arg11[%dma_wait3A_388, %dma_wait3A_390, %dma_wait3A_391] : memref<3x80x128xf32, #tpu.memory_space<vmem>> -> memref<1x80x128xf32, #tpu.memory_space<vmem>>
      %dma_wait3A_393 = tpu.memref_squeeze %dma_wait3A_392 : memref<1x80x128xf32, #tpu.memory_space<vmem>> -> memref<80x128xf32, #tpu.memory_space<vmem>>
      %dma_wait3A_394 = arith.constant 0 : i32
      %dma_wait3A_395 = tpu.memref_slice %arg10[%dma_wait3A_389, %dma_wait3A_394] : memref<3x80xi32, #tpu.memory_space<vmem>> -> memref<1x80xi32, #tpu.memory_space<vmem>>
      %dma_wait3A_396 = tpu.memref_squeeze %dma_wait3A_395 : memref<1x80xi32, #tpu.memory_space<vmem>> -> memref<80xi32, #tpu.memory_space<vmem>>
      %dma_wait3A_397 = arith.constant 0 : i32
      %dma_wait3A_398 = arith.constant 0 : i32
      %dma_wait3A_399 = tpu.memref_slice %arg7[%dma_wait3A_397, %dma_wait3A_398] : memref<10000x128xf32, #tpu.memory_space<vmem_shared>> -> memref<10000x128xf32, #tpu.memory_space<vmem_shared>>
      tpu.wait_indirect_dma semaphore(%arg16 : memref<!tpu.dma_semaphore, #tpu.memory_space<semaphore_mem>>) src(%dma_wait3A_393 : memref<80x128xf32, #tpu.memory_space<vmem>>) dst(%dma_wait3A_399 : memref<10000x128xf32, #tpu.memory_space<vmem_shared>>)
      %add3A_400 = arith.constant 3 : i32
      %add3A_401 = arith.addi %add3A_363, %add3A_400 : i32
      %scan3A_402 = arith.constant 0 : i32
      %scan3A_403 = arith.constant 0 : i32
      %scan3A_404 = arith.constant 5 : i32
      %scan3A_405 = arith.addi %scan3A_403, %scan3A_404 : i32
      %scan3A_406 = arith.constant 1 : i32
      %scan3A_407 = scf.for %scan3A_483 = %scan3A_403 to %scan3A_405 step %scan3A_406 iter_args(%scan3A_484 = %scan3A_402) -> (i32)  : i32 {
        %mul3A_485 = arith.constant 80 : i32
        %mul3A_486 = arith.muli %add3A_401, %mul3A_485 : i32
        %mul3A_487 = arith.constant 16 : i32
        %mul3A_488 = arith.muli %scan3A_483, %mul3A_487 : i32
        %add3A_489 = arith.addi %mul3A_486, %mul3A_488 : i32
        %get3A = arith.index_cast %add3A_489 : i32 to index
        %get3A_490 = tpu.vector_load %arg8[%get3A] {strides = array<i32>} : memref<10000xi32, #tpu.memory_space<vmem>>, vector<16xi32>,
        %get3A_491 = vector.shape_cast %get3A_490 : vector<16xi32> to vector<16xi32>
        %shift_right_logical3A = arith.constant 14 : i32
        %shift_right_logical3A_492 = vector.broadcast %shift_right_logical3A : i32 to vector<16xi32>
        %shift_right_logical3A_493 = arith.shrui %get3A_491, %shift_right_logical3A_492 : vector<16xi32>
        %mul3A_494 = arith.constant 16 : i32
        %mul3A_495 = arith.muli %scan3A_483, %mul3A_494 : i32
        %swap3A = arith.constant 1 : i32
        %swap3A_496 = arith.index_cast %swap3A : i32 to index
        %swap3A_497 = arith.index_cast %mul3A_495 : i32 to index
        %swap3A_498 = tpu.vector_load %arg9[%swap3A_496, %swap3A_497] {strides = array<i32>} : memref<3x80xi32, #tpu.memory_space<vmem>>, vector<1x16xi32>,
        %swap3A_499 = vector.shape_cast %swap3A_498 : vector<1x16xi32> to vector<16xi32>
        %swap3A_500 = vector.shape_cast %shift_right_logical3A_493 : vector<16xi32> to vector<1x16xi32>
        tpu.vector_store %arg9[%swap3A_496, %swap3A_497], %swap3A_500 {strides = array<i32>} : memref<3x80xi32, #tpu.memory_space<vmem>>, vector<1x16xi32>,
        %and3A = arith.constant 16383 : i32
        %and3A_501 = vector.broadcast %and3A : i32 to vector<16xi32>
        %and3A_502 = arith.andi %get3A_491, %and3A_501 : vector<16xi32>
        %mul3A_503 = arith.constant 16 : i32
        %mul3A_504 = arith.muli %scan3A_483, %mul3A_503 : i32
        %swap3A_505 = arith.constant 1 : i32
        %swap3A_506 = arith.index_cast %swap3A_505 : i32 to index
        %swap3A_507 = arith.index_cast %mul3A_504 : i32 to index
        %swap3A_508 = tpu.vector_load %arg10[%swap3A_506, %swap3A_507] {strides = array<i32>} : memref<3x80xi32, #tpu.memory_space<vmem>>, vector<1x16xi32>,
        %swap3A_509 = vector.shape_cast %swap3A_508 : vector<1x16xi32> to vector<16xi32>
        %swap3A_510 = vector.shape_cast %and3A_502 : vector<16xi32> to vector<1x16xi32>
        tpu.vector_store %arg10[%swap3A_506, %swap3A_507], %swap3A_510 {strides = array<i32>} : memref<3x80xi32, #tpu.memory_space<vmem>>, vector<1x16xi32>,
        %scan3A_511 = arith.constant 0 : i32
        scf.yield %scan3A_511 : i32
      }
      %scan3A_408 = arith.constant 5 : i32
      %dma_start3A_409 = arith.constant 1 : i32
      %dma_start3A_410 = arith.constant 1 : i32
      %dma_start3A_411 = arith.constant 0 : i32
      %dma_start3A_412 = arith.constant 0 : i32
      %dma_start3A_413 = tpu.memref_slice %arg11[%dma_start3A_410, %dma_start3A_411, %dma_start3A_412] : memref<3x80x128xf32, #tpu.memory_space<vmem>> -> memref<1x80x128xf32, #tpu.memory_space<vmem>>
      %dma_start3A_414 = tpu.memref_squeeze %dma_start3A_413 : memref<1x80x128xf32, #tpu.memory_space<vmem>> -> memref<80x128xf32, #tpu.memory_space<vmem>>
      %dma_start3A_415 = arith.constant 0 : i32
      %dma_start3A_416 = tpu.memref_slice %arg9[%dma_start3A_409, %dma_start3A_415] : memref<3x80xi32, #tpu.memory_space<vmem>> -> memref<1x80xi32, #tpu.memory_space<vmem>>
      %dma_start3A_417 = tpu.memref_squeeze %dma_start3A_416 : memref<1x80xi32, #tpu.memory_space<vmem>> -> memref<80xi32, #tpu.memory_space<vmem>>
      %dma_start3A_418 = arith.constant 0 : i32
      %dma_start3A_419 = arith.constant 0 : i32
      %dma_start3A_420 = tpu.memref_slice %arg2[%dma_start3A_418, %dma_start3A_419] : memref<10000x128xf32, #tpu.memory_space<hbm>> -> memref<10000x128xf32, #tpu.memory_space<hbm>>
      tpu.enqueue_indirect_dma source(%dma_start3A_420 : memref<10000x128xf32, #tpu.memory_space<hbm>>) target(%dma_start3A_414 : memref<80x128xf32, #tpu.memory_space<vmem>>) offsets(%dma_start3A_417 : memref<80xi32, #tpu.memory_space<vmem>>) semaphore(%arg13 : memref<!tpu.dma_semaphore, #tpu.memory_space<semaphore_mem>>)
      %mul3A_421 = arith.constant 3 : i32
      %mul3A_422 = arith.muli %scan3A_297, %mul3A_421 : i32
      %add3A_423 = arith.constant 2 : i32
      %add3A_424 = arith.addi %mul3A_422, %add3A_423 : i32
      %dma_wait3A_425 = arith.constant 2 : i32
      %dma_wait3A_426 = arith.constant 2 : i32
      %dma_wait3A_427 = arith.constant 0 : i32
      %dma_wait3A_428 = arith.constant 0 : i32
      %dma_wait3A_429 = tpu.memref_slice %arg11[%dma_wait3A_426, %dma_wait3A_427, %dma_wait3A_428] : memref<3x80x128xf32, #tpu.memory_space<vmem>> -> memref<1x80x128xf32, #tpu.memory_space<vmem>>
      %dma_wait3A_430 = tpu.memref_squeeze %dma_wait3A_429 : memref<1x80x128xf32, #tpu.memory_space<vmem>> -> memref<80x128xf32, #tpu.memory_space<vmem>>
      %dma_wait3A_431 = arith.constant 0 : i32
      %dma_wait3A_432 = tpu.memref_slice %arg9[%dma_wait3A_425, %dma_wait3A_431] : memref<3x80xi32, #tpu.memory_space<vmem>> -> memref<1x80xi32, #tpu.memory_space<vmem>>
      %dma_wait3A_433 = tpu.memref_squeeze %dma_wait3A_432 : memref<1x80xi32, #tpu.memory_space<vmem>> -> memref<80xi32, #tpu.memory_space<vmem>>
      %dma_wait3A_434 = arith.constant 0 : i32
      %dma_wait3A_435 = arith.constant 0 : i32
      %dma_wait3A_436 = tpu.memref_slice %arg2[%dma_wait3A_434, %dma_wait3A_435] : memref<10000x128xf32, #tpu.memory_space<hbm>> -> memref<10000x128xf32, #tpu.memory_space<hbm>>
      tpu.wait_indirect_dma semaphore(%arg14 : memref<!tpu.dma_semaphore, #tpu.memory_space<semaphore_mem>>) src(%dma_wait3A_436 : memref<10000x128xf32, #tpu.memory_space<hbm>>) dst(%dma_wait3A_430 : memref<80x128xf32, #tpu.memory_space<vmem>>)
      %dma_start3A_437 = arith.constant 2 : i32
      %dma_start3A_438 = arith.constant 2 : i32
      %dma_start3A_439 = arith.constant 0 : i32
      %dma_start3A_440 = arith.constant 0 : i32
      %dma_start3A_441 = tpu.memref_slice %arg11[%dma_start3A_437, %dma_start3A_439, %dma_start3A_440] : memref<3x80x128xf32, #tpu.memory_space<vmem>> -> memref<1x80x128xf32, #tpu.memory_space<vmem>>
      %dma_start3A_442 = tpu.memref_squeeze %dma_start3A_441 : memref<1x80x128xf32, #tpu.memory_space<vmem>> -> memref<80x128xf32, #tpu.memory_space<vmem>>
      %dma_start3A_443 = arith.constant 0 : i32
      %dma_start3A_444 = tpu.memref_slice %arg10[%dma_start3A_438, %dma_start3A_443] : memref<3x80xi32, #tpu.memory_space<vmem>> -> memref<1x80xi32, #tpu.memory_space<vmem>>
      %dma_start3A_445 = tpu.memref_squeeze %dma_start3A_444 : memref<1x80xi32, #tpu.memory_space<vmem>> -> memref<80xi32, #tpu.memory_space<vmem>>
      %dma_start3A_446 = arith.constant 0 : i32
      %dma_start3A_447 = arith.constant 0 : i32
      %dma_start3A_448 = tpu.memref_slice %arg7[%dma_start3A_446, %dma_start3A_447] : memref<10000x128xf32, #tpu.memory_space<vmem_shared>> -> memref<10000x128xf32, #tpu.memory_space<vmem_shared>>
      tpu.enqueue_indirect_dma source(%dma_start3A_442 : memref<80x128xf32, #tpu.memory_space<vmem>>) target(%dma_start3A_448 : memref<10000x128xf32, #tpu.memory_space<vmem_shared>>) offsets(%dma_start3A_445 : memref<80xi32, #tpu.memory_space<vmem>>) semaphore(%arg17 : memref<!tpu.dma_semaphore, #tpu.memory_space<semaphore_mem>>) {add = true}
      %dma_wait3A_449 = arith.constant 2 : i32
      %dma_wait3A_450 = arith.constant 2 : i32
      %dma_wait3A_451 = arith.constant 0 : i32
      %dma_wait3A_452 = arith.constant 0 : i32
      %dma_wait3A_453 = tpu.memref_slice %arg11[%dma_wait3A_449, %dma_wait3A_451, %dma_wait3A_452] : memref<3x80x128xf32, #tpu.memory_space<vmem>> -> memref<1x80x128xf32, #tpu.memory_space<vmem>>
      %dma_wait3A_454 = tpu.memref_squeeze %dma_wait3A_453 : memref<1x80x128xf32, #tpu.memory_space<vmem>> -> memref<80x128xf32, #tpu.memory_space<vmem>>
      %dma_wait3A_455 = arith.constant 0 : i32
      %dma_wait3A_456 = tpu.memref_slice %arg10[%dma_wait3A_450, %dma_wait3A_455] : memref<3x80xi32, #tpu.memory_space<vmem>> -> memref<1x80xi32, #tpu.memory_space<vmem>>
      %dma_wait3A_457 = tpu.memref_squeeze %dma_wait3A_456 : memref<1x80xi32, #tpu.memory_space<vmem>> -> memref<80xi32, #tpu.memory_space<vmem>>
      %dma_wait3A_458 = arith.constant 0 : i32
      %dma_wait3A_459 = arith.constant 0 : i32
      %dma_wait3A_460 = tpu.memref_slice %arg7[%dma_wait3A_458, %dma_wait3A_459] : memref<10000x128xf32, #tpu.memory_space<vmem_shared>> -> memref<10000x128xf32, #tpu.memory_space<vmem_shared>>
      tpu.wait_indirect_dma semaphore(%arg17 : memref<!tpu.dma_semaphore, #tpu.memory_space<semaphore_mem>>) src(%dma_wait3A_454 : memref<80x128xf32, #tpu.memory_space<vmem>>) dst(%dma_wait3A_460 : memref<10000x128xf32, #tpu.memory_space<vmem_shared>>)
      %add3A_461 = arith.constant 3 : i32
      %add3A_462 = arith.addi %add3A_424, %add3A_461 : i32
      %scan3A_463 = arith.constant 0 : i32
      %scan3A_464 = arith.constant 0 : i32
      %scan3A_465 = arith.constant 5 : i32
      %scan3A_466 = arith.addi %scan3A_464, %scan3A_465 : i32
      %scan3A_467 = arith.constant 1 : i32
      %scan3A_468 = scf.for %scan3A_483 = %scan3A_464 to %scan3A_466 step %scan3A_467 iter_args(%scan3A_484 = %scan3A_463) -> (i32)  : i32 {
        %mul3A_485 = arith.constant 80 : i32
        %mul3A_486 = arith.muli %add3A_462, %mul3A_485 : i32
        %mul3A_487 = arith.constant 16 : i32
        %mul3A_488 = arith.muli %scan3A_483, %mul3A_487 : i32
        %add3A_489 = arith.addi %mul3A_486, %mul3A_488 : i32
        %get3A = arith.index_cast %add3A_489 : i32 to index
        %get3A_490 = tpu.vector_load %arg8[%get3A] {strides = array<i32>} : memref<10000xi32, #tpu.memory_space<vmem>>, vector<16xi32>,
        %get3A_491 = vector.shape_cast %get3A_490 : vector<16xi32> to vector<16xi32>
        %shift_right_logical3A = arith.constant 14 : i32
        %shift_right_logical3A_492 = vector.broadcast %shift_right_logical3A : i32 to vector<16xi32>
        %shift_right_logical3A_493 = arith.shrui %get3A_491, %shift_right_logical3A_492 : vector<16xi32>
        %mul3A_494 = arith.constant 16 : i32
        %mul3A_495 = arith.muli %scan3A_483, %mul3A_494 : i32
        %swap3A = arith.constant 2 : i32
        %swap3A_496 = arith.index_cast %swap3A : i32 to index
        %swap3A_497 = arith.index_cast %mul3A_495 : i32 to index
        %swap3A_498 = tpu.vector_load %arg9[%swap3A_496, %swap3A_497] {strides = array<i32>} : memref<3x80xi32, #tpu.memory_space<vmem>>, vector<1x16xi32>,
        %swap3A_499 = vector.shape_cast %swap3A_498 : vector<1x16xi32> to vector<16xi32>
        %swap3A_500 = vector.shape_cast %shift_right_logical3A_493 : vector<16xi32> to vector<1x16xi32>
        tpu.vector_store %arg9[%swap3A_496, %swap3A_497], %swap3A_500 {strides = array<i32>} : memref<3x80xi32, #tpu.memory_space<vmem>>, vector<1x16xi32>,
        %and3A = arith.constant 16383 : i32
        %and3A_501 = vector.broadcast %and3A : i32 to vector<16xi32>
        %and3A_502 = arith.andi %get3A_491, %and3A_501 : vector<16xi32>
        %mul3A_503 = arith.constant 16 : i32
        %mul3A_504 = arith.muli %scan3A_483, %mul3A_503 : i32
        %swap3A_505 = arith.constant 2 : i32
        %swap3A_506 = arith.index_cast %swap3A_505 : i32 to index
        %swap3A_507 = arith.index_cast %mul3A_504 : i32 to index
        %swap3A_508 = tpu.vector_load %arg10[%swap3A_506, %swap3A_507] {strides = array<i32>} : memref<3x80xi32, #tpu.memory_space<vmem>>, vector<1x16xi32>,
        %swap3A_509 = vector.shape_cast %swap3A_508 : vector<1x16xi32> to vector<16xi32>
        %swap3A_510 = vector.shape_cast %and3A_502 : vector<16xi32> to vector<1x16xi32>
        tpu.vector_store %arg10[%swap3A_506, %swap3A_507], %swap3A_510 {strides = array<i32>} : memref<3x80xi32, #tpu.memory_space<vmem>>, vector<1x16xi32>,
        %scan3A_511 = arith.constant 0 : i32
        scf.yield %scan3A_511 : i32
      }
      %scan3A_469 = arith.constant 5 : i32
      %dma_start3A_470 = arith.constant 2 : i32
      %dma_start3A_471 = arith.constant 2 : i32
      %dma_start3A_472 = arith.constant 0 : i32
      %dma_start3A_473 = arith.constant 0 : i32
      %dma_start3A_474 = tpu.memref_slice %arg11[%dma_start3A_471, %dma_start3A_472, %dma_start3A_473] : memref<3x80x128xf32, #tpu.memory_space<vmem>> -> memref<1x80x128xf32, #tpu.memory_space<vmem>>
      %dma_start3A_475 = tpu.memref_squeeze %dma_start3A_474 : memref<1x80x128xf32, #tpu.memory_space<vmem>> -> memref<80x128xf32, #tpu.memory_space<vmem>>
      %dma_start3A_476 = arith.constant 0 : i32
      %dma_start3A_477 = tpu.memref_slice %arg9[%dma_start3A_470, %dma_start3A_476] : memref<3x80xi32, #tpu.memory_space<vmem>> -> memref<1x80xi32, #tpu.memory_space<vmem>>
      %dma_start3A_478 = tpu.memref_squeeze %dma_start3A_477 : memref<1x80xi32, #tpu.memory_space<vmem>> -> memref<80xi32, #tpu.memory_space<vmem>>
      %dma_start3A_479 = arith.constant 0 : i32
      %dma_start3A_480 = arith.constant 0 : i32
      %dma_start3A_481 = tpu.memref_slice %arg2[%dma_start3A_479, %dma_start3A_480] : memref<10000x128xf32, #tpu.memory_space<hbm>> -> memref<10000x128xf32, #tpu.memory_space<hbm>>
      tpu.enqueue_indirect_dma source(%dma_start3A_481 : memref<10000x128xf32, #tpu.memory_space<hbm>>) target(%dma_start3A_475 : memref<80x128xf32, #tpu.memory_space<vmem>>) offsets(%dma_start3A_478 : memref<80xi32, #tpu.memory_space<vmem>>) semaphore(%arg14 : memref<!tpu.dma_semaphore, #tpu.memory_space<semaphore_mem>>)
      %scan3A_482 = arith.constant 0 : i32
      scf.yield %scan3A_482 : i32
    }
    %scan3A_68 = arith.constant 40 : i32
    %dma_wait3A = arith.constant 0 : i32
    %dma_wait3A_69 = arith.constant 0 : i32
    %dma_wait3A_70 = arith.constant 0 : i32
    %dma_wait3A_71 = arith.constant 0 : i32
    %dma_wait3A_72 = tpu.memref_slice %arg11[%dma_wait3A_69, %dma_wait3A_70, %dma_wait3A_71] : memref<3x80x128xf32, #tpu.memory_space<vmem>> -> memref<1x80x128xf32, #tpu.memory_space<vmem>>
    %dma_wait3A_73 = tpu.memref_squeeze %dma_wait3A_72 : memref<1x80x128xf32, #tpu.memory_space<vmem>> -> memref<80x128xf32, #tpu.memory_space<vmem>>
    %dma_wait3A_74 = arith.constant 0 : i32
    %dma_wait3A_75 = tpu.memref_slice %arg9[%dma_wait3A, %dma_wait3A_74] : memref<3x80xi32, #tpu.memory_space<vmem>> -> memref<1x80xi32, #tpu.memory_space<vmem>>
    %dma_wait3A_76 = tpu.memref_squeeze %dma_wait3A_75 : memref<1x80xi32, #tpu.memory_space<vmem>> -> memref<80xi32, #tpu.memory_space<vmem>>
    %dma_wait3A_77 = arith.constant 0 : i32
    %dma_wait3A_78 = arith.constant 0 : i32
    %dma_wait3A_79 = tpu.memref_slice %arg2[%dma_wait3A_77, %dma_wait3A_78] : memref<10000x128xf32, #tpu.memory_space<hbm>> -> memref<10000x128xf32, #tpu.memory_space<hbm>>
    tpu.wait_indirect_dma semaphore(%arg12 : memref<!tpu.dma_semaphore, #tpu.memory_space<semaphore_mem>>) src(%dma_wait3A_79 : memref<10000x128xf32, #tpu.memory_space<hbm>>) dst(%dma_wait3A_73 : memref<80x128xf32, #tpu.memory_space<vmem>>)
    %dma_start3A_80 = arith.constant 0 : i32
    %dma_start3A_81 = arith.constant 0 : i32
    %dma_start3A_82 = arith.constant 0 : i32
    %dma_start3A_83 = arith.constant 0 : i32
    %dma_start3A_84 = tpu.memref_slice %arg11[%dma_start3A_80, %dma_start3A_82, %dma_start3A_83] : memref<3x80x128xf32, #tpu.memory_space<vmem>> -> memref<1x80x128xf32, #tpu.memory_space<vmem>>
    %dma_start3A_85 = tpu.memref_squeeze %dma_start3A_84 : memref<1x80x128xf32, #tpu.memory_space<vmem>> -> memref<80x128xf32, #tpu.memory_space<vmem>>
    %dma_start3A_86 = arith.constant 0 : i32
    %dma_start3A_87 = tpu.memref_slice %arg10[%dma_start3A_81, %dma_start3A_86] : memref<3x80xi32, #tpu.memory_space<vmem>> -> memref<1x80xi32, #tpu.memory_space<vmem>>
    %dma_start3A_88 = tpu.memref_squeeze %dma_start3A_87 : memref<1x80xi32, #tpu.memory_space<vmem>> -> memref<80xi32, #tpu.memory_space<vmem>>
    %dma_start3A_89 = arith.constant 0 : i32
    %dma_start3A_90 = arith.constant 0 : i32
    %dma_start3A_91 = tpu.memref_slice %arg7[%dma_start3A_89, %dma_start3A_90] : memref<10000x128xf32, #tpu.memory_space<vmem_shared>> -> memref<10000x128xf32, #tpu.memory_space<vmem_shared>>
    tpu.enqueue_indirect_dma source(%dma_start3A_85 : memref<80x128xf32, #tpu.memory_space<vmem>>) target(%dma_start3A_91 : memref<10000x128xf32, #tpu.memory_space<vmem_shared>>) offsets(%dma_start3A_88 : memref<80xi32, #tpu.memory_space<vmem>>) semaphore(%arg15 : memref<!tpu.dma_semaphore, #tpu.memory_space<semaphore_mem>>) {add = true}
    %dma_wait3A_92 = arith.constant 0 : i32
    %dma_wait3A_93 = arith.constant 0 : i32
    %dma_wait3A_94 = arith.constant 0 : i32
    %dma_wait3A_95 = arith.constant 0 : i32
    %dma_wait3A_96 = tpu.memref_slice %arg11[%dma_wait3A_92, %dma_wait3A_94, %dma_wait3A_95] : memref<3x80x128xf32, #tpu.memory_space<vmem>> -> memref<1x80x128xf32, #tpu.memory_space<vmem>>
    %dma_wait3A_97 = tpu.memref_squeeze %dma_wait3A_96 : memref<1x80x128xf32, #tpu.memory_space<vmem>> -> memref<80x128xf32, #tpu.memory_space<vmem>>
    %dma_wait3A_98 = arith.constant 0 : i32
    %dma_wait3A_99 = tpu.memref_slice %arg10[%dma_wait3A_93, %dma_wait3A_98] : memref<3x80xi32, #tpu.memory_space<vmem>> -> memref<1x80xi32, #tpu.memory_space<vmem>>
    %dma_wait3A_100 = tpu.memref_squeeze %dma_wait3A_99 : memref<1x80xi32, #tpu.memory_space<vmem>> -> memref<80xi32, #tpu.memory_space<vmem>>
    %dma_wait3A_101 = arith.constant 0 : i32
    %dma_wait3A_102 = arith.constant 0 : i32
    %dma_wait3A_103 = tpu.memref_slice %arg7[%dma_wait3A_101, %dma_wait3A_102] : memref<10000x128xf32, #tpu.memory_space<vmem_shared>> -> memref<10000x128xf32, #tpu.memory_space<vmem_shared>>
    tpu.wait_indirect_dma semaphore(%arg15 : memref<!tpu.dma_semaphore, #tpu.memory_space<semaphore_mem>>) src(%dma_wait3A_97 : memref<80x128xf32, #tpu.memory_space<vmem>>) dst(%dma_wait3A_103 : memref<10000x128xf32, #tpu.memory_space<vmem_shared>>)
    %scan3A_104 = arith.constant 0 : i32
    %scan3A_105 = arith.constant 0 : i32
    %scan3A_106 = arith.constant 5 : i32
    %scan3A_107 = arith.addi %scan3A_105, %scan3A_106 : i32
    %scan3A_108 = arith.constant 1 : i32
    %scan3A_109 = scf.for %scan3A_297 = %scan3A_105 to %scan3A_107 step %scan3A_108 iter_args(%scan3A_298 = %scan3A_104) -> (i32)  : i32 {
      %mul3A_299 = arith.constant 16 : i32
      %mul3A_300 = arith.muli %scan3A_297, %mul3A_299 : i32
      %add3A_301 = arith.constant 9840 : i32
      %add3A_302 = arith.addi %add3A_301, %mul3A_300 : i32
      %get3A = arith.index_cast %add3A_302 : i32 to index
      %get3A_303 = tpu.vector_load %arg8[%get3A] {strides = array<i32>} : memref<10000xi32, #tpu.memory_space<vmem>>, vector<16xi32>,
      %get3A_304 = vector.shape_cast %get3A_303 : vector<16xi32> to vector<16xi32>
      %shift_right_logical3A = arith.constant 14 : i32
      %shift_right_logical3A_305 = vector.broadcast %shift_right_logical3A : i32 to vector<16xi32>
      %shift_right_logical3A_306 = arith.shrui %get3A_304, %shift_right_logical3A_305 : vector<16xi32>
      %mul3A_307 = arith.constant 16 : i32
      %mul3A_308 = arith.muli %scan3A_297, %mul3A_307 : i32
      %swap3A = arith.constant 0 : i32
      %swap3A_309 = arith.index_cast %swap3A : i32 to index
      %swap3A_310 = arith.index_cast %mul3A_308 : i32 to index
      %swap3A_311 = tpu.vector_load %arg9[%swap3A_309, %swap3A_310] {strides = array<i32>} : memref<3x80xi32, #tpu.memory_space<vmem>>, vector<1x16xi32>,
      %swap3A_312 = vector.shape_cast %swap3A_311 : vector<1x16xi32> to vector<16xi32>
      %swap3A_313 = vector.shape_cast %shift_right_logical3A_306 : vector<16xi32> to vector<1x16xi32>
      tpu.vector_store %arg9[%swap3A_309, %swap3A_310], %swap3A_313 {strides = array<i32>} : memref<3x80xi32, #tpu.memory_space<vmem>>, vector<1x16xi32>,
      %and3A = arith.constant 16383 : i32
      %and3A_314 = vector.broadcast %and3A : i32 to vector<16xi32>
      %and3A_315 = arith.andi %get3A_304, %and3A_314 : vector<16xi32>
      %mul3A_316 = arith.constant 16 : i32
      %mul3A_317 = arith.muli %scan3A_297, %mul3A_316 : i32
      %swap3A_318 = arith.constant 0 : i32
      %swap3A_319 = arith.index_cast %swap3A_318 : i32 to index
      %swap3A_320 = arith.index_cast %mul3A_317 : i32 to index
      %swap3A_321 = tpu.vector_load %arg10[%swap3A_319, %swap3A_320] {strides = array<i32>} : memref<3x80xi32, #tpu.memory_space<vmem>>, vector<1x16xi32>,
      %swap3A_322 = vector.shape_cast %swap3A_321 : vector<1x16xi32> to vector<16xi32>
      %swap3A_323 = vector.shape_cast %and3A_315 : vector<16xi32> to vector<1x16xi32>
      tpu.vector_store %arg10[%swap3A_319, %swap3A_320], %swap3A_323 {strides = array<i32>} : memref<3x80xi32, #tpu.memory_space<vmem>>, vector<1x16xi32>,
      %scan3A_324 = arith.constant 0 : i32
      scf.yield %scan3A_324 : i32
    }
    %scan3A_110 = arith.constant 5 : i32
    %dma_start3A_111 = arith.constant 0 : i32
    %dma_start3A_112 = arith.constant 0 : i32
    %dma_start3A_113 = arith.constant 0 : i32
    %dma_start3A_114 = arith.constant 0 : i32
    %dma_start3A_115 = tpu.memref_slice %arg11[%dma_start3A_112, %dma_start3A_113, %dma_start3A_114] : memref<3x80x128xf32, #tpu.memory_space<vmem>> -> memref<1x80x128xf32, #tpu.memory_space<vmem>>
    %dma_start3A_116 = tpu.memref_squeeze %dma_start3A_115 : memref<1x80x128xf32, #tpu.memory_space<vmem>> -> memref<80x128xf32, #tpu.memory_space<vmem>>
    %dma_start3A_117 = arith.constant 0 : i32
    %dma_start3A_118 = tpu.memref_slice %arg9[%dma_start3A_111, %dma_start3A_117] : memref<3x80xi32, #tpu.memory_space<vmem>> -> memref<1x80xi32, #tpu.memory_space<vmem>>
    %dma_start3A_119 = tpu.memref_squeeze %dma_start3A_118 : memref<1x80xi32, #tpu.memory_space<vmem>> -> memref<80xi32, #tpu.memory_space<vmem>>
    %dma_start3A_120 = arith.constant 0 : i32
    %dma_start3A_121 = arith.constant 0 : i32
    %dma_start3A_122 = tpu.memref_slice %arg2[%dma_start3A_120, %dma_start3A_121] : memref<10000x128xf32, #tpu.memory_space<hbm>> -> memref<10000x128xf32, #tpu.memory_space<hbm>>
    tpu.enqueue_indirect_dma source(%dma_start3A_122 : memref<10000x128xf32, #tpu.memory_space<hbm>>) target(%dma_start3A_116 : memref<80x128xf32, #tpu.memory_space<vmem>>) offsets(%dma_start3A_119 : memref<80xi32, #tpu.memory_space<vmem>>) semaphore(%arg12 : memref<!tpu.dma_semaphore, #tpu.memory_space<semaphore_mem>>)
    %dma_wait3A_123 = arith.constant 1 : i32
    %dma_wait3A_124 = arith.constant 1 : i32
    %dma_wait3A_125 = arith.constant 0 : i32
    %dma_wait3A_126 = arith.constant 0 : i32
    %dma_wait3A_127 = tpu.memref_slice %arg11[%dma_wait3A_124, %dma_wait3A_125, %dma_wait3A_126] : memref<3x80x128xf32, #tpu.memory_space<vmem>> -> memref<1x80x128xf32, #tpu.memory_space<vmem>>
    %dma_wait3A_128 = tpu.memref_squeeze %dma_wait3A_127 : memref<1x80x128xf32, #tpu.memory_space<vmem>> -> memref<80x128xf32, #tpu.memory_space<vmem>>
    %dma_wait3A_129 = arith.constant 0 : i32
    %dma_wait3A_130 = tpu.memref_slice %arg9[%dma_wait3A_123, %dma_wait3A_129] : memref<3x80xi32, #tpu.memory_space<vmem>> -> memref<1x80xi32, #tpu.memory_space<vmem>>
    %dma_wait3A_131 = tpu.memref_squeeze %dma_wait3A_130 : memref<1x80xi32, #tpu.memory_space<vmem>> -> memref<80xi32, #tpu.memory_space<vmem>>
    %dma_wait3A_132 = arith.constant 0 : i32
    %dma_wait3A_133 = arith.constant 0 : i32
    %dma_wait3A_134 = tpu.memref_slice %arg2[%dma_wait3A_132, %dma_wait3A_133] : memref<10000x128xf32, #tpu.memory_space<hbm>> -> memref<10000x128xf32, #tpu.memory_space<hbm>>
    tpu.wait_indirect_dma semaphore(%arg13 : memref<!tpu.dma_semaphore, #tpu.memory_space<semaphore_mem>>) src(%dma_wait3A_134 : memref<10000x128xf32, #tpu.memory_space<hbm>>) dst(%dma_wait3A_128 : memref<80x128xf32, #tpu.memory_space<vmem>>)
    %dma_start3A_135 = arith.constant 1 : i32
    %dma_start3A_136 = arith.constant 1 : i32
    %dma_start3A_137 = arith.constant 0 : i32
    %dma_start3A_138 = arith.constant 0 : i32
    %dma_start3A_139 = tpu.memref_slice %arg11[%dma_start3A_135, %dma_start3A_137, %dma_start3A_138] : memref<3x80x128xf32, #tpu.memory_space<vmem>> -> memref<1x80x128xf32, #tpu.memory_space<vmem>>
    %dma_start3A_140 = tpu.memref_squeeze %dma_start3A_139 : memref<1x80x128xf32, #tpu.memory_space<vmem>> -> memref<80x128xf32, #tpu.memory_space<vmem>>
    %dma_start3A_141 = arith.constant 0 : i32
    %dma_start3A_142 = tpu.memref_slice %arg10[%dma_start3A_136, %dma_start3A_141] : memref<3x80xi32, #tpu.memory_space<vmem>> -> memref<1x80xi32, #tpu.memory_space<vmem>>
    %dma_start3A_143 = tpu.memref_squeeze %dma_start3A_142 : memref<1x80xi32, #tpu.memory_space<vmem>> -> memref<80xi32, #tpu.memory_space<vmem>>
    %dma_start3A_144 = arith.constant 0 : i32
    %dma_start3A_145 = arith.constant 0 : i32
    %dma_start3A_146 = tpu.memref_slice %arg7[%dma_start3A_144, %dma_start3A_145] : memref<10000x128xf32, #tpu.memory_space<vmem_shared>> -> memref<10000x128xf32, #tpu.memory_space<vmem_shared>>
    tpu.enqueue_indirect_dma source(%dma_start3A_140 : memref<80x128xf32, #tpu.memory_space<vmem>>) target(%dma_start3A_146 : memref<10000x128xf32, #tpu.memory_space<vmem_shared>>) offsets(%dma_start3A_143 : memref<80xi32, #tpu.memory_space<vmem>>) semaphore(%arg16 : memref<!tpu.dma_semaphore, #tpu.memory_space<semaphore_mem>>) {add = true}
    %dma_wait3A_147 = arith.constant 1 : i32
    %dma_wait3A_148 = arith.constant 1 : i32
    %dma_wait3A_149 = arith.constant 0 : i32
    %dma_wait3A_150 = arith.constant 0 : i32
    %dma_wait3A_151 = tpu.memref_slice %arg11[%dma_wait3A_147, %dma_wait3A_149, %dma_wait3A_150] : memref<3x80x128xf32, #tpu.memory_space<vmem>> -> memref<1x80x128xf32, #tpu.memory_space<vmem>>
    %dma_wait3A_152 = tpu.memref_squeeze %dma_wait3A_151 : memref<1x80x128xf32, #tpu.memory_space<vmem>> -> memref<80x128xf32, #tpu.memory_space<vmem>>
    %dma_wait3A_153 = arith.constant 0 : i32
    %dma_wait3A_154 = tpu.memref_slice %arg10[%dma_wait3A_148, %dma_wait3A_153] : memref<3x80xi32, #tpu.memory_space<vmem>> -> memref<1x80xi32, #tpu.memory_space<vmem>>
    %dma_wait3A_155 = tpu.memref_squeeze %dma_wait3A_154 : memref<1x80xi32, #tpu.memory_space<vmem>> -> memref<80xi32, #tpu.memory_space<vmem>>
    %dma_wait3A_156 = arith.constant 0 : i32
    %dma_wait3A_157 = arith.constant 0 : i32
    %dma_wait3A_158 = tpu.memref_slice %arg7[%dma_wait3A_156, %dma_wait3A_157] : memref<10000x128xf32, #tpu.memory_space<vmem_shared>> -> memref<10000x128xf32, #tpu.memory_space<vmem_shared>>
    tpu.wait_indirect_dma semaphore(%arg16 : memref<!tpu.dma_semaphore, #tpu.memory_space<semaphore_mem>>) src(%dma_wait3A_152 : memref<80x128xf32, #tpu.memory_space<vmem>>) dst(%dma_wait3A_158 : memref<10000x128xf32, #tpu.memory_space<vmem_shared>>)
    %scan3A_159 = arith.constant 0 : i32
    %scan3A_160 = arith.constant 0 : i32
    %scan3A_161 = arith.constant 5 : i32
    %scan3A_162 = arith.addi %scan3A_160, %scan3A_161 : i32
    %scan3A_163 = arith.constant 1 : i32
    %scan3A_164 = scf.for %scan3A_297 = %scan3A_160 to %scan3A_162 step %scan3A_163 iter_args(%scan3A_298 = %scan3A_159) -> (i32)  : i32 {
      %mul3A_299 = arith.constant 16 : i32
      %mul3A_300 = arith.muli %scan3A_297, %mul3A_299 : i32
      %add3A_301 = arith.constant 9920 : i32
      %add3A_302 = arith.addi %add3A_301, %mul3A_300 : i32
      %get3A = arith.index_cast %add3A_302 : i32 to index
      %get3A_303 = tpu.vector_load %arg8[%get3A] {strides = array<i32>} : memref<10000xi32, #tpu.memory_space<vmem>>, vector<16xi32>,
      %get3A_304 = vector.shape_cast %get3A_303 : vector<16xi32> to vector<16xi32>
      %shift_right_logical3A = arith.constant 14 : i32
      %shift_right_logical3A_305 = vector.broadcast %shift_right_logical3A : i32 to vector<16xi32>
      %shift_right_logical3A_306 = arith.shrui %get3A_304, %shift_right_logical3A_305 : vector<16xi32>
      %mul3A_307 = arith.constant 16 : i32
      %mul3A_308 = arith.muli %scan3A_297, %mul3A_307 : i32
      %swap3A = arith.constant 1 : i32
      %swap3A_309 = arith.index_cast %swap3A : i32 to index
      %swap3A_310 = arith.index_cast %mul3A_308 : i32 to index
      %swap3A_311 = tpu.vector_load %arg9[%swap3A_309, %swap3A_310] {strides = array<i32>} : memref<3x80xi32, #tpu.memory_space<vmem>>, vector<1x16xi32>,
      %swap3A_312 = vector.shape_cast %swap3A_311 : vector<1x16xi32> to vector<16xi32>
      %swap3A_313 = vector.shape_cast %shift_right_logical3A_306 : vector<16xi32> to vector<1x16xi32>
      tpu.vector_store %arg9[%swap3A_309, %swap3A_310], %swap3A_313 {strides = array<i32>} : memref<3x80xi32, #tpu.memory_space<vmem>>, vector<1x16xi32>,
      %and3A = arith.constant 16383 : i32
      %and3A_314 = vector.broadcast %and3A : i32 to vector<16xi32>
      %and3A_315 = arith.andi %get3A_304, %and3A_314 : vector<16xi32>
      %mul3A_316 = arith.constant 16 : i32
      %mul3A_317 = arith.muli %scan3A_297, %mul3A_316 : i32
      %swap3A_318 = arith.constant 1 : i32
      %swap3A_319 = arith.index_cast %swap3A_318 : i32 to index
      %swap3A_320 = arith.index_cast %mul3A_317 : i32 to index
      %swap3A_321 = tpu.vector_load %arg10[%swap3A_319, %swap3A_320] {strides = array<i32>} : memref<3x80xi32, #tpu.memory_space<vmem>>, vector<1x16xi32>,
      %swap3A_322 = vector.shape_cast %swap3A_321 : vector<1x16xi32> to vector<16xi32>
      %swap3A_323 = vector.shape_cast %and3A_315 : vector<16xi32> to vector<1x16xi32>
      tpu.vector_store %arg10[%swap3A_319, %swap3A_320], %swap3A_323 {strides = array<i32>} : memref<3x80xi32, #tpu.memory_space<vmem>>, vector<1x16xi32>,
      %scan3A_324 = arith.constant 0 : i32
      scf.yield %scan3A_324 : i32
    }
    %scan3A_165 = arith.constant 5 : i32
    %dma_start3A_166 = arith.constant 1 : i32
    %dma_start3A_167 = arith.constant 1 : i32
    %dma_start3A_168 = arith.constant 0 : i32
    %dma_start3A_169 = arith.constant 0 : i32
    %dma_start3A_170 = tpu.memref_slice %arg11[%dma_start3A_167, %dma_start3A_168, %dma_start3A_169] : memref<3x80x128xf32, #tpu.memory_space<vmem>> -> memref<1x80x128xf32, #tpu.memory_space<vmem>>
    %dma_start3A_171 = tpu.memref_squeeze %dma_start3A_170 : memref<1x80x128xf32, #tpu.memory_space<vmem>> -> memref<80x128xf32, #tpu.memory_space<vmem>>
    %dma_start3A_172 = arith.constant 0 : i32
    %dma_start3A_173 = tpu.memref_slice %arg9[%dma_start3A_166, %dma_start3A_172] : memref<3x80xi32, #tpu.memory_space<vmem>> -> memref<1x80xi32, #tpu.memory_space<vmem>>
    %dma_start3A_174 = tpu.memref_squeeze %dma_start3A_173 : memref<1x80xi32, #tpu.memory_space<vmem>> -> memref<80xi32, #tpu.memory_space<vmem>>
    %dma_start3A_175 = arith.constant 0 : i32
    %dma_start3A_176 = arith.constant 0 : i32
    %dma_start3A_177 = tpu.memref_slice %arg2[%dma_start3A_175, %dma_start3A_176] : memref<10000x128xf32, #tpu.memory_space<hbm>> -> memref<10000x128xf32, #tpu.memory_space<hbm>>
    tpu.enqueue_indirect_dma source(%dma_start3A_177 : memref<10000x128xf32, #tpu.memory_space<hbm>>) target(%dma_start3A_171 : memref<80x128xf32, #tpu.memory_space<vmem>>) offsets(%dma_start3A_174 : memref<80xi32, #tpu.memory_space<vmem>>) semaphore(%arg13 : memref<!tpu.dma_semaphore, #tpu.memory_space<semaphore_mem>>)
    %dma_wait3A_178 = arith.constant 2 : i32
    %dma_wait3A_179 = arith.constant 2 : i32
    %dma_wait3A_180 = arith.constant 0 : i32
    %dma_wait3A_181 = arith.constant 0 : i32
    %dma_wait3A_182 = tpu.memref_slice %arg11[%dma_wait3A_179, %dma_wait3A_180, %dma_wait3A_181] : memref<3x80x128xf32, #tpu.memory_space<vmem>> -> memref<1x80x128xf32, #tpu.memory_space<vmem>>
    %dma_wait3A_183 = tpu.memref_squeeze %dma_wait3A_182 : memref<1x80x128xf32, #tpu.memory_space<vmem>> -> memref<80x128xf32, #tpu.memory_space<vmem>>
    %dma_wait3A_184 = arith.constant 0 : i32
    %dma_wait3A_185 = tpu.memref_slice %arg9[%dma_wait3A_178, %dma_wait3A_184] : memref<3x80xi32, #tpu.memory_space<vmem>> -> memref<1x80xi32, #tpu.memory_space<vmem>>
    %dma_wait3A_186 = tpu.memref_squeeze %dma_wait3A_185 : memref<1x80xi32, #tpu.memory_space<vmem>> -> memref<80xi32, #tpu.memory_space<vmem>>
    %dma_wait3A_187 = arith.constant 0 : i32
    %dma_wait3A_188 = arith.constant 0 : i32
    %dma_wait3A_189 = tpu.memref_slice %arg2[%dma_wait3A_187, %dma_wait3A_188] : memref<10000x128xf32, #tpu.memory_space<hbm>> -> memref<10000x128xf32, #tpu.memory_space<hbm>>
    tpu.wait_indirect_dma semaphore(%arg14 : memref<!tpu.dma_semaphore, #tpu.memory_space<semaphore_mem>>) src(%dma_wait3A_189 : memref<10000x128xf32, #tpu.memory_space<hbm>>) dst(%dma_wait3A_183 : memref<80x128xf32, #tpu.memory_space<vmem>>)
    %dma_start3A_190 = arith.constant 2 : i32
    %dma_start3A_191 = arith.constant 2 : i32
    %dma_start3A_192 = arith.constant 0 : i32
    %dma_start3A_193 = arith.constant 0 : i32
    %dma_start3A_194 = tpu.memref_slice %arg11[%dma_start3A_190, %dma_start3A_192, %dma_start3A_193] : memref<3x80x128xf32, #tpu.memory_space<vmem>> -> memref<1x80x128xf32, #tpu.memory_space<vmem>>
    %dma_start3A_195 = tpu.memref_squeeze %dma_start3A_194 : memref<1x80x128xf32, #tpu.memory_space<vmem>> -> memref<80x128xf32, #tpu.memory_space<vmem>>
    %dma_start3A_196 = arith.constant 0 : i32
    %dma_start3A_197 = tpu.memref_slice %arg10[%dma_start3A_191, %dma_start3A_196] : memref<3x80xi32, #tpu.memory_space<vmem>> -> memref<1x80xi32, #tpu.memory_space<vmem>>
    %dma_start3A_198 = tpu.memref_squeeze %dma_start3A_197 : memref<1x80xi32, #tpu.memory_space<vmem>> -> memref<80xi32, #tpu.memory_space<vmem>>
    %dma_start3A_199 = arith.constant 0 : i32
    %dma_start3A_200 = arith.constant 0 : i32
    %dma_start3A_201 = tpu.memref_slice %arg7[%dma_start3A_199, %dma_start3A_200] : memref<10000x128xf32, #tpu.memory_space<vmem_shared>> -> memref<10000x128xf32, #tpu.memory_space<vmem_shared>>
    tpu.enqueue_indirect_dma source(%dma_start3A_195 : memref<80x128xf32, #tpu.memory_space<vmem>>) target(%dma_start3A_201 : memref<10000x128xf32, #tpu.memory_space<vmem_shared>>) offsets(%dma_start3A_198 : memref<80xi32, #tpu.memory_space<vmem>>) semaphore(%arg17 : memref<!tpu.dma_semaphore, #tpu.memory_space<semaphore_mem>>) {add = true}
    %dma_wait3A_202 = arith.constant 2 : i32
    %dma_wait3A_203 = arith.constant 2 : i32
    %dma_wait3A_204 = arith.constant 0 : i32
    %dma_wait3A_205 = arith.constant 0 : i32
    %dma_wait3A_206 = tpu.memref_slice %arg11[%dma_wait3A_202, %dma_wait3A_204, %dma_wait3A_205] : memref<3x80x128xf32, #tpu.memory_space<vmem>> -> memref<1x80x128xf32, #tpu.memory_space<vmem>>
    %dma_wait3A_207 = tpu.memref_squeeze %dma_wait3A_206 : memref<1x80x128xf32, #tpu.memory_space<vmem>> -> memref<80x128xf32, #tpu.memory_space<vmem>>
    %dma_wait3A_208 = arith.constant 0 : i32
    %dma_wait3A_209 = tpu.memref_slice %arg10[%dma_wait3A_203, %dma_wait3A_208] : memref<3x80xi32, #tpu.memory_space<vmem>> -> memref<1x80xi32, #tpu.memory_space<vmem>>
    %dma_wait3A_210 = tpu.memref_squeeze %dma_wait3A_209 : memref<1x80xi32, #tpu.memory_space<vmem>> -> memref<80xi32, #tpu.memory_space<vmem>>
    %dma_wait3A_211 = arith.constant 0 : i32
    %dma_wait3A_212 = arith.constant 0 : i32
    %dma_wait3A_213 = tpu.memref_slice %arg7[%dma_wait3A_211, %dma_wait3A_212] : memref<10000x128xf32, #tpu.memory_space<vmem_shared>> -> memref<10000x128xf32, #tpu.memory_space<vmem_shared>>
    tpu.wait_indirect_dma semaphore(%arg17 : memref<!tpu.dma_semaphore, #tpu.memory_space<semaphore_mem>>) src(%dma_wait3A_207 : memref<80x128xf32, #tpu.memory_space<vmem>>) dst(%dma_wait3A_213 : memref<10000x128xf32, #tpu.memory_space<vmem_shared>>)
    %dma_wait3A_214 = arith.constant 0 : i32
    %dma_wait3A_215 = arith.constant 0 : i32
    %dma_wait3A_216 = arith.constant 0 : i32
    %dma_wait3A_217 = arith.constant 0 : i32
    %dma_wait3A_218 = tpu.memref_slice %arg11[%dma_wait3A_215, %dma_wait3A_216, %dma_wait3A_217] : memref<3x80x128xf32, #tpu.memory_space<vmem>> -> memref<1x80x128xf32, #tpu.memory_space<vmem>>
    %dma_wait3A_219 = tpu.memref_squeeze %dma_wait3A_218 : memref<1x80x128xf32, #tpu.memory_space<vmem>> -> memref<80x128xf32, #tpu.memory_space<vmem>>
    %dma_wait3A_220 = arith.constant 0 : i32
    %dma_wait3A_221 = tpu.memref_slice %arg9[%dma_wait3A_214, %dma_wait3A_220] : memref<3x80xi32, #tpu.memory_space<vmem>> -> memref<1x80xi32, #tpu.memory_space<vmem>>
    %dma_wait3A_222 = tpu.memref_squeeze %dma_wait3A_221 : memref<1x80xi32, #tpu.memory_space<vmem>> -> memref<80xi32, #tpu.memory_space<vmem>>
    %dma_wait3A_223 = arith.constant 0 : i32
    %dma_wait3A_224 = arith.constant 0 : i32
    %dma_wait3A_225 = tpu.memref_slice %arg2[%dma_wait3A_223, %dma_wait3A_224] : memref<10000x128xf32, #tpu.memory_space<hbm>> -> memref<10000x128xf32, #tpu.memory_space<hbm>>
    tpu.wait_indirect_dma semaphore(%arg12 : memref<!tpu.dma_semaphore, #tpu.memory_space<semaphore_mem>>) src(%dma_wait3A_225 : memref<10000x128xf32, #tpu.memory_space<hbm>>) dst(%dma_wait3A_219 : memref<80x128xf32, #tpu.memory_space<vmem>>)
    %dma_start3A_226 = arith.constant 0 : i32
    %dma_start3A_227 = arith.constant 0 : i32
    %dma_start3A_228 = arith.constant 0 : i32
    %dma_start3A_229 = arith.constant 0 : i32
    %dma_start3A_230 = tpu.memref_slice %arg11[%dma_start3A_226, %dma_start3A_228, %dma_start3A_229] : memref<3x80x128xf32, #tpu.memory_space<vmem>> -> memref<1x80x128xf32, #tpu.memory_space<vmem>>
    %dma_start3A_231 = tpu.memref_squeeze %dma_start3A_230 : memref<1x80x128xf32, #tpu.memory_space<vmem>> -> memref<80x128xf32, #tpu.memory_space<vmem>>
    %dma_start3A_232 = arith.constant 0 : i32
    %dma_start3A_233 = tpu.memref_slice %arg10[%dma_start3A_227, %dma_start3A_232] : memref<3x80xi32, #tpu.memory_space<vmem>> -> memref<1x80xi32, #tpu.memory_space<vmem>>
    %dma_start3A_234 = tpu.memref_squeeze %dma_start3A_233 : memref<1x80xi32, #tpu.memory_space<vmem>> -> memref<80xi32, #tpu.memory_space<vmem>>
    %dma_start3A_235 = arith.constant 0 : i32
    %dma_start3A_236 = arith.constant 0 : i32
    %dma_start3A_237 = tpu.memref_slice %arg7[%dma_start3A_235, %dma_start3A_236] : memref<10000x128xf32, #tpu.memory_space<vmem_shared>> -> memref<10000x128xf32, #tpu.memory_space<vmem_shared>>
    tpu.enqueue_indirect_dma source(%dma_start3A_231 : memref<80x128xf32, #tpu.memory_space<vmem>>) target(%dma_start3A_237 : memref<10000x128xf32, #tpu.memory_space<vmem_shared>>) offsets(%dma_start3A_234 : memref<80xi32, #tpu.memory_space<vmem>>) semaphore(%arg15 : memref<!tpu.dma_semaphore, #tpu.memory_space<semaphore_mem>>) {add = true}
    %dma_wait3A_238 = arith.constant 0 : i32
    %dma_wait3A_239 = arith.constant 0 : i32
    %dma_wait3A_240 = arith.constant 0 : i32
    %dma_wait3A_241 = arith.constant 0 : i32
    %dma_wait3A_242 = tpu.memref_slice %arg11[%dma_wait3A_238, %dma_wait3A_240, %dma_wait3A_241] : memref<3x80x128xf32, #tpu.memory_space<vmem>> -> memref<1x80x128xf32, #tpu.memory_space<vmem>>
    %dma_wait3A_243 = tpu.memref_squeeze %dma_wait3A_242 : memref<1x80x128xf32, #tpu.memory_space<vmem>> -> memref<80x128xf32, #tpu.memory_space<vmem>>
    %dma_wait3A_244 = arith.constant 0 : i32
    %dma_wait3A_245 = tpu.memref_slice %arg10[%dma_wait3A_239, %dma_wait3A_244] : memref<3x80xi32, #tpu.memory_space<vmem>> -> memref<1x80xi32, #tpu.memory_space<vmem>>
    %dma_wait3A_246 = tpu.memref_squeeze %dma_wait3A_245 : memref<1x80xi32, #tpu.memory_space<vmem>> -> memref<80xi32, #tpu.memory_space<vmem>>
    %dma_wait3A_247 = arith.constant 0 : i32
    %dma_wait3A_248 = arith.constant 0 : i32
    %dma_wait3A_249 = tpu.memref_slice %arg7[%dma_wait3A_247, %dma_wait3A_248] : memref<10000x128xf32, #tpu.memory_space<vmem_shared>> -> memref<10000x128xf32, #tpu.memory_space<vmem_shared>>
    tpu.wait_indirect_dma semaphore(%arg15 : memref<!tpu.dma_semaphore, #tpu.memory_space<semaphore_mem>>) src(%dma_wait3A_243 : memref<80x128xf32, #tpu.memory_space<vmem>>) dst(%dma_wait3A_249 : memref<10000x128xf32, #tpu.memory_space<vmem_shared>>)
    %dma_wait3A_250 = arith.constant 1 : i32
    %dma_wait3A_251 = arith.constant 1 : i32
    %dma_wait3A_252 = arith.constant 0 : i32
    %dma_wait3A_253 = arith.constant 0 : i32
    %dma_wait3A_254 = tpu.memref_slice %arg11[%dma_wait3A_251, %dma_wait3A_252, %dma_wait3A_253] : memref<3x80x128xf32, #tpu.memory_space<vmem>> -> memref<1x80x128xf32, #tpu.memory_space<vmem>>
    %dma_wait3A_255 = tpu.memref_squeeze %dma_wait3A_254 : memref<1x80x128xf32, #tpu.memory_space<vmem>> -> memref<80x128xf32, #tpu.memory_space<vmem>>
    %dma_wait3A_256 = arith.constant 0 : i32
    %dma_wait3A_257 = tpu.memref_slice %arg9[%dma_wait3A_250, %dma_wait3A_256] : memref<3x80xi32, #tpu.memory_space<vmem>> -> memref<1x80xi32, #tpu.memory_space<vmem>>
    %dma_wait3A_258 = tpu.memref_squeeze %dma_wait3A_257 : memref<1x80xi32, #tpu.memory_space<vmem>> -> memref<80xi32, #tpu.memory_space<vmem>>
    %dma_wait3A_259 = arith.constant 0 : i32
    %dma_wait3A_260 = arith.constant 0 : i32
    %dma_wait3A_261 = tpu.memref_slice %arg2[%dma_wait3A_259, %dma_wait3A_260] : memref<10000x128xf32, #tpu.memory_space<hbm>> -> memref<10000x128xf32, #tpu.memory_space<hbm>>
    tpu.wait_indirect_dma semaphore(%arg13 : memref<!tpu.dma_semaphore, #tpu.memory_space<semaphore_mem>>) src(%dma_wait3A_261 : memref<10000x128xf32, #tpu.memory_space<hbm>>) dst(%dma_wait3A_255 : memref<80x128xf32, #tpu.memory_space<vmem>>)
    %dma_start3A_262 = arith.constant 1 : i32
    %dma_start3A_263 = arith.constant 1 : i32
    %dma_start3A_264 = arith.constant 0 : i32
    %dma_start3A_265 = arith.constant 0 : i32
    %dma_start3A_266 = tpu.memref_slice %arg11[%dma_start3A_262, %dma_start3A_264, %dma_start3A_265] : memref<3x80x128xf32, #tpu.memory_space<vmem>> -> memref<1x80x128xf32, #tpu.memory_space<vmem>>
    %dma_start3A_267 = tpu.memref_squeeze %dma_start3A_266 : memref<1x80x128xf32, #tpu.memory_space<vmem>> -> memref<80x128xf32, #tpu.memory_space<vmem>>
    %dma_start3A_268 = arith.constant 0 : i32
    %dma_start3A_269 = tpu.memref_slice %arg10[%dma_start3A_263, %dma_start3A_268] : memref<3x80xi32, #tpu.memory_space<vmem>> -> memref<1x80xi32, #tpu.memory_space<vmem>>
    %dma_start3A_270 = tpu.memref_squeeze %dma_start3A_269 : memref<1x80xi32, #tpu.memory_space<vmem>> -> memref<80xi32, #tpu.memory_space<vmem>>
    %dma_start3A_271 = arith.constant 0 : i32
    %dma_start3A_272 = arith.constant 0 : i32
    %dma_start3A_273 = tpu.memref_slice %arg7[%dma_start3A_271, %dma_start3A_272] : memref<10000x128xf32, #tpu.memory_space<vmem_shared>> -> memref<10000x128xf32, #tpu.memory_space<vmem_shared>>
    tpu.enqueue_indirect_dma source(%dma_start3A_267 : memref<80x128xf32, #tpu.memory_space<vmem>>) target(%dma_start3A_273 : memref<10000x128xf32, #tpu.memory_space<vmem_shared>>) offsets(%dma_start3A_270 : memref<80xi32, #tpu.memory_space<vmem>>) semaphore(%arg16 : memref<!tpu.dma_semaphore, #tpu.memory_space<semaphore_mem>>) {add = true}
    %dma_wait3A_274 = arith.constant 1 : i32
    %dma_wait3A_275 = arith.constant 1 : i32
    %dma_wait3A_276 = arith.constant 0 : i32
    %dma_wait3A_277 = arith.constant 0 : i32
    %dma_wait3A_278 = tpu.memref_slice %arg11[%dma_wait3A_274, %dma_wait3A_276, %dma_wait3A_277] : memref<3x80x128xf32, #tpu.memory_space<vmem>> -> memref<1x80x128xf32, #tpu.memory_space<vmem>>
    %dma_wait3A_279 = tpu.memref_squeeze %dma_wait3A_278 : memref<1x80x128xf32, #tpu.memory_space<vmem>> -> memref<80x128xf32, #tpu.memory_space<vmem>>
    %dma_wait3A_280 = arith.constant 0 : i32
    %dma_wait3A_281 = tpu.memref_slice %arg10[%dma_wait3A_275, %dma_wait3A_280] : memref<3x80xi32, #tpu.memory_space<vmem>> -> memref<1x80xi32, #tpu.memory_space<vmem>>
    %dma_wait3A_282 = tpu.memref_squeeze %dma_wait3A_281 : memref<1x80xi32, #tpu.memory_space<vmem>> -> memref<80xi32, #tpu.memory_space<vmem>>
    %dma_wait3A_283 = arith.constant 0 : i32
    %dma_wait3A_284 = arith.constant 0 : i32
    %dma_wait3A_285 = tpu.memref_slice %arg7[%dma_wait3A_283, %dma_wait3A_284] : memref<10000x128xf32, #tpu.memory_space<vmem_shared>> -> memref<10000x128xf32, #tpu.memory_space<vmem_shared>>
    tpu.wait_indirect_dma semaphore(%arg16 : memref<!tpu.dma_semaphore, #tpu.memory_space<semaphore_mem>>) src(%dma_wait3A_279 : memref<80x128xf32, #tpu.memory_space<vmem>>) dst(%dma_wait3A_285 : memref<10000x128xf32, #tpu.memory_space<vmem_shared>>)
    %barrier3A_286 = arith.constant 0 : index
    tpu.barrier barrier_id(%barrier3A_286)
    %eq3A_287 = arith.constant 0 : i32
    %eq3A_288 = arith.cmpi eq, %arg0, %eq3A_287 : i32
    %convert_element_type3A_289 = arith.extui %eq3A_288 : i1 to i32
    %cond3A_290 = arith.constant 0 : i32
    %cond3A_291 = arith.cmpi ne, %convert_element_type3A_289, %cond3A_290 : i32
    scf.if %cond3A_291 {
      %mul3A_297 = arith.constant 624 : i32
      %mul3A_298 = arith.muli %arg1, %mul3A_297 : i32
      %mul3A_299 = arith.constant 624 : i32
      %mul3A_300 = arith.muli %arg1, %mul3A_299 : i32
      "tpu.region"() ({
        %run_scoped3A = tpu.sem_alloc : memref<!tpu.dma_semaphore, #tpu.memory_space<semaphore_mem>>
        %dma_start3A_306 = arith.constant 0 : i32
        %dma_start3A_307 = tpu.memref_slice %arg5[%mul3A_300, %dma_start3A_306] : memref<10000x128xf32, #tpu.memory_space<hbm>> -> memref<624x128xf32, #tpu.memory_space<hbm>>
        %dma_start3A_308 = arith.constant 0 : i32
        %dma_start3A_309 = tpu.memref_slice %arg7[%mul3A_298, %dma_start3A_308] : memref<10000x128xf32, #tpu.memory_space<vmem_shared>> -> memref<624x128xf32, #tpu.memory_space<vmem_shared>>
        tpu.enqueue_dma source(%dma_start3A_309 : memref<624x128xf32, #tpu.memory_space<vmem_shared>>) target(%dma_start3A_307 : memref<624x128xf32, #tpu.memory_space<hbm>>) target_semaphore(%run_scoped3A : memref<!tpu.dma_semaphore, #tpu.memory_space<semaphore_mem>>)
        %dma_wait3A_310 = arith.constant 0 : i32
        %dma_wait3A_311 = tpu.memref_slice %arg5[%mul3A_300, %dma_wait3A_310] : memref<10000x128xf32, #tpu.memory_space<hbm>> -> memref<624x128xf32, #tpu.memory_space<hbm>>
        %dma_wait3A_312 = arith.constant 0 : i32
        %dma_wait3A_313 = tpu.memref_slice %arg7[%mul3A_298, %dma_wait3A_312] : memref<10000x128xf32, #tpu.memory_space<vmem_shared>> -> memref<624x128xf32, #tpu.memory_space<vmem_shared>>
        tpu.wait_dma2 semaphore(%run_scoped3A : memref<!tpu.dma_semaphore, #tpu.memory_space<semaphore_mem>>) src(%dma_wait3A_313 : memref<624x128xf32, #tpu.memory_space<vmem_shared>>) dst(%dma_wait3A_311 : memref<624x128xf32, #tpu.memory_space<hbm>>)
        tpu.yield
      }) : () -> ()
      %eq3A_301 = arith.constant 0 : i32
      %eq3A_302 = arith.cmpi eq, %arg1, %eq3A_301 : i32
      %convert_element_type3A_303 = arith.extui %eq3A_302 : i1 to i32
      %cond3A_304 = arith.constant 0 : i32
      %cond3A_305 = arith.cmpi ne, %convert_element_type3A_303, %cond3A_304 : i32
      scf.if %cond3A_305 {
        "tpu.region"() ({
          %run_scoped3A = tpu.sem_alloc : memref<!tpu.dma_semaphore, #tpu.memory_space<semaphore_mem>>
          %dma_start3A_306 = arith.constant 9984 : i32
          %dma_start3A_307 = arith.constant 0 : i32
          %dma_start3A_308 = tpu.memref_slice %arg5[%dma_start3A_306, %dma_start3A_307] : memref<10000x128xf32, #tpu.memory_space<hbm>> -> memref<16x128xf32, #tpu.memory_space<hbm>>
          %dma_start3A_309 = arith.constant 9984 : i32
          %dma_start3A_310 = arith.constant 0 : i32
          %dma_start3A_311 = tpu.memref_slice %arg7[%dma_start3A_309, %dma_start3A_310] : memref<10000x128xf32, #tpu.memory_space<vmem_shared>> -> memref<16x128xf32, #tpu.memory_space<vmem_shared>>
          tpu.enqueue_dma source(%dma_start3A_311 : memref<16x128xf32, #tpu.memory_space<vmem_shared>>) target(%dma_start3A_308 : memref<16x128xf32, #tpu.memory_space<hbm>>) target_semaphore(%run_scoped3A : memref<!tpu.dma_semaphore, #tpu.memory_space<semaphore_mem>>)
          %dma_wait3A_312 = arith.constant 9984 : i32
          %dma_wait3A_313 = arith.constant 0 : i32
          %dma_wait3A_314 = tpu.memref_slice %arg5[%dma_wait3A_312, %dma_wait3A_313] : memref<10000x128xf32, #tpu.memory_space<hbm>> -> memref<16x128xf32, #tpu.memory_space<hbm>>
          %dma_wait3A_315 = arith.constant 9984 : i32
          %dma_wait3A_316 = arith.constant 0 : i32
          %dma_wait3A_317 = tpu.memref_slice %arg7[%dma_wait3A_315, %dma_wait3A_316] : memref<10000x128xf32, #tpu.memory_space<vmem_shared>> -> memref<16x128xf32, #tpu.memory_space<vmem_shared>>
          tpu.wait_dma2 semaphore(%run_scoped3A : memref<!tpu.dma_semaphore, #tpu.memory_space<semaphore_mem>>) src(%dma_wait3A_317 : memref<16x128xf32, #tpu.memory_space<vmem_shared>>) dst(%dma_wait3A_314 : memref<16x128xf32, #tpu.memory_space<hbm>>)
          tpu.yield
        }) : () -> ()
      } else {
      }
    } else {
    }
    %eq3A_292 = arith.constant 1 : i32
    %eq3A_293 = arith.cmpi eq, %arg0, %eq3A_292 : i32
    %convert_element_type3A_294 = arith.extui %eq3A_293 : i1 to i32
    %cond3A_295 = arith.constant 0 : i32
    %cond3A_296 = arith.cmpi ne, %convert_element_type3A_294, %cond3A_295 : i32
    scf.if %cond3A_296 {
      %mul3A_297 = arith.constant 624 : i32
      %mul3A_298 = arith.muli %arg1, %mul3A_297 : i32
      %mul3A_299 = arith.constant 624 : i32
      %mul3A_300 = arith.muli %arg1, %mul3A_299 : i32
      "tpu.region"() ({
        %run_scoped3A = tpu.sem_alloc : memref<!tpu.dma_semaphore, #tpu.memory_space<semaphore_mem>>
        %dma_start3A_306 = arith.constant 0 : i32
        %dma_start3A_307 = tpu.memref_slice %arg6[%mul3A_300, %dma_start3A_306] : memref<10000x128xf32, #tpu.memory_space<hbm>> -> memref<624x128xf32, #tpu.memory_space<hbm>>
        %dma_start3A_308 = arith.constant 0 : i32
        %dma_start3A_309 = tpu.memref_slice %arg7[%mul3A_298, %dma_start3A_308] : memref<10000x128xf32, #tpu.memory_space<vmem_shared>> -> memref<624x128xf32, #tpu.memory_space<vmem_shared>>
        tpu.enqueue_dma source(%dma_start3A_309 : memref<624x128xf32, #tpu.memory_space<vmem_shared>>) target(%dma_start3A_307 : memref<624x128xf32, #tpu.memory_space<hbm>>) target_semaphore(%run_scoped3A : memref<!tpu.dma_semaphore, #tpu.memory_space<semaphore_mem>>)
        %dma_wait3A_310 = arith.constant 0 : i32
        %dma_wait3A_311 = tpu.memref_slice %arg6[%mul3A_300, %dma_wait3A_310] : memref<10000x128xf32, #tpu.memory_space<hbm>> -> memref<624x128xf32, #tpu.memory_space<hbm>>
        %dma_wait3A_312 = arith.constant 0 : i32
        %dma_wait3A_313 = tpu.memref_slice %arg7[%mul3A_298, %dma_wait3A_312] : memref<10000x128xf32, #tpu.memory_space<vmem_shared>> -> memref<624x128xf32, #tpu.memory_space<vmem_shared>>
        tpu.wait_dma2 semaphore(%run_scoped3A : memref<!tpu.dma_semaphore, #tpu.memory_space<semaphore_mem>>) src(%dma_wait3A_313 : memref<624x128xf32, #tpu.memory_space<vmem_shared>>) dst(%dma_wait3A_311 : memref<624x128xf32, #tpu.memory_space<hbm>>)
        tpu.yield
      }) : () -> ()
      %eq3A_301 = arith.constant 0 : i32
      %eq3A_302 = arith.cmpi eq, %arg1, %eq3A_301 : i32
      %convert_element_type3A_303 = arith.extui %eq3A_302 : i1 to i32
      %cond3A_304 = arith.constant 0 : i32
      %cond3A_305 = arith.cmpi ne, %convert_element_type3A_303, %cond3A_304 : i32
      scf.if %cond3A_305 {
        "tpu.region"() ({
          %run_scoped3A = tpu.sem_alloc : memref<!tpu.dma_semaphore, #tpu.memory_space<semaphore_mem>>
          %dma_start3A_306 = arith.constant 9984 : i32
          %dma_start3A_307 = arith.constant 0 : i32
          %dma_start3A_308 = tpu.memref_slice %arg6[%dma_start3A_306, %dma_start3A_307] : memref<10000x128xf32, #tpu.memory_space<hbm>> -> memref<16x128xf32, #tpu.memory_space<hbm>>
          %dma_start3A_309 = arith.constant 9984 : i32
          %dma_start3A_310 = arith.constant 0 : i32
          %dma_start3A_311 = tpu.memref_slice %arg7[%dma_start3A_309, %dma_start3A_310] : memref<10000x128xf32, #tpu.memory_space<vmem_shared>> -> memref<16x128xf32, #tpu.memory_space<vmem_shared>>
          tpu.enqueue_dma source(%dma_start3A_311 : memref<16x128xf32, #tpu.memory_space<vmem_shared>>) target(%dma_start3A_308 : memref<16x128xf32, #tpu.memory_space<hbm>>) target_semaphore(%run_scoped3A : memref<!tpu.dma_semaphore, #tpu.memory_space<semaphore_mem>>)
          %dma_wait3A_312 = arith.constant 9984 : i32
          %dma_wait3A_313 = arith.constant 0 : i32
          %dma_wait3A_314 = tpu.memref_slice %arg6[%dma_wait3A_312, %dma_wait3A_313] : memref<10000x128xf32, #tpu.memory_space<hbm>> -> memref<16x128xf32, #tpu.memory_space<hbm>>
          %dma_wait3A_315 = arith.constant 9984 : i32
          %dma_wait3A_316 = arith.constant 0 : i32
          %dma_wait3A_317 = tpu.memref_slice %arg7[%dma_wait3A_315, %dma_wait3A_316] : memref<10000x128xf32, #tpu.memory_space<vmem_shared>> -> memref<16x128xf32, #tpu.memory_space<vmem_shared>>
          tpu.wait_dma2 semaphore(%run_scoped3A : memref<!tpu.dma_semaphore, #tpu.memory_space<semaphore_mem>>) src(%dma_wait3A_317 : memref<16x128xf32, #tpu.memory_space<vmem_shared>>) dst(%dma_wait3A_314 : memref<16x128xf32, #tpu.memory_space<hbm>>)
          tpu.yield
        }) : () -> ()
      } else {
      }
    } else {
    }
    return
  }
}

#map = affine_map<(d0, d1) -> (0, 0)>
#map1 = affine_map<(d0, d1) -> (0)>
module attributes {stable_mosaic.version = 14 : i64} {
  func.func @agg_kernel(%arg0: i32, %arg1: i32, %arg2: memref<10000x128xf32, #tpu.memory_space<hbm>>, %arg3: memref<320000xi32, #tpu.memory_space<hbm>>, %arg4: memref<624x128xf32, #tpu.memory_space<hbm>>, %arg5: memref<10000x128xf32, #tpu.memory_space<hbm>>, %arg6: memref<10000x128xf32, #tpu.memory_space<hbm>>, %arg7: memref<10000x128xf32, #tpu.memory_space<vmem_shared>>, %arg8: memref<10000xi32, #tpu.memory_space<vmem>>, %arg9: memref<3x80xi32, #tpu.memory_space<vmem>>, %arg10: memref<3x80xi32, #tpu.memory_space<vmem>>, %arg11: memref<3x80x128xf32, #tpu.memory_space<vmem>>, %arg12: memref<!tpu.dma_semaphore, #tpu.memory_space<semaphore_mem>>, %arg13: memref<!tpu.dma_semaphore, #tpu.memory_space<semaphore_mem>>, %arg14: memref<!tpu.dma_semaphore, #tpu.memory_space<semaphore_mem>>, %arg15: memref<!tpu.dma_semaphore, #tpu.memory_space<semaphore_mem>>, %arg16: memref<!tpu.dma_semaphore, #tpu.memory_space<semaphore_mem>>, %arg17: memref<!tpu.dma_semaphore, #tpu.memory_space<semaphore_mem>>) attributes {dimension_semantics = [#tpu.dimension_semantics<core_parallel>, #tpu.dimension_semantics<subcore_parallel>], iteration_bounds = array<i64: 2, 16>, scalar_prefetch = 0 : i64, scratch_operands = 11 : i64, tpu.core_type = #tpu.core_type<sc_vector_subcore>, window_params = [{transform_indices = #map}, {transform_indices = #map1}, {transform_indices = #map}, {transform_indices = #map}, {transform_indices = #map}]} {
    %mul3A = arith.constant 16 : i32
    %mul3A_0 = arith.muli %arg0, %mul3A : i32
    %add3A = arith.addi %mul3A_0, %arg1 : i32
    %mul3A_1 = arith.constant 10000 : i32
    %mul3A_2 = arith.muli %add3A, %mul3A_1 : i32
    "tpu.region"() ({
      %run_scoped3A = tpu.sem_alloc : memref<!tpu.dma_semaphore, #tpu.memory_space<semaphore_mem>>
      %dma_start3A_297 = tpu.memref_slice %arg3[%mul3A_2] : memref<320000xi32, #tpu.memory_space<hbm>> -> memref<10000xi32, #tpu.memory_space<hbm>>
      %dma_start3A_298 = tpu.memref_slice %arg3[%mul3A_2] : memref<320000xi32, #tpu.memory_space<hbm>> -> memref<10000xi32, #tpu.memory_space<hbm>>
      tpu.enqueue_dma source(%dma_start3A_298 : memref<10000xi32, #tpu.memory_space<hbm>>) target(%arg8 : memref<10000xi32, #tpu.memory_space<vmem>>) target_semaphore(%run_scoped3A : memref<!tpu.dma_semaphore, #tpu.memory_space<semaphore_mem>>)
      %dma_wait3A_299 = tpu.memref_slice %arg3[%mul3A_2] : memref<320000xi32, #tpu.memory_space<hbm>> -> memref<10000xi32, #tpu.memory_space<hbm>>
      %dma_wait3A_300 = tpu.memref_slice %arg3[%mul3A_2] : memref<320000xi32, #tpu.memory_space<hbm>> -> memref<10000xi32, #tpu.memory_space<hbm>>
      tpu.wait_dma2 semaphore(%run_scoped3A : memref<!tpu.dma_semaphore, #tpu.memory_space<semaphore_mem>>) src(%dma_wait3A_300 : memref<10000xi32, #tpu.memory_space<hbm>>) dst(%arg8 : memref<10000xi32, #tpu.memory_space<vmem>>)
      tpu.yield
    }) : () -> ()
    %scan3A = arith.constant 0 : i32
    %scan3A_3 = arith.constant 0 : i32
    %scan3A_4 = arith.constant 5 : i32
    %scan3A_5 = arith.addi %scan3A_3, %scan3A_4 : i32
    %scan3A_6 = arith.constant 1 : i32
    %scan3A_7 = scf.for %scan3A_297 = %scan3A_3 to %scan3A_5 step %scan3A_6 iter_args(%scan3A_298 = %scan3A) -> (i32)  : i32 {
      %mul3A_299 = arith.constant 16 : i32
      %mul3A_300 = arith.muli %scan3A_297, %mul3A_299 : i32
      %add3A_301 = arith.constant 0 : i32
      %add3A_302 = arith.addi %add3A_301, %mul3A_300 : i32
      %get3A = arith.index_cast %add3A_302 : i32 to index
      %get3A_303 = tpu.vector_load %arg8[%get3A] {strides = array<i32>} : memref<10000xi32, #tpu.memory_space<vmem>>, vector<16xi32>,
      %get3A_304 = vector.shape_cast %get3A_303 : vector<16xi32> to vector<16xi32>
      %shift_right_logical3A = arith.constant 14 : i32
      %shift_right_logical3A_305 = vector.broadcast %shift_right_logical3A : i32 to vector<16xi32>
      %shift_right_logical3A_306 = arith.shrui %get3A_304, %shift_right_logical3A_305 : vector<16xi32>
      %mul3A_307 = arith.constant 16 : i32
      %mul3A_308 = arith.muli %scan3A_297, %mul3A_307 : i32
      %swap3A = arith.constant 0 : i32
      %swap3A_309 = arith.index_cast %swap3A : i32 to index
      %swap3A_310 = arith.index_cast %mul3A_308 : i32 to index
      %swap3A_311 = tpu.vector_load %arg9[%swap3A_309, %swap3A_310] {strides = array<i32>} : memref<3x80xi32, #tpu.memory_space<vmem>>, vector<1x16xi32>,
      %swap3A_312 = vector.shape_cast %swap3A_311 : vector<1x16xi32> to vector<16xi32>
      %swap3A_313 = vector.shape_cast %shift_right_logical3A_306 : vector<16xi32> to vector<1x16xi32>
      tpu.vector_store %arg9[%swap3A_309, %swap3A_310], %swap3A_313 {strides = array<i32>} : memref<3x80xi32, #tpu.memory_space<vmem>>, vector<1x16xi32>,
      %and3A = arith.constant 16383 : i32
      %and3A_314 = vector.broadcast %and3A : i32 to vector<16xi32>
      %and3A_315 = arith.andi %get3A_304, %and3A_314 : vector<16xi32>
      %mul3A_316 = arith.constant 16 : i32
      %mul3A_317 = arith.muli %scan3A_297, %mul3A_316 : i32
      %swap3A_318 = arith.constant 0 : i32
      %swap3A_319 = arith.index_cast %swap3A_318 : i32 to index
      %swap3A_320 = arith.index_cast %mul3A_317 : i32 to index
      %swap3A_321 = tpu.vector_load %arg10[%swap3A_319, %swap3A_320] {strides = array<i32>} : memref<3x80xi32, #tpu.memory_space<vmem>>, vector<1x16xi32>,
      %swap3A_322 = vector.shape_cast %swap3A_321 : vector<1x16xi32> to vector<16xi32>
      %swap3A_323 = vector.shape_cast %and3A_315 : vector<16xi32> to vector<1x16xi32>
      tpu.vector_store %arg10[%swap3A_319, %swap3A_320], %swap3A_323 {strides = array<i32>} : memref<3x80xi32, #tpu.memory_space<vmem>>, vector<1x16xi32>,
      %scan3A_324 = arith.constant 0 : i32
      scf.yield %scan3A_324 : i32
    }
    %scan3A_8 = arith.constant 5 : i32
    %dma_start3A = arith.constant 0 : i32
    %dma_start3A_9 = arith.constant 0 : i32
    %dma_start3A_10 = arith.constant 0 : i32
    %dma_start3A_11 = arith.constant 0 : i32
    %dma_start3A_12 = tpu.memref_slice %arg11[%dma_start3A_9, %dma_start3A_10, %dma_start3A_11] : memref<3x80x128xf32, #tpu.memory_space<vmem>> -> memref<1x80x128xf32, #tpu.memory_space<vmem>>
    %dma_start3A_13 = tpu.memref_squeeze %dma_start3A_12 : memref<1x80x128xf32, #tpu.memory_space<vmem>> -> memref<80x128xf32, #tpu.memory_space<vmem>>
    %dma_start3A_14 = arith.constant 0 : i32
    %dma_start3A_15 = tpu.memref_slice %arg9[%dma_start3A, %dma_start3A_14] : memref<3x80xi32, #tpu.memory_space<vmem>> -> memref<1x80xi32, #tpu.memory_space<vmem>>
    %dma_start3A_16 = tpu.memref_squeeze %dma_start3A_15 : memref<1x80xi32, #tpu.memory_space<vmem>> -> memref<80xi32, #tpu.memory_space<vmem>>
    %dma_start3A_17 = arith.constant 0 : i32
    %dma_start3A_18 = arith.constant 0 : i32
    %dma_start3A_19 = tpu.memref_slice %arg2[%dma_start3A_17, %dma_start3A_18] : memref<10000x128xf32, #tpu.memory_space<hbm>> -> memref<10000x128xf32, #tpu.memory_space<hbm>>
    tpu.enqueue_indirect_dma source(%dma_start3A_19 : memref<10000x128xf32, #tpu.memory_space<hbm>>) target(%dma_start3A_13 : memref<80x128xf32, #tpu.memory_space<vmem>>) offsets(%dma_start3A_16 : memref<80xi32, #tpu.memory_space<vmem>>) semaphore(%arg12 : memref<!tpu.dma_semaphore, #tpu.memory_space<semaphore_mem>>)
    %scan3A_20 = arith.constant 0 : i32
    %scan3A_21 = arith.constant 0 : i32
    %scan3A_22 = arith.constant 5 : i32
    %scan3A_23 = arith.addi %scan3A_21, %scan3A_22 : i32
    %scan3A_24 = arith.constant 1 : i32
    %scan3A_25 = scf.for %scan3A_297 = %scan3A_21 to %scan3A_23 step %scan3A_24 iter_args(%scan3A_298 = %scan3A_20) -> (i32)  : i32 {
      %mul3A_299 = arith.constant 16 : i32
      %mul3A_300 = arith.muli %scan3A_297, %mul3A_299 : i32
      %add3A_301 = arith.constant 80 : i32
      %add3A_302 = arith.addi %add3A_301, %mul3A_300 : i32
      %get3A = arith.index_cast %add3A_302 : i32 to index
      %get3A_303 = tpu.vector_load %arg8[%get3A] {strides = array<i32>} : memref<10000xi32, #tpu.memory_space<vmem>>, vector<16xi32>,
      %get3A_304 = vector.shape_cast %get3A_303 : vector<16xi32> to vector<16xi32>
      %shift_right_logical3A = arith.constant 14 : i32
      %shift_right_logical3A_305 = vector.broadcast %shift_right_logical3A : i32 to vector<16xi32>
      %shift_right_logical3A_306 = arith.shrui %get3A_304, %shift_right_logical3A_305 : vector<16xi32>
      %mul3A_307 = arith.constant 16 : i32
      %mul3A_308 = arith.muli %scan3A_297, %mul3A_307 : i32
      %swap3A = arith.constant 1 : i32
      %swap3A_309 = arith.index_cast %swap3A : i32 to index
      %swap3A_310 = arith.index_cast %mul3A_308 : i32 to index
      %swap3A_311 = tpu.vector_load %arg9[%swap3A_309, %swap3A_310] {strides = array<i32>} : memref<3x80xi32, #tpu.memory_space<vmem>>, vector<1x16xi32>,
      %swap3A_312 = vector.shape_cast %swap3A_311 : vector<1x16xi32> to vector<16xi32>
      %swap3A_313 = vector.shape_cast %shift_right_logical3A_306 : vector<16xi32> to vector<1x16xi32>
      tpu.vector_store %arg9[%swap3A_309, %swap3A_310], %swap3A_313 {strides = array<i32>} : memref<3x80xi32, #tpu.memory_space<vmem>>, vector<1x16xi32>,
      %and3A = arith.constant 16383 : i32
      %and3A_314 = vector.broadcast %and3A : i32 to vector<16xi32>
      %and3A_315 = arith.andi %get3A_304, %and3A_314 : vector<16xi32>
      %mul3A_316 = arith.constant 16 : i32
      %mul3A_317 = arith.muli %scan3A_297, %mul3A_316 : i32
      %swap3A_318 = arith.constant 1 : i32
      %swap3A_319 = arith.index_cast %swap3A_318 : i32 to index
      %swap3A_320 = arith.index_cast %mul3A_317 : i32 to index
      %swap3A_321 = tpu.vector_load %arg10[%swap3A_319, %swap3A_320] {strides = array<i32>} : memref<3x80xi32, #tpu.memory_space<vmem>>, vector<1x16xi32>,
      %swap3A_322 = vector.shape_cast %swap3A_321 : vector<1x16xi32> to vector<16xi32>
      %swap3A_323 = vector.shape_cast %and3A_315 : vector<16xi32> to vector<1x16xi32>
      tpu.vector_store %arg10[%swap3A_319, %swap3A_320], %swap3A_323 {strides = array<i32>} : memref<3x80xi32, #tpu.memory_space<vmem>>, vector<1x16xi32>,
      %scan3A_324 = arith.constant 0 : i32
      scf.yield %scan3A_324 : i32
    }
    %scan3A_26 = arith.constant 5 : i32
    %dma_start3A_27 = arith.constant 1 : i32
    %dma_start3A_28 = arith.constant 1 : i32
    %dma_start3A_29 = arith.constant 0 : i32
    %dma_start3A_30 = arith.constant 0 : i32
    %dma_start3A_31 = tpu.memref_slice %arg11[%dma_start3A_28, %dma_start3A_29, %dma_start3A_30] : memref<3x80x128xf32, #tpu.memory_space<vmem>> -> memref<1x80x128xf32, #tpu.memory_space<vmem>>
    %dma_start3A_32 = tpu.memref_squeeze %dma_start3A_31 : memref<1x80x128xf32, #tpu.memory_space<vmem>> -> memref<80x128xf32, #tpu.memory_space<vmem>>
    %dma_start3A_33 = arith.constant 0 : i32
    %dma_start3A_34 = tpu.memref_slice %arg9[%dma_start3A_27, %dma_start3A_33] : memref<3x80xi32, #tpu.memory_space<vmem>> -> memref<1x80xi32, #tpu.memory_space<vmem>>
    %dma_start3A_35 = tpu.memref_squeeze %dma_start3A_34 : memref<1x80xi32, #tpu.memory_space<vmem>> -> memref<80xi32, #tpu.memory_space<vmem>>
    %dma_start3A_36 = arith.constant 0 : i32
    %dma_start3A_37 = arith.constant 0 : i32
    %dma_start3A_38 = tpu.memref_slice %arg2[%dma_start3A_36, %dma_start3A_37] : memref<10000x128xf32, #tpu.memory_space<hbm>> -> memref<10000x128xf32, #tpu.memory_space<hbm>>
    tpu.enqueue_indirect_dma source(%dma_start3A_38 : memref<10000x128xf32, #tpu.memory_space<hbm>>) target(%dma_start3A_32 : memref<80x128xf32, #tpu.memory_space<vmem>>) offsets(%dma_start3A_35 : memref<80xi32, #tpu.memory_space<vmem>>) semaphore(%arg13 : memref<!tpu.dma_semaphore, #tpu.memory_space<semaphore_mem>>)
    %scan3A_39 = arith.constant 0 : i32
    %scan3A_40 = arith.constant 0 : i32
    %scan3A_41 = arith.constant 5 : i32
    %scan3A_42 = arith.addi %scan3A_40, %scan3A_41 : i32
    %scan3A_43 = arith.constant 1 : i32
    %scan3A_44 = scf.for %scan3A_297 = %scan3A_40 to %scan3A_42 step %scan3A_43 iter_args(%scan3A_298 = %scan3A_39) -> (i32)  : i32 {
      %mul3A_299 = arith.constant 16 : i32
      %mul3A_300 = arith.muli %scan3A_297, %mul3A_299 : i32
      %add3A_301 = arith.constant 160 : i32
      %add3A_302 = arith.addi %add3A_301, %mul3A_300 : i32
      %get3A = arith.index_cast %add3A_302 : i32 to index
      %get3A_303 = tpu.vector_load %arg8[%get3A] {strides = array<i32>} : memref<10000xi32, #tpu.memory_space<vmem>>, vector<16xi32>,
      %get3A_304 = vector.shape_cast %get3A_303 : vector<16xi32> to vector<16xi32>
      %shift_right_logical3A = arith.constant 14 : i32
      %shift_right_logical3A_305 = vector.broadcast %shift_right_logical3A : i32 to vector<16xi32>
      %shift_right_logical3A_306 = arith.shrui %get3A_304, %shift_right_logical3A_305 : vector<16xi32>
      %mul3A_307 = arith.constant 16 : i32
      %mul3A_308 = arith.muli %scan3A_297, %mul3A_307 : i32
      %swap3A = arith.constant 2 : i32
      %swap3A_309 = arith.index_cast %swap3A : i32 to index
      %swap3A_310 = arith.index_cast %mul3A_308 : i32 to index
      %swap3A_311 = tpu.vector_load %arg9[%swap3A_309, %swap3A_310] {strides = array<i32>} : memref<3x80xi32, #tpu.memory_space<vmem>>, vector<1x16xi32>,
      %swap3A_312 = vector.shape_cast %swap3A_311 : vector<1x16xi32> to vector<16xi32>
      %swap3A_313 = vector.shape_cast %shift_right_logical3A_306 : vector<16xi32> to vector<1x16xi32>
      tpu.vector_store %arg9[%swap3A_309, %swap3A_310], %swap3A_313 {strides = array<i32>} : memref<3x80xi32, #tpu.memory_space<vmem>>, vector<1x16xi32>,
      %and3A = arith.constant 16383 : i32
      %and3A_314 = vector.broadcast %and3A : i32 to vector<16xi32>
      %and3A_315 = arith.andi %get3A_304, %and3A_314 : vector<16xi32>
      %mul3A_316 = arith.constant 16 : i32
      %mul3A_317 = arith.muli %scan3A_297, %mul3A_316 : i32
      %swap3A_318 = arith.constant 2 : i32
      %swap3A_319 = arith.index_cast %swap3A_318 : i32 to index
      %swap3A_320 = arith.index_cast %mul3A_317 : i32 to index
      %swap3A_321 = tpu.vector_load %arg10[%swap3A_319, %swap3A_320] {strides = array<i32>} : memref<3x80xi32, #tpu.memory_space<vmem>>, vector<1x16xi32>,
      %swap3A_322 = vector.shape_cast %swap3A_321 : vector<1x16xi32> to vector<16xi32>
      %swap3A_323 = vector.shape_cast %and3A_315 : vector<16xi32> to vector<1x16xi32>
      tpu.vector_store %arg10[%swap3A_319, %swap3A_320], %swap3A_323 {strides = array<i32>} : memref<3x80xi32, #tpu.memory_space<vmem>>, vector<1x16xi32>,
      %scan3A_324 = arith.constant 0 : i32
      scf.yield %scan3A_324 : i32
    }
    %scan3A_45 = arith.constant 5 : i32
    %dma_start3A_46 = arith.constant 2 : i32
    %dma_start3A_47 = arith.constant 2 : i32
    %dma_start3A_48 = arith.constant 0 : i32
    %dma_start3A_49 = arith.constant 0 : i32
    %dma_start3A_50 = tpu.memref_slice %arg11[%dma_start3A_47, %dma_start3A_48, %dma_start3A_49] : memref<3x80x128xf32, #tpu.memory_space<vmem>> -> memref<1x80x128xf32, #tpu.memory_space<vmem>>
    %dma_start3A_51 = tpu.memref_squeeze %dma_start3A_50 : memref<1x80x128xf32, #tpu.memory_space<vmem>> -> memref<80x128xf32, #tpu.memory_space<vmem>>
    %dma_start3A_52 = arith.constant 0 : i32
    %dma_start3A_53 = tpu.memref_slice %arg9[%dma_start3A_46, %dma_start3A_52] : memref<3x80xi32, #tpu.memory_space<vmem>> -> memref<1x80xi32, #tpu.memory_space<vmem>>
    %dma_start3A_54 = tpu.memref_squeeze %dma_start3A_53 : memref<1x80xi32, #tpu.memory_space<vmem>> -> memref<80xi32, #tpu.memory_space<vmem>>
    %dma_start3A_55 = arith.constant 0 : i32
    %dma_start3A_56 = arith.constant 0 : i32
    %dma_start3A_57 = tpu.memref_slice %arg2[%dma_start3A_55, %dma_start3A_56] : memref<10000x128xf32, #tpu.memory_space<hbm>> -> memref<10000x128xf32, #tpu.memory_space<hbm>>
    tpu.enqueue_indirect_dma source(%dma_start3A_57 : memref<10000x128xf32, #tpu.memory_space<hbm>>) target(%dma_start3A_51 : memref<80x128xf32, #tpu.memory_space<vmem>>) offsets(%dma_start3A_54 : memref<80xi32, #tpu.memory_space<vmem>>) semaphore(%arg14 : memref<!tpu.dma_semaphore, #tpu.memory_space<semaphore_mem>>)
    %mul3A_58 = arith.constant 624 : i32
    %mul3A_59 = arith.muli %arg1, %mul3A_58 : i32
    "tpu.region"() ({
      %run_scoped3A = tpu.sem_alloc : memref<!tpu.dma_semaphore, #tpu.memory_space<semaphore_mem>>
      %dma_start3A_297 = arith.constant 0 : i32
      %dma_start3A_298 = tpu.memref_slice %arg7[%mul3A_59, %dma_start3A_297] : memref<10000x128xf32, #tpu.memory_space<vmem_shared>> -> memref<624x128xf32, #tpu.memory_space<vmem_shared>>
      %dma_start3A_299 = arith.constant 0 : i32
      %dma_start3A_300 = arith.constant 0 : i32
      %dma_start3A_301 = tpu.memref_slice %arg4[%dma_start3A_299, %dma_start3A_300] : memref<624x128xf32, #tpu.memory_space<hbm>> -> memref<624x128xf32, #tpu.memory_space<hbm>>
      tpu.enqueue_dma source(%dma_start3A_301 : memref<624x128xf32, #tpu.memory_space<hbm>>) target(%dma_start3A_298 : memref<624x128xf32, #tpu.memory_space<vmem_shared>>) target_semaphore(%run_scoped3A : memref<!tpu.dma_semaphore, #tpu.memory_space<semaphore_mem>>)
      %dma_wait3A_302 = arith.constant 0 : i32
      %dma_wait3A_303 = tpu.memref_slice %arg7[%mul3A_59, %dma_wait3A_302] : memref<10000x128xf32, #tpu.memory_space<vmem_shared>> -> memref<624x128xf32, #tpu.memory_space<vmem_shared>>
      %dma_wait3A_304 = arith.constant 0 : i32
      %dma_wait3A_305 = arith.constant 0 : i32
      %dma_wait3A_306 = tpu.memref_slice %arg4[%dma_wait3A_304, %dma_wait3A_305] : memref<624x128xf32, #tpu.memory_space<hbm>> -> memref<624x128xf32, #tpu.memory_space<hbm>>
      tpu.wait_dma2 semaphore(%run_scoped3A : memref<!tpu.dma_semaphore, #tpu.memory_space<semaphore_mem>>) src(%dma_wait3A_306 : memref<624x128xf32, #tpu.memory_space<hbm>>) dst(%dma_wait3A_303 : memref<624x128xf32, #tpu.memory_space<vmem_shared>>)
      tpu.yield
    }) : () -> ()
    %eq3A = arith.constant 0 : i32
    %eq3A_60 = arith.cmpi eq, %arg1, %eq3A : i32
    %convert_element_type3A = arith.extui %eq3A_60 : i1 to i32
    %cond3A = arith.constant 0 : i32
    %cond3A_61 = arith.cmpi ne, %convert_element_type3A, %cond3A : i32
    scf.if %cond3A_61 {
      "tpu.region"() ({
        %run_scoped3A = tpu.sem_alloc : memref<!tpu.dma_semaphore, #tpu.memory_space<semaphore_mem>>
        %dma_start3A_297 = arith.constant 9984 : i32
        %dma_start3A_298 = arith.constant 0 : i32
        %dma_start3A_299 = tpu.memref_slice %arg7[%dma_start3A_297, %dma_start3A_298] : memref<10000x128xf32, #tpu.memory_space<vmem_shared>> -> memref<16x128xf32, #tpu.memory_space<vmem_shared>>
        %dma_start3A_300 = arith.constant 0 : i32
        %dma_start3A_301 = arith.constant 0 : i32
        %dma_start3A_302 = tpu.memref_slice %arg4[%dma_start3A_300, %dma_start3A_301] : memref<624x128xf32, #tpu.memory_space<hbm>> -> memref<16x128xf32, #tpu.memory_space<hbm>>
        tpu.enqueue_dma source(%dma_start3A_302 : memref<16x128xf32, #tpu.memory_space<hbm>>) target(%dma_start3A_299 : memref<16x128xf32, #tpu.memory_space<vmem_shared>>) target_semaphore(%run_scoped3A : memref<!tpu.dma_semaphore, #tpu.memory_space<semaphore_mem>>)
        %dma_wait3A_303 = arith.constant 9984 : i32
        %dma_wait3A_304 = arith.constant 0 : i32
        %dma_wait3A_305 = tpu.memref_slice %arg7[%dma_wait3A_303, %dma_wait3A_304] : memref<10000x128xf32, #tpu.memory_space<vmem_shared>> -> memref<16x128xf32, #tpu.memory_space<vmem_shared>>
        %dma_wait3A_306 = arith.constant 0 : i32
        %dma_wait3A_307 = arith.constant 0 : i32
        %dma_wait3A_308 = tpu.memref_slice %arg4[%dma_wait3A_306, %dma_wait3A_307] : memref<624x128xf32, #tpu.memory_space<hbm>> -> memref<16x128xf32, #tpu.memory_space<hbm>>
        tpu.wait_dma2 semaphore(%run_scoped3A : memref<!tpu.dma_semaphore, #tpu.memory_space<semaphore_mem>>) src(%dma_wait3A_308 : memref<16x128xf32, #tpu.memory_space<hbm>>) dst(%dma_wait3A_305 : memref<16x128xf32, #tpu.memory_space<vmem_shared>>)
        tpu.yield
      }) : () -> ()
    } else {
    }
    %barrier3A = arith.constant 0 : index
    tpu.barrier barrier_id(%barrier3A)
    %scan3A_62 = arith.constant 0 : i32
    %scan3A_63 = arith.constant 0 : i32
    %scan3A_64 = arith.constant 40 : i32
    %scan3A_65 = arith.addi %scan3A_63, %scan3A_64 : i32
    %scan3A_66 = arith.constant 1 : i32
    %scan3A_67 = scf.for %scan3A_297 = %scan3A_63 to %scan3A_65 step %scan3A_66 iter_args(%scan3A_298 = %scan3A_62) -> (i32)  : i32 {
      %mul3A_299 = arith.constant 3 : i32
      %mul3A_300 = arith.muli %scan3A_297, %mul3A_299 : i32
      %add3A_301 = arith.constant 0 : i32
      %add3A_302 = arith.addi %mul3A_300, %add3A_301 : i32
      %dma_wait3A_303 = arith.constant 0 : i32
      %dma_wait3A_304 = arith.constant 0 : i32
      %dma_wait3A_305 = arith.constant 0 : i32
      %dma_wait3A_306 = arith.constant 0 : i32
      %dma_wait3A_307 = tpu.memref_slice %arg11[%dma_wait3A_304, %dma_wait3A_305, %dma_wait3A_306] : memref<3x80x128xf32, #tpu.memory_space<vmem>> -> memref<1x80x128xf32, #tpu.memory_space<vmem>>
      %dma_wait3A_308 = tpu.memref_squeeze %dma_wait3A_307 : memref<1x80x128xf32, #tpu.memory_space<vmem>> -> memref<80x128xf32, #tpu.memory_space<vmem>>
      %dma_wait3A_309 = arith.constant 0 : i32
      %dma_wait3A_310 = tpu.memref_slice %arg9[%dma_wait3A_303, %dma_wait3A_309] : memref<3x80xi32, #tpu.memory_space<vmem>> -> memref<1x80xi32, #tpu.memory_space<vmem>>
      %dma_wait3A_311 = tpu.memref_squeeze %dma_wait3A_310 : memref<1x80xi32, #tpu.memory_space<vmem>> -> memref<80xi32, #tpu.memory_space<vmem>>
      %dma_wait3A_312 = arith.constant 0 : i32
      %dma_wait3A_313 = arith.constant 0 : i32
      %dma_wait3A_314 = tpu.memref_slice %arg2[%dma_wait3A_312, %dma_wait3A_313] : memref<10000x128xf32, #tpu.memory_space<hbm>> -> memref<10000x128xf32, #tpu.memory_space<hbm>>
      tpu.wait_indirect_dma semaphore(%arg12 : memref<!tpu.dma_semaphore, #tpu.memory_space<semaphore_mem>>) src(%dma_wait3A_314 : memref<10000x128xf32, #tpu.memory_space<hbm>>) dst(%dma_wait3A_308 : memref<80x128xf32, #tpu.memory_space<vmem>>)
      %dma_start3A_315 = arith.constant 0 : i32
      %dma_start3A_316 = arith.constant 0 : i32
      %dma_start3A_317 = arith.constant 0 : i32
      %dma_start3A_318 = arith.constant 0 : i32
      %dma_start3A_319 = tpu.memref_slice %arg11[%dma_start3A_315, %dma_start3A_317, %dma_start3A_318] : memref<3x80x128xf32, #tpu.memory_space<vmem>> -> memref<1x80x128xf32, #tpu.memory_space<vmem>>
      %dma_start3A_320 = tpu.memref_squeeze %dma_start3A_319 : memref<1x80x128xf32, #tpu.memory_space<vmem>> -> memref<80x128xf32, #tpu.memory_space<vmem>>
      %dma_start3A_321 = arith.constant 0 : i32
      %dma_start3A_322 = tpu.memref_slice %arg10[%dma_start3A_316, %dma_start3A_321] : memref<3x80xi32, #tpu.memory_space<vmem>> -> memref<1x80xi32, #tpu.memory_space<vmem>>
      %dma_start3A_323 = tpu.memref_squeeze %dma_start3A_322 : memref<1x80xi32, #tpu.memory_space<vmem>> -> memref<80xi32, #tpu.memory_space<vmem>>
      %dma_start3A_324 = arith.constant 0 : i32
      %dma_start3A_325 = arith.constant 0 : i32
      %dma_start3A_326 = tpu.memref_slice %arg7[%dma_start3A_324, %dma_start3A_325] : memref<10000x128xf32, #tpu.memory_space<vmem_shared>> -> memref<10000x128xf32, #tpu.memory_space<vmem_shared>>
      tpu.enqueue_indirect_dma source(%dma_start3A_320 : memref<80x128xf32, #tpu.memory_space<vmem>>) target(%dma_start3A_326 : memref<10000x128xf32, #tpu.memory_space<vmem_shared>>) offsets(%dma_start3A_323 : memref<80xi32, #tpu.memory_space<vmem>>) semaphore(%arg15 : memref<!tpu.dma_semaphore, #tpu.memory_space<semaphore_mem>>) {add = true}
      %dma_wait3A_327 = arith.constant 0 : i32
      %dma_wait3A_328 = arith.constant 0 : i32
      %dma_wait3A_329 = arith.constant 0 : i32
      %dma_wait3A_330 = arith.constant 0 : i32
      %dma_wait3A_331 = tpu.memref_slice %arg11[%dma_wait3A_327, %dma_wait3A_329, %dma_wait3A_330] : memref<3x80x128xf32, #tpu.memory_space<vmem>> -> memref<1x80x128xf32, #tpu.memory_space<vmem>>
      %dma_wait3A_332 = tpu.memref_squeeze %dma_wait3A_331 : memref<1x80x128xf32, #tpu.memory_space<vmem>> -> memref<80x128xf32, #tpu.memory_space<vmem>>
      %dma_wait3A_333 = arith.constant 0 : i32
      %dma_wait3A_334 = tpu.memref_slice %arg10[%dma_wait3A_328, %dma_wait3A_333] : memref<3x80xi32, #tpu.memory_space<vmem>> -> memref<1x80xi32, #tpu.memory_space<vmem>>
      %dma_wait3A_335 = tpu.memref_squeeze %dma_wait3A_334 : memref<1x80xi32, #tpu.memory_space<vmem>> -> memref<80xi32, #tpu.memory_space<vmem>>
      %dma_wait3A_336 = arith.constant 0 : i32
      %dma_wait3A_337 = arith.constant 0 : i32
      %dma_wait3A_338 = tpu.memref_slice %arg7[%dma_wait3A_336, %dma_wait3A_337] : memref<10000x128xf32, #tpu.memory_space<vmem_shared>> -> memref<10000x128xf32, #tpu.memory_space<vmem_shared>>
      tpu.wait_indirect_dma semaphore(%arg15 : memref<!tpu.dma_semaphore, #tpu.memory_space<semaphore_mem>>) src(%dma_wait3A_332 : memref<80x128xf32, #tpu.memory_space<vmem>>) dst(%dma_wait3A_338 : memref<10000x128xf32, #tpu.memory_space<vmem_shared>>)
      %add3A_339 = arith.constant 3 : i32
      %add3A_340 = arith.addi %add3A_302, %add3A_339 : i32
      %scan3A_341 = arith.constant 0 : i32
      %scan3A_342 = arith.constant 0 : i32
      %scan3A_343 = arith.constant 5 : i32
      %scan3A_344 = arith.addi %scan3A_342, %scan3A_343 : i32
      %scan3A_345 = arith.constant 1 : i32
      %scan3A_346 = scf.for %scan3A_483 = %scan3A_342 to %scan3A_344 step %scan3A_345 iter_args(%scan3A_484 = %scan3A_341) -> (i32)  : i32 {
        %mul3A_485 = arith.constant 80 : i32
        %mul3A_486 = arith.muli %add3A_340, %mul3A_485 : i32
        %mul3A_487 = arith.constant 16 : i32
        %mul3A_488 = arith.muli %scan3A_483, %mul3A_487 : i32
        %add3A_489 = arith.addi %mul3A_486, %mul3A_488 : i32
        %get3A = arith.index_cast %add3A_489 : i32 to index
        %get3A_490 = tpu.vector_load %arg8[%get3A] {strides = array<i32>} : memref<10000xi32, #tpu.memory_space<vmem>>, vector<16xi32>,
        %get3A_491 = vector.shape_cast %get3A_490 : vector<16xi32> to vector<16xi32>
        %shift_right_logical3A = arith.constant 14 : i32
        %shift_right_logical3A_492 = vector.broadcast %shift_right_logical3A : i32 to vector<16xi32>
        %shift_right_logical3A_493 = arith.shrui %get3A_491, %shift_right_logical3A_492 : vector<16xi32>
        %mul3A_494 = arith.constant 16 : i32
        %mul3A_495 = arith.muli %scan3A_483, %mul3A_494 : i32
        %swap3A = arith.constant 0 : i32
        %swap3A_496 = arith.index_cast %swap3A : i32 to index
        %swap3A_497 = arith.index_cast %mul3A_495 : i32 to index
        %swap3A_498 = tpu.vector_load %arg9[%swap3A_496, %swap3A_497] {strides = array<i32>} : memref<3x80xi32, #tpu.memory_space<vmem>>, vector<1x16xi32>,
        %swap3A_499 = vector.shape_cast %swap3A_498 : vector<1x16xi32> to vector<16xi32>
        %swap3A_500 = vector.shape_cast %shift_right_logical3A_493 : vector<16xi32> to vector<1x16xi32>
        tpu.vector_store %arg9[%swap3A_496, %swap3A_497], %swap3A_500 {strides = array<i32>} : memref<3x80xi32, #tpu.memory_space<vmem>>, vector<1x16xi32>,
        %and3A = arith.constant 16383 : i32
        %and3A_501 = vector.broadcast %and3A : i32 to vector<16xi32>
        %and3A_502 = arith.andi %get3A_491, %and3A_501 : vector<16xi32>
        %mul3A_503 = arith.constant 16 : i32
        %mul3A_504 = arith.muli %scan3A_483, %mul3A_503 : i32
        %swap3A_505 = arith.constant 0 : i32
        %swap3A_506 = arith.index_cast %swap3A_505 : i32 to index
        %swap3A_507 = arith.index_cast %mul3A_504 : i32 to index
        %swap3A_508 = tpu.vector_load %arg10[%swap3A_506, %swap3A_507] {strides = array<i32>} : memref<3x80xi32, #tpu.memory_space<vmem>>, vector<1x16xi32>,
        %swap3A_509 = vector.shape_cast %swap3A_508 : vector<1x16xi32> to vector<16xi32>
        %swap3A_510 = vector.shape_cast %and3A_502 : vector<16xi32> to vector<1x16xi32>
        tpu.vector_store %arg10[%swap3A_506, %swap3A_507], %swap3A_510 {strides = array<i32>} : memref<3x80xi32, #tpu.memory_space<vmem>>, vector<1x16xi32>,
        %scan3A_511 = arith.constant 0 : i32
        scf.yield %scan3A_511 : i32
      }
      %scan3A_347 = arith.constant 5 : i32
      %dma_start3A_348 = arith.constant 0 : i32
      %dma_start3A_349 = arith.constant 0 : i32
      %dma_start3A_350 = arith.constant 0 : i32
      %dma_start3A_351 = arith.constant 0 : i32
      %dma_start3A_352 = tpu.memref_slice %arg11[%dma_start3A_349, %dma_start3A_350, %dma_start3A_351] : memref<3x80x128xf32, #tpu.memory_space<vmem>> -> memref<1x80x128xf32, #tpu.memory_space<vmem>>
      %dma_start3A_353 = tpu.memref_squeeze %dma_start3A_352 : memref<1x80x128xf32, #tpu.memory_space<vmem>> -> memref<80x128xf32, #tpu.memory_space<vmem>>
      %dma_start3A_354 = arith.constant 0 : i32
      %dma_start3A_355 = tpu.memref_slice %arg9[%dma_start3A_348, %dma_start3A_354] : memref<3x80xi32, #tpu.memory_space<vmem>> -> memref<1x80xi32, #tpu.memory_space<vmem>>
      %dma_start3A_356 = tpu.memref_squeeze %dma_start3A_355 : memref<1x80xi32, #tpu.memory_space<vmem>> -> memref<80xi32, #tpu.memory_space<vmem>>
      %dma_start3A_357 = arith.constant 0 : i32
      %dma_start3A_358 = arith.constant 0 : i32
      %dma_start3A_359 = tpu.memref_slice %arg2[%dma_start3A_357, %dma_start3A_358] : memref<10000x128xf32, #tpu.memory_space<hbm>> -> memref<10000x128xf32, #tpu.memory_space<hbm>>
      tpu.enqueue_indirect_dma source(%dma_start3A_359 : memref<10000x128xf32, #tpu.memory_space<hbm>>) target(%dma_start3A_353 : memref<80x128xf32, #tpu.memory_space<vmem>>) offsets(%dma_start3A_356 : memref<80xi32, #tpu.memory_space<vmem>>) semaphore(%arg12 : memref<!tpu.dma_semaphore, #tpu.memory_space<semaphore_mem>>)
      %mul3A_360 = arith.constant 3 : i32
      %mul3A_361 = arith.muli %scan3A_297, %mul3A_360 : i32
      %add3A_362 = arith.constant 1 : i32
      %add3A_363 = arith.addi %mul3A_361, %add3A_362 : i32
      %dma_wait3A_364 = arith.constant 1 : i32
      %dma_wait3A_365 = arith.constant 1 : i32
      %dma_wait3A_366 = arith.constant 0 : i32
      %dma_wait3A_367 = arith.constant 0 : i32
      %dma_wait3A_368 = tpu.memref_slice %arg11[%dma_wait3A_365, %dma_wait3A_366, %dma_wait3A_367] : memref<3x80x128xf32, #tpu.memory_space<vmem>> -> memref<1x80x128xf32, #tpu.memory_space<vmem>>
      %dma_wait3A_369 = tpu.memref_squeeze %dma_wait3A_368 : memref<1x80x128xf32, #tpu.memory_space<vmem>> -> memref<80x128xf32, #tpu.memory_space<vmem>>
      %dma_wait3A_370 = arith.constant 0 : i32
      %dma_wait3A_371 = tpu.memref_slice %arg9[%dma_wait3A_364, %dma_wait3A_370] : memref<3x80xi32, #tpu.memory_space<vmem>> -> memref<1x80xi32, #tpu.memory_space<vmem>>
      %dma_wait3A_372 = tpu.memref_squeeze %dma_wait3A_371 : memref<1x80xi32, #tpu.memory_space<vmem>> -> memref<80xi32, #tpu.memory_space<vmem>>
      %dma_wait3A_373 = arith.constant 0 : i32
      %dma_wait3A_374 = arith.constant 0 : i32
      %dma_wait3A_375 = tpu.memref_slice %arg2[%dma_wait3A_373, %dma_wait3A_374] : memref<10000x128xf32, #tpu.memory_space<hbm>> -> memref<10000x128xf32, #tpu.memory_space<hbm>>
      tpu.wait_indirect_dma semaphore(%arg13 : memref<!tpu.dma_semaphore, #tpu.memory_space<semaphore_mem>>) src(%dma_wait3A_375 : memref<10000x128xf32, #tpu.memory_space<hbm>>) dst(%dma_wait3A_369 : memref<80x128xf32, #tpu.memory_space<vmem>>)
      %dma_start3A_376 = arith.constant 1 : i32
      %dma_start3A_377 = arith.constant 1 : i32
      %dma_start3A_378 = arith.constant 0 : i32
      %dma_start3A_379 = arith.constant 0 : i32
      %dma_start3A_380 = tpu.memref_slice %arg11[%dma_start3A_376, %dma_start3A_378, %dma_start3A_379] : memref<3x80x128xf32, #tpu.memory_space<vmem>> -> memref<1x80x128xf32, #tpu.memory_space<vmem>>
      %dma_start3A_381 = tpu.memref_squeeze %dma_start3A_380 : memref<1x80x128xf32, #tpu.memory_space<vmem>> -> memref<80x128xf32, #tpu.memory_space<vmem>>
      %dma_start3A_382 = arith.constant 0 : i32
      %dma_start3A_383 = tpu.memref_slice %arg10[%dma_start3A_377, %dma_start3A_382] : memref<3x80xi32, #tpu.memory_space<vmem>> -> memref<1x80xi32, #tpu.memory_space<vmem>>
      %dma_start3A_384 = tpu.memref_squeeze %dma_start3A_383 : memref<1x80xi32, #tpu.memory_space<vmem>> -> memref<80xi32, #tpu.memory_space<vmem>>
      %dma_start3A_385 = arith.constant 0 : i32
      %dma_start3A_386 = arith.constant 0 : i32
      %dma_start3A_387 = tpu.memref_slice %arg7[%dma_start3A_385, %dma_start3A_386] : memref<10000x128xf32, #tpu.memory_space<vmem_shared>> -> memref<10000x128xf32, #tpu.memory_space<vmem_shared>>
      tpu.enqueue_indirect_dma source(%dma_start3A_381 : memref<80x128xf32, #tpu.memory_space<vmem>>) target(%dma_start3A_387 : memref<10000x128xf32, #tpu.memory_space<vmem_shared>>) offsets(%dma_start3A_384 : memref<80xi32, #tpu.memory_space<vmem>>) semaphore(%arg16 : memref<!tpu.dma_semaphore, #tpu.memory_space<semaphore_mem>>) {add = true}
      %dma_wait3A_388 = arith.constant 1 : i32
      %dma_wait3A_389 = arith.constant 1 : i32
      %dma_wait3A_390 = arith.constant 0 : i32
      %dma_wait3A_391 = arith.constant 0 : i32
      %dma_wait3A_392 = tpu.memref_slice %arg11[%dma_wait3A_388, %dma_wait3A_390, %dma_wait3A_391] : memref<3x80x128xf32, #tpu.memory_space<vmem>> -> memref<1x80x128xf32, #tpu.memory_space<vmem>>
      %dma_wait3A_393 = tpu.memref_squeeze %dma_wait3A_392 : memref<1x80x128xf32, #tpu.memory_space<vmem>> -> memref<80x128xf32, #tpu.memory_space<vmem>>
      %dma_wait3A_394 = arith.constant 0 : i32
      %dma_wait3A_395 = tpu.memref_slice %arg10[%dma_wait3A_389, %dma_wait3A_394] : memref<3x80xi32, #tpu.memory_space<vmem>> -> memref<1x80xi32, #tpu.memory_space<vmem>>
      %dma_wait3A_396 = tpu.memref_squeeze %dma_wait3A_395 : memref<1x80xi32, #tpu.memory_space<vmem>> -> memref<80xi32, #tpu.memory_space<vmem>>
      %dma_wait3A_397 = arith.constant 0 : i32
      %dma_wait3A_398 = arith.constant 0 : i32
      %dma_wait3A_399 = tpu.memref_slice %arg7[%dma_wait3A_397, %dma_wait3A_398] : memref<10000x128xf32, #tpu.memory_space<vmem_shared>> -> memref<10000x128xf32, #tpu.memory_space<vmem_shared>>
      tpu.wait_indirect_dma semaphore(%arg16 : memref<!tpu.dma_semaphore, #tpu.memory_space<semaphore_mem>>) src(%dma_wait3A_393 : memref<80x128xf32, #tpu.memory_space<vmem>>) dst(%dma_wait3A_399 : memref<10000x128xf32, #tpu.memory_space<vmem_shared>>)
      %add3A_400 = arith.constant 3 : i32
      %add3A_401 = arith.addi %add3A_363, %add3A_400 : i32
      %scan3A_402 = arith.constant 0 : i32
      %scan3A_403 = arith.constant 0 : i32
      %scan3A_404 = arith.constant 5 : i32
      %scan3A_405 = arith.addi %scan3A_403, %scan3A_404 : i32
      %scan3A_406 = arith.constant 1 : i32
      %scan3A_407 = scf.for %scan3A_483 = %scan3A_403 to %scan3A_405 step %scan3A_406 iter_args(%scan3A_484 = %scan3A_402) -> (i32)  : i32 {
        %mul3A_485 = arith.constant 80 : i32
        %mul3A_486 = arith.muli %add3A_401, %mul3A_485 : i32
        %mul3A_487 = arith.constant 16 : i32
        %mul3A_488 = arith.muli %scan3A_483, %mul3A_487 : i32
        %add3A_489 = arith.addi %mul3A_486, %mul3A_488 : i32
        %get3A = arith.index_cast %add3A_489 : i32 to index
        %get3A_490 = tpu.vector_load %arg8[%get3A] {strides = array<i32>} : memref<10000xi32, #tpu.memory_space<vmem>>, vector<16xi32>,
        %get3A_491 = vector.shape_cast %get3A_490 : vector<16xi32> to vector<16xi32>
        %shift_right_logical3A = arith.constant 14 : i32
        %shift_right_logical3A_492 = vector.broadcast %shift_right_logical3A : i32 to vector<16xi32>
        %shift_right_logical3A_493 = arith.shrui %get3A_491, %shift_right_logical3A_492 : vector<16xi32>
        %mul3A_494 = arith.constant 16 : i32
        %mul3A_495 = arith.muli %scan3A_483, %mul3A_494 : i32
        %swap3A = arith.constant 1 : i32
        %swap3A_496 = arith.index_cast %swap3A : i32 to index
        %swap3A_497 = arith.index_cast %mul3A_495 : i32 to index
        %swap3A_498 = tpu.vector_load %arg9[%swap3A_496, %swap3A_497] {strides = array<i32>} : memref<3x80xi32, #tpu.memory_space<vmem>>, vector<1x16xi32>,
        %swap3A_499 = vector.shape_cast %swap3A_498 : vector<1x16xi32> to vector<16xi32>
        %swap3A_500 = vector.shape_cast %shift_right_logical3A_493 : vector<16xi32> to vector<1x16xi32>
        tpu.vector_store %arg9[%swap3A_496, %swap3A_497], %swap3A_500 {strides = array<i32>} : memref<3x80xi32, #tpu.memory_space<vmem>>, vector<1x16xi32>,
        %and3A = arith.constant 16383 : i32
        %and3A_501 = vector.broadcast %and3A : i32 to vector<16xi32>
        %and3A_502 = arith.andi %get3A_491, %and3A_501 : vector<16xi32>
        %mul3A_503 = arith.constant 16 : i32
        %mul3A_504 = arith.muli %scan3A_483, %mul3A_503 : i32
        %swap3A_505 = arith.constant 1 : i32
        %swap3A_506 = arith.index_cast %swap3A_505 : i32 to index
        %swap3A_507 = arith.index_cast %mul3A_504 : i32 to index
        %swap3A_508 = tpu.vector_load %arg10[%swap3A_506, %swap3A_507] {strides = array<i32>} : memref<3x80xi32, #tpu.memory_space<vmem>>, vector<1x16xi32>,
        %swap3A_509 = vector.shape_cast %swap3A_508 : vector<1x16xi32> to vector<16xi32>
        %swap3A_510 = vector.shape_cast %and3A_502 : vector<16xi32> to vector<1x16xi32>
        tpu.vector_store %arg10[%swap3A_506, %swap3A_507], %swap3A_510 {strides = array<i32>} : memref<3x80xi32, #tpu.memory_space<vmem>>, vector<1x16xi32>,
        %scan3A_511 = arith.constant 0 : i32
        scf.yield %scan3A_511 : i32
      }
      %scan3A_408 = arith.constant 5 : i32
      %dma_start3A_409 = arith.constant 1 : i32
      %dma_start3A_410 = arith.constant 1 : i32
      %dma_start3A_411 = arith.constant 0 : i32
      %dma_start3A_412 = arith.constant 0 : i32
      %dma_start3A_413 = tpu.memref_slice %arg11[%dma_start3A_410, %dma_start3A_411, %dma_start3A_412] : memref<3x80x128xf32, #tpu.memory_space<vmem>> -> memref<1x80x128xf32, #tpu.memory_space<vmem>>
      %dma_start3A_414 = tpu.memref_squeeze %dma_start3A_413 : memref<1x80x128xf32, #tpu.memory_space<vmem>> -> memref<80x128xf32, #tpu.memory_space<vmem>>
      %dma_start3A_415 = arith.constant 0 : i32
      %dma_start3A_416 = tpu.memref_slice %arg9[%dma_start3A_409, %dma_start3A_415] : memref<3x80xi32, #tpu.memory_space<vmem>> -> memref<1x80xi32, #tpu.memory_space<vmem>>
      %dma_start3A_417 = tpu.memref_squeeze %dma_start3A_416 : memref<1x80xi32, #tpu.memory_space<vmem>> -> memref<80xi32, #tpu.memory_space<vmem>>
      %dma_start3A_418 = arith.constant 0 : i32
      %dma_start3A_419 = arith.constant 0 : i32
      %dma_start3A_420 = tpu.memref_slice %arg2[%dma_start3A_418, %dma_start3A_419] : memref<10000x128xf32, #tpu.memory_space<hbm>> -> memref<10000x128xf32, #tpu.memory_space<hbm>>
      tpu.enqueue_indirect_dma source(%dma_start3A_420 : memref<10000x128xf32, #tpu.memory_space<hbm>>) target(%dma_start3A_414 : memref<80x128xf32, #tpu.memory_space<vmem>>) offsets(%dma_start3A_417 : memref<80xi32, #tpu.memory_space<vmem>>) semaphore(%arg13 : memref<!tpu.dma_semaphore, #tpu.memory_space<semaphore_mem>>)
      %mul3A_421 = arith.constant 3 : i32
      %mul3A_422 = arith.muli %scan3A_297, %mul3A_421 : i32
      %add3A_423 = arith.constant 2 : i32
      %add3A_424 = arith.addi %mul3A_422, %add3A_423 : i32
      %dma_wait3A_425 = arith.constant 2 : i32
      %dma_wait3A_426 = arith.constant 2 : i32
      %dma_wait3A_427 = arith.constant 0 : i32
      %dma_wait3A_428 = arith.constant 0 : i32
      %dma_wait3A_429 = tpu.memref_slice %arg11[%dma_wait3A_426, %dma_wait3A_427, %dma_wait3A_428] : memref<3x80x128xf32, #tpu.memory_space<vmem>> -> memref<1x80x128xf32, #tpu.memory_space<vmem>>
      %dma_wait3A_430 = tpu.memref_squeeze %dma_wait3A_429 : memref<1x80x128xf32, #tpu.memory_space<vmem>> -> memref<80x128xf32, #tpu.memory_space<vmem>>
      %dma_wait3A_431 = arith.constant 0 : i32
      %dma_wait3A_432 = tpu.memref_slice %arg9[%dma_wait3A_425, %dma_wait3A_431] : memref<3x80xi32, #tpu.memory_space<vmem>> -> memref<1x80xi32, #tpu.memory_space<vmem>>
      %dma_wait3A_433 = tpu.memref_squeeze %dma_wait3A_432 : memref<1x80xi32, #tpu.memory_space<vmem>> -> memref<80xi32, #tpu.memory_space<vmem>>
      %dma_wait3A_434 = arith.constant 0 : i32
      %dma_wait3A_435 = arith.constant 0 : i32
      %dma_wait3A_436 = tpu.memref_slice %arg2[%dma_wait3A_434, %dma_wait3A_435] : memref<10000x128xf32, #tpu.memory_space<hbm>> -> memref<10000x128xf32, #tpu.memory_space<hbm>>
      tpu.wait_indirect_dma semaphore(%arg14 : memref<!tpu.dma_semaphore, #tpu.memory_space<semaphore_mem>>) src(%dma_wait3A_436 : memref<10000x128xf32, #tpu.memory_space<hbm>>) dst(%dma_wait3A_430 : memref<80x128xf32, #tpu.memory_space<vmem>>)
      %dma_start3A_437 = arith.constant 2 : i32
      %dma_start3A_438 = arith.constant 2 : i32
      %dma_start3A_439 = arith.constant 0 : i32
      %dma_start3A_440 = arith.constant 0 : i32
      %dma_start3A_441 = tpu.memref_slice %arg11[%dma_start3A_437, %dma_start3A_439, %dma_start3A_440] : memref<3x80x128xf32, #tpu.memory_space<vmem>> -> memref<1x80x128xf32, #tpu.memory_space<vmem>>
      %dma_start3A_442 = tpu.memref_squeeze %dma_start3A_441 : memref<1x80x128xf32, #tpu.memory_space<vmem>> -> memref<80x128xf32, #tpu.memory_space<vmem>>
      %dma_start3A_443 = arith.constant 0 : i32
      %dma_start3A_444 = tpu.memref_slice %arg10[%dma_start3A_438, %dma_start3A_443] : memref<3x80xi32, #tpu.memory_space<vmem>> -> memref<1x80xi32, #tpu.memory_space<vmem>>
      %dma_start3A_445 = tpu.memref_squeeze %dma_start3A_444 : memref<1x80xi32, #tpu.memory_space<vmem>> -> memref<80xi32, #tpu.memory_space<vmem>>
      %dma_start3A_446 = arith.constant 0 : i32
      %dma_start3A_447 = arith.constant 0 : i32
      %dma_start3A_448 = tpu.memref_slice %arg7[%dma_start3A_446, %dma_start3A_447] : memref<10000x128xf32, #tpu.memory_space<vmem_shared>> -> memref<10000x128xf32, #tpu.memory_space<vmem_shared>>
      tpu.enqueue_indirect_dma source(%dma_start3A_442 : memref<80x128xf32, #tpu.memory_space<vmem>>) target(%dma_start3A_448 : memref<10000x128xf32, #tpu.memory_space<vmem_shared>>) offsets(%dma_start3A_445 : memref<80xi32, #tpu.memory_space<vmem>>) semaphore(%arg17 : memref<!tpu.dma_semaphore, #tpu.memory_space<semaphore_mem>>) {add = true}
      %dma_wait3A_449 = arith.constant 2 : i32
      %dma_wait3A_450 = arith.constant 2 : i32
      %dma_wait3A_451 = arith.constant 0 : i32
      %dma_wait3A_452 = arith.constant 0 : i32
      %dma_wait3A_453 = tpu.memref_slice %arg11[%dma_wait3A_449, %dma_wait3A_451, %dma_wait3A_452] : memref<3x80x128xf32, #tpu.memory_space<vmem>> -> memref<1x80x128xf32, #tpu.memory_space<vmem>>
      %dma_wait3A_454 = tpu.memref_squeeze %dma_wait3A_453 : memref<1x80x128xf32, #tpu.memory_space<vmem>> -> memref<80x128xf32, #tpu.memory_space<vmem>>
      %dma_wait3A_455 = arith.constant 0 : i32
      %dma_wait3A_456 = tpu.memref_slice %arg10[%dma_wait3A_450, %dma_wait3A_455] : memref<3x80xi32, #tpu.memory_space<vmem>> -> memref<1x80xi32, #tpu.memory_space<vmem>>
      %dma_wait3A_457 = tpu.memref_squeeze %dma_wait3A_456 : memref<1x80xi32, #tpu.memory_space<vmem>> -> memref<80xi32, #tpu.memory_space<vmem>>
      %dma_wait3A_458 = arith.constant 0 : i32
      %dma_wait3A_459 = arith.constant 0 : i32
      %dma_wait3A_460 = tpu.memref_slice %arg7[%dma_wait3A_458, %dma_wait3A_459] : memref<10000x128xf32, #tpu.memory_space<vmem_shared>> -> memref<10000x128xf32, #tpu.memory_space<vmem_shared>>
      tpu.wait_indirect_dma semaphore(%arg17 : memref<!tpu.dma_semaphore, #tpu.memory_space<semaphore_mem>>) src(%dma_wait3A_454 : memref<80x128xf32, #tpu.memory_space<vmem>>) dst(%dma_wait3A_460 : memref<10000x128xf32, #tpu.memory_space<vmem_shared>>)
      %add3A_461 = arith.constant 3 : i32
      %add3A_462 = arith.addi %add3A_424, %add3A_461 : i32
      %scan3A_463 = arith.constant 0 : i32
      %scan3A_464 = arith.constant 0 : i32
      %scan3A_465 = arith.constant 5 : i32
      %scan3A_466 = arith.addi %scan3A_464, %scan3A_465 : i32
      %scan3A_467 = arith.constant 1 : i32
      %scan3A_468 = scf.for %scan3A_483 = %scan3A_464 to %scan3A_466 step %scan3A_467 iter_args(%scan3A_484 = %scan3A_463) -> (i32)  : i32 {
        %mul3A_485 = arith.constant 80 : i32
        %mul3A_486 = arith.muli %add3A_462, %mul3A_485 : i32
        %mul3A_487 = arith.constant 16 : i32
        %mul3A_488 = arith.muli %scan3A_483, %mul3A_487 : i32
        %add3A_489 = arith.addi %mul3A_486, %mul3A_488 : i32
        %get3A = arith.index_cast %add3A_489 : i32 to index
        %get3A_490 = tpu.vector_load %arg8[%get3A] {strides = array<i32>} : memref<10000xi32, #tpu.memory_space<vmem>>, vector<16xi32>,
        %get3A_491 = vector.shape_cast %get3A_490 : vector<16xi32> to vector<16xi32>
        %shift_right_logical3A = arith.constant 14 : i32
        %shift_right_logical3A_492 = vector.broadcast %shift_right_logical3A : i32 to vector<16xi32>
        %shift_right_logical3A_493 = arith.shrui %get3A_491, %shift_right_logical3A_492 : vector<16xi32>
        %mul3A_494 = arith.constant 16 : i32
        %mul3A_495 = arith.muli %scan3A_483, %mul3A_494 : i32
        %swap3A = arith.constant 2 : i32
        %swap3A_496 = arith.index_cast %swap3A : i32 to index
        %swap3A_497 = arith.index_cast %mul3A_495 : i32 to index
        %swap3A_498 = tpu.vector_load %arg9[%swap3A_496, %swap3A_497] {strides = array<i32>} : memref<3x80xi32, #tpu.memory_space<vmem>>, vector<1x16xi32>,
        %swap3A_499 = vector.shape_cast %swap3A_498 : vector<1x16xi32> to vector<16xi32>
        %swap3A_500 = vector.shape_cast %shift_right_logical3A_493 : vector<16xi32> to vector<1x16xi32>
        tpu.vector_store %arg9[%swap3A_496, %swap3A_497], %swap3A_500 {strides = array<i32>} : memref<3x80xi32, #tpu.memory_space<vmem>>, vector<1x16xi32>,
        %and3A = arith.constant 16383 : i32
        %and3A_501 = vector.broadcast %and3A : i32 to vector<16xi32>
        %and3A_502 = arith.andi %get3A_491, %and3A_501 : vector<16xi32>
        %mul3A_503 = arith.constant 16 : i32
        %mul3A_504 = arith.muli %scan3A_483, %mul3A_503 : i32
        %swap3A_505 = arith.constant 2 : i32
        %swap3A_506 = arith.index_cast %swap3A_505 : i32 to index
        %swap3A_507 = arith.index_cast %mul3A_504 : i32 to index
        %swap3A_508 = tpu.vector_load %arg10[%swap3A_506, %swap3A_507] {strides = array<i32>} : memref<3x80xi32, #tpu.memory_space<vmem>>, vector<1x16xi32>,
        %swap3A_509 = vector.shape_cast %swap3A_508 : vector<1x16xi32> to vector<16xi32>
        %swap3A_510 = vector.shape_cast %and3A_502 : vector<16xi32> to vector<1x16xi32>
        tpu.vector_store %arg10[%swap3A_506, %swap3A_507], %swap3A_510 {strides = array<i32>} : memref<3x80xi32, #tpu.memory_space<vmem>>, vector<1x16xi32>,
        %scan3A_511 = arith.constant 0 : i32
        scf.yield %scan3A_511 : i32
      }
      %scan3A_469 = arith.constant 5 : i32
      %dma_start3A_470 = arith.constant 2 : i32
      %dma_start3A_471 = arith.constant 2 : i32
      %dma_start3A_472 = arith.constant 0 : i32
      %dma_start3A_473 = arith.constant 0 : i32
      %dma_start3A_474 = tpu.memref_slice %arg11[%dma_start3A_471, %dma_start3A_472, %dma_start3A_473] : memref<3x80x128xf32, #tpu.memory_space<vmem>> -> memref<1x80x128xf32, #tpu.memory_space<vmem>>
      %dma_start3A_475 = tpu.memref_squeeze %dma_start3A_474 : memref<1x80x128xf32, #tpu.memory_space<vmem>> -> memref<80x128xf32, #tpu.memory_space<vmem>>
      %dma_start3A_476 = arith.constant 0 : i32
      %dma_start3A_477 = tpu.memref_slice %arg9[%dma_start3A_470, %dma_start3A_476] : memref<3x80xi32, #tpu.memory_space<vmem>> -> memref<1x80xi32, #tpu.memory_space<vmem>>
      %dma_start3A_478 = tpu.memref_squeeze %dma_start3A_477 : memref<1x80xi32, #tpu.memory_space<vmem>> -> memref<80xi32, #tpu.memory_space<vmem>>
      %dma_start3A_479 = arith.constant 0 : i32
      %dma_start3A_480 = arith.constant 0 : i32
      %dma_start3A_481 = tpu.memref_slice %arg2[%dma_start3A_479, %dma_start3A_480] : memref<10000x128xf32, #tpu.memory_space<hbm>> -> memref<10000x128xf32, #tpu.memory_space<hbm>>
      tpu.enqueue_indirect_dma source(%dma_start3A_481 : memref<10000x128xf32, #tpu.memory_space<hbm>>) target(%dma_start3A_475 : memref<80x128xf32, #tpu.memory_space<vmem>>) offsets(%dma_start3A_478 : memref<80xi32, #tpu.memory_space<vmem>>) semaphore(%arg14 : memref<!tpu.dma_semaphore, #tpu.memory_space<semaphore_mem>>)
      %scan3A_482 = arith.constant 0 : i32
      scf.yield %scan3A_482 : i32
    }
    %scan3A_68 = arith.constant 40 : i32
    %dma_wait3A = arith.constant 0 : i32
    %dma_wait3A_69 = arith.constant 0 : i32
    %dma_wait3A_70 = arith.constant 0 : i32
    %dma_wait3A_71 = arith.constant 0 : i32
    %dma_wait3A_72 = tpu.memref_slice %arg11[%dma_wait3A_69, %dma_wait3A_70, %dma_wait3A_71] : memref<3x80x128xf32, #tpu.memory_space<vmem>> -> memref<1x80x128xf32, #tpu.memory_space<vmem>>
    %dma_wait3A_73 = tpu.memref_squeeze %dma_wait3A_72 : memref<1x80x128xf32, #tpu.memory_space<vmem>> -> memref<80x128xf32, #tpu.memory_space<vmem>>
    %dma_wait3A_74 = arith.constant 0 : i32
    %dma_wait3A_75 = tpu.memref_slice %arg9[%dma_wait3A, %dma_wait3A_74] : memref<3x80xi32, #tpu.memory_space<vmem>> -> memref<1x80xi32, #tpu.memory_space<vmem>>
    %dma_wait3A_76 = tpu.memref_squeeze %dma_wait3A_75 : memref<1x80xi32, #tpu.memory_space<vmem>> -> memref<80xi32, #tpu.memory_space<vmem>>
    %dma_wait3A_77 = arith.constant 0 : i32
    %dma_wait3A_78 = arith.constant 0 : i32
    %dma_wait3A_79 = tpu.memref_slice %arg2[%dma_wait3A_77, %dma_wait3A_78] : memref<10000x128xf32, #tpu.memory_space<hbm>> -> memref<10000x128xf32, #tpu.memory_space<hbm>>
    tpu.wait_indirect_dma semaphore(%arg12 : memref<!tpu.dma_semaphore, #tpu.memory_space<semaphore_mem>>) src(%dma_wait3A_79 : memref<10000x128xf32, #tpu.memory_space<hbm>>) dst(%dma_wait3A_73 : memref<80x128xf32, #tpu.memory_space<vmem>>)
    %dma_start3A_80 = arith.constant 0 : i32
    %dma_start3A_81 = arith.constant 0 : i32
    %dma_start3A_82 = arith.constant 0 : i32
    %dma_start3A_83 = arith.constant 0 : i32
    %dma_start3A_84 = tpu.memref_slice %arg11[%dma_start3A_80, %dma_start3A_82, %dma_start3A_83] : memref<3x80x128xf32, #tpu.memory_space<vmem>> -> memref<1x80x128xf32, #tpu.memory_space<vmem>>
    %dma_start3A_85 = tpu.memref_squeeze %dma_start3A_84 : memref<1x80x128xf32, #tpu.memory_space<vmem>> -> memref<80x128xf32, #tpu.memory_space<vmem>>
    %dma_start3A_86 = arith.constant 0 : i32
    %dma_start3A_87 = tpu.memref_slice %arg10[%dma_start3A_81, %dma_start3A_86] : memref<3x80xi32, #tpu.memory_space<vmem>> -> memref<1x80xi32, #tpu.memory_space<vmem>>
    %dma_start3A_88 = tpu.memref_squeeze %dma_start3A_87 : memref<1x80xi32, #tpu.memory_space<vmem>> -> memref<80xi32, #tpu.memory_space<vmem>>
    %dma_start3A_89 = arith.constant 0 : i32
    %dma_start3A_90 = arith.constant 0 : i32
    %dma_start3A_91 = tpu.memref_slice %arg7[%dma_start3A_89, %dma_start3A_90] : memref<10000x128xf32, #tpu.memory_space<vmem_shared>> -> memref<10000x128xf32, #tpu.memory_space<vmem_shared>>
    tpu.enqueue_indirect_dma source(%dma_start3A_85 : memref<80x128xf32, #tpu.memory_space<vmem>>) target(%dma_start3A_91 : memref<10000x128xf32, #tpu.memory_space<vmem_shared>>) offsets(%dma_start3A_88 : memref<80xi32, #tpu.memory_space<vmem>>) semaphore(%arg15 : memref<!tpu.dma_semaphore, #tpu.memory_space<semaphore_mem>>) {add = true}
    %dma_wait3A_92 = arith.constant 0 : i32
    %dma_wait3A_93 = arith.constant 0 : i32
    %dma_wait3A_94 = arith.constant 0 : i32
    %dma_wait3A_95 = arith.constant 0 : i32
    %dma_wait3A_96 = tpu.memref_slice %arg11[%dma_wait3A_92, %dma_wait3A_94, %dma_wait3A_95] : memref<3x80x128xf32, #tpu.memory_space<vmem>> -> memref<1x80x128xf32, #tpu.memory_space<vmem>>
    %dma_wait3A_97 = tpu.memref_squeeze %dma_wait3A_96 : memref<1x80x128xf32, #tpu.memory_space<vmem>> -> memref<80x128xf32, #tpu.memory_space<vmem>>
    %dma_wait3A_98 = arith.constant 0 : i32
    %dma_wait3A_99 = tpu.memref_slice %arg10[%dma_wait3A_93, %dma_wait3A_98] : memref<3x80xi32, #tpu.memory_space<vmem>> -> memref<1x80xi32, #tpu.memory_space<vmem>>
    %dma_wait3A_100 = tpu.memref_squeeze %dma_wait3A_99 : memref<1x80xi32, #tpu.memory_space<vmem>> -> memref<80xi32, #tpu.memory_space<vmem>>
    %dma_wait3A_101 = arith.constant 0 : i32
    %dma_wait3A_102 = arith.constant 0 : i32
    %dma_wait3A_103 = tpu.memref_slice %arg7[%dma_wait3A_101, %dma_wait3A_102] : memref<10000x128xf32, #tpu.memory_space<vmem_shared>> -> memref<10000x128xf32, #tpu.memory_space<vmem_shared>>
    tpu.wait_indirect_dma semaphore(%arg15 : memref<!tpu.dma_semaphore, #tpu.memory_space<semaphore_mem>>) src(%dma_wait3A_97 : memref<80x128xf32, #tpu.memory_space<vmem>>) dst(%dma_wait3A_103 : memref<10000x128xf32, #tpu.memory_space<vmem_shared>>)
    %scan3A_104 = arith.constant 0 : i32
    %scan3A_105 = arith.constant 0 : i32
    %scan3A_106 = arith.constant 5 : i32
    %scan3A_107 = arith.addi %scan3A_105, %scan3A_106 : i32
    %scan3A_108 = arith.constant 1 : i32
    %scan3A_109 = scf.for %scan3A_297 = %scan3A_105 to %scan3A_107 step %scan3A_108 iter_args(%scan3A_298 = %scan3A_104) -> (i32)  : i32 {
      %mul3A_299 = arith.constant 16 : i32
      %mul3A_300 = arith.muli %scan3A_297, %mul3A_299 : i32
      %add3A_301 = arith.constant 9840 : i32
      %add3A_302 = arith.addi %add3A_301, %mul3A_300 : i32
      %get3A = arith.index_cast %add3A_302 : i32 to index
      %get3A_303 = tpu.vector_load %arg8[%get3A] {strides = array<i32>} : memref<10000xi32, #tpu.memory_space<vmem>>, vector<16xi32>,
      %get3A_304 = vector.shape_cast %get3A_303 : vector<16xi32> to vector<16xi32>
      %shift_right_logical3A = arith.constant 14 : i32
      %shift_right_logical3A_305 = vector.broadcast %shift_right_logical3A : i32 to vector<16xi32>
      %shift_right_logical3A_306 = arith.shrui %get3A_304, %shift_right_logical3A_305 : vector<16xi32>
      %mul3A_307 = arith.constant 16 : i32
      %mul3A_308 = arith.muli %scan3A_297, %mul3A_307 : i32
      %swap3A = arith.constant 0 : i32
      %swap3A_309 = arith.index_cast %swap3A : i32 to index
      %swap3A_310 = arith.index_cast %mul3A_308 : i32 to index
      %swap3A_311 = tpu.vector_load %arg9[%swap3A_309, %swap3A_310] {strides = array<i32>} : memref<3x80xi32, #tpu.memory_space<vmem>>, vector<1x16xi32>,
      %swap3A_312 = vector.shape_cast %swap3A_311 : vector<1x16xi32> to vector<16xi32>
      %swap3A_313 = vector.shape_cast %shift_right_logical3A_306 : vector<16xi32> to vector<1x16xi32>
      tpu.vector_store %arg9[%swap3A_309, %swap3A_310], %swap3A_313 {strides = array<i32>} : memref<3x80xi32, #tpu.memory_space<vmem>>, vector<1x16xi32>,
      %and3A = arith.constant 16383 : i32
      %and3A_314 = vector.broadcast %and3A : i32 to vector<16xi32>
      %and3A_315 = arith.andi %get3A_304, %and3A_314 : vector<16xi32>
      %mul3A_316 = arith.constant 16 : i32
      %mul3A_317 = arith.muli %scan3A_297, %mul3A_316 : i32
      %swap3A_318 = arith.constant 0 : i32
      %swap3A_319 = arith.index_cast %swap3A_318 : i32 to index
      %swap3A_320 = arith.index_cast %mul3A_317 : i32 to index
      %swap3A_321 = tpu.vector_load %arg10[%swap3A_319, %swap3A_320] {strides = array<i32>} : memref<3x80xi32, #tpu.memory_space<vmem>>, vector<1x16xi32>,
      %swap3A_322 = vector.shape_cast %swap3A_321 : vector<1x16xi32> to vector<16xi32>
      %swap3A_323 = vector.shape_cast %and3A_315 : vector<16xi32> to vector<1x16xi32>
      tpu.vector_store %arg10[%swap3A_319, %swap3A_320], %swap3A_323 {strides = array<i32>} : memref<3x80xi32, #tpu.memory_space<vmem>>, vector<1x16xi32>,
      %scan3A_324 = arith.constant 0 : i32
      scf.yield %scan3A_324 : i32
    }
    %scan3A_110 = arith.constant 5 : i32
    %dma_start3A_111 = arith.constant 0 : i32
    %dma_start3A_112 = arith.constant 0 : i32
    %dma_start3A_113 = arith.constant 0 : i32
    %dma_start3A_114 = arith.constant 0 : i32
    %dma_start3A_115 = tpu.memref_slice %arg11[%dma_start3A_112, %dma_start3A_113, %dma_start3A_114] : memref<3x80x128xf32, #tpu.memory_space<vmem>> -> memref<1x80x128xf32, #tpu.memory_space<vmem>>
    %dma_start3A_116 = tpu.memref_squeeze %dma_start3A_115 : memref<1x80x128xf32, #tpu.memory_space<vmem>> -> memref<80x128xf32, #tpu.memory_space<vmem>>
    %dma_start3A_117 = arith.constant 0 : i32
    %dma_start3A_118 = tpu.memref_slice %arg9[%dma_start3A_111, %dma_start3A_117] : memref<3x80xi32, #tpu.memory_space<vmem>> -> memref<1x80xi32, #tpu.memory_space<vmem>>
    %dma_start3A_119 = tpu.memref_squeeze %dma_start3A_118 : memref<1x80xi32, #tpu.memory_space<vmem>> -> memref<80xi32, #tpu.memory_space<vmem>>
    %dma_start3A_120 = arith.constant 0 : i32
    %dma_start3A_121 = arith.constant 0 : i32
    %dma_start3A_122 = tpu.memref_slice %arg2[%dma_start3A_120, %dma_start3A_121] : memref<10000x128xf32, #tpu.memory_space<hbm>> -> memref<10000x128xf32, #tpu.memory_space<hbm>>
    tpu.enqueue_indirect_dma source(%dma_start3A_122 : memref<10000x128xf32, #tpu.memory_space<hbm>>) target(%dma_start3A_116 : memref<80x128xf32, #tpu.memory_space<vmem>>) offsets(%dma_start3A_119 : memref<80xi32, #tpu.memory_space<vmem>>) semaphore(%arg12 : memref<!tpu.dma_semaphore, #tpu.memory_space<semaphore_mem>>)
    %dma_wait3A_123 = arith.constant 1 : i32
    %dma_wait3A_124 = arith.constant 1 : i32
    %dma_wait3A_125 = arith.constant 0 : i32
    %dma_wait3A_126 = arith.constant 0 : i32
    %dma_wait3A_127 = tpu.memref_slice %arg11[%dma_wait3A_124, %dma_wait3A_125, %dma_wait3A_126] : memref<3x80x128xf32, #tpu.memory_space<vmem>> -> memref<1x80x128xf32, #tpu.memory_space<vmem>>
    %dma_wait3A_128 = tpu.memref_squeeze %dma_wait3A_127 : memref<1x80x128xf32, #tpu.memory_space<vmem>> -> memref<80x128xf32, #tpu.memory_space<vmem>>
    %dma_wait3A_129 = arith.constant 0 : i32
    %dma_wait3A_130 = tpu.memref_slice %arg9[%dma_wait3A_123, %dma_wait3A_129] : memref<3x80xi32, #tpu.memory_space<vmem>> -> memref<1x80xi32, #tpu.memory_space<vmem>>
    %dma_wait3A_131 = tpu.memref_squeeze %dma_wait3A_130 : memref<1x80xi32, #tpu.memory_space<vmem>> -> memref<80xi32, #tpu.memory_space<vmem>>
    %dma_wait3A_132 = arith.constant 0 : i32
    %dma_wait3A_133 = arith.constant 0 : i32
    %dma_wait3A_134 = tpu.memref_slice %arg2[%dma_wait3A_132, %dma_wait3A_133] : memref<10000x128xf32, #tpu.memory_space<hbm>> -> memref<10000x128xf32, #tpu.memory_space<hbm>>
    tpu.wait_indirect_dma semaphore(%arg13 : memref<!tpu.dma_semaphore, #tpu.memory_space<semaphore_mem>>) src(%dma_wait3A_134 : memref<10000x128xf32, #tpu.memory_space<hbm>>) dst(%dma_wait3A_128 : memref<80x128xf32, #tpu.memory_space<vmem>>)
    %dma_start3A_135 = arith.constant 1 : i32
    %dma_start3A_136 = arith.constant 1 : i32
    %dma_start3A_137 = arith.constant 0 : i32
    %dma_start3A_138 = arith.constant 0 : i32
    %dma_start3A_139 = tpu.memref_slice %arg11[%dma_start3A_135, %dma_start3A_137, %dma_start3A_138] : memref<3x80x128xf32, #tpu.memory_space<vmem>> -> memref<1x80x128xf32, #tpu.memory_space<vmem>>
    %dma_start3A_140 = tpu.memref_squeeze %dma_start3A_139 : memref<1x80x128xf32, #tpu.memory_space<vmem>> -> memref<80x128xf32, #tpu.memory_space<vmem>>
    %dma_start3A_141 = arith.constant 0 : i32
    %dma_start3A_142 = tpu.memref_slice %arg10[%dma_start3A_136, %dma_start3A_141] : memref<3x80xi32, #tpu.memory_space<vmem>> -> memref<1x80xi32, #tpu.memory_space<vmem>>
    %dma_start3A_143 = tpu.memref_squeeze %dma_start3A_142 : memref<1x80xi32, #tpu.memory_space<vmem>> -> memref<80xi32, #tpu.memory_space<vmem>>
    %dma_start3A_144 = arith.constant 0 : i32
    %dma_start3A_145 = arith.constant 0 : i32
    %dma_start3A_146 = tpu.memref_slice %arg7[%dma_start3A_144, %dma_start3A_145] : memref<10000x128xf32, #tpu.memory_space<vmem_shared>> -> memref<10000x128xf32, #tpu.memory_space<vmem_shared>>
    tpu.enqueue_indirect_dma source(%dma_start3A_140 : memref<80x128xf32, #tpu.memory_space<vmem>>) target(%dma_start3A_146 : memref<10000x128xf32, #tpu.memory_space<vmem_shared>>) offsets(%dma_start3A_143 : memref<80xi32, #tpu.memory_space<vmem>>) semaphore(%arg16 : memref<!tpu.dma_semaphore, #tpu.memory_space<semaphore_mem>>) {add = true}
    %dma_wait3A_147 = arith.constant 1 : i32
    %dma_wait3A_148 = arith.constant 1 : i32
    %dma_wait3A_149 = arith.constant 0 : i32
    %dma_wait3A_150 = arith.constant 0 : i32
    %dma_wait3A_151 = tpu.memref_slice %arg11[%dma_wait3A_147, %dma_wait3A_149, %dma_wait3A_150] : memref<3x80x128xf32, #tpu.memory_space<vmem>> -> memref<1x80x128xf32, #tpu.memory_space<vmem>>
    %dma_wait3A_152 = tpu.memref_squeeze %dma_wait3A_151 : memref<1x80x128xf32, #tpu.memory_space<vmem>> -> memref<80x128xf32, #tpu.memory_space<vmem>>
    %dma_wait3A_153 = arith.constant 0 : i32
    %dma_wait3A_154 = tpu.memref_slice %arg10[%dma_wait3A_148, %dma_wait3A_153] : memref<3x80xi32, #tpu.memory_space<vmem>> -> memref<1x80xi32, #tpu.memory_space<vmem>>
    %dma_wait3A_155 = tpu.memref_squeeze %dma_wait3A_154 : memref<1x80xi32, #tpu.memory_space<vmem>> -> memref<80xi32, #tpu.memory_space<vmem>>
    %dma_wait3A_156 = arith.constant 0 : i32
    %dma_wait3A_157 = arith.constant 0 : i32
    %dma_wait3A_158 = tpu.memref_slice %arg7[%dma_wait3A_156, %dma_wait3A_157] : memref<10000x128xf32, #tpu.memory_space<vmem_shared>> -> memref<10000x128xf32, #tpu.memory_space<vmem_shared>>
    tpu.wait_indirect_dma semaphore(%arg16 : memref<!tpu.dma_semaphore, #tpu.memory_space<semaphore_mem>>) src(%dma_wait3A_152 : memref<80x128xf32, #tpu.memory_space<vmem>>) dst(%dma_wait3A_158 : memref<10000x128xf32, #tpu.memory_space<vmem_shared>>)
    %scan3A_159 = arith.constant 0 : i32
    %scan3A_160 = arith.constant 0 : i32
    %scan3A_161 = arith.constant 5 : i32
    %scan3A_162 = arith.addi %scan3A_160, %scan3A_161 : i32
    %scan3A_163 = arith.constant 1 : i32
    %scan3A_164 = scf.for %scan3A_297 = %scan3A_160 to %scan3A_162 step %scan3A_163 iter_args(%scan3A_298 = %scan3A_159) -> (i32)  : i32 {
      %mul3A_299 = arith.constant 16 : i32
      %mul3A_300 = arith.muli %scan3A_297, %mul3A_299 : i32
      %add3A_301 = arith.constant 9920 : i32
      %add3A_302 = arith.addi %add3A_301, %mul3A_300 : i32
      %get3A = arith.index_cast %add3A_302 : i32 to index
      %get3A_303 = tpu.vector_load %arg8[%get3A] {strides = array<i32>} : memref<10000xi32, #tpu.memory_space<vmem>>, vector<16xi32>,
      %get3A_304 = vector.shape_cast %get3A_303 : vector<16xi32> to vector<16xi32>
      %shift_right_logical3A = arith.constant 14 : i32
      %shift_right_logical3A_305 = vector.broadcast %shift_right_logical3A : i32 to vector<16xi32>
      %shift_right_logical3A_306 = arith.shrui %get3A_304, %shift_right_logical3A_305 : vector<16xi32>
      %mul3A_307 = arith.constant 16 : i32
      %mul3A_308 = arith.muli %scan3A_297, %mul3A_307 : i32
      %swap3A = arith.constant 1 : i32
      %swap3A_309 = arith.index_cast %swap3A : i32 to index
      %swap3A_310 = arith.index_cast %mul3A_308 : i32 to index
      %swap3A_311 = tpu.vector_load %arg9[%swap3A_309, %swap3A_310] {strides = array<i32>} : memref<3x80xi32, #tpu.memory_space<vmem>>, vector<1x16xi32>,
      %swap3A_312 = vector.shape_cast %swap3A_311 : vector<1x16xi32> to vector<16xi32>
      %swap3A_313 = vector.shape_cast %shift_right_logical3A_306 : vector<16xi32> to vector<1x16xi32>
      tpu.vector_store %arg9[%swap3A_309, %swap3A_310], %swap3A_313 {strides = array<i32>} : memref<3x80xi32, #tpu.memory_space<vmem>>, vector<1x16xi32>,
      %and3A = arith.constant 16383 : i32
      %and3A_314 = vector.broadcast %and3A : i32 to vector<16xi32>
      %and3A_315 = arith.andi %get3A_304, %and3A_314 : vector<16xi32>
      %mul3A_316 = arith.constant 16 : i32
      %mul3A_317 = arith.muli %scan3A_297, %mul3A_316 : i32
      %swap3A_318 = arith.constant 1 : i32
      %swap3A_319 = arith.index_cast %swap3A_318 : i32 to index
      %swap3A_320 = arith.index_cast %mul3A_317 : i32 to index
      %swap3A_321 = tpu.vector_load %arg10[%swap3A_319, %swap3A_320] {strides = array<i32>} : memref<3x80xi32, #tpu.memory_space<vmem>>, vector<1x16xi32>,
      %swap3A_322 = vector.shape_cast %swap3A_321 : vector<1x16xi32> to vector<16xi32>
      %swap3A_323 = vector.shape_cast %and3A_315 : vector<16xi32> to vector<1x16xi32>
      tpu.vector_store %arg10[%swap3A_319, %swap3A_320], %swap3A_323 {strides = array<i32>} : memref<3x80xi32, #tpu.memory_space<vmem>>, vector<1x16xi32>,
      %scan3A_324 = arith.constant 0 : i32
      scf.yield %scan3A_324 : i32
    }
    %scan3A_165 = arith.constant 5 : i32
    %dma_start3A_166 = arith.constant 1 : i32
    %dma_start3A_167 = arith.constant 1 : i32
    %dma_start3A_168 = arith.constant 0 : i32
    %dma_start3A_169 = arith.constant 0 : i32
    %dma_start3A_170 = tpu.memref_slice %arg11[%dma_start3A_167, %dma_start3A_168, %dma_start3A_169] : memref<3x80x128xf32, #tpu.memory_space<vmem>> -> memref<1x80x128xf32, #tpu.memory_space<vmem>>
    %dma_start3A_171 = tpu.memref_squeeze %dma_start3A_170 : memref<1x80x128xf32, #tpu.memory_space<vmem>> -> memref<80x128xf32, #tpu.memory_space<vmem>>
    %dma_start3A_172 = arith.constant 0 : i32
    %dma_start3A_173 = tpu.memref_slice %arg9[%dma_start3A_166, %dma_start3A_172] : memref<3x80xi32, #tpu.memory_space<vmem>> -> memref<1x80xi32, #tpu.memory_space<vmem>>
    %dma_start3A_174 = tpu.memref_squeeze %dma_start3A_173 : memref<1x80xi32, #tpu.memory_space<vmem>> -> memref<80xi32, #tpu.memory_space<vmem>>
    %dma_start3A_175 = arith.constant 0 : i32
    %dma_start3A_176 = arith.constant 0 : i32
    %dma_start3A_177 = tpu.memref_slice %arg2[%dma_start3A_175, %dma_start3A_176] : memref<10000x128xf32, #tpu.memory_space<hbm>> -> memref<10000x128xf32, #tpu.memory_space<hbm>>
    tpu.enqueue_indirect_dma source(%dma_start3A_177 : memref<10000x128xf32, #tpu.memory_space<hbm>>) target(%dma_start3A_171 : memref<80x128xf32, #tpu.memory_space<vmem>>) offsets(%dma_start3A_174 : memref<80xi32, #tpu.memory_space<vmem>>) semaphore(%arg13 : memref<!tpu.dma_semaphore, #tpu.memory_space<semaphore_mem>>)
    %dma_wait3A_178 = arith.constant 2 : i32
    %dma_wait3A_179 = arith.constant 2 : i32
    %dma_wait3A_180 = arith.constant 0 : i32
    %dma_wait3A_181 = arith.constant 0 : i32
    %dma_wait3A_182 = tpu.memref_slice %arg11[%dma_wait3A_179, %dma_wait3A_180, %dma_wait3A_181] : memref<3x80x128xf32, #tpu.memory_space<vmem>> -> memref<1x80x128xf32, #tpu.memory_space<vmem>>
    %dma_wait3A_183 = tpu.memref_squeeze %dma_wait3A_182 : memref<1x80x128xf32, #tpu.memory_space<vmem>> -> memref<80x128xf32, #tpu.memory_space<vmem>>
    %dma_wait3A_184 = arith.constant 0 : i32
    %dma_wait3A_185 = tpu.memref_slice %arg9[%dma_wait3A_178, %dma_wait3A_184] : memref<3x80xi32, #tpu.memory_space<vmem>> -> memref<1x80xi32, #tpu.memory_space<vmem>>
    %dma_wait3A_186 = tpu.memref_squeeze %dma_wait3A_185 : memref<1x80xi32, #tpu.memory_space<vmem>> -> memref<80xi32, #tpu.memory_space<vmem>>
    %dma_wait3A_187 = arith.constant 0 : i32
    %dma_wait3A_188 = arith.constant 0 : i32
    %dma_wait3A_189 = tpu.memref_slice %arg2[%dma_wait3A_187, %dma_wait3A_188] : memref<10000x128xf32, #tpu.memory_space<hbm>> -> memref<10000x128xf32, #tpu.memory_space<hbm>>
    tpu.wait_indirect_dma semaphore(%arg14 : memref<!tpu.dma_semaphore, #tpu.memory_space<semaphore_mem>>) src(%dma_wait3A_189 : memref<10000x128xf32, #tpu.memory_space<hbm>>) dst(%dma_wait3A_183 : memref<80x128xf32, #tpu.memory_space<vmem>>)
    %dma_start3A_190 = arith.constant 2 : i32
    %dma_start3A_191 = arith.constant 2 : i32
    %dma_start3A_192 = arith.constant 0 : i32
    %dma_start3A_193 = arith.constant 0 : i32
    %dma_start3A_194 = tpu.memref_slice %arg11[%dma_start3A_190, %dma_start3A_192, %dma_start3A_193] : memref<3x80x128xf32, #tpu.memory_space<vmem>> -> memref<1x80x128xf32, #tpu.memory_space<vmem>>
    %dma_start3A_195 = tpu.memref_squeeze %dma_start3A_194 : memref<1x80x128xf32, #tpu.memory_space<vmem>> -> memref<80x128xf32, #tpu.memory_space<vmem>>
    %dma_start3A_196 = arith.constant 0 : i32
    %dma_start3A_197 = tpu.memref_slice %arg10[%dma_start3A_191, %dma_start3A_196] : memref<3x80xi32, #tpu.memory_space<vmem>> -> memref<1x80xi32, #tpu.memory_space<vmem>>
    %dma_start3A_198 = tpu.memref_squeeze %dma_start3A_197 : memref<1x80xi32, #tpu.memory_space<vmem>> -> memref<80xi32, #tpu.memory_space<vmem>>
    %dma_start3A_199 = arith.constant 0 : i32
    %dma_start3A_200 = arith.constant 0 : i32
    %dma_start3A_201 = tpu.memref_slice %arg7[%dma_start3A_199, %dma_start3A_200] : memref<10000x128xf32, #tpu.memory_space<vmem_shared>> -> memref<10000x128xf32, #tpu.memory_space<vmem_shared>>
    tpu.enqueue_indirect_dma source(%dma_start3A_195 : memref<80x128xf32, #tpu.memory_space<vmem>>) target(%dma_start3A_201 : memref<10000x128xf32, #tpu.memory_space<vmem_shared>>) offsets(%dma_start3A_198 : memref<80xi32, #tpu.memory_space<vmem>>) semaphore(%arg17 : memref<!tpu.dma_semaphore, #tpu.memory_space<semaphore_mem>>) {add = true}
    %dma_wait3A_202 = arith.constant 2 : i32
    %dma_wait3A_203 = arith.constant 2 : i32
    %dma_wait3A_204 = arith.constant 0 : i32
    %dma_wait3A_205 = arith.constant 0 : i32
    %dma_wait3A_206 = tpu.memref_slice %arg11[%dma_wait3A_202, %dma_wait3A_204, %dma_wait3A_205] : memref<3x80x128xf32, #tpu.memory_space<vmem>> -> memref<1x80x128xf32, #tpu.memory_space<vmem>>
    %dma_wait3A_207 = tpu.memref_squeeze %dma_wait3A_206 : memref<1x80x128xf32, #tpu.memory_space<vmem>> -> memref<80x128xf32, #tpu.memory_space<vmem>>
    %dma_wait3A_208 = arith.constant 0 : i32
    %dma_wait3A_209 = tpu.memref_slice %arg10[%dma_wait3A_203, %dma_wait3A_208] : memref<3x80xi32, #tpu.memory_space<vmem>> -> memref<1x80xi32, #tpu.memory_space<vmem>>
    %dma_wait3A_210 = tpu.memref_squeeze %dma_wait3A_209 : memref<1x80xi32, #tpu.memory_space<vmem>> -> memref<80xi32, #tpu.memory_space<vmem>>
    %dma_wait3A_211 = arith.constant 0 : i32
    %dma_wait3A_212 = arith.constant 0 : i32
    %dma_wait3A_213 = tpu.memref_slice %arg7[%dma_wait3A_211, %dma_wait3A_212] : memref<10000x128xf32, #tpu.memory_space<vmem_shared>> -> memref<10000x128xf32, #tpu.memory_space<vmem_shared>>
    tpu.wait_indirect_dma semaphore(%arg17 : memref<!tpu.dma_semaphore, #tpu.memory_space<semaphore_mem>>) src(%dma_wait3A_207 : memref<80x128xf32, #tpu.memory_space<vmem>>) dst(%dma_wait3A_213 : memref<10000x128xf32, #tpu.memory_space<vmem_shared>>)
    %dma_wait3A_214 = arith.constant 0 : i32
    %dma_wait3A_215 = arith.constant 0 : i32
    %dma_wait3A_216 = arith.constant 0 : i32
    %dma_wait3A_217 = arith.constant 0 : i32
    %dma_wait3A_218 = tpu.memref_slice %arg11[%dma_wait3A_215, %dma_wait3A_216, %dma_wait3A_217] : memref<3x80x128xf32, #tpu.memory_space<vmem>> -> memref<1x80x128xf32, #tpu.memory_space<vmem>>
    %dma_wait3A_219 = tpu.memref_squeeze %dma_wait3A_218 : memref<1x80x128xf32, #tpu.memory_space<vmem>> -> memref<80x128xf32, #tpu.memory_space<vmem>>
    %dma_wait3A_220 = arith.constant 0 : i32
    %dma_wait3A_221 = tpu.memref_slice %arg9[%dma_wait3A_214, %dma_wait3A_220] : memref<3x80xi32, #tpu.memory_space<vmem>> -> memref<1x80xi32, #tpu.memory_space<vmem>>
    %dma_wait3A_222 = tpu.memref_squeeze %dma_wait3A_221 : memref<1x80xi32, #tpu.memory_space<vmem>> -> memref<80xi32, #tpu.memory_space<vmem>>
    %dma_wait3A_223 = arith.constant 0 : i32
    %dma_wait3A_224 = arith.constant 0 : i32
    %dma_wait3A_225 = tpu.memref_slice %arg2[%dma_wait3A_223, %dma_wait3A_224] : memref<10000x128xf32, #tpu.memory_space<hbm>> -> memref<10000x128xf32, #tpu.memory_space<hbm>>
    tpu.wait_indirect_dma semaphore(%arg12 : memref<!tpu.dma_semaphore, #tpu.memory_space<semaphore_mem>>) src(%dma_wait3A_225 : memref<10000x128xf32, #tpu.memory_space<hbm>>) dst(%dma_wait3A_219 : memref<80x128xf32, #tpu.memory_space<vmem>>)
    %dma_start3A_226 = arith.constant 0 : i32
    %dma_start3A_227 = arith.constant 0 : i32
    %dma_start3A_228 = arith.constant 0 : i32
    %dma_start3A_229 = arith.constant 0 : i32
    %dma_start3A_230 = tpu.memref_slice %arg11[%dma_start3A_226, %dma_start3A_228, %dma_start3A_229] : memref<3x80x128xf32, #tpu.memory_space<vmem>> -> memref<1x80x128xf32, #tpu.memory_space<vmem>>
    %dma_start3A_231 = tpu.memref_squeeze %dma_start3A_230 : memref<1x80x128xf32, #tpu.memory_space<vmem>> -> memref<80x128xf32, #tpu.memory_space<vmem>>
    %dma_start3A_232 = arith.constant 0 : i32
    %dma_start3A_233 = tpu.memref_slice %arg10[%dma_start3A_227, %dma_start3A_232] : memref<3x80xi32, #tpu.memory_space<vmem>> -> memref<1x80xi32, #tpu.memory_space<vmem>>
    %dma_start3A_234 = tpu.memref_squeeze %dma_start3A_233 : memref<1x80xi32, #tpu.memory_space<vmem>> -> memref<80xi32, #tpu.memory_space<vmem>>
    %dma_start3A_235 = arith.constant 0 : i32
    %dma_start3A_236 = arith.constant 0 : i32
    %dma_start3A_237 = tpu.memref_slice %arg7[%dma_start3A_235, %dma_start3A_236] : memref<10000x128xf32, #tpu.memory_space<vmem_shared>> -> memref<10000x128xf32, #tpu.memory_space<vmem_shared>>
    tpu.enqueue_indirect_dma source(%dma_start3A_231 : memref<80x128xf32, #tpu.memory_space<vmem>>) target(%dma_start3A_237 : memref<10000x128xf32, #tpu.memory_space<vmem_shared>>) offsets(%dma_start3A_234 : memref<80xi32, #tpu.memory_space<vmem>>) semaphore(%arg15 : memref<!tpu.dma_semaphore, #tpu.memory_space<semaphore_mem>>) {add = true}
    %dma_wait3A_238 = arith.constant 0 : i32
    %dma_wait3A_239 = arith.constant 0 : i32
    %dma_wait3A_240 = arith.constant 0 : i32
    %dma_wait3A_241 = arith.constant 0 : i32
    %dma_wait3A_242 = tpu.memref_slice %arg11[%dma_wait3A_238, %dma_wait3A_240, %dma_wait3A_241] : memref<3x80x128xf32, #tpu.memory_space<vmem>> -> memref<1x80x128xf32, #tpu.memory_space<vmem>>
    %dma_wait3A_243 = tpu.memref_squeeze %dma_wait3A_242 : memref<1x80x128xf32, #tpu.memory_space<vmem>> -> memref<80x128xf32, #tpu.memory_space<vmem>>
    %dma_wait3A_244 = arith.constant 0 : i32
    %dma_wait3A_245 = tpu.memref_slice %arg10[%dma_wait3A_239, %dma_wait3A_244] : memref<3x80xi32, #tpu.memory_space<vmem>> -> memref<1x80xi32, #tpu.memory_space<vmem>>
    %dma_wait3A_246 = tpu.memref_squeeze %dma_wait3A_245 : memref<1x80xi32, #tpu.memory_space<vmem>> -> memref<80xi32, #tpu.memory_space<vmem>>
    %dma_wait3A_247 = arith.constant 0 : i32
    %dma_wait3A_248 = arith.constant 0 : i32
    %dma_wait3A_249 = tpu.memref_slice %arg7[%dma_wait3A_247, %dma_wait3A_248] : memref<10000x128xf32, #tpu.memory_space<vmem_shared>> -> memref<10000x128xf32, #tpu.memory_space<vmem_shared>>
    tpu.wait_indirect_dma semaphore(%arg15 : memref<!tpu.dma_semaphore, #tpu.memory_space<semaphore_mem>>) src(%dma_wait3A_243 : memref<80x128xf32, #tpu.memory_space<vmem>>) dst(%dma_wait3A_249 : memref<10000x128xf32, #tpu.memory_space<vmem_shared>>)
    %dma_wait3A_250 = arith.constant 1 : i32
    %dma_wait3A_251 = arith.constant 1 : i32
    %dma_wait3A_252 = arith.constant 0 : i32
    %dma_wait3A_253 = arith.constant 0 : i32
    %dma_wait3A_254 = tpu.memref_slice %arg11[%dma_wait3A_251, %dma_wait3A_252, %dma_wait3A_253] : memref<3x80x128xf32, #tpu.memory_space<vmem>> -> memref<1x80x128xf32, #tpu.memory_space<vmem>>
    %dma_wait3A_255 = tpu.memref_squeeze %dma_wait3A_254 : memref<1x80x128xf32, #tpu.memory_space<vmem>> -> memref<80x128xf32, #tpu.memory_space<vmem>>
    %dma_wait3A_256 = arith.constant 0 : i32
    %dma_wait3A_257 = tpu.memref_slice %arg9[%dma_wait3A_250, %dma_wait3A_256] : memref<3x80xi32, #tpu.memory_space<vmem>> -> memref<1x80xi32, #tpu.memory_space<vmem>>
    %dma_wait3A_258 = tpu.memref_squeeze %dma_wait3A_257 : memref<1x80xi32, #tpu.memory_space<vmem>> -> memref<80xi32, #tpu.memory_space<vmem>>
    %dma_wait3A_259 = arith.constant 0 : i32
    %dma_wait3A_260 = arith.constant 0 : i32
    %dma_wait3A_261 = tpu.memref_slice %arg2[%dma_wait3A_259, %dma_wait3A_260] : memref<10000x128xf32, #tpu.memory_space<hbm>> -> memref<10000x128xf32, #tpu.memory_space<hbm>>
    tpu.wait_indirect_dma semaphore(%arg13 : memref<!tpu.dma_semaphore, #tpu.memory_space<semaphore_mem>>) src(%dma_wait3A_261 : memref<10000x128xf32, #tpu.memory_space<hbm>>) dst(%dma_wait3A_255 : memref<80x128xf32, #tpu.memory_space<vmem>>)
    %dma_start3A_262 = arith.constant 1 : i32
    %dma_start3A_263 = arith.constant 1 : i32
    %dma_start3A_264 = arith.constant 0 : i32
    %dma_start3A_265 = arith.constant 0 : i32
    %dma_start3A_266 = tpu.memref_slice %arg11[%dma_start3A_262, %dma_start3A_264, %dma_start3A_265] : memref<3x80x128xf32, #tpu.memory_space<vmem>> -> memref<1x80x128xf32, #tpu.memory_space<vmem>>
    %dma_start3A_267 = tpu.memref_squeeze %dma_start3A_266 : memref<1x80x128xf32, #tpu.memory_space<vmem>> -> memref<80x128xf32, #tpu.memory_space<vmem>>
    %dma_start3A_268 = arith.constant 0 : i32
    %dma_start3A_269 = tpu.memref_slice %arg10[%dma_start3A_263, %dma_start3A_268] : memref<3x80xi32, #tpu.memory_space<vmem>> -> memref<1x80xi32, #tpu.memory_space<vmem>>
    %dma_start3A_270 = tpu.memref_squeeze %dma_start3A_269 : memref<1x80xi32, #tpu.memory_space<vmem>> -> memref<80xi32, #tpu.memory_space<vmem>>
    %dma_start3A_271 = arith.constant 0 : i32
    %dma_start3A_272 = arith.constant 0 : i32
    %dma_start3A_273 = tpu.memref_slice %arg7[%dma_start3A_271, %dma_start3A_272] : memref<10000x128xf32, #tpu.memory_space<vmem_shared>> -> memref<10000x128xf32, #tpu.memory_space<vmem_shared>>
    tpu.enqueue_indirect_dma source(%dma_start3A_267 : memref<80x128xf32, #tpu.memory_space<vmem>>) target(%dma_start3A_273 : memref<10000x128xf32, #tpu.memory_space<vmem_shared>>) offsets(%dma_start3A_270 : memref<80xi32, #tpu.memory_space<vmem>>) semaphore(%arg16 : memref<!tpu.dma_semaphore, #tpu.memory_space<semaphore_mem>>) {add = true}
    %dma_wait3A_274 = arith.constant 1 : i32
    %dma_wait3A_275 = arith.constant 1 : i32
    %dma_wait3A_276 = arith.constant 0 : i32
    %dma_wait3A_277 = arith.constant 0 : i32
    %dma_wait3A_278 = tpu.memref_slice %arg11[%dma_wait3A_274, %dma_wait3A_276, %dma_wait3A_277] : memref<3x80x128xf32, #tpu.memory_space<vmem>> -> memref<1x80x128xf32, #tpu.memory_space<vmem>>
    %dma_wait3A_279 = tpu.memref_squeeze %dma_wait3A_278 : memref<1x80x128xf32, #tpu.memory_space<vmem>> -> memref<80x128xf32, #tpu.memory_space<vmem>>
    %dma_wait3A_280 = arith.constant 0 : i32
    %dma_wait3A_281 = tpu.memref_slice %arg10[%dma_wait3A_275, %dma_wait3A_280] : memref<3x80xi32, #tpu.memory_space<vmem>> -> memref<1x80xi32, #tpu.memory_space<vmem>>
    %dma_wait3A_282 = tpu.memref_squeeze %dma_wait3A_281 : memref<1x80xi32, #tpu.memory_space<vmem>> -> memref<80xi32, #tpu.memory_space<vmem>>
    %dma_wait3A_283 = arith.constant 0 : i32
    %dma_wait3A_284 = arith.constant 0 : i32
    %dma_wait3A_285 = tpu.memref_slice %arg7[%dma_wait3A_283, %dma_wait3A_284] : memref<10000x128xf32, #tpu.memory_space<vmem_shared>> -> memref<10000x128xf32, #tpu.memory_space<vmem_shared>>
    tpu.wait_indirect_dma semaphore(%arg16 : memref<!tpu.dma_semaphore, #tpu.memory_space<semaphore_mem>>) src(%dma_wait3A_279 : memref<80x128xf32, #tpu.memory_space<vmem>>) dst(%dma_wait3A_285 : memref<10000x128xf32, #tpu.memory_space<vmem_shared>>)
    %barrier3A_286 = arith.constant 0 : index
    tpu.barrier barrier_id(%barrier3A_286)
    %eq3A_287 = arith.constant 0 : i32
    %eq3A_288 = arith.cmpi eq, %arg0, %eq3A_287 : i32
    %convert_element_type3A_289 = arith.extui %eq3A_288 : i1 to i32
    %cond3A_290 = arith.constant 0 : i32
    %cond3A_291 = arith.cmpi ne, %convert_element_type3A_289, %cond3A_290 : i32
    scf.if %cond3A_291 {
      %mul3A_297 = arith.constant 624 : i32
      %mul3A_298 = arith.muli %arg1, %mul3A_297 : i32
      %mul3A_299 = arith.constant 624 : i32
      %mul3A_300 = arith.muli %arg1, %mul3A_299 : i32
      "tpu.region"() ({
        %run_scoped3A = tpu.sem_alloc : memref<!tpu.dma_semaphore, #tpu.memory_space<semaphore_mem>>
        %dma_start3A_306 = arith.constant 0 : i32
        %dma_start3A_307 = tpu.memref_slice %arg5[%mul3A_300, %dma_start3A_306] : memref<10000x128xf32, #tpu.memory_space<hbm>> -> memref<624x128xf32, #tpu.memory_space<hbm>>
        %dma_start3A_308 = arith.constant 0 : i32
        %dma_start3A_309 = tpu.memref_slice %arg7[%mul3A_298, %dma_start3A_308] : memref<10000x128xf32, #tpu.memory_space<vmem_shared>> -> memref<624x128xf32, #tpu.memory_space<vmem_shared>>
        tpu.enqueue_dma source(%dma_start3A_309 : memref<624x128xf32, #tpu.memory_space<vmem_shared>>) target(%dma_start3A_307 : memref<624x128xf32, #tpu.memory_space<hbm>>) target_semaphore(%run_scoped3A : memref<!tpu.dma_semaphore, #tpu.memory_space<semaphore_mem>>)
        %dma_wait3A_310 = arith.constant 0 : i32
        %dma_wait3A_311 = tpu.memref_slice %arg5[%mul3A_300, %dma_wait3A_310] : memref<10000x128xf32, #tpu.memory_space<hbm>> -> memref<624x128xf32, #tpu.memory_space<hbm>>
        %dma_wait3A_312 = arith.constant 0 : i32
        %dma_wait3A_313 = tpu.memref_slice %arg7[%mul3A_298, %dma_wait3A_312] : memref<10000x128xf32, #tpu.memory_space<vmem_shared>> -> memref<624x128xf32, #tpu.memory_space<vmem_shared>>
        tpu.wait_dma2 semaphore(%run_scoped3A : memref<!tpu.dma_semaphore, #tpu.memory_space<semaphore_mem>>) src(%dma_wait3A_313 : memref<624x128xf32, #tpu.memory_space<vmem_shared>>) dst(%dma_wait3A_311 : memref<624x128xf32, #tpu.memory_space<hbm>>)
        tpu.yield
      }) : () -> ()
      %eq3A_301 = arith.constant 0 : i32
      %eq3A_302 = arith.cmpi eq, %arg1, %eq3A_301 : i32
      %convert_element_type3A_303 = arith.extui %eq3A_302 : i1 to i32
      %cond3A_304 = arith.constant 0 : i32
      %cond3A_305 = arith.cmpi ne, %convert_element_type3A_303, %cond3A_304 : i32
      scf.if %cond3A_305 {
        "tpu.region"() ({
          %run_scoped3A = tpu.sem_alloc : memref<!tpu.dma_semaphore, #tpu.memory_space<semaphore_mem>>
          %dma_start3A_306 = arith.constant 9984 : i32
          %dma_start3A_307 = arith.constant 0 : i32
          %dma_start3A_308 = tpu.memref_slice %arg5[%dma_start3A_306, %dma_start3A_307] : memref<10000x128xf32, #tpu.memory_space<hbm>> -> memref<16x128xf32, #tpu.memory_space<hbm>>
          %dma_start3A_309 = arith.constant 9984 : i32
          %dma_start3A_310 = arith.constant 0 : i32
          %dma_start3A_311 = tpu.memref_slice %arg7[%dma_start3A_309, %dma_start3A_310] : memref<10000x128xf32, #tpu.memory_space<vmem_shared>> -> memref<16x128xf32, #tpu.memory_space<vmem_shared>>
          tpu.enqueue_dma source(%dma_start3A_311 : memref<16x128xf32, #tpu.memory_space<vmem_shared>>) target(%dma_start3A_308 : memref<16x128xf32, #tpu.memory_space<hbm>>) target_semaphore(%run_scoped3A : memref<!tpu.dma_semaphore, #tpu.memory_space<semaphore_mem>>)
          %dma_wait3A_312 = arith.constant 9984 : i32
          %dma_wait3A_313 = arith.constant 0 : i32
          %dma_wait3A_314 = tpu.memref_slice %arg5[%dma_wait3A_312, %dma_wait3A_313] : memref<10000x128xf32, #tpu.memory_space<hbm>> -> memref<16x128xf32, #tpu.memory_space<hbm>>
          %dma_wait3A_315 = arith.constant 9984 : i32
          %dma_wait3A_316 = arith.constant 0 : i32
          %dma_wait3A_317 = tpu.memref_slice %arg7[%dma_wait3A_315, %dma_wait3A_316] : memref<10000x128xf32, #tpu.memory_space<vmem_shared>> -> memref<16x128xf32, #tpu.memory_space<vmem_shared>>
          tpu.wait_dma2 semaphore(%run_scoped3A : memref<!tpu.dma_semaphore, #tpu.memory_space<semaphore_mem>>) src(%dma_wait3A_317 : memref<16x128xf32, #tpu.memory_space<vmem_shared>>) dst(%dma_wait3A_314 : memref<16x128xf32, #tpu.memory_space<hbm>>)
          tpu.yield
        }) : () -> ()
      } else {
      }
    } else {
    }
    %eq3A_292 = arith.constant 1 : i32
    %eq3A_293 = arith.cmpi eq, %arg0, %eq3A_292 : i32
    %convert_element_type3A_294 = arith.extui %eq3A_293 : i1 to i32
    %cond3A_295 = arith.constant 0 : i32
    %cond3A_296 = arith.cmpi ne, %convert_element_type3A_294, %cond3A_295 : i32
    scf.if %cond3A_296 {
      %mul3A_297 = arith.constant 624 : i32
      %mul3A_298 = arith.muli %arg1, %mul3A_297 : i32
      %mul3A_299 = arith.constant 624 : i32
      %mul3A_300 = arith.muli %arg1, %mul3A_299 : i32
      "tpu.region"() ({
        %run_scoped3A = tpu.sem_alloc : memref<!tpu.dma_semaphore, #tpu.memory_space<semaphore_mem>>
        %dma_start3A_306 = arith.constant 0 : i32
        %dma_start3A_307 = tpu.memref_slice %arg6[%mul3A_300, %dma_start3A_306] : memref<10000x128xf32, #tpu.memory_space<hbm>> -> memref<624x128xf32, #tpu.memory_space<hbm>>
        %dma_start3A_308 = arith.constant 0 : i32
        %dma_start3A_309 = tpu.memref_slice %arg7[%mul3A_298, %dma_start3A_308] : memref<10000x128xf32, #tpu.memory_space<vmem_shared>> -> memref<624x128xf32, #tpu.memory_space<vmem_shared>>
        tpu.enqueue_dma source(%dma_start3A_309 : memref<624x128xf32, #tpu.memory_space<vmem_shared>>) target(%dma_start3A_307 : memref<624x128xf32, #tpu.memory_space<hbm>>) target_semaphore(%run_scoped3A : memref<!tpu.dma_semaphore, #tpu.memory_space<semaphore_mem>>)
        %dma_wait3A_310 = arith.constant 0 : i32
        %dma_wait3A_311 = tpu.memref_slice %arg6[%mul3A_300, %dma_wait3A_310] : memref<10000x128xf32, #tpu.memory_space<hbm>> -> memref<624x128xf32, #tpu.memory_space<hbm>>
        %dma_wait3A_312 = arith.constant 0 : i32
        %dma_wait3A_313 = tpu.memref_slice %arg7[%mul3A_298, %dma_wait3A_312] : memref<10000x128xf32, #tpu.memory_space<vmem_shared>> -> memref<624x128xf32, #tpu.memory_space<vmem_shared>>
        tpu.wait_dma2 semaphore(%run_scoped3A : memref<!tpu.dma_semaphore, #tpu.memory_space<semaphore_mem>>) src(%dma_wait3A_313 : memref<624x128xf32, #tpu.memory_space<vmem_shared>>) dst(%dma_wait3A_311 : memref<624x128xf32, #tpu.memory_space<hbm>>)
        tpu.yield
      }) : () -> ()
      %eq3A_301 = arith.constant 0 : i32
      %eq3A_302 = arith.cmpi eq, %arg1, %eq3A_301 : i32
      %convert_element_type3A_303 = arith.extui %eq3A_302 : i1 to i32
      %cond3A_304 = arith.constant 0 : i32
      %cond3A_305 = arith.cmpi ne, %convert_element_type3A_303, %cond3A_304 : i32
      scf.if %cond3A_305 {
        "tpu.region"() ({
          %run_scoped3A = tpu.sem_alloc : memref<!tpu.dma_semaphore, #tpu.memory_space<semaphore_mem>>
          %dma_start3A_306 = arith.constant 9984 : i32
          %dma_start3A_307 = arith.constant 0 : i32
          %dma_start3A_308 = tpu.memref_slice %arg6[%dma_start3A_306, %dma_start3A_307] : memref<10000x128xf32, #tpu.memory_space<hbm>> -> memref<16x128xf32, #tpu.memory_space<hbm>>
          %dma_start3A_309 = arith.constant 9984 : i32
          %dma_start3A_310 = arith.constant 0 : i32
          %dma_start3A_311 = tpu.memref_slice %arg7[%dma_start3A_309, %dma_start3A_310] : memref<10000x128xf32, #tpu.memory_space<vmem_shared>> -> memref<16x128xf32, #tpu.memory_space<vmem_shared>>
          tpu.enqueue_dma source(%dma_start3A_311 : memref<16x128xf32, #tpu.memory_space<vmem_shared>>) target(%dma_start3A_308 : memref<16x128xf32, #tpu.memory_space<hbm>>) target_semaphore(%run_scoped3A : memref<!tpu.dma_semaphore, #tpu.memory_space<semaphore_mem>>)
          %dma_wait3A_312 = arith.constant 9984 : i32
          %dma_wait3A_313 = arith.constant 0 : i32
          %dma_wait3A_314 = tpu.memref_slice %arg6[%dma_wait3A_312, %dma_wait3A_313] : memref<10000x128xf32, #tpu.memory_space<hbm>> -> memref<16x128xf32, #tpu.memory_space<hbm>>
          %dma_wait3A_315 = arith.constant 9984 : i32
          %dma_wait3A_316 = arith.constant 0 : i32
          %dma_wait3A_317 = tpu.memref_slice %arg7[%dma_wait3A_315, %dma_wait3A_316] : memref<10000x128xf32, #tpu.memory_space<vmem_shared>> -> memref<16x128xf32, #tpu.memory_space<vmem_shared>>
          tpu.wait_dma2 semaphore(%run_scoped3A : memref<!tpu.dma_semaphore, #tpu.memory_space<semaphore_mem>>) src(%dma_wait3A_317 : memref<16x128xf32, #tpu.memory_space<vmem_shared>>) dst(%dma_wait3A_314 : memref<16x128xf32, #tpu.memory_space<hbm>>)
          tpu.yield
        }) : () -> ()
      } else {
      }
    } else {
    }
    return
  }
}

module attributes {stable_mosaic.version = 14 : i64} {
  func.func @body(%arg0: memref<10000x128xf32, #tpu.memory_space<vmem>>, %arg1: memref<10000x128xf32, #tpu.memory_space<vmem>>, %arg2: memref<10000x128xf32, #tpu.memory_space<vmem>>, %arg3: memref<1x1xf32, #tpu.memory_space<vmem>>, %arg4: memref<128x128xf32, #tpu.memory_space<vmem>>, %arg5: memref<1x128xf32, #tpu.memory_space<vmem>>, %arg6: memref<1x128xf32, #tpu.memory_space<vmem>>, %arg7: memref<1x128xf32, #tpu.memory_space<vmem>>, %arg8: memref<128x128xf32, #tpu.memory_space<vmem>>, %arg9: memref<1x128xf32, #tpu.memory_space<vmem>>, %arg10: memref<1x128xf32, #tpu.memory_space<vmem>>, %arg11: memref<1x128xf32, #tpu.memory_space<vmem>>, %arg12: memref<10000x128xf32, #tpu.memory_space<vmem>>) attributes {dimension_semantics = [], scalar_prefetch = 0 : i64, scratch_operands = 0 : i64, tpu.core_type = #tpu.core_type<tc>} {
    %get3A = arith.constant 0 : index
    %get3A_0 = arith.constant 0 : index
    %get3A_1 = vector.load %arg3[%get3A, %get3A_0] : memref<1x1xf32, #tpu.memory_space<vmem>>, vector<1x1xf32>
    %get3A_2 = vector.extract %get3A_1[0, 0] : f32 from vector<1x1xf32>
    %add3A = arith.constant 1.000000e+00 : f32
    %add3A_3 = arith.addf %add3A, %get3A_2 : f32
    %get3A_4 = arith.constant 0 : index
    %get3A_5 = arith.constant 0 : index
    %get3A_6 = vector.load %arg0[%get3A_4, %get3A_5] : memref<10000x128xf32, #tpu.memory_space<vmem>>, vector<10000x128xf32>
    %mul3A = vector.broadcast %add3A_3 : f32 to vector<10000x128xf32>
    %mul3A_7 = arith.mulf %mul3A, %get3A_6 : vector<10000x128xf32>
    %get3A_8 = arith.constant 0 : index
    %get3A_9 = arith.constant 0 : index
    %get3A_10 = vector.load %arg1[%get3A_8, %get3A_9] : memref<10000x128xf32, #tpu.memory_space<vmem>>, vector<10000x128xf32>
    %add3A_11 = arith.addf %mul3A_7, %get3A_10 : vector<10000x128xf32>
    %get3A_12 = arith.constant 0 : index
    %get3A_13 = arith.constant 0 : index
    %get3A_14 = vector.load %arg2[%get3A_12, %get3A_13] : memref<10000x128xf32, #tpu.memory_space<vmem>>, vector<10000x128xf32>
    %add3A_15 = arith.addf %add3A_11, %get3A_14 : vector<10000x128xf32>
    %get3A_16 = arith.constant 0 : index
    %get3A_17 = arith.constant 0 : index
    %get3A_18 = vector.load %arg4[%get3A_16, %get3A_17] : memref<128x128xf32, #tpu.memory_space<vmem>>, vector<128x128xf32>
    %dot_general3A = arith.constant dense<0.000000e+00> : vector<10000x128xf32>
    %dot_general3A_19 = tpu.matmul %add3A_15, %get3A_18, %dot_general3A {dimension_numbers = #tpu.dot_dimension_numbers<[1], [0], [0], [1], [0, 0, 1, 1], [], []>, transpose_lhs_hint = false} : vector<10000x128xf32>, vector<128x128xf32>, vector<10000x128xf32> -> vector<10000x128xf32>
    %get3A_20 = arith.constant 0 : index
    %get3A_21 = arith.constant 0 : index
    %get3A_22 = vector.load %arg5[%get3A_20, %get3A_21] : memref<1x128xf32, #tpu.memory_space<vmem>>, vector<1x128xf32>
    %add3A_23 = vector.broadcast %get3A_22 : vector<1x128xf32> to vector<10000x128xf32>
    %add3A_24 = arith.addf %dot_general3A_19, %add3A_23 : vector<10000x128xf32>
    %get3A_25 = arith.constant 0 : index
    %get3A_26 = arith.constant 0 : index
    %get3A_27 = vector.load %arg6[%get3A_25, %get3A_26] : memref<1x128xf32, #tpu.memory_space<vmem>>, vector<1x128xf32>
    %get3A_28 = arith.constant 0 : index
    %get3A_29 = arith.constant 0 : index
    %get3A_30 = vector.load %arg7[%get3A_28, %get3A_29] : memref<1x128xf32, #tpu.memory_space<vmem>>, vector<1x128xf32>
    %reduce_sum3A = arith.constant dense<0.000000e+00> : vector<128xf32>
    %reduce_sum3A_31 = vector.multi_reduction <add>, %add3A_24, %reduce_sum3A [0] : vector<10000x128xf32> to vector<128xf32>
    %broadcast_in_dim3A = vector.shape_cast %reduce_sum3A_31 : vector<128xf32> to vector<1x128xf32>
    %div3A = arith.constant 1.000000e+04 : f32
    %div3A_32 = vector.broadcast %div3A : f32 to vector<1x128xf32>
    %div3A_33 = arith.divf %broadcast_in_dim3A, %div3A_32 : vector<1x128xf32>
    %sub3A = vector.broadcast %div3A_33 : vector<1x128xf32> to vector<10000x128xf32>
    %sub3A_34 = arith.subf %add3A_24, %sub3A : vector<10000x128xf32>
    %sub3A_35 = vector.broadcast %div3A_33 : vector<1x128xf32> to vector<10000x128xf32>
    %sub3A_36 = arith.subf %add3A_24, %sub3A_35 : vector<10000x128xf32>
    %mul3A_37 = arith.mulf %sub3A_34, %sub3A_36 : vector<10000x128xf32>
    %reduce_sum3A_38 = arith.constant dense<0.000000e+00> : vector<128xf32>
    %reduce_sum3A_39 = vector.multi_reduction <add>, %mul3A_37, %reduce_sum3A_38 [0] : vector<10000x128xf32> to vector<128xf32>
    %broadcast_in_dim3A_40 = vector.shape_cast %reduce_sum3A_39 : vector<128xf32> to vector<1x128xf32>
    %div3A_41 = arith.constant 1.000000e+04 : f32
    %div3A_42 = vector.broadcast %div3A_41 : f32 to vector<1x128xf32>
    %div3A_43 = arith.divf %broadcast_in_dim3A_40, %div3A_42 : vector<1x128xf32>
    %sub3A_44 = vector.broadcast %div3A_33 : vector<1x128xf32> to vector<10000x128xf32>
    %sub3A_45 = arith.subf %add3A_24, %sub3A_44 : vector<10000x128xf32>
    %mul3A_46 = vector.broadcast %get3A_27 : vector<1x128xf32> to vector<10000x128xf32>
    %mul3A_47 = arith.mulf %mul3A_46, %sub3A_45 : vector<10000x128xf32>
    %add3A_48 = arith.constant 9.99999974E-6 : f32
    %add3A_49 = vector.broadcast %add3A_48 : f32 to vector<1x128xf32>
    %add3A_50 = arith.addf %div3A_43, %add3A_49 : vector<1x128xf32>
    %rsqrt3A = math.rsqrt %add3A_50 : vector<1x128xf32>
    %mul3A_51 = vector.broadcast %rsqrt3A : vector<1x128xf32> to vector<10000x128xf32>
    %mul3A_52 = arith.mulf %mul3A_47, %mul3A_51 : vector<10000x128xf32>
    %add3A_53 = vector.broadcast %get3A_30 : vector<1x128xf32> to vector<10000x128xf32>
    %add3A_54 = arith.addf %mul3A_52, %add3A_53 : vector<10000x128xf32>
    %max3A = arith.constant 0.000000e+00 : f32
    %max3A_55 = vector.broadcast %max3A : f32 to vector<10000x128xf32>
    %max3A_56 = arith.maximumf %add3A_54, %max3A_55 : vector<10000x128xf32>
    %get3A_57 = arith.constant 0 : index
    %get3A_58 = arith.constant 0 : index
    %get3A_59 = vector.load %arg8[%get3A_57, %get3A_58] : memref<128x128xf32, #tpu.memory_space<vmem>>, vector<128x128xf32>
    %dot_general3A_60 = arith.constant dense<0.000000e+00> : vector<10000x128xf32>
    %dot_general3A_61 = tpu.matmul %max3A_56, %get3A_59, %dot_general3A_60 {dimension_numbers = #tpu.dot_dimension_numbers<[1], [0], [0], [1], [0, 0, 1, 1], [], []>, transpose_lhs_hint = false} : vector<10000x128xf32>, vector<128x128xf32>, vector<10000x128xf32> -> vector<10000x128xf32>
    %get3A_62 = arith.constant 0 : index
    %get3A_63 = arith.constant 0 : index
    %get3A_64 = vector.load %arg9[%get3A_62, %get3A_63] : memref<1x128xf32, #tpu.memory_space<vmem>>, vector<1x128xf32>
    %add3A_65 = vector.broadcast %get3A_64 : vector<1x128xf32> to vector<10000x128xf32>
    %add3A_66 = arith.addf %dot_general3A_61, %add3A_65 : vector<10000x128xf32>
    %get3A_67 = arith.constant 0 : index
    %get3A_68 = arith.constant 0 : index
    %get3A_69 = vector.load %arg10[%get3A_67, %get3A_68] : memref<1x128xf32, #tpu.memory_space<vmem>>, vector<1x128xf32>
    %get3A_70 = arith.constant 0 : index
    %get3A_71 = arith.constant 0 : index
    %get3A_72 = vector.load %arg11[%get3A_70, %get3A_71] : memref<1x128xf32, #tpu.memory_space<vmem>>, vector<1x128xf32>
    %reduce_sum3A_73 = arith.constant dense<0.000000e+00> : vector<128xf32>
    %reduce_sum3A_74 = vector.multi_reduction <add>, %add3A_66, %reduce_sum3A_73 [0] : vector<10000x128xf32> to vector<128xf32>
    %broadcast_in_dim3A_75 = vector.shape_cast %reduce_sum3A_74 : vector<128xf32> to vector<1x128xf32>
    %div3A_76 = arith.constant 1.000000e+04 : f32
    %div3A_77 = vector.broadcast %div3A_76 : f32 to vector<1x128xf32>
    %div3A_78 = arith.divf %broadcast_in_dim3A_75, %div3A_77 : vector<1x128xf32>
    %sub3A_79 = vector.broadcast %div3A_78 : vector<1x128xf32> to vector<10000x128xf32>
    %sub3A_80 = arith.subf %add3A_66, %sub3A_79 : vector<10000x128xf32>
    %sub3A_81 = vector.broadcast %div3A_78 : vector<1x128xf32> to vector<10000x128xf32>
    %sub3A_82 = arith.subf %add3A_66, %sub3A_81 : vector<10000x128xf32>
    %mul3A_83 = arith.mulf %sub3A_80, %sub3A_82 : vector<10000x128xf32>
    %reduce_sum3A_84 = arith.constant dense<0.000000e+00> : vector<128xf32>
    %reduce_sum3A_85 = vector.multi_reduction <add>, %mul3A_83, %reduce_sum3A_84 [0] : vector<10000x128xf32> to vector<128xf32>
    %broadcast_in_dim3A_86 = vector.shape_cast %reduce_sum3A_85 : vector<128xf32> to vector<1x128xf32>
    %div3A_87 = arith.constant 1.000000e+04 : f32
    %div3A_88 = vector.broadcast %div3A_87 : f32 to vector<1x128xf32>
    %div3A_89 = arith.divf %broadcast_in_dim3A_86, %div3A_88 : vector<1x128xf32>
    %sub3A_90 = vector.broadcast %div3A_78 : vector<1x128xf32> to vector<10000x128xf32>
    %sub3A_91 = arith.subf %add3A_66, %sub3A_90 : vector<10000x128xf32>
    %mul3A_92 = vector.broadcast %get3A_69 : vector<1x128xf32> to vector<10000x128xf32>
    %mul3A_93 = arith.mulf %mul3A_92, %sub3A_91 : vector<10000x128xf32>
    %add3A_94 = arith.constant 9.99999974E-6 : f32
    %add3A_95 = vector.broadcast %add3A_94 : f32 to vector<1x128xf32>
    %add3A_96 = arith.addf %div3A_89, %add3A_95 : vector<1x128xf32>
    %rsqrt3A_97 = math.rsqrt %add3A_96 : vector<1x128xf32>
    %mul3A_98 = vector.broadcast %rsqrt3A_97 : vector<1x128xf32> to vector<10000x128xf32>
    %mul3A_99 = arith.mulf %mul3A_93, %mul3A_98 : vector<10000x128xf32>
    %add3A_100 = vector.broadcast %get3A_72 : vector<1x128xf32> to vector<10000x128xf32>
    %add3A_101 = arith.addf %mul3A_99, %add3A_100 : vector<10000x128xf32>
    %max3A_102 = arith.constant 0.000000e+00 : f32
    %max3A_103 = vector.broadcast %max3A_102 : f32 to vector<10000x128xf32>
    %max3A_104 = arith.maximumf %add3A_101, %max3A_103 : vector<10000x128xf32>
    %swap3A = arith.constant 0 : index
    %swap3A_105 = arith.constant 0 : index
    %swap3A_106 = vector.load %arg12[%swap3A, %swap3A_105] : memref<10000x128xf32, #tpu.memory_space<vmem>>, vector<10000x128xf32>
    tpu.vector_store %arg12[%swap3A, %swap3A_105], %max3A_104 {strides = array<i32>} : memref<10000x128xf32, #tpu.memory_space<vmem>>, vector<10000x128xf32>,
    return
  }
}

module attributes {stable_mosaic.version = 14 : i64} {
  func.func @body(%arg0: memref<10000x128xf32, #tpu.memory_space<vmem>>, %arg1: memref<10000x128xf32, #tpu.memory_space<vmem>>, %arg2: memref<10000x128xf32, #tpu.memory_space<vmem>>, %arg3: memref<1x1xf32, #tpu.memory_space<vmem>>, %arg4: memref<128x128xf32, #tpu.memory_space<vmem>>, %arg5: memref<1x128xf32, #tpu.memory_space<vmem>>, %arg6: memref<1x128xf32, #tpu.memory_space<vmem>>, %arg7: memref<1x128xf32, #tpu.memory_space<vmem>>, %arg8: memref<128x128xf32, #tpu.memory_space<vmem>>, %arg9: memref<1x128xf32, #tpu.memory_space<vmem>>, %arg10: memref<1x128xf32, #tpu.memory_space<vmem>>, %arg11: memref<1x128xf32, #tpu.memory_space<vmem>>, %arg12: memref<10000x1xi32, #tpu.memory_space<vmem>>, %arg13: memref<64x128xf32, #tpu.memory_space<vmem>>) attributes {dimension_semantics = [], scalar_prefetch = 0 : i64, scratch_operands = 0 : i64, tpu.core_type = #tpu.core_type<tc>} {
    %get3A = arith.constant 0 : index
    %get3A_0 = arith.constant 0 : index
    %get3A_1 = vector.load %arg3[%get3A, %get3A_0] : memref<1x1xf32, #tpu.memory_space<vmem>>, vector<1x1xf32>
    %get3A_2 = vector.extract %get3A_1[0, 0] : f32 from vector<1x1xf32>
    %add3A = arith.constant 1.000000e+00 : f32
    %add3A_3 = arith.addf %add3A, %get3A_2 : f32
    %get3A_4 = arith.constant 0 : index
    %get3A_5 = arith.constant 0 : index
    %get3A_6 = vector.load %arg0[%get3A_4, %get3A_5] : memref<10000x128xf32, #tpu.memory_space<vmem>>, vector<10000x128xf32>
    %mul3A = vector.broadcast %add3A_3 : f32 to vector<10000x128xf32>
    %mul3A_7 = arith.mulf %mul3A, %get3A_6 : vector<10000x128xf32>
    %get3A_8 = arith.constant 0 : index
    %get3A_9 = arith.constant 0 : index
    %get3A_10 = vector.load %arg1[%get3A_8, %get3A_9] : memref<10000x128xf32, #tpu.memory_space<vmem>>, vector<10000x128xf32>
    %add3A_11 = arith.addf %mul3A_7, %get3A_10 : vector<10000x128xf32>
    %get3A_12 = arith.constant 0 : index
    %get3A_13 = arith.constant 0 : index
    %get3A_14 = vector.load %arg2[%get3A_12, %get3A_13] : memref<10000x128xf32, #tpu.memory_space<vmem>>, vector<10000x128xf32>
    %add3A_15 = arith.addf %add3A_11, %get3A_14 : vector<10000x128xf32>
    %get3A_16 = arith.constant 0 : index
    %get3A_17 = arith.constant 0 : index
    %get3A_18 = vector.load %arg4[%get3A_16, %get3A_17] : memref<128x128xf32, #tpu.memory_space<vmem>>, vector<128x128xf32>
    %dot_general3A = arith.constant dense<0.000000e+00> : vector<10000x128xf32>
    %dot_general3A_19 = tpu.matmul %add3A_15, %get3A_18, %dot_general3A {dimension_numbers = #tpu.dot_dimension_numbers<[1], [0], [0], [1], [0, 0, 1, 1], [], []>, transpose_lhs_hint = false} : vector<10000x128xf32>, vector<128x128xf32>, vector<10000x128xf32> -> vector<10000x128xf32>
    %get3A_20 = arith.constant 0 : index
    %get3A_21 = arith.constant 0 : index
    %get3A_22 = vector.load %arg5[%get3A_20, %get3A_21] : memref<1x128xf32, #tpu.memory_space<vmem>>, vector<1x128xf32>
    %add3A_23 = vector.broadcast %get3A_22 : vector<1x128xf32> to vector<10000x128xf32>
    %add3A_24 = arith.addf %dot_general3A_19, %add3A_23 : vector<10000x128xf32>
    %get3A_25 = arith.constant 0 : index
    %get3A_26 = arith.constant 0 : index
    %get3A_27 = vector.load %arg6[%get3A_25, %get3A_26] : memref<1x128xf32, #tpu.memory_space<vmem>>, vector<1x128xf32>
    %get3A_28 = arith.constant 0 : index
    %get3A_29 = arith.constant 0 : index
    %get3A_30 = vector.load %arg7[%get3A_28, %get3A_29] : memref<1x128xf32, #tpu.memory_space<vmem>>, vector<1x128xf32>
    %reduce_sum3A = arith.constant dense<0.000000e+00> : vector<128xf32>
    %reduce_sum3A_31 = vector.multi_reduction <add>, %add3A_24, %reduce_sum3A [0] : vector<10000x128xf32> to vector<128xf32>
    %broadcast_in_dim3A = vector.shape_cast %reduce_sum3A_31 : vector<128xf32> to vector<1x128xf32>
    %div3A = arith.constant 1.000000e+04 : f32
    %div3A_32 = vector.broadcast %div3A : f32 to vector<1x128xf32>
    %div3A_33 = arith.divf %broadcast_in_dim3A, %div3A_32 : vector<1x128xf32>
    %sub3A = vector.broadcast %div3A_33 : vector<1x128xf32> to vector<10000x128xf32>
    %sub3A_34 = arith.subf %add3A_24, %sub3A : vector<10000x128xf32>
    %sub3A_35 = vector.broadcast %div3A_33 : vector<1x128xf32> to vector<10000x128xf32>
    %sub3A_36 = arith.subf %add3A_24, %sub3A_35 : vector<10000x128xf32>
    %mul3A_37 = arith.mulf %sub3A_34, %sub3A_36 : vector<10000x128xf32>
    %reduce_sum3A_38 = arith.constant dense<0.000000e+00> : vector<128xf32>
    %reduce_sum3A_39 = vector.multi_reduction <add>, %mul3A_37, %reduce_sum3A_38 [0] : vector<10000x128xf32> to vector<128xf32>
    %broadcast_in_dim3A_40 = vector.shape_cast %reduce_sum3A_39 : vector<128xf32> to vector<1x128xf32>
    %div3A_41 = arith.constant 1.000000e+04 : f32
    %div3A_42 = vector.broadcast %div3A_41 : f32 to vector<1x128xf32>
    %div3A_43 = arith.divf %broadcast_in_dim3A_40, %div3A_42 : vector<1x128xf32>
    %sub3A_44 = vector.broadcast %div3A_33 : vector<1x128xf32> to vector<10000x128xf32>
    %sub3A_45 = arith.subf %add3A_24, %sub3A_44 : vector<10000x128xf32>
    %mul3A_46 = vector.broadcast %get3A_27 : vector<1x128xf32> to vector<10000x128xf32>
    %mul3A_47 = arith.mulf %mul3A_46, %sub3A_45 : vector<10000x128xf32>
    %add3A_48 = arith.constant 9.99999974E-6 : f32
    %add3A_49 = vector.broadcast %add3A_48 : f32 to vector<1x128xf32>
    %add3A_50 = arith.addf %div3A_43, %add3A_49 : vector<1x128xf32>
    %rsqrt3A = math.rsqrt %add3A_50 : vector<1x128xf32>
    %mul3A_51 = vector.broadcast %rsqrt3A : vector<1x128xf32> to vector<10000x128xf32>
    %mul3A_52 = arith.mulf %mul3A_47, %mul3A_51 : vector<10000x128xf32>
    %add3A_53 = vector.broadcast %get3A_30 : vector<1x128xf32> to vector<10000x128xf32>
    %add3A_54 = arith.addf %mul3A_52, %add3A_53 : vector<10000x128xf32>
    %max3A = arith.constant 0.000000e+00 : f32
    %max3A_55 = vector.broadcast %max3A : f32 to vector<10000x128xf32>
    %max3A_56 = arith.maximumf %add3A_54, %max3A_55 : vector<10000x128xf32>
    %get3A_57 = arith.constant 0 : index
    %get3A_58 = arith.constant 0 : index
    %get3A_59 = vector.load %arg8[%get3A_57, %get3A_58] : memref<128x128xf32, #tpu.memory_space<vmem>>, vector<128x128xf32>
    %dot_general3A_60 = arith.constant dense<0.000000e+00> : vector<10000x128xf32>
    %dot_general3A_61 = tpu.matmul %max3A_56, %get3A_59, %dot_general3A_60 {dimension_numbers = #tpu.dot_dimension_numbers<[1], [0], [0], [1], [0, 0, 1, 1], [], []>, transpose_lhs_hint = false} : vector<10000x128xf32>, vector<128x128xf32>, vector<10000x128xf32> -> vector<10000x128xf32>
    %get3A_62 = arith.constant 0 : index
    %get3A_63 = arith.constant 0 : index
    %get3A_64 = vector.load %arg9[%get3A_62, %get3A_63] : memref<1x128xf32, #tpu.memory_space<vmem>>, vector<1x128xf32>
    %add3A_65 = vector.broadcast %get3A_64 : vector<1x128xf32> to vector<10000x128xf32>
    %add3A_66 = arith.addf %dot_general3A_61, %add3A_65 : vector<10000x128xf32>
    %get3A_67 = arith.constant 0 : index
    %get3A_68 = arith.constant 0 : index
    %get3A_69 = vector.load %arg10[%get3A_67, %get3A_68] : memref<1x128xf32, #tpu.memory_space<vmem>>, vector<1x128xf32>
    %get3A_70 = arith.constant 0 : index
    %get3A_71 = arith.constant 0 : index
    %get3A_72 = vector.load %arg11[%get3A_70, %get3A_71] : memref<1x128xf32, #tpu.memory_space<vmem>>, vector<1x128xf32>
    %reduce_sum3A_73 = arith.constant dense<0.000000e+00> : vector<128xf32>
    %reduce_sum3A_74 = vector.multi_reduction <add>, %add3A_66, %reduce_sum3A_73 [0] : vector<10000x128xf32> to vector<128xf32>
    %broadcast_in_dim3A_75 = vector.shape_cast %reduce_sum3A_74 : vector<128xf32> to vector<1x128xf32>
    %div3A_76 = arith.constant 1.000000e+04 : f32
    %div3A_77 = vector.broadcast %div3A_76 : f32 to vector<1x128xf32>
    %div3A_78 = arith.divf %broadcast_in_dim3A_75, %div3A_77 : vector<1x128xf32>
    %sub3A_79 = vector.broadcast %div3A_78 : vector<1x128xf32> to vector<10000x128xf32>
    %sub3A_80 = arith.subf %add3A_66, %sub3A_79 : vector<10000x128xf32>
    %sub3A_81 = vector.broadcast %div3A_78 : vector<1x128xf32> to vector<10000x128xf32>
    %sub3A_82 = arith.subf %add3A_66, %sub3A_81 : vector<10000x128xf32>
    %mul3A_83 = arith.mulf %sub3A_80, %sub3A_82 : vector<10000x128xf32>
    %reduce_sum3A_84 = arith.constant dense<0.000000e+00> : vector<128xf32>
    %reduce_sum3A_85 = vector.multi_reduction <add>, %mul3A_83, %reduce_sum3A_84 [0] : vector<10000x128xf32> to vector<128xf32>
    %broadcast_in_dim3A_86 = vector.shape_cast %reduce_sum3A_85 : vector<128xf32> to vector<1x128xf32>
    %div3A_87 = arith.constant 1.000000e+04 : f32
    %div3A_88 = vector.broadcast %div3A_87 : f32 to vector<1x128xf32>
    %div3A_89 = arith.divf %broadcast_in_dim3A_86, %div3A_88 : vector<1x128xf32>
    %sub3A_90 = vector.broadcast %div3A_78 : vector<1x128xf32> to vector<10000x128xf32>
    %sub3A_91 = arith.subf %add3A_66, %sub3A_90 : vector<10000x128xf32>
    %mul3A_92 = vector.broadcast %get3A_69 : vector<1x128xf32> to vector<10000x128xf32>
    %mul3A_93 = arith.mulf %mul3A_92, %sub3A_91 : vector<10000x128xf32>
    %add3A_94 = arith.constant 9.99999974E-6 : f32
    %add3A_95 = vector.broadcast %add3A_94 : f32 to vector<1x128xf32>
    %add3A_96 = arith.addf %div3A_89, %add3A_95 : vector<1x128xf32>
    %rsqrt3A_97 = math.rsqrt %add3A_96 : vector<1x128xf32>
    %mul3A_98 = vector.broadcast %rsqrt3A_97 : vector<1x128xf32> to vector<10000x128xf32>
    %mul3A_99 = arith.mulf %mul3A_93, %mul3A_98 : vector<10000x128xf32>
    %add3A_100 = vector.broadcast %get3A_72 : vector<1x128xf32> to vector<10000x128xf32>
    %add3A_101 = arith.addf %mul3A_99, %add3A_100 : vector<10000x128xf32>
    %max3A_102 = arith.constant 0.000000e+00 : f32
    %max3A_103 = vector.broadcast %max3A_102 : f32 to vector<10000x128xf32>
    %max3A_104 = arith.maximumf %add3A_101, %max3A_103 : vector<10000x128xf32>
    %get3A_105 = arith.constant 0 : index
    %get3A_106 = arith.constant 0 : index
    %get3A_107 = vector.load %arg12[%get3A_105, %get3A_106] : memref<10000x1xi32, #tpu.memory_space<vmem>>, vector<10000x1xi32>
    %iota3A = tpu.iota {dimensions = array<i32: 1>} : vector<10000x64xi32>
    %eq3A = vector.broadcast %get3A_107 : vector<10000x1xi32> to vector<10000x64xi32>
    %eq3A_108 = arith.cmpi eq, %eq3A, %iota3A : vector<10000x64xi32>
    %convert_element_type3A = arith.extui %eq3A_108 : vector<10000x64xi1> to vector<10000x64xi32>
    %convert_element_type3A_109 = arith.sitofp %convert_element_type3A : vector<10000x64xi32> to vector<10000x64xf32>
    %dot_general3A_110 = arith.constant dense<0.000000e+00> : vector<64x128xf32>
    %dot_general3A_111 = tpu.matmul %convert_element_type3A_109, %max3A_104, %dot_general3A_110 {dimension_numbers = #tpu.dot_dimension_numbers<[0], [0], [1], [1], [0, 1, 1, 1], [], []>, transpose_lhs_hint = false} : vector<10000x64xf32>, vector<10000x128xf32>, vector<64x128xf32> -> vector<64x128xf32>
    %broadcast_in_dim3A_112 = arith.constant 1.000000e+00 : f32
    %broadcast_in_dim3A_113 = vector.broadcast %broadcast_in_dim3A_112 : f32 to vector<10000x1xf32>
    %dot_general3A_114 = arith.constant dense<0.000000e+00> : vector<64x1xf32>
    %dot_general3A_115 = tpu.matmul %convert_element_type3A_109, %broadcast_in_dim3A_113, %dot_general3A_114 {dimension_numbers = #tpu.dot_dimension_numbers<[0], [0], [1], [1], [0, 1, 1, 1], [], []>, transpose_lhs_hint = false} : vector<10000x64xf32>, vector<10000x1xf32>, vector<64x1xf32> -> vector<64x1xf32>
    %max3A_116 = arith.constant 1.000000e+00 : f32
    %max3A_117 = vector.broadcast %max3A_116 : f32 to vector<64x1xf32>
    %max3A_118 = arith.maximumf %dot_general3A_115, %max3A_117 : vector<64x1xf32>
    %div3A_119 = vector.broadcast %max3A_118 : vector<64x1xf32> to vector<64x128xf32>
    %div3A_120 = arith.divf %dot_general3A_111, %div3A_119 : vector<64x128xf32>
    %swap3A = arith.constant 0 : index
    %swap3A_121 = arith.constant 0 : index
    %swap3A_122 = vector.load %arg13[%swap3A, %swap3A_121] : memref<64x128xf32, #tpu.memory_space<vmem>>, vector<64x128xf32>
    tpu.vector_store %arg13[%swap3A, %swap3A_121], %div3A_120 {strides = array<i32>} : memref<64x128xf32, #tpu.memory_space<vmem>>, vector<64x128xf32>,
    return
  }
}

</mosaic_0001>

<sc_bundles>
// kernel: kernel.11.cloned.1.call-start
scs
__scs_entry_jumppad:
0x0: {  	(pc) =	sbr.rel $0x88, $3  }
0x1: {  	(tag) =	ssettag $0x0;
	lr =	simm.s32 $0x1  }
0x2: {  	[smem:$0x3F83] =	sst lr;
	_ =	strace $0xD0000000  }
0x3: {  	_ = 	snop  }
0x4: {  	_ = 	snop  }
0x5: {  	_ = 	snop  }
0x6: {  	_ = 	snop  }
0x7: {  	_ = 	snop  }
__scs_overlays_trampoline_lowered:
0x8: {  	[smem:$0x3F92] =	sst s0  }
0x9: {  	[smem:$0x3F93] =	sst s1  }
0xa: {  	[smem:$0x3F94] =	sst s2  }
0xb: {  	[smem:$0x3F95] =	sst s3  }
0xc: {  	[smem:$0x3F96] =	sst s4  }
0xd: {  	[smem:$0x3F97] =	sst s5  }
0xe: {  	[smem:$0x3F98] =	sst s6  }
0xf: {  	[smem:$0x3F99] =	sst s7  }
0x10: {  	[smem:$0x3F9A] =	sst s8  }
0x11: {  	[smem:$0x3F9B] =	sst s9;
	s0 =	simm.s32 @!p0 $0x0  }
0x12: {  	s1 =	sld [smem:$0x3F81];
	s0 =	simm.s32 @p0 $0x1  }
0x13: {  	[smem:$0x3F9C] =	sst s0;
	s0 =	simm.s32 @!p1 $0x0  }
0x14: {  	s2 =	sld [smem:$0x3F80];
	s0 =	simm.s32 @p1 $0x1  }
0x15: {  	[smem:$0x3F9D] =	sst s0;
	s0 =	simm.s32 @!p2 $0x0  }
0x16: {  	s3 =	sld [smem:$0x3FDB];
	s0 =	simm.s32 @p2 $0x1  }
0x17: {  	s4 =	simm.s32 $0x1BF5;
	[smem:$0x3F9F] =	sst s0  }
0x18: {  	s0 =	sld [smem:$0x3F82];
	_ =	swait.ge [sflag:s4], $0x0  }
0x19: {  	s7 =	sld [smem:$0x3F83]  }
0x1a: {  	s8 =	sadd.s32 $0xFFFFE003, lr  }
0x1b: {  	s9 =	sadd.s32 $0xFFFFFEF7, lr;
	s5 =	simm.s32 $0xFFFFFFFF;
	p2 =	slt.u32 s8, $0xFFFFF086  }
0x1c: {  	p1 =	slt.u32 s9, $0xF7A;
	s5 =	simm.s32 @!p2 $0x0  }
0x1d: {  	s5 =	simm.s32 @p1 $0x1;
	p0 =	seq.s32 s7, s2  }
0x1e: {  	s7 =	smul.u32 @!p0 $0xF7A, s2;
	p2 =	seq.s32 @!p0 s5, $0x0  }
0x1f: {  	s9 =	smul.u32 $0xF7A, s1;
	s8 =	simm.s32 @!p0 $0x1BF5;
	p2 =	por !p2, p0  }
0x20: {  	[sflag:s8] =	ssyncset.s32 @!p0 $0xFFFFF086;
	s6 =	sadd.s32 @!p0 s3, s7;
	s7 =	simm.s32 @!p0 $0x108  }
0x21: {  	s3 =	sadd.s32 s3, s9;
	s6 =	sadd.s32 @!p0 $0x88, s6;
	s7 =	simm.s32 @p2 $0x1082  }
0x22: {  	[simem:s7], [sflag:s8] =	dma.local @!p0 [hbm:s6], $0xF7A  }
0x23: {  	s9 =	sor.u32 $0xD0000000, s2;
	s6 =	simm.s32 $0x108;
	_ =	swait.ge @!p0 [sflag:s8], $0x0  }
0x24: {  	s3 =	sadd.s32 $0x88, s3;
	s6 =	simm.s32 @!p1 $0x1082;
	[sflag:s4] =	ssyncset.s32 $0xFFFFF086  }
0x25: {  	[simem:s6], [sflag:s4] =	dma.local [hbm:s3], $0xF7A  }
0x26: {  	[smem:$0x3F83] =	sst s1;
	(tag) =	ssettag s2;
	_ =	strace s9  }
0x27: {  	s1 =	sld [smem:$0x3F93]  }
0x28: {  	s2 =	sld [smem:$0x3F94]  }
0x29: {  	s4 =	sld [smem:$0x3F96]  }
0x2a: {  	p0 =	seq.s32 s5, $0x0;
	s5 =	sld [smem:$0x3F97]  }
0x2b: {  	s6 =	sld [smem:$0x3F98]  }
0x2c: {  	s7 =	sld [smem:$0x3F99]  }
0x2d: {  	s3 =	simm.s32 $0x108;
	s8 =	sld [smem:$0x3F9A]  }
0x2e: {  	s3 =	simm.s32 @!p0 $0x1082;
	s9 =	sld [smem:$0x3F9B]  }
0x2f: {  	lr =	sadd.s32 s0, s3;
	s0 =	sld [smem:$0x3F92]  }
0x30: {  	s3 =	sld [smem:$0x3F95]  }
0x31: {  	[smem:$0x3F9E] =	sst s10  }
0x32: {  	s10 =	sld [smem:$0x3F9C];
	_ =	sdelay $0x3  }
0x33: {  	p0 =	seq.s32 s10, $0x1;
	s10 =	sld [smem:$0x3F9E];
	_ =	sdelay $0x3  }
0x34: {  	[smem:$0x3F9E] =	sst s10  }
0x35: {  	s10 =	sld [smem:$0x3F9D];
	_ =	sdelay $0x3  }
0x36: {  	p1 =	seq.s32 s10, $0x1;
	s10 =	sld [smem:$0x3F9E];
	_ =	sdelay $0x3  }
0x37: {  	[smem:$0x3F9E] =	sst s10  }
0x38: {  	s10 =	sld [smem:$0x3F9F]  }
0x39: {  	_ = 	snop;
	(pc) =	sbr.ind lr, $3  }
0x3a: {  	_ = 	snop  }
0x3b: {  	_ = 	snop  }
0x3c: {  	p2 =	seq.s32 s10, $0x1;
	s10 =	sld [smem:$0x3F9E]  }
0x3d: {  	_ =	shalt  }
0x3e: {  	_ =	shalt  }
0x3f: {  	_ =	shalt  }
0x40: {  	_ =	shalt  }
0x41: {  	_ =	shalt  }
0x42: {  	_ =	shalt  }
0x43: {  	_ =	shalt  }
0x44: {  	_ =	shalt  }
0x45: {  	_ =	shalt  }
0x46: {  	_ =	shalt  }
0x47: {  	_ =	shalt  }
0x48: {  	_ =	shalt  }
0x49: {  	_ =	shalt  }
0x4a: {  	_ =	shalt  }
0x4b: {  	_ =	shalt  }
0x4c: {  	_ =	shalt  }
0x4d: {  	_ =	shalt  }
0x4e: {  	_ =	shalt  }
0x4f: {  	_ =	shalt  }
0x50: {  	_ =	shalt  }
0x51: {  	_ =	shalt  }
0x52: {  	_ =	shalt  }
0x53: {  	_ =	shalt  }
0x54: {  	_ =	shalt  }
0x55: {  	_ =	shalt  }
0x56: {  	_ =	shalt  }
0x57: {  	_ =	shalt  }
0x58: {  	_ =	shalt  }
0x59: {  	_ =	shalt  }
0x5a: {  	_ =	shalt  }
0x5b: {  	_ =	shalt  }
0x5c: {  	_ =	shalt  }
0x5d: {  	_ =	shalt  }
0x5e: {  	_ =	shalt  }
0x5f: {  	_ =	shalt  }
0x60: {  	_ =	shalt  }
0x61: {  	_ =	shalt  }
0x62: {  	_ =	shalt  }
0x63: {  	_ =	shalt  }
0x64: {  	_ =	shalt  }
0x65: {  	_ =	shalt  }
0x66: {  	_ =	shalt  }
0x67: {  	_ =	shalt  }
0x68: {  	_ =	shalt  }
0x69: {  	_ =	shalt  }
0x6a: {  	_ =	shalt  }
0x6b: {  	_ =	shalt  }
0x6c: {  	_ =	shalt  }
0x6d: {  	_ =	shalt  }
0x6e: {  	_ =	shalt  }
0x6f: {  	_ =	shalt  }
0x70: {  	_ =	shalt  }
0x71: {  	_ =	shalt  }
0x72: {  	_ =	shalt  }
0x73: {  	_ =	shalt  }
0x74: {  	_ =	shalt  }
0x75: {  	_ =	shalt  }
0x76: {  	_ =	shalt  }
0x77: {  	_ =	shalt  }
0x78: {  	_ =	shalt  }
0x79: {  	_ =	shalt  }
0x7a: {  	_ =	shalt  }
0x7b: {  	_ =	shalt  }
0x7c: {  	_ =	shalt  }
0x7d: {  	_ =	shalt  }
0x7e: {  	_ =	shalt  }
0x7f: {  	_ =	shalt  }
0x80: {  	_ =	shalt  }
0x81: {  	_ =	shalt  }
0x82: {  	_ =	shalt  }
0x83: {  	_ =	shalt  }
0x84: {  	_ =	shalt  }
0x85: {  	_ =	shalt  }
0x86: {  	_ =	shalt  }
0x87: {  	_ =	shalt  }
.Lfunc_end0:
.L_simem_size_0:
called_computation.1_lowered:
.L_overlay_start_0:
0x88: {  	s2 =	sld [smem:$0x3FD9]  }
0x89: {  	s3 =	sld [smem:$0x3FFE];
	_ =	sdelay $0x1  }
0x8a: {  	s1 =	srdreg.scid  }
0x8b: {  	s0 =	sand.u32 $0x1, s1  }
0x8c: {  	s16 =	sshll.u32 s0, $0xA;
	s2 =	sadd.s32 s3, s2  }
0x8d: {  	s2 =	sadd.s32 s2, s16  }
0x8e: {  	[smem:$0x3FAA] =	sst s2  }
0x8f: {  	_ = 	snop  }
0x90: {  	(tm) =	ssettm $0x1  }
0x91: {  	s17 =	sld [smem:$0x3FFB];
	_ =	sdelay $0x3  }
0x92: {  	_ =	strace s17  }
0x93: {  	s2 =	sld [smem:$0x3FFC];
	_ =	sdelay $0x3  }
0x94: {  	_ =	strace s2  }
0x95: {  	s2 =	sld [smem:$0x3FFD];
	_ =	sdelay $0x3  }
0x96: {  	_ =	strace s2  }
0x97: {  	_ =	strace $0x8FFFFFFF  }
0x98: {  	s18 =	sld [smem:$0x3FDB];
	_ =	sdelay $0x1  }
0x99: {  	s19 =	simm.s32 $_scs_section_size  }
0x9a: {  	s4 =	simm.s32 $_size__tile_overlayer_lowered;
	s5 =	simm.s32 $_tile_overlayer_lowered  }
0x9b: {  	s22 =	simm.s32 $0x1BFF;
	s21 =	sshll.u32 s5, $0x1;
	s2 =	sadd.s32 s19, s18  }
0x9c: {  	s6 =	simm.s32 $0x0;
	s20 =	sshll.u32 s4, $0x1;
	s4 =	sadd.s32 s21, s2  }
0x9d: {  	[timem:s6], [sflag:s22] =	dma.local [hbm:s4], s20  }
0x9e: {  	_ =	swait.ge [sflag:s22], s20  }
0x9f: {  	s3 =	ssub.s32 $0x0, s20;
	[sflag:s22] =	ssyncset.done $0x0  }
0xa0: {  	[sflag:s22] =	ssyncadd.s32 s3;
	_ =	sdelay $0x1  }
0xa1: {  	s23 =	simm.s32 $0x1B8B  }
0xa2: {  	_ =	swait.ge [sflag:s23], $0x1  }
0xa3: {  	[sflag:s23] =	ssyncset.done $0x0  }
0xa4: {  	s25 =	simm.s32 $0x1B8E;
	s24 =	sld [smem:$0x3FFE];
	[sflag:s23] =	ssyncadd.s32 $0xFFFFFFFF  }
0xa5: {  	s26 =	simm.s32 $execute0_lowered;
	[smem:$0x3FD2] =	sst s25  }
0xa6: {  	s4 =	sshll.u32 s26, $0x1;
	_ =	strace $0x80000049;
	[dreg:$0x1] =	wrdreg $0xFFFFFFFF  }
0xa7: {  	s28 =	simm.s32 $_size_execute0_lowered;
	s2 =	sadd.s32 s2, s4;
	[dreg:$0x0] =	wrdreg $0x0  }
0xa8: {  	s4 =	sshll.u32 s28, $0x1;
	[dreg:$0x2] =	wrdreg s2  }
0xa9: {  	[dreg:$0x3] =	wrdreg s4  }
0xaa: {  	[dreg:$0x4] =	wrdreg $0xC0  }
0xab: {  	_ =	task [dreg:s6], $0x5FFFF  }
0xac: {  	[dreg:$0x1] =	wrdreg $0xFFFFFFFF  }
0xad: {  	[dreg:$0x0] =	wrdreg $0x60  }
0xae: {  	[dreg:$0x2] =	wrdreg s24  }
0xaf: {  	[dreg:$0x3] =	wrdreg $0x0  }
0xb0: {  	[dreg:$0x4] =	wrdreg $0x9  }
0xb1: {  	_ =	task.clear_ibuf [dreg:s6], $0x5FFFF;
	_ =	strace $0x90000049  }
0xb2: {  	s29 =	simm.s32 $0x9;
	_ =	strace $0x8000004B  }
0xb3: {  	_ =	swait.ge [sflag:s29], $0x1  }
0xb4: {  	[sflag:s29] =	ssyncadd.s32 $0xFFFFFFFF  }
0xb5: {  	_ =	strace $0x9000004B  }
0xb6: {  	_ =	sfence  }
0xb7: {  	s30 =	sld [smem:$0x0];
	_ =	sdelay $0x2  }
0xb8: {  	s31 =	sshll.u32 s1, $0xD;
	s1 =	sshrl.u32 s1, $0x2  }
0xb9: {  	s3 =	sand.u32 $0x4000, s31;
	s1 =	sadd.s32 s1, s30  }
0xba: {  	s0 =	sor.u32 s3, s0;
	s1 =	sshll.u32 s1, $0x11  }
0xbb: {  	s0 =	sor.u32 s1, s0  }
0xbc: {  	s0 =	sadd.s32 $0x8F2B, s0  }
0xbd: {  	[sflag:s0] =	ssyncadd.remote.s32 $0x1  }
0xbe: {  	_ =	sfence.sel $0xFFFF  }
0xbf: {  	[dreg:$0x0] =	wrdreg $0xFFFFFFFF;
	(pc) =	sbr.abs _section_cstart, $3  }
0xc0: {  	[dreg:$0x1] =	wrdreg $0xFFFFFFFF  }
0xc1: {  	_ =	task.clear_ibuf [dreg:s6], $0x2FFFF;
	_ =	strace $0x9FFFFFFF  }
0xc2: {  	(tm) =	ssettm $0x7FFFFFFF  }
0xc3: {  	_ =	shalt  }
tec
execute0_lowered:
.L_overlay_start_1:
0x0: {  	(tag) =	ssettag $0x1  }
0x1: {  	s2 =	rddreg [dreg:$0x0]  }
0x2: {  	s0 =	srdreg.scid;
	s1 =	rddreg [dreg:$0x1]  }
0x3: {  	s8 =	stileid.u32;
	s4 =	simm.s32 $0x0;
	s13 =	simm.s32 $0x7  }
0x4: {  	s14 =	simm.s32 $0x50;
	s15 =	simm.s32 $0x16000;
	s16 =	simm.s32 $0x16400  }
0x5: {  	s17 =	simm.s32 $0x16080;
	s18 =	simm.s32 $0x18C00;
	s19 =	simm.s32 $0x16100  }
0x6: {  	s20 =	simm.s32 $0x1B400;
	s28 =	simm.s32 $0x2;
	s29 =	simm.s32 $0x16280  }
0x7: {  	s30 =	simm.s32 $0x5;
	s31 =	simm.s32 $0x3;
	s0 =	sand.u32 $0x1, s0  }
0x8: {  	[smem:$0x7FF] =	sst s4;
	s4 =	sadd.s32 $0x10000, s2;
	s9 =	smul.u32 $0x4E000, s8  }
0x9: {  	s5 =	sadd.s32 $0x39A00, s2;
	s6 =	sadd.s32 $0x60C00, s2;
	s11 =	smul.u32 $0x2700, s8  }
0xa: {  	p0 =	sne.s32 s8, $0x0;
	s26 =	sshll.u32 s8, $0x6;
	p2 =	seq.s32 s8, $0x0  }
0xb: {  	s3 =	sshll.u32 s0, $0x4;
	_ =	strace $0x8000004A;
	s23 =	ssub.s32 $0x2, s0  }
0xc: {  	p1 =	seq.s32 s0, $0x1;
	s21 =	sor.u32 $0x1C07, s26;
	s26 =	simm.s32 $0x4  }
0xd: {  	s0 =	simm.s32 $0x16300;
	s3 =	sor.u32 s8, s3;
	s10 =	sshrl.u32 s23, $0x1  }
0xe: {  	s9 =	sshrl.u32 s9, $0x2;
	s24 =	sadd.s32 s5, s11;
	s25 =	sadd.s32 s6, s11  }
0xf: {  	s8 =	simm.s32 $0x6;
	s22 =	smul.u32 $0x4E2, s3;
	s3 =	sadd.s32 $0x12800, s2  }
.Ltmp0:
0x10: {  	s9 =	sadd.s32 s9, s1;
	[dreg:$0x4] =	wrdreg s24;
	(pc) =	sbr.rel .LBB2_1-.Ltmp0, $4  }
0x11: {  	[dreg:$0x5] =	wrdreg s25;
	s24 =	simm.s32 $0x1;
	s25 =	simm.s32 $0x16200  }
0x12: {  	s7 =	sadd.s32 s22, s2;
	s2 =	ssub.s32 s23, s10;
	s10 =	sadd.s32 $0x138000, s1  }
0x13: {  	s22 =	sshrl.u32 s9, $0x3;
	s7 =	sadd.s32 $0x6200, s7;
	s11 =	smax.u32 s2, $0x1  }
0x14: {  	[dreg:$0x3] =	wrdreg s10;
	s23 =	sshrl.u32 @!p0 s10, $0x3;
	s2 =	simm.s32 $0x0  }
.LBB2_6:
0x15: {  	s10 =	rddreg [dreg:$0x3]  }
0x16: {  	s9 =	sadd.s32 $0x27000, s9;
	s10 =	sshrl.u32 s10, $0x3  }
0x17: {  	[hbm:s9], [sflag:s21] =	dma.local [spmem:s10], $0x100  }
0x18: {  	_ =	swait.ge [sflag:s13], $0x100  }
0x19: {  	[sflag:s13] =	ssyncset.done $0x0  }
0x1a: {  	[sflag:s13] =	ssyncadd.s32 $0xFFFFFF00  }
.LBB2_7:
0x1b: {  	s2 =	sadd.s32 $0x1, s2  }
0x1c: {  	p3 =	sne.s32 s2, s11  }
.Ltmp1:
0x1d: {  	_ = 	snop;
	(pc) =	sbr.rel @!p3 .LBB2_8-.Ltmp1, $1  }
0x1e: {  	_ =	sdelay $0x3  }
.LBB2_1:
0x1f: {  	s9 =	simm.s32 $0x0;
	s10 =	simm.s32 $0x13880  }
0x20: {  	[tilespmem:s10], [sflag:$0x7] =	stream.linear.gather [hbm4b:s7+s9], $0x2710, $0x38;
	[tilespmem:$0x1DC00] =	vst v63  }
0x21: {  	_ =	swait.ge [sflag:s13], $0x2710  }
0x22: {  	[sflag:s13] =	ssyncset.done $0x0  }
0x23: {  	[sflag:s13] =	ssyncadd.s32 $0xFFFFD8F0  }
0x24: {  	v0 =	vld [tilespmem:$0x13880];
	_ =	sdelay $0x1  }
0x25: {  	v1 =	vld [tilespmem:$0x13890];
	_ =	sdelay $0x1  }
0x26: {  	v2 =	vld [tilespmem:$0x138A0]  }
0x27: {  	v3 =	vshrl.u32 v0, $0xE  }
0x28: {  	v0 =	vand.u32 $0x3FFF, v0;
	[tilespmem:$0x16000] =	vst v3;
	v3 =	vld [tilespmem:$0x138B0]  }
0x29: {  	[tilespmem:$0x16200] =	vst v0;
	v0 =	vshrl.u32 v1, $0xE  }
0x2a: {  	[tilespmem:$0x16010] =	vst v0;
	v0 =	vand.u32 $0x3FFF, v1;
	v1 =	vld [tilespmem:$0x138C0]  }
0x2b: {  	[tilespmem:$0x16210] =	vst v0;
	v0 =	vshrl.u32 v2, $0xE  }
0x2c: {  	[tilespmem:$0x16020] =	vst v0;
	v0 =	vand.u32 $0x3FFF, v2  }
0x2d: {  	[tilespmem:$0x16220] =	vst v0;
	v0 =	vshrl.u32 v3, $0xE  }
0x2e: {  	[tilespmem:$0x16030] =	vst v0;
	v0 =	vand.u32 $0x3FFF, v3  }
0x2f: {  	[tilespmem:$0x16230] =	vst v0;
	v0 =	vshrl.u32 v1, $0xE  }
0x30: {  	[tilespmem:$0x16040] =	vst v0;
	v0 =	vand.u32 $0x3FFF, v1  }
0x31: {  	[tilespmem:$0x16240] =	vst v0  }
0x32: {  	[tilespmem:s16], [sflag:$0x1] =	stream.indirect.gather [hbm4b:s3+s14], $0x80, s15, s14, $0xb8;
	[tilespmem:$0x1DC00] =	vst v63  }
0x33: {  	v0 =	vld [tilespmem:$0x138D0];
	_ =	sdelay $0x1  }
0x34: {  	v1 =	vld [tilespmem:$0x138E0];
	_ =	sdelay $0x1  }
0x35: {  	v2 =	vld [tilespmem:$0x138F0]  }
0x36: {  	v3 =	vshrl.u32 v0, $0xE  }
0x37: {  	v0 =	vand.u32 $0x3FFF, v0;
	[tilespmem:$0x16080] =	vst v3;
	v3 =	vld [tilespmem:$0x13900]  }
0x38: {  	[tilespmem:$0x16280] =	vst v0;
	v0 =	vshrl.u32 v1, $0xE  }
0x39: {  	[tilespmem:$0x16090] =	vst v0;
	v0 =	vand.u32 $0x3FFF, v1;
	v1 =	vld [tilespmem:$0x13910]  }
0x3a: {  	[tilespmem:$0x16290] =	vst v0;
	v0 =	vshrl.u32 v2, $0xE  }
0x3b: {  	[tilespmem:$0x160A0] =	vst v0;
	v0 =	vand.u32 $0x3FFF, v2  }
0x3c: {  	[tilespmem:$0x162A0] =	vst v0;
	v0 =	vshrl.u32 v3, $0xE  }
0x3d: {  	[tilespmem:$0x160B0] =	vst v0;
	v0 =	vand.u32 $0x3FFF, v3  }
0x3e: {  	[tilespmem:$0x162B0] =	vst v0;
	v0 =	vshrl.u32 v1, $0xE  }
0x3f: {  	[tilespmem:$0x160C0] =	vst v0;
	v0 =	vand.u32 $0x3FFF, v1  }
0x40: {  	[tilespmem:$0x162C0] =	vst v0  }
0x41: {  	[tilespmem:s18], [sflag:$0x2] =	stream.indirect.gather [hbm4b:s3+s14], $0x80, s17, s14, $0xb8;
	[tilespmem:$0x1DC00] =	vst v63  }
0x42: {  	v0 =	vld [tilespmem:$0x13920];
	_ =	sdelay $0x1  }
0x43: {  	v1 =	vld [tilespmem:$0x13930];
	_ =	sdelay $0x1  }
0x44: {  	v2 =	vld [tilespmem:$0x13940]  }
0x45: {  	v3 =	vshrl.u32 v0, $0xE  }
0x46: {  	v0 =	vand.u32 $0x3FFF, v0;
	[tilespmem:$0x16100] =	vst v3;
	v3 =	vld [tilespmem:$0x13950]  }
0x47: {  	[tilespmem:$0x16300] =	vst v0;
	v0 =	vshrl.u32 v1, $0xE  }
0x48: {  	[tilespmem:$0x16110] =	vst v0;
	v0 =	vand.u32 $0x3FFF, v1;
	v1 =	vld [tilespmem:$0x13960]  }
0x49: {  	[tilespmem:$0x16310] =	vst v0;
	v0 =	vshrl.u32 v2, $0xE  }
0x4a: {  	[tilespmem:$0x16120] =	vst v0;
	v0 =	vand.u32 $0x3FFF, v2  }
0x4b: {  	[tilespmem:$0x16320] =	vst v0;
	v0 =	vshrl.u32 v3, $0xE  }
0x4c: {  	[tilespmem:$0x16130] =	vst v0;
	v0 =	vand.u32 $0x3FFF, v3  }
0x4d: {  	[tilespmem:$0x16330] =	vst v0;
	v0 =	vshrl.u32 v1, $0xE  }
0x4e: {  	[tilespmem:$0x16140] =	vst v0;
	v0 =	vand.u32 $0x3FFF, v1  }
0x4f: {  	[tilespmem:$0x16340] =	vst v0  }
0x50: {  	[tilespmem:s20], [sflag:$0x3] =	stream.indirect.gather [hbm4b:s3+s14], $0x80, s19, s14, $0xb8;
	[tilespmem:$0x1DC00] =	vst v63  }
0x51: {  	[spmem:s22], [sflag:s21] =	dma.local [hbm:s4], $0x2700  }
0x52: {  	_ =	swait.ge [sflag:s13], $0x2700  }
0x53: {  	[sflag:s13] =	ssyncset.done $0x0  }
0x54: {  	s9 =	simm.s32 @!p0 $0x7;
	[sflag:s13] =	ssyncadd.s32 $0xFFFFD900  }
0x55: {  	[spmem:s23], [sflag:s21] =	dma.local @!p0 [hbm:s4], $0x100  }
0x56: {  	_ =	swait.ge @!p0 [sflag:s9], $0x100  }
0x57: {  	[sflag:s9] =	ssyncset.done @!p0 $0x0  }
0x58: {  	[sflag:s9] =	ssyncadd.s32 @!p0 $0xFFFFFF00  }
0x59: {  	[bflag:$0x0] =	sbarrier.arrive $0xFFFF  }
0x5a: {  	_ =	swait.ge [sflag:s24], $0x2800  }
0x5b: {  	[sflag:s24] =	ssyncset.done $0x0  }
0x5c: {  	[sflag:s24] =	ssyncadd.s32 $0xFFFFD800  }
0x5d: {  	[spmem:s1] =	stream.indirect.scatter.add.f32 [tilespmem:s16], [sflag:$0x4], $0x80, s25, s14, $0xb8;
	[tilespmem:$0x1DC00] =	vst v63  }
0x5e: {  	_ =	swait.ge [sflag:s26], $0x2800  }
0x5f: {  	[sflag:s26] =	ssyncset.done $0x0  }
0x60: {  	s12 =	simm.s32 $0x0;
	[sflag:s26] =	ssyncadd.s32 $0xFFFFD800  }
0x61: {  	v0 =	vld [tilespmem:s12+$0x13970];
	_ =	sdelay $0x4  }
0x62: {  	v1 =	vshrl.u32 v0, $0xE  }
0x63: {  	v0 =	vand.u32 $0x3FFF, v0;
	[tilespmem:$0x16000] =	vst v1  }
0x64: {  	[tilespmem:$0x16200] =	vst v0  }
0x65: {  	v0 =	vld [tilespmem:s12+$0x13980];
	_ =	sdelay $0x4  }
0x66: {  	v1 =	vshrl.u32 v0, $0xE  }
0x67: {  	v0 =	vand.u32 $0x3FFF, v0;
	[tilespmem:$0x16010] =	vst v1  }
0x68: {  	[tilespmem:$0x16210] =	vst v0  }
0x69: {  	v0 =	vld [tilespmem:s12+$0x13990];
	_ =	sdelay $0x4  }
0x6a: {  	v1 =	vshrl.u32 v0, $0xE  }
0x6b: {  	v0 =	vand.u32 $0x3FFF, v0;
	[tilespmem:$0x16020] =	vst v1  }
0x6c: {  	[tilespmem:$0x16220] =	vst v0  }
0x6d: {  	v0 =	vld [tilespmem:s12+$0x139A0];
	_ =	sdelay $0x4  }
0x6e: {  	v1 =	vshrl.u32 v0, $0xE  }
0x6f: {  	v0 =	vand.u32 $0x3FFF, v0;
	[tilespmem:$0x16030] =	vst v1  }
0x70: {  	[tilespmem:$0x16230] =	vst v0  }
0x71: {  	v0 =	vld [tilespmem:s12+$0x139B0];
	_ =	sdelay $0x4  }
0x72: {  	v1 =	vshrl.u32 v0, $0xE  }
0x73: {  	v0 =	vand.u32 $0x3FFF, v0;
	[tilespmem:$0x16040] =	vst v1  }
0x74: {  	[tilespmem:$0x16240] =	vst v0  }
0x75: {  	[tilespmem:s16], [sflag:$0x1] =	stream.indirect.gather [hbm4b:s3+s14], $0x80, s15, s14, $0xb8;
	[tilespmem:$0x1DC00] =	vst v63  }
0x76: {  	_ =	swait.ge [sflag:s28], $0x2800  }
0x77: {  	[sflag:s28] =	ssyncset.done $0x0  }
0x78: {  	[sflag:s28] =	ssyncadd.s32 $0xFFFFD800  }
0x79: {  	[spmem:s1] =	stream.indirect.scatter.add.f32 [tilespmem:s18], [sflag:$0x5], $0x80, s29, s14, $0xb8;
	[tilespmem:$0x1DC00] =	vst v63  }
0x7a: {  	_ =	swait.ge [sflag:s30], $0x2800  }
0x7b: {  	[sflag:s30] =	ssyncset.done $0x0  }
0x7c: {  	[sflag:s30] =	ssyncadd.s32 $0xFFFFD800  }
0x7d: {  	v0 =	vld [tilespmem:s12+$0x139C0];
	_ =	sdelay $0x4  }
0x7e: {  	v1 =	vshrl.u32 v0, $0xE  }
0x7f: {  	v0 =	vand.u32 $0x3FFF, v0;
	[tilespmem:$0x16080] =	vst v1  }
0x80: {  	[tilespmem:$0x16280] =	vst v0  }
0x81: {  	v0 =	vld [tilespmem:s12+$0x139D0];
	_ =	sdelay $0x4  }
0x82: {  	v1 =	vshrl.u32 v0, $0xE  }
0x83: {  	v0 =	vand.u32 $0x3FFF, v0;
	[tilespmem:$0x16090] =	vst v1  }
0x84: {  	[tilespmem:$0x16290] =	vst v0  }
0x85: {  	v0 =	vld [tilespmem:s12+$0x139E0];
	_ =	sdelay $0x4  }
0x86: {  	v1 =	vshrl.u32 v0, $0xE  }
0x87: {  	v0 =	vand.u32 $0x3FFF, v0;
	[tilespmem:$0x160A0] =	vst v1  }
0x88: {  	[tilespmem:$0x162A0] =	vst v0  }
0x89: {  	v0 =	vld [tilespmem:s12+$0x139F0];
	_ =	sdelay $0x4  }
0x8a: {  	v1 =	vshrl.u32 v0, $0xE  }
0x8b: {  	v0 =	vand.u32 $0x3FFF, v0;
	[tilespmem:$0x160B0] =	vst v1  }
0x8c: {  	[tilespmem:$0x162B0] =	vst v0  }
0x8d: {  	v0 =	vld [tilespmem:s12+$0x13A00];
	_ =	sdelay $0x4  }
0x8e: {  	v1 =	vshrl.u32 v0, $0xE  }
0x8f: {  	v0 =	vand.u32 $0x3FFF, v0;
	[tilespmem:$0x160C0] =	vst v1  }
0x90: {  	[tilespmem:$0x162C0] =	vst v0  }
0x91: {  	[tilespmem:s18], [sflag:$0x2] =	stream.indirect.gather [hbm4b:s3+s14], $0x80, s17, s14, $0xb8;
	[tilespmem:$0x1DC00] =	vst v63  }
0x92: {  	_ =	swait.ge [sflag:s31], $0x2800  }
0x93: {  	[sflag:s31] =	ssyncset.done $0x0  }
0x94: {  	[sflag:s31] =	ssyncadd.s32 $0xFFFFD800  }
0x95: {  	[spmem:s1] =	stream.indirect.scatter.add.f32 [tilespmem:s20], [sflag:$0x6], $0x80, s0, s14, $0xb8;
	[tilespmem:$0x1DC00] =	vst v63  }
0x96: {  	_ =	swait.ge [sflag:s8], $0x2800  }
0x97: {  	[sflag:s8] =	ssyncset.done $0x0  }
0x98: {  	[sflag:s8] =	ssyncadd.s32 $0xFFFFD800  }
0x99: {  	v0 =	vld [tilespmem:s12+$0x13A10];
	_ =	sdelay $0x4  }
0x9a: {  	v1 =	vshrl.u32 v0, $0xE  }
0x9b: {  	v0 =	vand.u32 $0x3FFF, v0;
	[tilespmem:$0x16100] =	vst v1  }
0x9c: {  	[tilespmem:$0x16300] =	vst v0  }
0x9d: {  	v0 =	vld [tilespmem:s12+$0x13A20];
	_ =	sdelay $0x4  }
0x9e: {  	v1 =	vshrl.u32 v0, $0xE  }
0x9f: {  	v0 =	vand.u32 $0x3FFF, v0;
	[tilespmem:$0x16110] =	vst v1  }
0xa0: {  	[tilespmem:$0x16310] =	vst v0  }
0xa1: {  	v0 =	vld [tilespmem:s12+$0x13A30];
	_ =	sdelay $0x4  }
0xa2: {  	v1 =	vshrl.u32 v0, $0xE  }
0xa3: {  	v0 =	vand.u32 $0x3FFF, v0;
	[tilespmem:$0x16120] =	vst v1  }
0xa4: {  	[tilespmem:$0x16320] =	vst v0  }
0xa5: {  	s9 =	simm.s32 $0x3C0;
	v0 =	vld [tilespmem:s12+$0x13A40]  }
.LBB2_2:
0xa6: {  	p3 =	sne.s32 s9, $0x9240;
	s10 =	smov.u32 s9;
	s9 =	sadd.s32 $0x3C0, s9  }
0xa7: {  	_ =	sdelay $0x2  }
0xa8: {  	v1 =	vshrl.u32 v0, $0xE;
	v0 =	vand.u32 $0x3FFF, v0  }
0xa9: {  	[tilespmem:$0x16130] =	vst v1  }
0xaa: {  	[tilespmem:$0x16330] =	vst v0  }
0xab: {  	v0 =	vld [tilespmem:s12+$0x13A50];
	_ =	sdelay $0x4  }
0xac: {  	v1 =	vshrl.u32 v0, $0xE;
	v0 =	vand.u32 $0x3FFF, v0  }
0xad: {  	[tilespmem:$0x16140] =	vst v1  }
0xae: {  	[tilespmem:$0x16340] =	vst v0  }
0xaf: {  	[tilespmem:s20], [sflag:$0x3] =	stream.indirect.gather [hbm4b:s3+s14], $0x80, s19, s14, $0xb8;
	[tilespmem:$0x1DC00] =	vst v63  }
0xb0: {  	_ =	swait.ge [sflag:s24], $0x2800  }
0xb1: {  	[sflag:s24] =	ssyncset.done $0x0  }
0xb2: {  	[sflag:s24] =	ssyncadd.s32 $0xFFFFD800  }
0xb3: {  	[spmem:s1] =	stream.indirect.scatter.add.f32 [tilespmem:s16], [sflag:$0x4], $0x80, s25, s14, $0xb8;
	[tilespmem:$0x1DC00] =	vst v63  }
0xb4: {  	_ =	swait.ge [sflag:s26], $0x2800  }
0xb5: {  	[sflag:s26] =	ssyncset.done $0x0  }
0xb6: {  	s12 =	sshra.s32 s10, $0x2;
	[sflag:s26] =	ssyncadd.s32 $0xFFFFD800  }
0xb7: {  	v0 =	vld [tilespmem:s12+$0x13970];
	_ =	sdelay $0x4  }
0xb8: {  	v1 =	vshrl.u32 v0, $0xE;
	v0 =	vand.u32 $0x3FFF, v0  }
0xb9: {  	[tilespmem:$0x16000] =	vst v1  }
0xba: {  	[tilespmem:$0x16200] =	vst v0  }
0xbb: {  	v0 =	vld [tilespmem:s12+$0x13980];
	_ =	sdelay $0x4  }
0xbc: {  	v1 =	vshrl.u32 v0, $0xE;
	v0 =	vand.u32 $0x3FFF, v0  }
0xbd: {  	[tilespmem:$0x16010] =	vst v1  }
0xbe: {  	[tilespmem:$0x16210] =	vst v0  }
0xbf: {  	v0 =	vld [tilespmem:s12+$0x13990];
	_ =	sdelay $0x4  }
0xc0: {  	v1 =	vshrl.u32 v0, $0xE;
	v0 =	vand.u32 $0x3FFF, v0  }
0xc1: {  	[tilespmem:$0x16020] =	vst v1  }
0xc2: {  	[tilespmem:$0x16220] =	vst v0  }
0xc3: {  	v0 =	vld [tilespmem:s12+$0x139A0];
	_ =	sdelay $0x4  }
0xc4: {  	v1 =	vshrl.u32 v0, $0xE;
	v0 =	vand.u32 $0x3FFF, v0  }
0xc5: {  	[tilespmem:$0x16030] =	vst v1  }
0xc6: {  	[tilespmem:$0x16230] =	vst v0  }
0xc7: {  	v0 =	vld [tilespmem:s12+$0x139B0];
	_ =	sdelay $0x4  }
0xc8: {  	v1 =	vshrl.u32 v0, $0xE;
	v0 =	vand.u32 $0x3FFF, v0  }
0xc9: {  	[tilespmem:$0x16040] =	vst v1  }
0xca: {  	[tilespmem:$0x16240] =	vst v0  }
0xcb: {  	[tilespmem:s16], [sflag:$0x1] =	stream.indirect.gather [hbm4b:s3+s14], $0x80, s15, s14, $0xb8;
	[tilespmem:$0x1DC00] =	vst v63  }
0xcc: {  	_ =	swait.ge [sflag:s28], $0x2800  }
0xcd: {  	[sflag:s28] =	ssyncset.done $0x0  }
0xce: {  	[sflag:s28] =	ssyncadd.s32 $0xFFFFD800  }
0xcf: {  	[spmem:s1] =	stream.indirect.scatter.add.f32 [tilespmem:s18], [sflag:$0x5], $0x80, s29, s14, $0xb8;
	[tilespmem:$0x1DC00] =	vst v63  }
0xd0: {  	_ =	swait.ge [sflag:s30], $0x2800  }
0xd1: {  	[sflag:s30] =	ssyncset.done $0x0  }
0xd2: {  	[sflag:s30] =	ssyncadd.s32 $0xFFFFD800  }
0xd3: {  	v0 =	vld [tilespmem:s12+$0x139C0];
	_ =	sdelay $0x4  }
0xd4: {  	v1 =	vshrl.u32 v0, $0xE;
	v0 =	vand.u32 $0x3FFF, v0  }
0xd5: {  	[tilespmem:$0x16080] =	vst v1  }
0xd6: {  	[tilespmem:$0x16280] =	vst v0  }
0xd7: {  	v0 =	vld [tilespmem:s12+$0x139D0];
	_ =	sdelay $0x4  }
0xd8: {  	v1 =	vshrl.u32 v0, $0xE;
	v0 =	vand.u32 $0x3FFF, v0  }
0xd9: {  	[tilespmem:$0x16090] =	vst v1  }
0xda: {  	[tilespmem:$0x16290] =	vst v0  }
0xdb: {  	v0 =	vld [tilespmem:s12+$0x139E0];
	_ =	sdelay $0x4  }
0xdc: {  	v1 =	vshrl.u32 v0, $0xE;
	v0 =	vand.u32 $0x3FFF, v0  }
0xdd: {  	[tilespmem:$0x160A0] =	vst v1  }
0xde: {  	[tilespmem:$0x162A0] =	vst v0  }
0xdf: {  	v0 =	vld [tilespmem:s12+$0x139F0];
	_ =	sdelay $0x4  }
0xe0: {  	v1 =	vshrl.u32 v0, $0xE;
	v0 =	vand.u32 $0x3FFF, v0  }
0xe1: {  	[tilespmem:$0x160B0] =	vst v1  }
0xe2: {  	[tilespmem:$0x162B0] =	vst v0  }
0xe3: {  	v0 =	vld [tilespmem:s12+$0x13A00];
	_ =	sdelay $0x4  }
0xe4: {  	v1 =	vshrl.u32 v0, $0xE;
	v0 =	vand.u32 $0x3FFF, v0  }
0xe5: {  	[tilespmem:$0x160C0] =	vst v1  }
0xe6: {  	[tilespmem:$0x162C0] =	vst v0  }
0xe7: {  	[tilespmem:s18], [sflag:$0x2] =	stream.indirect.gather [hbm4b:s3+s14], $0x80, s17, s14, $0xb8;
	[tilespmem:$0x1DC00] =	vst v63  }
0xe8: {  	_ =	swait.ge [sflag:s31], $0x2800  }
0xe9: {  	[sflag:s31] =	ssyncset.done $0x0  }
0xea: {  	[sflag:s31] =	ssyncadd.s32 $0xFFFFD800  }
0xeb: {  	[spmem:s1] =	stream.indirect.scatter.add.f32 [tilespmem:s20], [sflag:$0x6], $0x80, s0, s14, $0xb8;
	[tilespmem:$0x1DC00] =	vst v63  }
0xec: {  	_ =	swait.ge [sflag:s8], $0x2800  }
0xed: {  	[sflag:s8] =	ssyncset.done $0x0  }
0xee: {  	[sflag:s8] =	ssyncadd.s32 $0xFFFFD800  }
0xef: {  	v0 =	vld [tilespmem:s12+$0x13A10];
	_ =	sdelay $0x4  }
0xf0: {  	v1 =	vshrl.u32 v0, $0xE;
	v0 =	vand.u32 $0x3FFF, v0  }
0xf1: {  	[tilespmem:$0x16100] =	vst v1  }
0xf2: {  	[tilespmem:$0x16300] =	vst v0  }
0xf3: {  	v0 =	vld [tilespmem:s12+$0x13A20];
	_ =	sdelay $0x4  }
0xf4: {  	v1 =	vshrl.u32 v0, $0xE;
	v0 =	vand.u32 $0x3FFF, v0  }
0xf5: {  	[tilespmem:$0x16110] =	vst v1  }
0xf6: {  	[tilespmem:$0x16310] =	vst v0  }
0xf7: {  	v0 =	vld [tilespmem:s12+$0x13A30];
	_ =	sdelay $0x3  }
.Ltmp2:
0xf8: {  	(pc) =	sbr.rel @p3 .LBB2_2-.Ltmp2, $4  }
0xf9: {  	v1 =	vshrl.u32 v0, $0xE;
	v0 =	vand.u32 $0x3FFF, v0  }
0xfa: {  	[tilespmem:$0x16120] =	vst v1  }
0xfb: {  	[tilespmem:$0x16320] =	vst v0  }
0xfc: {  	v0 =	vld [tilespmem:s12+$0x13A40]  }
0xfd: {  	_ =	sdelay $0x3  }
0xfe: {  	v1 =	vshrl.u32 v0, $0xE  }
0xff: {  	v36 =	vand.u32 $0x3FFF, v0;
	[tilespmem:$0x16130] =	vst v1  }
0x100: {  	[tilespmem:$0x16330] =	vst v36  }
0x101: {  	v0 =	vld [tilespmem:s12+$0x13A50];
	_ =	sdelay $0x4  }
0x102: {  	v37 =	vshrl.u32 v0, $0xE  }
0x103: {  	v0 =	vand.u32 $0x3FFF, v0;
	[tilespmem:$0x16140] =	vst v37  }
0x104: {  	[tilespmem:$0x16340] =	vst v0  }
0x105: {  	[tilespmem:s20], [sflag:$0x3] =	stream.indirect.gather [hbm4b:s3+s14], $0x80, s19, s14, $0xb8;
	[tilespmem:$0x1DC00] =	vst v63  }
0x106: {  	_ =	swait.ge [sflag:s24], $0x2800  }
0x107: {  	[sflag:s24] =	ssyncset.done $0x0  }
0x108: {  	[sflag:s24] =	ssyncadd.s32 $0xFFFFD800  }
0x109: {  	[spmem:s1] =	stream.indirect.scatter.add.f32 [tilespmem:s16], [sflag:$0x4], $0x80, s25, s14, $0xb8;
	[tilespmem:$0x1DC00] =	vst v63  }
0x10a: {  	_ =	swait.ge [sflag:s26], $0x2800  }
0x10b: {  	[sflag:s26] =	ssyncset.done $0x0  }
0x10c: {  	[sflag:s26] =	ssyncadd.s32 $0xFFFFD800  }
0x10d: {  	v38 =	vld [tilespmem:$0x15EF0];
	_ =	sdelay $0x1  }
0x10e: {  	v39 =	vld [tilespmem:$0x15F00];
	_ =	sdelay $0x1  }
0x10f: {  	v2 =	vld [tilespmem:$0x15F10]  }
0x110: {  	v3 =	vshrl.u32 v38, $0xE  }
0x111: {  	v40 =	vld [tilespmem:$0x15F20];
	v0 =	vand.u32 $0x3FFF, v38;
	[tilespmem:$0x16000] =	vst v3  }
0x112: {  	v41 =	vshrl.u32 v39, $0xE;
	[tilespmem:$0x16200] =	vst v0  }
0x113: {  	v43 =	vld [tilespmem:$0x15F30];
	v42 =	vand.u32 $0x3FFF, v39;
	[tilespmem:$0x16010] =	vst v41  }
0x114: {  	v44 =	vshrl.u32 v2, $0xE;
	[tilespmem:$0x16210] =	vst v42  }
0x115: {  	v45 =	vand.u32 $0x3FFF, v2;
	[tilespmem:$0x16020] =	vst v44  }
0x116: {  	v46 =	vshrl.u32 v40, $0xE;
	[tilespmem:$0x16220] =	vst v45  }
0x117: {  	v47 =	vand.u32 $0x3FFF, v40;
	[tilespmem:$0x16030] =	vst v46  }
0x118: {  	v48 =	vshrl.u32 v43, $0xE;
	[tilespmem:$0x16230] =	vst v47  }
0x119: {  	v49 =	vand.u32 $0x3FFF, v43;
	[tilespmem:$0x16040] =	vst v48  }
0x11a: {  	[tilespmem:$0x16240] =	vst v49  }
0x11b: {  	[tilespmem:s16], [sflag:$0x1] =	stream.indirect.gather [hbm4b:s3+s14], $0x80, s15, s14, $0xb8;
	[tilespmem:$0x1DC00] =	vst v63  }
0x11c: {  	_ =	swait.ge [sflag:s28], $0x2800  }
0x11d: {  	[sflag:s28] =	ssyncset.done $0x0  }
0x11e: {  	[sflag:s28] =	ssyncadd.s32 $0xFFFFD800  }
0x11f: {  	[spmem:s1] =	stream.indirect.scatter.add.f32 [tilespmem:s18], [sflag:$0x5], $0x80, s29, s14, $0xb8;
	[tilespmem:$0x1DC00] =	vst v63  }
0x120: {  	_ =	swait.ge [sflag:s30], $0x2800  }
0x121: {  	[sflag:s30] =	ssyncset.done $0x0  }
0x122: {  	[sflag:s30] =	ssyncadd.s32 $0xFFFFD800  }
0x123: {  	v50 =	vld [tilespmem:$0x15F40];
	_ =	sdelay $0x1  }
0x124: {  	v51 =	vld [tilespmem:$0x15F50];
	_ =	sdelay $0x1  }
0x125: {  	v52 =	vld [tilespmem:$0x15F60]  }
0x126: {  	v53 =	vshrl.u32 v50, $0xE  }
0x127: {  	v54 =	vld [tilespmem:$0x15F70];
	v0 =	vand.u32 $0x3FFF, v50;
	[tilespmem:$0x16080] =	vst v53  }
0x128: {  	v55 =	vshrl.u32 v51, $0xE;
	[tilespmem:$0x16280] =	vst v0  }
0x129: {  	v57 =	vld [tilespmem:$0x15F80];
	v56 =	vand.u32 $0x3FFF, v51;
	[tilespmem:$0x16090] =	vst v55  }
0x12a: {  	v58 =	vshrl.u32 v52, $0xE;
	[tilespmem:$0x16290] =	vst v56  }
0x12b: {  	v59 =	vand.u32 $0x3FFF, v52;
	[tilespmem:$0x160A0] =	vst v58  }
0x12c: {  	v60 =	vshrl.u32 v54, $0xE;
	[tilespmem:$0x162A0] =	vst v59  }
0x12d: {  	v61 =	vand.u32 $0x3FFF, v54;
	[tilespmem:$0x160B0] =	vst v60  }
0x12e: {  	v62 =	vshrl.u32 v57, $0xE;
	[tilespmem:$0x162B0] =	vst v61  }
0x12f: {  	v63 =	vand.u32 $0x3FFF, v57;
	[tilespmem:$0x160C0] =	vst v62  }
0x130: {  	[tilespmem:$0x162C0] =	vst v63  }
0x131: {  	[tilespmem:s18], [sflag:$0x2] =	stream.indirect.gather [hbm4b:s3+s14], $0x80, s17, s14, $0xb8;
	[tilespmem:$0x1DC00] =	vst v63  }
0x132: {  	_ =	swait.ge [sflag:s31], $0x2800  }
0x133: {  	[sflag:s31] =	ssyncset.done $0x0  }
0x134: {  	[sflag:s31] =	ssyncadd.s32 $0xFFFFD800  }
0x135: {  	[spmem:s1] =	stream.indirect.scatter.add.f32 [tilespmem:s20], [sflag:$0x6], $0x80, s0, s14, $0xb8;
	[tilespmem:$0x1DC00] =	vst v63  }
0x136: {  	_ =	swait.ge [sflag:s8], $0x2800  }
0x137: {  	[sflag:s8] =	ssyncset.done $0x0  }
0x138: {  	[sflag:s8] =	ssyncadd.s32 $0xFFFFD800  }
0x139: {  	_ =	swait.ge [sflag:s24], $0x2800  }
0x13a: {  	[sflag:s24] =	ssyncset.done $0x0  }
0x13b: {  	[sflag:s24] =	ssyncadd.s32 $0xFFFFD800  }
0x13c: {  	[spmem:s1] =	stream.indirect.scatter.add.f32 [tilespmem:s16], [sflag:$0x4], $0x80, s25, s14, $0xb8;
	[tilespmem:$0x1DC00] =	vst v63  }
0x13d: {  	_ =	swait.ge [sflag:s26], $0x2800  }
0x13e: {  	[sflag:s26] =	ssyncset.done $0x0  }
0x13f: {  	[sflag:s26] =	ssyncadd.s32 $0xFFFFD800  }
0x140: {  	_ =	swait.ge [sflag:s28], $0x2800  }
0x141: {  	[sflag:s28] =	ssyncset.done $0x0  }
0x142: {  	[sflag:s28] =	ssyncadd.s32 $0xFFFFD800  }
0x143: {  	[spmem:s1] =	stream.indirect.scatter.add.f32 [tilespmem:s18], [sflag:$0x5], $0x80, s29, s14, $0xb8;
	[tilespmem:$0x1DC00] =	vst v63  }
.Ltmp3:
0x144: {  	_ =	swait.ge [sflag:s30], $0x2800;
	(pc) =	sbr.rel @!p1 .LBB2_4-.Ltmp3, $3  }
0x145: {  	[sflag:s30] =	ssyncset.done $0x0  }
0x146: {  	[sflag:s30] =	ssyncadd.s32 $0xFFFFD800  }
0x147: {  	[bflag:$0x0] =	sbarrier.arrive $0xFFFF;
	_ =	sdelay $0x1  }
0x148: {  	s9 =	rddreg [dreg:$0x5]  }
0x149: {  	[hbm:s9], [sflag:s21] =	dma.local [spmem:s22], $0x2700  }
.Ltmp4:
0x14a: {  	_ = 	snop;
	(pc) =	sbr.rel @p0 .LBB2_7-.Ltmp4, $4  }
.Ltmp5:
0x14b: {  	_ = 	snop;
	(pc) =	sbr.rel @!p0 .LBB2_6-.Ltmp5, $4  }
0x14c: {  	_ =	swait.ge [sflag:s13], $0x2700  }
0x14d: {  	[sflag:s13] =	ssyncset.done $0x0  }
0x14e: {  	s9 =	smov.u32 s6;
	[sflag:s13] =	ssyncadd.s32 $0xFFFFD900  }
0x14f: {  	_ = 	snop  }
.LBB2_4:
0x150: {  	s9 =	rddreg [dreg:$0x4]  }
0x151: {  	[hbm:s9], [sflag:s21] =	dma.local [spmem:s22], $0x2700  }
.Ltmp6:
0x152: {  	_ = 	snop;
	(pc) =	sbr.rel @!p2 .LBB2_7-.Ltmp6, $4  }
.Ltmp7:
0x153: {  	_ = 	snop;
	(pc) =	sbr.rel @p2 .LBB2_6-.Ltmp7, $4  }
0x154: {  	_ =	swait.ge [sflag:s13], $0x2700  }
0x155: {  	[sflag:s13] =	ssyncset.done $0x0  }
0x156: {  	s9 =	smov.u32 s5;
	[sflag:s13] =	ssyncadd.s32 $0xFFFFD900  }
0x157: {  	_ = 	snop  }
.LBB2_8:
0x158: {  	_ =	sfence.sel $0x180000  }
0x159: {  	[bflag:$0x0] =	sbarrier.arrive $0xFFFF  }
0x15a: {  	_ =	strace $0x9000004A  }
0x15b: {  	[bflag:$0x2] =	sbarrier.arrive $0xFFFF  }
0x15c: {  	s0 =	rddreg [dreg:$0x2]  }
0x15d: {  	s0 =	sadd.s32 @!p0 $0x100000, s0  }
0x15e: {  	[sflag:s0] =	ssyncadd.tile.s32 @!p0 $0x1;
	_ =	shalt  }
.Lfunc_end2:
_tile_overlayer_lowered:
.L_overlay_start_2:
0x15f: {  	(tag) =	ssettag $0x2  }
0x160: {  	s0 =	rddreg [dreg:$0x0];
	s2 =	stileid.u32  }
0x161: {  	s1 =	rddreg [dreg:$0x1];
	p0 =	sne.s32 s2, $0x0  }
0x162: {  	s3 =	rddreg [dreg:$0x2];
	[bflag:$0x3] =	sbarrier.arrive $0xFFFF;
	s2 =	simm.s32 @!p0 $0x1C07  }
0x163: {  	[timem:s3], [sflag:s2] =	dma.local @!p0 [hbm:s0], s1  }
0x164: {  	s0 =	simm.s32 @!p0 $0x7  }
0x165: {  	_ =	swait.ge @!p0 [sflag:s0], s1  }
0x166: {  	s1 =	ssub.s32 @!p0 $0x0, s1;
	[sflag:s0] =	ssyncset.done @!p0 $0x0  }
0x167: {  	[sflag:s0] =	ssyncadd.s32 @!p0 s1  }
0x168: {  	[bflag:$0x3] =	sbarrier.arrive $0xFFFF  }
0x169: {  	_ =	shalt  }

// kernel: kernel.14.cloned.1.call-start
scs
__scs_entry_jumppad:
0x0: {  	(pc) =	sbr.rel $0x88, $3  }
0x1: {  	(tag) =	ssettag $0x0;
	lr =	simm.s32 $0x1  }
0x2: {  	[smem:$0x3F83] =	sst lr;
	_ =	strace $0xD0000000  }
0x3: {  	_ = 	snop  }
0x4: {  	_ = 	snop  }
0x5: {  	_ = 	snop  }
0x6: {  	_ = 	snop  }
0x7: {  	_ = 	snop  }
__scs_overlays_trampoline_lowered:
0x8: {  	[smem:$0x3F92] =	sst s0  }
0x9: {  	[smem:$0x3F93] =	sst s1  }
0xa: {  	[smem:$0x3F94] =	sst s2  }
0xb: {  	[smem:$0x3F95] =	sst s3  }
0xc: {  	[smem:$0x3F96] =	sst s4  }
0xd: {  	[smem:$0x3F97] =	sst s5  }
0xe: {  	[smem:$0x3F98] =	sst s6  }
0xf: {  	[smem:$0x3F99] =	sst s7  }
0x10: {  	[smem:$0x3F9A] =	sst s8  }
0x11: {  	[smem:$0x3F9B] =	sst s9;
	s0 =	simm.s32 @!p0 $0x0  }
0x12: {  	s1 =	sld [smem:$0x3F81];
	s0 =	simm.s32 @p0 $0x1  }
0x13: {  	[smem:$0x3F9C] =	sst s0;
	s0 =	simm.s32 @!p1 $0x0  }
0x14: {  	s2 =	sld [smem:$0x3F80];
	s0 =	simm.s32 @p1 $0x1  }
0x15: {  	[smem:$0x3F9D] =	sst s0;
	s0 =	simm.s32 @!p2 $0x0  }
0x16: {  	s3 =	sld [smem:$0x3FDB];
	s0 =	simm.s32 @p2 $0x1  }
0x17: {  	s4 =	simm.s32 $0x1BF5;
	[smem:$0x3F9F] =	sst s0  }
0x18: {  	s0 =	sld [smem:$0x3F82];
	_ =	swait.ge [sflag:s4], $0x0  }
0x19: {  	s7 =	sld [smem:$0x3F83]  }
0x1a: {  	s8 =	sadd.s32 $0xFFFFE003, lr  }
0x1b: {  	s9 =	sadd.s32 $0xFFFFFEF7, lr;
	s5 =	simm.s32 $0xFFFFFFFF;
	p2 =	slt.u32 s8, $0xFFFFF086  }
0x1c: {  	p1 =	slt.u32 s9, $0xF7A;
	s5 =	simm.s32 @!p2 $0x0  }
0x1d: {  	s5 =	simm.s32 @p1 $0x1;
	p0 =	seq.s32 s7, s2  }
0x1e: {  	s7 =	smul.u32 @!p0 $0xF7A, s2;
	p2 =	seq.s32 @!p0 s5, $0x0  }
0x1f: {  	s9 =	smul.u32 $0xF7A, s1;
	s8 =	simm.s32 @!p0 $0x1BF5;
	p2 =	por !p2, p0  }
0x20: {  	[sflag:s8] =	ssyncset.s32 @!p0 $0xFFFFF086;
	s6 =	sadd.s32 @!p0 s3, s7;
	s7 =	simm.s32 @!p0 $0x108  }
0x21: {  	s3 =	sadd.s32 s3, s9;
	s6 =	sadd.s32 @!p0 $0x88, s6;
	s7 =	simm.s32 @p2 $0x1082  }
0x22: {  	[simem:s7], [sflag:s8] =	dma.local @!p0 [hbm:s6], $0xF7A  }
0x23: {  	s9 =	sor.u32 $0xD0000000, s2;
	s6 =	simm.s32 $0x108;
	_ =	swait.ge @!p0 [sflag:s8], $0x0  }
0x24: {  	s3 =	sadd.s32 $0x88, s3;
	s6 =	simm.s32 @!p1 $0x1082;
	[sflag:s4] =	ssyncset.s32 $0xFFFFF086  }
0x25: {  	[simem:s6], [sflag:s4] =	dma.local [hbm:s3], $0xF7A  }
0x26: {  	[smem:$0x3F83] =	sst s1;
	(tag) =	ssettag s2;
	_ =	strace s9  }
0x27: {  	s1 =	sld [smem:$0x3F93]  }
0x28: {  	s2 =	sld [smem:$0x3F94]  }
0x29: {  	s4 =	sld [smem:$0x3F96]  }
0x2a: {  	p0 =	seq.s32 s5, $0x0;
	s5 =	sld [smem:$0x3F97]  }
0x2b: {  	s6 =	sld [smem:$0x3F98]  }
0x2c: {  	s7 =	sld [smem:$0x3F99]  }
0x2d: {  	s3 =	simm.s32 $0x108;
	s8 =	sld [smem:$0x3F9A]  }
0x2e: {  	s3 =	simm.s32 @!p0 $0x1082;
	s9 =	sld [smem:$0x3F9B]  }
0x2f: {  	lr =	sadd.s32 s0, s3;
	s0 =	sld [smem:$0x3F92]  }
0x30: {  	s3 =	sld [smem:$0x3F95]  }
0x31: {  	[smem:$0x3F9E] =	sst s10  }
0x32: {  	s10 =	sld [smem:$0x3F9C];
	_ =	sdelay $0x3  }
0x33: {  	p0 =	seq.s32 s10, $0x1;
	s10 =	sld [smem:$0x3F9E];
	_ =	sdelay $0x3  }
0x34: {  	[smem:$0x3F9E] =	sst s10  }
0x35: {  	s10 =	sld [smem:$0x3F9D];
	_ =	sdelay $0x3  }
0x36: {  	p1 =	seq.s32 s10, $0x1;
	s10 =	sld [smem:$0x3F9E];
	_ =	sdelay $0x3  }
0x37: {  	[smem:$0x3F9E] =	sst s10  }
0x38: {  	s10 =	sld [smem:$0x3F9F]  }
0x39: {  	_ = 	snop;
	(pc) =	sbr.ind lr, $3  }
0x3a: {  	_ = 	snop  }
0x3b: {  	_ = 	snop  }
0x3c: {  	p2 =	seq.s32 s10, $0x1;
	s10 =	sld [smem:$0x3F9E]  }
0x3d: {  	_ =	shalt  }
0x3e: {  	_ =	shalt  }
0x3f: {  	_ =	shalt  }
0x40: {  	_ =	shalt  }
0x41: {  	_ =	shalt  }
0x42: {  	_ =	shalt  }
0x43: {  	_ =	shalt  }
0x44: {  	_ =	shalt  }
0x45: {  	_ =	shalt  }
0x46: {  	_ =	shalt  }
0x47: {  	_ =	shalt  }
0x48: {  	_ =	shalt  }
0x49: {  	_ =	shalt  }
0x4a: {  	_ =	shalt  }
0x4b: {  	_ =	shalt  }
0x4c: {  	_ =	shalt  }
0x4d: {  	_ =	shalt  }
0x4e: {  	_ =	shalt  }
0x4f: {  	_ =	shalt  }
0x50: {  	_ =	shalt  }
0x51: {  	_ =	shalt  }
0x52: {  	_ =	shalt  }
0x53: {  	_ =	shalt  }
0x54: {  	_ =	shalt  }
0x55: {  	_ =	shalt  }
0x56: {  	_ =	shalt  }
0x57: {  	_ =	shalt  }
0x58: {  	_ =	shalt  }
0x59: {  	_ =	shalt  }
0x5a: {  	_ =	shalt  }
0x5b: {  	_ =	shalt  }
0x5c: {  	_ =	shalt  }
0x5d: {  	_ =	shalt  }
0x5e: {  	_ =	shalt  }
0x5f: {  	_ =	shalt  }
0x60: {  	_ =	shalt  }
0x61: {  	_ =	shalt  }
0x62: {  	_ =	shalt  }
0x63: {  	_ =	shalt  }
0x64: {  	_ =	shalt  }
0x65: {  	_ =	shalt  }
0x66: {  	_ =	shalt  }
0x67: {  	_ =	shalt  }
0x68: {  	_ =	shalt  }
0x69: {  	_ =	shalt  }
0x6a: {  	_ =	shalt  }
0x6b: {  	_ =	shalt  }
0x6c: {  	_ =	shalt  }
0x6d: {  	_ =	shalt  }
0x6e: {  	_ =	shalt  }
0x6f: {  	_ =	shalt  }
0x70: {  	_ =	shalt  }
0x71: {  	_ =	shalt  }
0x72: {  	_ =	shalt  }
0x73: {  	_ =	shalt  }
0x74: {  	_ =	shalt  }
0x75: {  	_ =	shalt  }
0x76: {  	_ =	shalt  }
0x77: {  	_ =	shalt  }
0x78: {  	_ =	shalt  }
0x79: {  	_ =	shalt  }
0x7a: {  	_ =	shalt  }
0x7b: {  	_ =	shalt  }
0x7c: {  	_ =	shalt  }
0x7d: {  	_ =	shalt  }
0x7e: {  	_ =	shalt  }
0x7f: {  	_ =	shalt  }
0x80: {  	_ =	shalt  }
0x81: {  	_ =	shalt  }
0x82: {  	_ =	shalt  }
0x83: {  	_ =	shalt  }
0x84: {  	_ =	shalt  }
0x85: {  	_ =	shalt  }
0x86: {  	_ =	shalt  }
0x87: {  	_ =	shalt  }
.Lfunc_end0:
.L_simem_size_0:
called_computation.2_lowered:
.L_overlay_start_0:
0x88: {  	s2 =	sld [smem:$0x3FD9]  }
0x89: {  	s3 =	sld [smem:$0x3FFE];
	_ =	sdelay $0x1  }
0x8a: {  	s1 =	srdreg.scid  }
0x8b: {  	s0 =	sand.u32 $0x1, s1  }
0x8c: {  	s16 =	sshll.u32 s0, $0xA;
	s2 =	sadd.s32 s3, s2  }
0x8d: {  	s2 =	sadd.s32 s2, s16  }
0x8e: {  	[smem:$0x3FAA] =	sst s2  }
0x8f: {  	_ = 	snop  }
0x90: {  	(tm) =	ssettm $0x1  }
0x91: {  	s17 =	sld [smem:$0x3FFB];
	_ =	sdelay $0x3  }
0x92: {  	_ =	strace s17  }
0x93: {  	s2 =	sld [smem:$0x3FFC];
	_ =	sdelay $0x3  }
0x94: {  	_ =	strace s2  }
0x95: {  	s2 =	sld [smem:$0x3FFD];
	_ =	sdelay $0x3  }
0x96: {  	_ =	strace s2  }
0x97: {  	_ =	strace $0x8FFFFFFF  }
0x98: {  	s18 =	sld [smem:$0x3FDB];
	_ =	sdelay $0x1  }
0x99: {  	s19 =	simm.s32 $_scs_section_size  }
0x9a: {  	s4 =	simm.s32 $_size__tile_overlayer_lowered;
	s5 =	simm.s32 $_tile_overlayer_lowered  }
0x9b: {  	s22 =	simm.s32 $0x1BFF;
	s21 =	sshll.u32 s5, $0x1;
	s2 =	sadd.s32 s19, s18  }
0x9c: {  	s6 =	simm.s32 $0x0;
	s20 =	sshll.u32 s4, $0x1;
	s4 =	sadd.s32 s21, s2  }
0x9d: {  	[timem:s6], [sflag:s22] =	dma.local [hbm:s4], s20  }
0x9e: {  	_ =	swait.ge [sflag:s22], s20  }
0x9f: {  	s3 =	ssub.s32 $0x0, s20;
	[sflag:s22] =	ssyncset.done $0x0  }
0xa0: {  	[sflag:s22] =	ssyncadd.s32 s3;
	_ =	sdelay $0x1  }
0xa1: {  	s23 =	simm.s32 $0x1B8B  }
0xa2: {  	_ =	swait.ge [sflag:s23], $0x1  }
0xa3: {  	[sflag:s23] =	ssyncset.done $0x0  }
0xa4: {  	s25 =	simm.s32 $0x1B8E;
	s24 =	sld [smem:$0x3FFE];
	[sflag:s23] =	ssyncadd.s32 $0xFFFFFFFF  }
0xa5: {  	s26 =	simm.s32 $execute0_lowered;
	[smem:$0x3FD2] =	sst s25  }
0xa6: {  	s4 =	sshll.u32 s26, $0x1;
	_ =	strace $0x8000004C;
	[dreg:$0x1] =	wrdreg $0xFFFFFFFF  }
0xa7: {  	s28 =	simm.s32 $_size_execute0_lowered;
	s2 =	sadd.s32 s2, s4;
	[dreg:$0x0] =	wrdreg $0x0  }
0xa8: {  	s4 =	sshll.u32 s28, $0x1;
	[dreg:$0x2] =	wrdreg s2  }
0xa9: {  	[dreg:$0x3] =	wrdreg s4  }
0xaa: {  	[dreg:$0x4] =	wrdreg $0xC0  }
0xab: {  	_ =	task [dreg:s6], $0x5FFFF  }
0xac: {  	[dreg:$0x1] =	wrdreg $0xFFFFFFFF  }
0xad: {  	[dreg:$0x0] =	wrdreg $0x60  }
0xae: {  	[dreg:$0x2] =	wrdreg s24  }
0xaf: {  	[dreg:$0x3] =	wrdreg $0x0  }
0xb0: {  	[dreg:$0x4] =	wrdreg $0x9  }
0xb1: {  	_ =	task.clear_ibuf [dreg:s6], $0x5FFFF;
	_ =	strace $0x9000004C  }
0xb2: {  	s29 =	simm.s32 $0x9;
	_ =	strace $0x8000004E  }
0xb3: {  	_ =	swait.ge [sflag:s29], $0x1  }
0xb4: {  	[sflag:s29] =	ssyncadd.s32 $0xFFFFFFFF  }
0xb5: {  	_ =	strace $0x9000004E  }
0xb6: {  	_ =	sfence  }
0xb7: {  	s30 =	sld [smem:$0x0];
	_ =	sdelay $0x2  }
0xb8: {  	s31 =	sshll.u32 s1, $0xD;
	s1 =	sshrl.u32 s1, $0x2  }
0xb9: {  	s3 =	sand.u32 $0x4000, s31;
	s1 =	sadd.s32 s1, s30  }
0xba: {  	s0 =	sor.u32 s3, s0;
	s1 =	sshll.u32 s1, $0x11  }
0xbb: {  	s0 =	sor.u32 s1, s0  }
0xbc: {  	s0 =	sadd.s32 $0x8F2B, s0  }
0xbd: {  	[sflag:s0] =	ssyncadd.remote.s32 $0x1  }
0xbe: {  	_ =	sfence.sel $0xFFFF  }
0xbf: {  	[dreg:$0x0] =	wrdreg $0xFFFFFFFF;
	(pc) =	sbr.abs _section_cstart, $3  }
0xc0: {  	[dreg:$0x1] =	wrdreg $0xFFFFFFFF  }
0xc1: {  	_ =	task.clear_ibuf [dreg:s6], $0x2FFFF;
	_ =	strace $0x9FFFFFFF  }
0xc2: {  	(tm) =	ssettm $0x7FFFFFFF  }
0xc3: {  	_ =	shalt  }
tec
execute0_lowered:
.L_overlay_start_1:
0x0: {  	(tag) =	ssettag $0x1  }
0x1: {  	s2 =	rddreg [dreg:$0x0]  }
0x2: {  	s0 =	srdreg.scid;
	s1 =	rddreg [dreg:$0x1]  }
0x3: {  	s8 =	stileid.u32;
	s4 =	simm.s32 $0x0;
	s13 =	simm.s32 $0x7  }
0x4: {  	s14 =	simm.s32 $0x50;
	s15 =	simm.s32 $0x16000;
	s16 =	simm.s32 $0x16400  }
0x5: {  	s17 =	simm.s32 $0x16080;
	s18 =	simm.s32 $0x18C00;
	s19 =	simm.s32 $0x16100  }
0x6: {  	s20 =	simm.s32 $0x1B400;
	s28 =	simm.s32 $0x2;
	s29 =	simm.s32 $0x16280  }
0x7: {  	s30 =	simm.s32 $0x5;
	s31 =	simm.s32 $0x3;
	s0 =	sand.u32 $0x1, s0  }
0x8: {  	[smem:$0x7FF] =	sst s4;
	s4 =	sadd.s32 $0x10000, s2;
	s9 =	smul.u32 $0x4E000, s8  }
0x9: {  	s5 =	sadd.s32 $0x39A00, s2;
	s6 =	sadd.s32 $0x60C00, s2;
	s11 =	smul.u32 $0x2700, s8  }
0xa: {  	p0 =	sne.s32 s8, $0x0;
	s26 =	sshll.u32 s8, $0x6;
	p2 =	seq.s32 s8, $0x0  }
0xb: {  	s3 =	sshll.u32 s0, $0x4;
	_ =	strace $0x8000004D;
	s23 =	ssub.s32 $0x2, s0  }
0xc: {  	p1 =	seq.s32 s0, $0x1;
	s21 =	sor.u32 $0x1C07, s26;
	s26 =	simm.s32 $0x4  }
0xd: {  	s0 =	simm.s32 $0x16300;
	s3 =	sor.u32 s8, s3;
	s10 =	sshrl.u32 s23, $0x1  }
0xe: {  	s9 =	sshrl.u32 s9, $0x2;
	s24 =	sadd.s32 s5, s11;
	s25 =	sadd.s32 s6, s11  }
0xf: {  	s8 =	simm.s32 $0x6;
	s22 =	smul.u32 $0x4E2, s3;
	s3 =	sadd.s32 $0x12800, s2  }
.Ltmp0:
0x10: {  	s9 =	sadd.s32 s9, s1;
	[dreg:$0x4] =	wrdreg s24;
	(pc) =	sbr.rel .LBB2_1-.Ltmp0, $4  }
0x11: {  	[dreg:$0x5] =	wrdreg s25;
	s24 =	simm.s32 $0x1;
	s25 =	simm.s32 $0x16200  }
0x12: {  	s7 =	sadd.s32 s22, s2;
	s2 =	ssub.s32 s23, s10;
	s10 =	sadd.s32 $0x138000, s1  }
0x13: {  	s22 =	sshrl.u32 s9, $0x3;
	s7 =	sadd.s32 $0x6200, s7;
	s11 =	smax.u32 s2, $0x1  }
0x14: {  	[dreg:$0x3] =	wrdreg s10;
	s23 =	sshrl.u32 @!p0 s10, $0x3;
	s2 =	simm.s32 $0x0  }
.LBB2_6:
0x15: {  	s10 =	rddreg [dreg:$0x3]  }
0x16: {  	s9 =	sadd.s32 $0x27000, s9;
	s10 =	sshrl.u32 s10, $0x3  }
0x17: {  	[hbm:s9], [sflag:s21] =	dma.local [spmem:s10], $0x100  }
0x18: {  	_ =	swait.ge [sflag:s13], $0x100  }
0x19: {  	[sflag:s13] =	ssyncset.done $0x0  }
0x1a: {  	[sflag:s13] =	ssyncadd.s32 $0xFFFFFF00  }
.LBB2_7:
0x1b: {  	s2 =	sadd.s32 $0x1, s2  }
0x1c: {  	p3 =	sne.s32 s2, s11  }
.Ltmp1:
0x1d: {  	_ = 	snop;
	(pc) =	sbr.rel @!p3 .LBB2_8-.Ltmp1, $1  }
0x1e: {  	_ =	sdelay $0x3  }
.LBB2_1:
0x1f: {  	s9 =	simm.s32 $0x0;
	s10 =	simm.s32 $0x13880  }
0x20: {  	[tilespmem:s10], [sflag:$0x7] =	stream.linear.gather [hbm4b:s7+s9], $0x2710, $0x38;
	[tilespmem:$0x1DC00] =	vst v63  }
0x21: {  	_ =	swait.ge [sflag:s13], $0x2710  }
0x22: {  	[sflag:s13] =	ssyncset.done $0x0  }
0x23: {  	[sflag:s13] =	ssyncadd.s32 $0xFFFFD8F0  }
0x24: {  	v0 =	vld [tilespmem:$0x13880];
	_ =	sdelay $0x1  }
0x25: {  	v1 =	vld [tilespmem:$0x13890];
	_ =	sdelay $0x1  }
0x26: {  	v2 =	vld [tilespmem:$0x138A0]  }
0x27: {  	v3 =	vshrl.u32 v0, $0xE  }
0x28: {  	v0 =	vand.u32 $0x3FFF, v0;
	[tilespmem:$0x16000] =	vst v3;
	v3 =	vld [tilespmem:$0x138B0]  }
0x29: {  	[tilespmem:$0x16200] =	vst v0;
	v0 =	vshrl.u32 v1, $0xE  }
0x2a: {  	[tilespmem:$0x16010] =	vst v0;
	v0 =	vand.u32 $0x3FFF, v1;
	v1 =	vld [tilespmem:$0x138C0]  }
0x2b: {  	[tilespmem:$0x16210] =	vst v0;
	v0 =	vshrl.u32 v2, $0xE  }
0x2c: {  	[tilespmem:$0x16020] =	vst v0;
	v0 =	vand.u32 $0x3FFF, v2  }
0x2d: {  	[tilespmem:$0x16220] =	vst v0;
	v0 =	vshrl.u32 v3, $0xE  }
0x2e: {  	[tilespmem:$0x16030] =	vst v0;
	v0 =	vand.u32 $0x3FFF, v3  }
0x2f: {  	[tilespmem:$0x16230] =	vst v0;
	v0 =	vshrl.u32 v1, $0xE  }
0x30: {  	[tilespmem:$0x16040] =	vst v0;
	v0 =	vand.u32 $0x3FFF, v1  }
0x31: {  	[tilespmem:$0x16240] =	vst v0  }
0x32: {  	[tilespmem:s16], [sflag:$0x1] =	stream.indirect.gather [hbm4b:s3+s14], $0x80, s15, s14, $0xb8;
	[tilespmem:$0x1DC00] =	vst v63  }
0x33: {  	v0 =	vld [tilespmem:$0x138D0];
	_ =	sdelay $0x1  }
0x34: {  	v1 =	vld [tilespmem:$0x138E0];
	_ =	sdelay $0x1  }
0x35: {  	v2 =	vld [tilespmem:$0x138F0]  }
0x36: {  	v3 =	vshrl.u32 v0, $0xE  }
0x37: {  	v0 =	vand.u32 $0x3FFF, v0;
	[tilespmem:$0x16080] =	vst v3;
	v3 =	vld [tilespmem:$0x13900]  }
0x38: {  	[tilespmem:$0x16280] =	vst v0;
	v0 =	vshrl.u32 v1, $0xE  }
0x39: {  	[tilespmem:$0x16090] =	vst v0;
	v0 =	vand.u32 $0x3FFF, v1;
	v1 =	vld [tilespmem:$0x13910]  }
0x3a: {  	[tilespmem:$0x16290] =	vst v0;
	v0 =	vshrl.u32 v2, $0xE  }
0x3b: {  	[tilespmem:$0x160A0] =	vst v0;
	v0 =	vand.u32 $0x3FFF, v2  }
0x3c: {  	[tilespmem:$0x162A0] =	vst v0;
	v0 =	vshrl.u32 v3, $0xE  }
0x3d: {  	[tilespmem:$0x160B0] =	vst v0;
	v0 =	vand.u32 $0x3FFF, v3  }
0x3e: {  	[tilespmem:$0x162B0] =	vst v0;
	v0 =	vshrl.u32 v1, $0xE  }
0x3f: {  	[tilespmem:$0x160C0] =	vst v0;
	v0 =	vand.u32 $0x3FFF, v1  }
0x40: {  	[tilespmem:$0x162C0] =	vst v0  }
0x41: {  	[tilespmem:s18], [sflag:$0x2] =	stream.indirect.gather [hbm4b:s3+s14], $0x80, s17, s14, $0xb8;
	[tilespmem:$0x1DC00] =	vst v63  }
0x42: {  	v0 =	vld [tilespmem:$0x13920];
	_ =	sdelay $0x1  }
0x43: {  	v1 =	vld [tilespmem:$0x13930];
	_ =	sdelay $0x1  }
0x44: {  	v2 =	vld [tilespmem:$0x13940]  }
0x45: {  	v3 =	vshrl.u32 v0, $0xE  }
0x46: {  	v0 =	vand.u32 $0x3FFF, v0;
	[tilespmem:$0x16100] =	vst v3;
	v3 =	vld [tilespmem:$0x13950]  }
0x47: {  	[tilespmem:$0x16300] =	vst v0;
	v0 =	vshrl.u32 v1, $0xE  }
0x48: {  	[tilespmem:$0x16110] =	vst v0;
	v0 =	vand.u32 $0x3FFF, v1;
	v1 =	vld [tilespmem:$0x13960]  }
0x49: {  	[tilespmem:$0x16310] =	vst v0;
	v0 =	vshrl.u32 v2, $0xE  }
0x4a: {  	[tilespmem:$0x16120] =	vst v0;
	v0 =	vand.u32 $0x3FFF, v2  }
0x4b: {  	[tilespmem:$0x16320] =	vst v0;
	v0 =	vshrl.u32 v3, $0xE  }
0x4c: {  	[tilespmem:$0x16130] =	vst v0;
	v0 =	vand.u32 $0x3FFF, v3  }
0x4d: {  	[tilespmem:$0x16330] =	vst v0;
	v0 =	vshrl.u32 v1, $0xE  }
0x4e: {  	[tilespmem:$0x16140] =	vst v0;
	v0 =	vand.u32 $0x3FFF, v1  }
0x4f: {  	[tilespmem:$0x16340] =	vst v0  }
0x50: {  	[tilespmem:s20], [sflag:$0x3] =	stream.indirect.gather [hbm4b:s3+s14], $0x80, s19, s14, $0xb8;
	[tilespmem:$0x1DC00] =	vst v63  }
0x51: {  	[spmem:s22], [sflag:s21] =	dma.local [hbm:s4], $0x2700  }
0x52: {  	_ =	swait.ge [sflag:s13], $0x2700  }
0x53: {  	[sflag:s13] =	ssyncset.done $0x0  }
0x54: {  	s9 =	simm.s32 @!p0 $0x7;
	[sflag:s13] =	ssyncadd.s32 $0xFFFFD900  }
0x55: {  	[spmem:s23], [sflag:s21] =	dma.local @!p0 [hbm:s4], $0x100  }
0x56: {  	_ =	swait.ge @!p0 [sflag:s9], $0x100  }
0x57: {  	[sflag:s9] =	ssyncset.done @!p0 $0x0  }
0x58: {  	[sflag:s9] =	ssyncadd.s32 @!p0 $0xFFFFFF00  }
0x59: {  	[bflag:$0x0] =	sbarrier.arrive $0xFFFF  }
0x5a: {  	_ =	swait.ge [sflag:s24], $0x2800  }
0x5b: {  	[sflag:s24] =	ssyncset.done $0x0  }
0x5c: {  	[sflag:s24] =	ssyncadd.s32 $0xFFFFD800  }
0x5d: {  	[spmem:s1] =	stream.indirect.scatter.add.f32 [tilespmem:s16], [sflag:$0x4], $0x80, s25, s14, $0xb8;
	[tilespmem:$0x1DC00] =	vst v63  }
0x5e: {  	_ =	swait.ge [sflag:s26], $0x2800  }
0x5f: {  	[sflag:s26] =	ssyncset.done $0x0  }
0x60: {  	s12 =	simm.s32 $0x0;
	[sflag:s26] =	ssyncadd.s32 $0xFFFFD800  }
0x61: {  	v0 =	vld [tilespmem:s12+$0x13970];
	_ =	sdelay $0x4  }
0x62: {  	v1 =	vshrl.u32 v0, $0xE  }
0x63: {  	v0 =	vand.u32 $0x3FFF, v0;
	[tilespmem:$0x16000] =	vst v1  }
0x64: {  	[tilespmem:$0x16200] =	vst v0  }
0x65: {  	v0 =	vld [tilespmem:s12+$0x13980];
	_ =	sdelay $0x4  }
0x66: {  	v1 =	vshrl.u32 v0, $0xE  }
0x67: {  	v0 =	vand.u32 $0x3FFF, v0;
	[tilespmem:$0x16010] =	vst v1  }
0x68: {  	[tilespmem:$0x16210] =	vst v0  }
0x69: {  	v0 =	vld [tilespmem:s12+$0x13990];
	_ =	sdelay $0x4  }
0x6a: {  	v1 =	vshrl.u32 v0, $0xE  }
0x6b: {  	v0 =	vand.u32 $0x3FFF, v0;
	[tilespmem:$0x16020] =	vst v1  }
0x6c: {  	[tilespmem:$0x16220] =	vst v0  }
0x6d: {  	v0 =	vld [tilespmem:s12+$0x139A0];
	_ =	sdelay $0x4  }
0x6e: {  	v1 =	vshrl.u32 v0, $0xE  }
0x6f: {  	v0 =	vand.u32 $0x3FFF, v0;
	[tilespmem:$0x16030] =	vst v1  }
0x70: {  	[tilespmem:$0x16230] =	vst v0  }
0x71: {  	v0 =	vld [tilespmem:s12+$0x139B0];
	_ =	sdelay $0x4  }
0x72: {  	v1 =	vshrl.u32 v0, $0xE  }
0x73: {  	v0 =	vand.u32 $0x3FFF, v0;
	[tilespmem:$0x16040] =	vst v1  }
0x74: {  	[tilespmem:$0x16240] =	vst v0  }
0x75: {  	[tilespmem:s16], [sflag:$0x1] =	stream.indirect.gather [hbm4b:s3+s14], $0x80, s15, s14, $0xb8;
	[tilespmem:$0x1DC00] =	vst v63  }
0x76: {  	_ =	swait.ge [sflag:s28], $0x2800  }
0x77: {  	[sflag:s28] =	ssyncset.done $0x0  }
0x78: {  	[sflag:s28] =	ssyncadd.s32 $0xFFFFD800  }
0x79: {  	[spmem:s1] =	stream.indirect.scatter.add.f32 [tilespmem:s18], [sflag:$0x5], $0x80, s29, s14, $0xb8;
	[tilespmem:$0x1DC00] =	vst v63  }
0x7a: {  	_ =	swait.ge [sflag:s30], $0x2800  }
0x7b: {  	[sflag:s30] =	ssyncset.done $0x0  }
0x7c: {  	[sflag:s30] =	ssyncadd.s32 $0xFFFFD800  }
0x7d: {  	v0 =	vld [tilespmem:s12+$0x139C0];
	_ =	sdelay $0x4  }
0x7e: {  	v1 =	vshrl.u32 v0, $0xE  }
0x7f: {  	v0 =	vand.u32 $0x3FFF, v0;
	[tilespmem:$0x16080] =	vst v1  }
0x80: {  	[tilespmem:$0x16280] =	vst v0  }
0x81: {  	v0 =	vld [tilespmem:s12+$0x139D0];
	_ =	sdelay $0x4  }
0x82: {  	v1 =	vshrl.u32 v0, $0xE  }
0x83: {  	v0 =	vand.u32 $0x3FFF, v0;
	[tilespmem:$0x16090] =	vst v1  }
0x84: {  	[tilespmem:$0x16290] =	vst v0  }
0x85: {  	v0 =	vld [tilespmem:s12+$0x139E0];
	_ =	sdelay $0x4  }
0x86: {  	v1 =	vshrl.u32 v0, $0xE  }
0x87: {  	v0 =	vand.u32 $0x3FFF, v0;
	[tilespmem:$0x160A0] =	vst v1  }
0x88: {  	[tilespmem:$0x162A0] =	vst v0  }
0x89: {  	v0 =	vld [tilespmem:s12+$0x139F0];
	_ =	sdelay $0x4  }
0x8a: {  	v1 =	vshrl.u32 v0, $0xE  }
0x8b: {  	v0 =	vand.u32 $0x3FFF, v0;
	[tilespmem:$0x160B0] =	vst v1  }
0x8c: {  	[tilespmem:$0x162B0] =	vst v0  }
0x8d: {  	v0 =	vld [tilespmem:s12+$0x13A00];
	_ =	sdelay $0x4  }
0x8e: {  	v1 =	vshrl.u32 v0, $0xE  }
0x8f: {  	v0 =	vand.u32 $0x3FFF, v0;
	[tilespmem:$0x160C0] =	vst v1  }
0x90: {  	[tilespmem:$0x162C0] =	vst v0  }
0x91: {  	[tilespmem:s18], [sflag:$0x2] =	stream.indirect.gather [hbm4b:s3+s14], $0x80, s17, s14, $0xb8;
	[tilespmem:$0x1DC00] =	vst v63  }
0x92: {  	_ =	swait.ge [sflag:s31], $0x2800  }
0x93: {  	[sflag:s31] =	ssyncset.done $0x0  }
0x94: {  	[sflag:s31] =	ssyncadd.s32 $0xFFFFD800  }
0x95: {  	[spmem:s1] =	stream.indirect.scatter.add.f32 [tilespmem:s20], [sflag:$0x6], $0x80, s0, s14, $0xb8;
	[tilespmem:$0x1DC00] =	vst v63  }
0x96: {  	_ =	swait.ge [sflag:s8], $0x2800  }
0x97: {  	[sflag:s8] =	ssyncset.done $0x0  }
0x98: {  	[sflag:s8] =	ssyncadd.s32 $0xFFFFD800  }
0x99: {  	v0 =	vld [tilespmem:s12+$0x13A10];
	_ =	sdelay $0x4  }
0x9a: {  	v1 =	vshrl.u32 v0, $0xE  }
0x9b: {  	v0 =	vand.u32 $0x3FFF, v0;
	[tilespmem:$0x16100] =	vst v1  }
0x9c: {  	[tilespmem:$0x16300] =	vst v0  }
0x9d: {  	v0 =	vld [tilespmem:s12+$0x13A20];
	_ =	sdelay $0x4  }
0x9e: {  	v1 =	vshrl.u32 v0, $0xE  }
0x9f: {  	v0 =	vand.u32 $0x3FFF, v0;
	[tilespmem:$0x16110] =	vst v1  }
0xa0: {  	[tilespmem:$0x16310] =	vst v0  }
0xa1: {  	v0 =	vld [tilespmem:s12+$0x13A30];
	_ =	sdelay $0x4  }
0xa2: {  	v1 =	vshrl.u32 v0, $0xE  }
0xa3: {  	v0 =	vand.u32 $0x3FFF, v0;
	[tilespmem:$0x16120] =	vst v1  }
0xa4: {  	[tilespmem:$0x16320] =	vst v0  }
0xa5: {  	s9 =	simm.s32 $0x3C0;
	v0 =	vld [tilespmem:s12+$0x13A40]  }
.LBB2_2:
0xa6: {  	p3 =	sne.s32 s9, $0x9240;
	s10 =	smov.u32 s9;
	s9 =	sadd.s32 $0x3C0, s9  }
0xa7: {  	_ =	sdelay $0x2  }
0xa8: {  	v1 =	vshrl.u32 v0, $0xE;
	v0 =	vand.u32 $0x3FFF, v0  }
0xa9: {  	[tilespmem:$0x16130] =	vst v1  }
0xaa: {  	[tilespmem:$0x16330] =	vst v0  }
0xab: {  	v0 =	vld [tilespmem:s12+$0x13A50];
	_ =	sdelay $0x4  }
0xac: {  	v1 =	vshrl.u32 v0, $0xE;
	v0 =	vand.u32 $0x3FFF, v0  }
0xad: {  	[tilespmem:$0x16140] =	vst v1  }
0xae: {  	[tilespmem:$0x16340] =	vst v0  }
0xaf: {  	[tilespmem:s20], [sflag:$0x3] =	stream.indirect.gather [hbm4b:s3+s14], $0x80, s19, s14, $0xb8;
	[tilespmem:$0x1DC00] =	vst v63  }
0xb0: {  	_ =	swait.ge [sflag:s24], $0x2800  }
0xb1: {  	[sflag:s24] =	ssyncset.done $0x0  }
0xb2: {  	[sflag:s24] =	ssyncadd.s32 $0xFFFFD800  }
0xb3: {  	[spmem:s1] =	stream.indirect.scatter.add.f32 [tilespmem:s16], [sflag:$0x4], $0x80, s25, s14, $0xb8;
	[tilespmem:$0x1DC00] =	vst v63  }
0xb4: {  	_ =	swait.ge [sflag:s26], $0x2800  }
0xb5: {  	[sflag:s26] =	ssyncset.done $0x0  }
0xb6: {  	s12 =	sshra.s32 s10, $0x2;
	[sflag:s26] =	ssyncadd.s32 $0xFFFFD800  }
0xb7: {  	v0 =	vld [tilespmem:s12+$0x13970];
	_ =	sdelay $0x4  }
0xb8: {  	v1 =	vshrl.u32 v0, $0xE;
	v0 =	vand.u32 $0x3FFF, v0  }
0xb9: {  	[tilespmem:$0x16000] =	vst v1  }
0xba: {  	[tilespmem:$0x16200] =	vst v0  }
0xbb: {  	v0 =	vld [tilespmem:s12+$0x13980];
	_ =	sdelay $0x4  }
0xbc: {  	v1 =	vshrl.u32 v0, $0xE;
	v0 =	vand.u32 $0x3FFF, v0  }
0xbd: {  	[tilespmem:$0x16010] =	vst v1  }
0xbe: {  	[tilespmem:$0x16210] =	vst v0  }
0xbf: {  	v0 =	vld [tilespmem:s12+$0x13990];
	_ =	sdelay $0x4  }
0xc0: {  	v1 =	vshrl.u32 v0, $0xE;
	v0 =	vand.u32 $0x3FFF, v0  }
0xc1: {  	[tilespmem:$0x16020] =	vst v1  }
0xc2: {  	[tilespmem:$0x16220] =	vst v0  }
0xc3: {  	v0 =	vld [tilespmem:s12+$0x139A0];
	_ =	sdelay $0x4  }
0xc4: {  	v1 =	vshrl.u32 v0, $0xE;
	v0 =	vand.u32 $0x3FFF, v0  }
0xc5: {  	[tilespmem:$0x16030] =	vst v1  }
0xc6: {  	[tilespmem:$0x16230] =	vst v0  }
0xc7: {  	v0 =	vld [tilespmem:s12+$0x139B0];
	_ =	sdelay $0x4  }
0xc8: {  	v1 =	vshrl.u32 v0, $0xE;
	v0 =	vand.u32 $0x3FFF, v0  }
0xc9: {  	[tilespmem:$0x16040] =	vst v1  }
0xca: {  	[tilespmem:$0x16240] =	vst v0  }
0xcb: {  	[tilespmem:s16], [sflag:$0x1] =	stream.indirect.gather [hbm4b:s3+s14], $0x80, s15, s14, $0xb8;
	[tilespmem:$0x1DC00] =	vst v63  }
0xcc: {  	_ =	swait.ge [sflag:s28], $0x2800  }
0xcd: {  	[sflag:s28] =	ssyncset.done $0x0  }
0xce: {  	[sflag:s28] =	ssyncadd.s32 $0xFFFFD800  }
0xcf: {  	[spmem:s1] =	stream.indirect.scatter.add.f32 [tilespmem:s18], [sflag:$0x5], $0x80, s29, s14, $0xb8;
	[tilespmem:$0x1DC00] =	vst v63  }
0xd0: {  	_ =	swait.ge [sflag:s30], $0x2800  }
0xd1: {  	[sflag:s30] =	ssyncset.done $0x0  }
0xd2: {  	[sflag:s30] =	ssyncadd.s32 $0xFFFFD800  }
0xd3: {  	v0 =	vld [tilespmem:s12+$0x139C0];
	_ =	sdelay $0x4  }
0xd4: {  	v1 =	vshrl.u32 v0, $0xE;
	v0 =	vand.u32 $0x3FFF, v0  }
0xd5: {  	[tilespmem:$0x16080] =	vst v1  }
0xd6: {  	[tilespmem:$0x16280] =	vst v0  }
0xd7: {  	v0 =	vld [tilespmem:s12+$0x139D0];
	_ =	sdelay $0x4  }
0xd8: {  	v1 =	vshrl.u32 v0, $0xE;
	v0 =	vand.u32 $0x3FFF, v0  }
0xd9: {  	[tilespmem:$0x16090] =	vst v1  }
0xda: {  	[tilespmem:$0x16290] =	vst v0  }
0xdb: {  	v0 =	vld [tilespmem:s12+$0x139E0];
	_ =	sdelay $0x4  }
0xdc: {  	v1 =	vshrl.u32 v0, $0xE;
	v0 =	vand.u32 $0x3FFF, v0  }
0xdd: {  	[tilespmem:$0x160A0] =	vst v1  }
0xde: {  	[tilespmem:$0x162A0] =	vst v0  }
0xdf: {  	v0 =	vld [tilespmem:s12+$0x139F0];
	_ =	sdelay $0x4  }
0xe0: {  	v1 =	vshrl.u32 v0, $0xE;
	v0 =	vand.u32 $0x3FFF, v0  }
0xe1: {  	[tilespmem:$0x160B0] =	vst v1  }
0xe2: {  	[tilespmem:$0x162B0] =	vst v0  }
0xe3: {  	v0 =	vld [tilespmem:s12+$0x13A00];
	_ =	sdelay $0x4  }
0xe4: {  	v1 =	vshrl.u32 v0, $0xE;
	v0 =	vand.u32 $0x3FFF, v0  }
0xe5: {  	[tilespmem:$0x160C0] =	vst v1  }
0xe6: {  	[tilespmem:$0x162C0] =	vst v0  }
0xe7: {  	[tilespmem:s18], [sflag:$0x2] =	stream.indirect.gather [hbm4b:s3+s14], $0x80, s17, s14, $0xb8;
	[tilespmem:$0x1DC00] =	vst v63  }
0xe8: {  	_ =	swait.ge [sflag:s31], $0x2800  }
0xe9: {  	[sflag:s31] =	ssyncset.done $0x0  }
0xea: {  	[sflag:s31] =	ssyncadd.s32 $0xFFFFD800  }
0xeb: {  	[spmem:s1] =	stream.indirect.scatter.add.f32 [tilespmem:s20], [sflag:$0x6], $0x80, s0, s14, $0xb8;
	[tilespmem:$0x1DC00] =	vst v63  }
0xec: {  	_ =	swait.ge [sflag:s8], $0x2800  }
0xed: {  	[sflag:s8] =	ssyncset.done $0x0  }
0xee: {  	[sflag:s8] =	ssyncadd.s32 $0xFFFFD800  }
0xef: {  	v0 =	vld [tilespmem:s12+$0x13A10];
	_ =	sdelay $0x4  }
0xf0: {  	v1 =	vshrl.u32 v0, $0xE;
	v0 =	vand.u32 $0x3FFF, v0  }
0xf1: {  	[tilespmem:$0x16100] =	vst v1  }
0xf2: {  	[tilespmem:$0x16300] =	vst v0  }
0xf3: {  	v0 =	vld [tilespmem:s12+$0x13A20];
	_ =	sdelay $0x4  }
0xf4: {  	v1 =	vshrl.u32 v0, $0xE;
	v0 =	vand.u32 $0x3FFF, v0  }
0xf5: {  	[tilespmem:$0x16110] =	vst v1  }
0xf6: {  	[tilespmem:$0x16310] =	vst v0  }
0xf7: {  	v0 =	vld [tilespmem:s12+$0x13A30];
	_ =	sdelay $0x3  }
.Ltmp2:
0xf8: {  	(pc) =	sbr.rel @p3 .LBB2_2-.Ltmp2, $4  }
0xf9: {  	v1 =	vshrl.u32 v0, $0xE;
	v0 =	vand.u32 $0x3FFF, v0  }
0xfa: {  	[tilespmem:$0x16120] =	vst v1  }
0xfb: {  	[tilespmem:$0x16320] =	vst v0  }
0xfc: {  	v0 =	vld [tilespmem:s12+$0x13A40]  }
0xfd: {  	_ =	sdelay $0x3  }
0xfe: {  	v1 =	vshrl.u32 v0, $0xE  }
0xff: {  	v36 =	vand.u32 $0x3FFF, v0;
	[tilespmem:$0x16130] =	vst v1  }
0x100: {  	[tilespmem:$0x16330] =	vst v36  }
0x101: {  	v0 =	vld [tilespmem:s12+$0x13A50];
	_ =	sdelay $0x4  }
0x102: {  	v37 =	vshrl.u32 v0, $0xE  }
0x103: {  	v0 =	vand.u32 $0x3FFF, v0;
	[tilespmem:$0x16140] =	vst v37  }
0x104: {  	[tilespmem:$0x16340] =	vst v0  }
0x105: {  	[tilespmem:s20], [sflag:$0x3] =	stream.indirect.gather [hbm4b:s3+s14], $0x80, s19, s14, $0xb8;
	[tilespmem:$0x1DC00] =	vst v63  }
0x106: {  	_ =	swait.ge [sflag:s24], $0x2800  }
0x107: {  	[sflag:s24] =	ssyncset.done $0x0  }
0x108: {  	[sflag:s24] =	ssyncadd.s32 $0xFFFFD800  }
0x109: {  	[spmem:s1] =	stream.indirect.scatter.add.f32 [tilespmem:s16], [sflag:$0x4], $0x80, s25, s14, $0xb8;
	[tilespmem:$0x1DC00] =	vst v63  }
0x10a: {  	_ =	swait.ge [sflag:s26], $0x2800  }
0x10b: {  	[sflag:s26] =	ssyncset.done $0x0  }
0x10c: {  	[sflag:s26] =	ssyncadd.s32 $0xFFFFD800  }
0x10d: {  	v38 =	vld [tilespmem:$0x15EF0];
	_ =	sdelay $0x1  }
0x10e: {  	v39 =	vld [tilespmem:$0x15F00];
	_ =	sdelay $0x1  }
0x10f: {  	v2 =	vld [tilespmem:$0x15F10]  }
0x110: {  	v3 =	vshrl.u32 v38, $0xE  }
0x111: {  	v40 =	vld [tilespmem:$0x15F20];
	v0 =	vand.u32 $0x3FFF, v38;
	[tilespmem:$0x16000] =	vst v3  }
0x112: {  	v41 =	vshrl.u32 v39, $0xE;
	[tilespmem:$0x16200] =	vst v0  }
0x113: {  	v43 =	vld [tilespmem:$0x15F30];
	v42 =	vand.u32 $0x3FFF, v39;
	[tilespmem:$0x16010] =	vst v41  }
0x114: {  	v44 =	vshrl.u32 v2, $0xE;
	[tilespmem:$0x16210] =	vst v42  }
0x115: {  	v45 =	vand.u32 $0x3FFF, v2;
	[tilespmem:$0x16020] =	vst v44  }
0x116: {  	v46 =	vshrl.u32 v40, $0xE;
	[tilespmem:$0x16220] =	vst v45  }
0x117: {  	v47 =	vand.u32 $0x3FFF, v40;
	[tilespmem:$0x16030] =	vst v46  }
0x118: {  	v48 =	vshrl.u32 v43, $0xE;
	[tilespmem:$0x16230] =	vst v47  }
0x119: {  	v49 =	vand.u32 $0x3FFF, v43;
	[tilespmem:$0x16040] =	vst v48  }
0x11a: {  	[tilespmem:$0x16240] =	vst v49  }
0x11b: {  	[tilespmem:s16], [sflag:$0x1] =	stream.indirect.gather [hbm4b:s3+s14], $0x80, s15, s14, $0xb8;
	[tilespmem:$0x1DC00] =	vst v63  }
0x11c: {  	_ =	swait.ge [sflag:s28], $0x2800  }
0x11d: {  	[sflag:s28] =	ssyncset.done $0x0  }
0x11e: {  	[sflag:s28] =	ssyncadd.s32 $0xFFFFD800  }
0x11f: {  	[spmem:s1] =	stream.indirect.scatter.add.f32 [tilespmem:s18], [sflag:$0x5], $0x80, s29, s14, $0xb8;
	[tilespmem:$0x1DC00] =	vst v63  }
0x120: {  	_ =	swait.ge [sflag:s30], $0x2800  }
0x121: {  	[sflag:s30] =	ssyncset.done $0x0  }
0x122: {  	[sflag:s30] =	ssyncadd.s32 $0xFFFFD800  }
0x123: {  	v50 =	vld [tilespmem:$0x15F40];
	_ =	sdelay $0x1  }
0x124: {  	v51 =	vld [tilespmem:$0x15F50];
	_ =	sdelay $0x1  }
0x125: {  	v52 =	vld [tilespmem:$0x15F60]  }
0x126: {  	v53 =	vshrl.u32 v50, $0xE  }
0x127: {  	v54 =	vld [tilespmem:$0x15F70];
	v0 =	vand.u32 $0x3FFF, v50;
	[tilespmem:$0x16080] =	vst v53  }
0x128: {  	v55 =	vshrl.u32 v51, $0xE;
	[tilespmem:$0x16280] =	vst v0  }
0x129: {  	v57 =	vld [tilespmem:$0x15F80];
	v56 =	vand.u32 $0x3FFF, v51;
	[tilespmem:$0x16090] =	vst v55  }
0x12a: {  	v58 =	vshrl.u32 v52, $0xE;
	[tilespmem:$0x16290] =	vst v56  }
0x12b: {  	v59 =	vand.u32 $0x3FFF, v52;
	[tilespmem:$0x160A0] =	vst v58  }
0x12c: {  	v60 =	vshrl.u32 v54, $0xE;
	[tilespmem:$0x162A0] =	vst v59  }
0x12d: {  	v61 =	vand.u32 $0x3FFF, v54;
	[tilespmem:$0x160B0] =	vst v60  }
0x12e: {  	v62 =	vshrl.u32 v57, $0xE;
	[tilespmem:$0x162B0] =	vst v61  }
0x12f: {  	v63 =	vand.u32 $0x3FFF, v57;
	[tilespmem:$0x160C0] =	vst v62  }
0x130: {  	[tilespmem:$0x162C0] =	vst v63  }
0x131: {  	[tilespmem:s18], [sflag:$0x2] =	stream.indirect.gather [hbm4b:s3+s14], $0x80, s17, s14, $0xb8;
	[tilespmem:$0x1DC00] =	vst v63  }
0x132: {  	_ =	swait.ge [sflag:s31], $0x2800  }
0x133: {  	[sflag:s31] =	ssyncset.done $0x0  }
0x134: {  	[sflag:s31] =	ssyncadd.s32 $0xFFFFD800  }
0x135: {  	[spmem:s1] =	stream.indirect.scatter.add.f32 [tilespmem:s20], [sflag:$0x6], $0x80, s0, s14, $0xb8;
	[tilespmem:$0x1DC00] =	vst v63  }
0x136: {  	_ =	swait.ge [sflag:s8], $0x2800  }
0x137: {  	[sflag:s8] =	ssyncset.done $0x0  }
0x138: {  	[sflag:s8] =	ssyncadd.s32 $0xFFFFD800  }
0x139: {  	_ =	swait.ge [sflag:s24], $0x2800  }
0x13a: {  	[sflag:s24] =	ssyncset.done $0x0  }
0x13b: {  	[sflag:s24] =	ssyncadd.s32 $0xFFFFD800  }
0x13c: {  	[spmem:s1] =	stream.indirect.scatter.add.f32 [tilespmem:s16], [sflag:$0x4], $0x80, s25, s14, $0xb8;
	[tilespmem:$0x1DC00] =	vst v63  }
0x13d: {  	_ =	swait.ge [sflag:s26], $0x2800  }
0x13e: {  	[sflag:s26] =	ssyncset.done $0x0  }
0x13f: {  	[sflag:s26] =	ssyncadd.s32 $0xFFFFD800  }
0x140: {  	_ =	swait.ge [sflag:s28], $0x2800  }
0x141: {  	[sflag:s28] =	ssyncset.done $0x0  }
0x142: {  	[sflag:s28] =	ssyncadd.s32 $0xFFFFD800  }
0x143: {  	[spmem:s1] =	stream.indirect.scatter.add.f32 [tilespmem:s18], [sflag:$0x5], $0x80, s29, s14, $0xb8;
	[tilespmem:$0x1DC00] =	vst v63  }
.Ltmp3:
0x144: {  	_ =	swait.ge [sflag:s30], $0x2800;
	(pc) =	sbr.rel @!p1 .LBB2_4-.Ltmp3, $3  }
0x145: {  	[sflag:s30] =	ssyncset.done $0x0  }
0x146: {  	[sflag:s30] =	ssyncadd.s32 $0xFFFFD800  }
0x147: {  	[bflag:$0x0] =	sbarrier.arrive $0xFFFF;
	_ =	sdelay $0x1  }
0x148: {  	s9 =	rddreg [dreg:$0x5]  }
0x149: {  	[hbm:s9], [sflag:s21] =	dma.local [spmem:s22], $0x2700  }
.Ltmp4:
0x14a: {  	_ = 	snop;
	(pc) =	sbr.rel @p0 .LBB2_7-.Ltmp4, $4  }
.Ltmp5:
0x14b: {  	_ = 	snop;
	(pc) =	sbr.rel @!p0 .LBB2_6-.Ltmp5, $4  }
0x14c: {  	_ =	swait.ge [sflag:s13], $0x2700  }
0x14d: {  	[sflag:s13] =	ssyncset.done $0x0  }
0x14e: {  	s9 =	smov.u32 s6;
	[sflag:s13] =	ssyncadd.s32 $0xFFFFD900  }
0x14f: {  	_ = 	snop  }
.LBB2_4:
0x150: {  	s9 =	rddreg [dreg:$0x4]  }
0x151: {  	[hbm:s9], [sflag:s21] =	dma.local [spmem:s22], $0x2700  }
.Ltmp6:
0x152: {  	_ = 	snop;
	(pc) =	sbr.rel @!p2 .LBB2_7-.Ltmp6, $4  }
.Ltmp7:
0x153: {  	_ = 	snop;
	(pc) =	sbr.rel @p2 .LBB2_6-.Ltmp7, $4  }
0x154: {  	_ =	swait.ge [sflag:s13], $0x2700  }
0x155: {  	[sflag:s13] =	ssyncset.done $0x0  }
0x156: {  	s9 =	smov.u32 s5;
	[sflag:s13] =	ssyncadd.s32 $0xFFFFD900  }
0x157: {  	_ = 	snop  }
.LBB2_8:
0x158: {  	_ =	sfence.sel $0x180000  }
0x159: {  	[bflag:$0x0] =	sbarrier.arrive $0xFFFF  }
0x15a: {  	_ =	strace $0x9000004D  }
0x15b: {  	[bflag:$0x2] =	sbarrier.arrive $0xFFFF  }
0x15c: {  	s0 =	rddreg [dreg:$0x2]  }
0x15d: {  	s0 =	sadd.s32 @!p0 $0x100000, s0  }
0x15e: {  	[sflag:s0] =	ssyncadd.tile.s32 @!p0 $0x1;
	_ =	shalt  }
.Lfunc_end2:
_tile_overlayer_lowered:
.L_overlay_start_2:
0x15f: {  	(tag) =	ssettag $0x2  }
0x160: {  	s0 =	rddreg [dreg:$0x0];
	s2 =	stileid.u32  }
0x161: {  	s1 =	rddreg [dreg:$0x1];
	p0 =	sne.s32 s2, $0x0  }
0x162: {  	s3 =	rddreg [dreg:$0x2];
	[bflag:$0x3] =	sbarrier.arrive $0xFFFF;
	s2 =	simm.s32 @!p0 $0x1C07  }
0x163: {  	[timem:s3], [sflag:s2] =	dma.local @!p0 [hbm:s0], s1  }
0x164: {  	s0 =	simm.s32 @!p0 $0x7  }
0x165: {  	_ =	swait.ge @!p0 [sflag:s0], s1  }
0x166: {  	s1 =	ssub.s32 @!p0 $0x0, s1;
	[sflag:s0] =	ssyncset.done @!p0 $0x0  }
0x167: {  	[sflag:s0] =	ssyncadd.s32 @!p0 s1  }
0x168: {  	[bflag:$0x3] =	sbarrier.arrive $0xFFFF  }
0x169: {  	_ =	shalt  }

// kernel: kernel.8.cloned.1.call-start
scs
__scs_entry_jumppad:
0x0: {  	(pc) =	sbr.rel $0x88, $3  }
0x1: {  	(tag) =	ssettag $0x0;
	lr =	simm.s32 $0x1  }
0x2: {  	[smem:$0x3F83] =	sst lr;
	_ =	strace $0xD0000000  }
0x3: {  	_ = 	snop  }
0x4: {  	_ = 	snop  }
0x5: {  	_ = 	snop  }
0x6: {  	_ = 	snop  }
0x7: {  	_ = 	snop  }
__scs_overlays_trampoline_lowered:
0x8: {  	[smem:$0x3F92] =	sst s0  }
0x9: {  	[smem:$0x3F93] =	sst s1  }
0xa: {  	[smem:$0x3F94] =	sst s2  }
0xb: {  	[smem:$0x3F95] =	sst s3  }
0xc: {  	[smem:$0x3F96] =	sst s4  }
0xd: {  	[smem:$0x3F97] =	sst s5  }
0xe: {  	[smem:$0x3F98] =	sst s6  }
0xf: {  	[smem:$0x3F99] =	sst s7  }
0x10: {  	[smem:$0x3F9A] =	sst s8  }
0x11: {  	[smem:$0x3F9B] =	sst s9;
	s0 =	simm.s32 @!p0 $0x0  }
0x12: {  	s1 =	sld [smem:$0x3F81];
	s0 =	simm.s32 @p0 $0x1  }
0x13: {  	[smem:$0x3F9C] =	sst s0;
	s0 =	simm.s32 @!p1 $0x0  }
0x14: {  	s2 =	sld [smem:$0x3F80];
	s0 =	simm.s32 @p1 $0x1  }
0x15: {  	[smem:$0x3F9D] =	sst s0;
	s0 =	simm.s32 @!p2 $0x0  }
0x16: {  	s3 =	sld [smem:$0x3FDB];
	s0 =	simm.s32 @p2 $0x1  }
0x17: {  	s4 =	simm.s32 $0x1BF5;
	[smem:$0x3F9F] =	sst s0  }
0x18: {  	s0 =	sld [smem:$0x3F82];
	_ =	swait.ge [sflag:s4], $0x0  }
0x19: {  	s7 =	sld [smem:$0x3F83]  }
0x1a: {  	s8 =	sadd.s32 $0xFFFFE003, lr  }
0x1b: {  	s9 =	sadd.s32 $0xFFFFFEF7, lr;
	s5 =	simm.s32 $0xFFFFFFFF;
	p2 =	slt.u32 s8, $0xFFFFF086  }
0x1c: {  	p1 =	slt.u32 s9, $0xF7A;
	s5 =	simm.s32 @!p2 $0x0  }
0x1d: {  	s5 =	simm.s32 @p1 $0x1;
	p0 =	seq.s32 s7, s2  }
0x1e: {  	s7 =	smul.u32 @!p0 $0xF7A, s2;
	p2 =	seq.s32 @!p0 s5, $0x0  }
0x1f: {  	s9 =	smul.u32 $0xF7A, s1;
	s8 =	simm.s32 @!p0 $0x1BF5;
	p2 =	por !p2, p0  }
0x20: {  	[sflag:s8] =	ssyncset.s32 @!p0 $0xFFFFF086;
	s6 =	sadd.s32 @!p0 s3, s7;
	s7 =	simm.s32 @!p0 $0x108  }
0x21: {  	s3 =	sadd.s32 s3, s9;
	s6 =	sadd.s32 @!p0 $0x88, s6;
	s7 =	simm.s32 @p2 $0x1082  }
0x22: {  	[simem:s7], [sflag:s8] =	dma.local @!p0 [hbm:s6], $0xF7A  }
0x23: {  	s9 =	sor.u32 $0xD0000000, s2;
	s6 =	simm.s32 $0x108;
	_ =	swait.ge @!p0 [sflag:s8], $0x0  }
0x24: {  	s3 =	sadd.s32 $0x88, s3;
	s6 =	simm.s32 @!p1 $0x1082;
	[sflag:s4] =	ssyncset.s32 $0xFFFFF086  }
0x25: {  	[simem:s6], [sflag:s4] =	dma.local [hbm:s3], $0xF7A  }
0x26: {  	[smem:$0x3F83] =	sst s1;
	(tag) =	ssettag s2;
	_ =	strace s9  }
0x27: {  	s1 =	sld [smem:$0x3F93]  }
0x28: {  	s2 =	sld [smem:$0x3F94]  }
0x29: {  	s4 =	sld [smem:$0x3F96]  }
0x2a: {  	p0 =	seq.s32 s5, $0x0;
	s5 =	sld [smem:$0x3F97]  }
0x2b: {  	s6 =	sld [smem:$0x3F98]  }
0x2c: {  	s7 =	sld [smem:$0x3F99]  }
0x2d: {  	s3 =	simm.s32 $0x108;
	s8 =	sld [smem:$0x3F9A]  }
0x2e: {  	s3 =	simm.s32 @!p0 $0x1082;
	s9 =	sld [smem:$0x3F9B]  }
0x2f: {  	lr =	sadd.s32 s0, s3;
	s0 =	sld [smem:$0x3F92]  }
0x30: {  	s3 =	sld [smem:$0x3F95]  }
0x31: {  	[smem:$0x3F9E] =	sst s10  }
0x32: {  	s10 =	sld [smem:$0x3F9C];
	_ =	sdelay $0x3  }
0x33: {  	p0 =	seq.s32 s10, $0x1;
	s10 =	sld [smem:$0x3F9E];
	_ =	sdelay $0x3  }
0x34: {  	[smem:$0x3F9E] =	sst s10  }
0x35: {  	s10 =	sld [smem:$0x3F9D];
	_ =	sdelay $0x3  }
0x36: {  	p1 =	seq.s32 s10, $0x1;
	s10 =	sld [smem:$0x3F9E];
	_ =	sdelay $0x3  }
0x37: {  	[smem:$0x3F9E] =	sst s10  }
0x38: {  	s10 =	sld [smem:$0x3F9F]  }
0x39: {  	_ = 	snop;
	(pc) =	sbr.ind lr, $3  }
0x3a: {  	_ = 	snop  }
0x3b: {  	_ = 	snop  }
0x3c: {  	p2 =	seq.s32 s10, $0x1;
	s10 =	sld [smem:$0x3F9E]  }
0x3d: {  	_ =	shalt  }
0x3e: {  	_ =	shalt  }
0x3f: {  	_ =	shalt  }
0x40: {  	_ =	shalt  }
0x41: {  	_ =	shalt  }
0x42: {  	_ =	shalt  }
0x43: {  	_ =	shalt  }
0x44: {  	_ =	shalt  }
0x45: {  	_ =	shalt  }
0x46: {  	_ =	shalt  }
0x47: {  	_ =	shalt  }
0x48: {  	_ =	shalt  }
0x49: {  	_ =	shalt  }
0x4a: {  	_ =	shalt  }
0x4b: {  	_ =	shalt  }
0x4c: {  	_ =	shalt  }
0x4d: {  	_ =	shalt  }
0x4e: {  	_ =	shalt  }
0x4f: {  	_ =	shalt  }
0x50: {  	_ =	shalt  }
0x51: {  	_ =	shalt  }
0x52: {  	_ =	shalt  }
0x53: {  	_ =	shalt  }
0x54: {  	_ =	shalt  }
0x55: {  	_ =	shalt  }
0x56: {  	_ =	shalt  }
0x57: {  	_ =	shalt  }
0x58: {  	_ =	shalt  }
0x59: {  	_ =	shalt  }
0x5a: {  	_ =	shalt  }
0x5b: {  	_ =	shalt  }
0x5c: {  	_ =	shalt  }
0x5d: {  	_ =	shalt  }
0x5e: {  	_ =	shalt  }
0x5f: {  	_ =	shalt  }
0x60: {  	_ =	shalt  }
0x61: {  	_ =	shalt  }
0x62: {  	_ =	shalt  }
0x63: {  	_ =	shalt  }
0x64: {  	_ =	shalt  }
0x65: {  	_ =	shalt  }
0x66: {  	_ =	shalt  }
0x67: {  	_ =	shalt  }
0x68: {  	_ =	shalt  }
0x69: {  	_ =	shalt  }
0x6a: {  	_ =	shalt  }
0x6b: {  	_ =	shalt  }
0x6c: {  	_ =	shalt  }
0x6d: {  	_ =	shalt  }
0x6e: {  	_ =	shalt  }
0x6f: {  	_ =	shalt  }
0x70: {  	_ =	shalt  }
0x71: {  	_ =	shalt  }
0x72: {  	_ =	shalt  }
0x73: {  	_ =	shalt  }
0x74: {  	_ =	shalt  }
0x75: {  	_ =	shalt  }
0x76: {  	_ =	shalt  }
0x77: {  	_ =	shalt  }
0x78: {  	_ =	shalt  }
0x79: {  	_ =	shalt  }
0x7a: {  	_ =	shalt  }
0x7b: {  	_ =	shalt  }
0x7c: {  	_ =	shalt  }
0x7d: {  	_ =	shalt  }
0x7e: {  	_ =	shalt  }
0x7f: {  	_ =	shalt  }
0x80: {  	_ =	shalt  }
0x81: {  	_ =	shalt  }
0x82: {  	_ =	shalt  }
0x83: {  	_ =	shalt  }
0x84: {  	_ =	shalt  }
0x85: {  	_ =	shalt  }
0x86: {  	_ =	shalt  }
0x87: {  	_ =	shalt  }
.Lfunc_end0:
.L_simem_size_0:
called_computation_lowered:
.L_overlay_start_0:
0x88: {  	s2 =	sld [smem:$0x3FD9]  }
0x89: {  	s3 =	sld [smem:$0x3FFE];
	_ =	sdelay $0x1  }
0x8a: {  	s1 =	srdreg.scid  }
0x8b: {  	s0 =	sand.u32 $0x1, s1  }
0x8c: {  	s17 =	sshll.u32 s0, $0xA;
	s2 =	sadd.s32 s3, s2  }
0x8d: {  	s2 =	sadd.s32 s2, s17  }
0x8e: {  	[smem:$0x3FAA] =	sst s2  }
0x8f: {  	_ = 	snop  }
0x90: {  	s2 =	sld [smem:$0x3FC9];
	(tm) =	ssettm $0x1  }
0x91: {  	s18 =	sld [smem:$0x3FFB];
	_ =	sdelay $0x3  }
0x92: {  	_ =	strace s18  }
0x93: {  	s3 =	sld [smem:$0x3FFC];
	_ =	sdelay $0x3  }
0x94: {  	_ =	strace s3  }
0x95: {  	s3 =	sld [smem:$0x3FFD];
	_ =	sdelay $0x3  }
0x96: {  	_ =	strace s3  }
0x97: {  	_ =	strace $0x8FFFFFFF  }
0x98: {  	s19 =	sld [smem:$0x3FDB];
	_ =	sdelay $0x1  }
0x99: {  	s4 =	simm.s32 $_scs_section_size  }
0x9a: {  	s5 =	simm.s32 $_size__tile_overlayer_lowered;
	s6 =	simm.s32 $_tile_overlayer_lowered  }
0x9b: {  	s22 =	simm.s32 $0x1BFF;
	s21 =	sshll.u32 s6, $0x1;
	s3 =	sadd.s32 s4, s19  }
0x9c: {  	s7 =	simm.s32 $0x0;
	s20 =	sshll.u32 s5, $0x1;
	s5 =	sadd.s32 s21, s3  }
0x9d: {  	[timem:s7], [sflag:s22] =	dma.local [hbm:s5], s20  }
0x9e: {  	_ =	swait.ge [sflag:s22], s20  }
0x9f: {  	s4 =	ssub.s32 $0x0, s20;
	[sflag:s22] =	ssyncset.done $0x0  }
0xa0: {  	[sflag:s22] =	ssyncadd.s32 s4;
	_ =	sdelay $0x1  }
0xa1: {  	s23 =	simm.s32 $0x1B8B  }
0xa2: {  	_ =	swait.ge [sflag:s23], $0x1  }
0xa3: {  	[sflag:s23] =	ssyncset.done $0x0  }
0xa4: {  	s25 =	simm.s32 $0x1B8E;
	s24 =	sld [smem:$0x3FFE];
	[sflag:s23] =	ssyncadd.s32 $0xFFFFFFFF  }
0xa5: {  	s26 =	simm.s32 $execute0_lowered;
	[smem:$0x3FD2] =	sst s25  }
0xa6: {  	s5 =	sshll.u32 s26, $0x1;
	_ =	strace $0x80000046;
	[dreg:$0x1] =	wrdreg $0xFFFFFFFF  }
0xa7: {  	s28 =	simm.s32 $_size_execute0_lowered;
	s3 =	sadd.s32 s3, s5;
	[dreg:$0x0] =	wrdreg $0x0  }
0xa8: {  	s5 =	sshll.u32 s28, $0x1;
	[dreg:$0x2] =	wrdreg s3  }
0xa9: {  	[dreg:$0x3] =	wrdreg s5  }
0xaa: {  	[dreg:$0x4] =	wrdreg $0xC0  }
0xab: {  	_ =	task [dreg:s7], $0x5FFFF  }
0xac: {  	[dreg:$0x1] =	wrdreg $0xFFFFFFFF  }
0xad: {  	[dreg:$0x0] =	wrdreg $0x60  }
0xae: {  	[dreg:$0x2] =	wrdreg s2  }
0xaf: {  	[dreg:$0x3] =	wrdreg s24  }
0xb0: {  	[dreg:$0x4] =	wrdreg $0x0  }
0xb1: {  	[dreg:$0x5] =	wrdreg $0x9  }
0xb2: {  	_ =	task.clear_ibuf [dreg:s7], $0x6FFFF;
	_ =	strace $0x90000046  }
0xb3: {  	s29 =	simm.s32 $0x9;
	_ =	strace $0x80000048  }
0xb4: {  	_ =	swait.ge [sflag:s29], $0x1  }
0xb5: {  	[sflag:s29] =	ssyncadd.s32 $0xFFFFFFFF  }
0xb6: {  	_ =	strace $0x90000048  }
0xb7: {  	_ =	sfence  }
0xb8: {  	s30 =	sld [smem:$0x0];
	_ =	sdelay $0x2  }
0xb9: {  	s31 =	sshll.u32 s1, $0xD;
	s1 =	sshrl.u32 s1, $0x2  }
0xba: {  	s3 =	sand.u32 $0x4000, s31;
	s1 =	sadd.s32 s1, s30  }
0xbb: {  	s0 =	sor.u32 s3, s0;
	s1 =	sshll.u32 s1, $0x11  }
0xbc: {  	s0 =	sor.u32 s1, s0  }
0xbd: {  	s0 =	sadd.s32 $0x8F2B, s0  }
0xbe: {  	[sflag:s0] =	ssyncadd.remote.s32 $0x1  }
0xbf: {  	_ =	sfence.sel $0xFFFF  }
0xc0: {  	[dreg:$0x0] =	wrdreg $0xFFFFFFFF;
	(pc) =	sbr.abs _section_cstart, $3  }
0xc1: {  	[dreg:$0x1] =	wrdreg $0xFFFFFFFF  }
0xc2: {  	_ =	task.clear_ibuf [dreg:s7], $0x2FFFF;
	_ =	strace $0x9FFFFFFF  }
0xc3: {  	(tm) =	ssettm $0x7FFFFFFF  }
tec
execute0_lowered:
.L_overlay_start_1:
0x0: {  	(tag) =	ssettag $0x1  }
0x1: {  	s0 =	rddreg [dreg:$0x0]  }
0x2: {  	s1 =	srdreg.scid;
	s3 =	rddreg [dreg:$0x1]  }
0x3: {  	s2 =	rddreg [dreg:$0x2];
	s8 =	stileid.u32;
	s5 =	simm.s32 $0x0  }
0x4: {  	s13 =	simm.s32 $0x7;
	s14 =	simm.s32 $0x50;
	s15 =	simm.s32 $0x16000  }
0x5: {  	s16 =	simm.s32 $0x16400;
	s17 =	simm.s32 $0x16080;
	s18 =	simm.s32 $0x18C00  }
0x6: {  	s19 =	simm.s32 $0x16100;
	s20 =	simm.s32 $0x1B400;
	s28 =	simm.s32 $0x2  }
0x7: {  	s29 =	simm.s32 $0x16280;
	s30 =	simm.s32 $0x5;
	s31 =	simm.s32 $0x3  }
0x8: {  	s1 =	sand.u32 $0x1, s1;
	[smem:$0x7FF] =	sst s5;
	s9 =	smul.u32 $0x4E000, s8  }
0x9: {  	s5 =	sadd.s32 $0x12800, s3;
	s6 =	sadd.s32 $0x39A00, s3;
	s11 =	smul.u32 $0x2700, s8  }
0xa: {  	p0 =	sne.s32 s8, $0x0;
	s26 =	sshll.u32 s8, $0x6;
	p2 =	seq.s32 s8, $0x0  }
0xb: {  	s4 =	sshll.u32 s1, $0x4;
	_ =	strace $0x80000047;
	s23 =	ssub.s32 $0x2, s1  }
0xc: {  	p1 =	seq.s32 s1, $0x1;
	s21 =	sor.u32 $0x1C07, s26;
	s26 =	simm.s32 $0x4  }
0xd: {  	s1 =	simm.s32 $0x16300;
	s4 =	sor.u32 s8, s4;
	s10 =	sshrl.u32 s23, $0x1  }
0xe: {  	s9 =	sshrl.u32 s9, $0x2;
	s24 =	sadd.s32 s5, s11;
	s25 =	sadd.s32 s6, s11  }
0xf: {  	s8 =	simm.s32 $0x6;
	s4 =	smul.u32 $0x4E2, s4;
	[dreg:$0x5] =	wrdreg s24  }
.Ltmp0:
0x10: {  	s9 =	sadd.s32 s9, s2;
	[dreg:$0x6] =	wrdreg s25;
	(pc) =	sbr.rel .LBB2_1-.Ltmp0, $4  }
0x11: {  	s24 =	simm.s32 $0x1;
	s25 =	simm.s32 $0x16200;
	s22 =	sshrl.u32 s9, $0x3  }
0x12: {  	s7 =	sadd.s32 s4, s3;
	s4 =	sadd.s32 $0x10000, s3;
	s3 =	ssub.s32 s23, s10  }
0x13: {  	s10 =	sadd.s32 $0x138000, s2;
	s7 =	sadd.s32 $0x6200, s7;
	s11 =	smax.u32 s3, $0x1  }
0x14: {  	[dreg:$0x4] =	wrdreg s10;
	s23 =	sshrl.u32 @!p0 s10, $0x3;
	s3 =	simm.s32 $0x0  }
.LBB2_6:
0x15: {  	s10 =	rddreg [dreg:$0x4]  }
0x16: {  	s9 =	sadd.s32 $0x27000, s9;
	s10 =	sshrl.u32 s10, $0x3  }
0x17: {  	[hbm:s9], [sflag:s21] =	dma.local [spmem:s10], $0x100  }
0x18: {  	_ =	swait.ge [sflag:s13], $0x100  }
0x19: {  	[sflag:s13] =	ssyncset.done $0x0  }
0x1a: {  	[sflag:s13] =	ssyncadd.s32 $0xFFFFFF00  }
.LBB2_7:
0x1b: {  	s3 =	sadd.s32 $0x1, s3  }
0x1c: {  	p3 =	sne.s32 s3, s11  }
.Ltmp1:
0x1d: {  	_ = 	snop;
	(pc) =	sbr.rel @!p3 .LBB2_8-.Ltmp1, $1  }
0x1e: {  	_ =	sdelay $0x3  }
.LBB2_1:
0x1f: {  	s9 =	simm.s32 $0x0;
	s10 =	simm.s32 $0x13880  }
0x20: {  	[tilespmem:s10], [sflag:$0x7] =	stream.linear.gather [hbm4b:s7+s9], $0x2710, $0x38;
	[tilespmem:$0x1DC00] =	vst v63  }
0x21: {  	_ =	swait.ge [sflag:s13], $0x2710  }
0x22: {  	[sflag:s13] =	ssyncset.done $0x0  }
0x23: {  	[sflag:s13] =	ssyncadd.s32 $0xFFFFD8F0  }
0x24: {  	v0 =	vld [tilespmem:$0x13880];
	_ =	sdelay $0x1  }
0x25: {  	v1 =	vld [tilespmem:$0x13890];
	_ =	sdelay $0x1  }
0x26: {  	v2 =	vld [tilespmem:$0x138A0]  }
0x27: {  	v3 =	vshrl.u32 v0, $0xE  }
0x28: {  	v0 =	vand.u32 $0x3FFF, v0;
	[tilespmem:$0x16000] =	vst v3;
	v3 =	vld [tilespmem:$0x138B0]  }
0x29: {  	[tilespmem:$0x16200] =	vst v0;
	v0 =	vshrl.u32 v1, $0xE  }
0x2a: {  	[tilespmem:$0x16010] =	vst v0;
	v0 =	vand.u32 $0x3FFF, v1;
	v1 =	vld [tilespmem:$0x138C0]  }
0x2b: {  	[tilespmem:$0x16210] =	vst v0;
	v0 =	vshrl.u32 v2, $0xE  }
0x2c: {  	[tilespmem:$0x16020] =	vst v0;
	v0 =	vand.u32 $0x3FFF, v2  }
0x2d: {  	[tilespmem:$0x16220] =	vst v0;
	v0 =	vshrl.u32 v3, $0xE  }
0x2e: {  	[tilespmem:$0x16030] =	vst v0;
	v0 =	vand.u32 $0x3FFF, v3  }
0x2f: {  	[tilespmem:$0x16230] =	vst v0;
	v0 =	vshrl.u32 v1, $0xE  }
0x30: {  	[tilespmem:$0x16040] =	vst v0;
	v0 =	vand.u32 $0x3FFF, v1  }
0x31: {  	[tilespmem:$0x16240] =	vst v0  }
0x32: {  	[tilespmem:s16], [sflag:$0x1] =	stream.indirect.gather [hbm4b:s0+s14], $0x80, s15, s14, $0xb8;
	[tilespmem:$0x1DC00] =	vst v63  }
0x33: {  	v0 =	vld [tilespmem:$0x138D0];
	_ =	sdelay $0x1  }
0x34: {  	v1 =	vld [tilespmem:$0x138E0];
	_ =	sdelay $0x1  }
0x35: {  	v2 =	vld [tilespmem:$0x138F0]  }
0x36: {  	v3 =	vshrl.u32 v0, $0xE  }
0x37: {  	v0 =	vand.u32 $0x3FFF, v0;
	[tilespmem:$0x16080] =	vst v3;
	v3 =	vld [tilespmem:$0x13900]  }
0x38: {  	[tilespmem:$0x16280] =	vst v0;
	v0 =	vshrl.u32 v1, $0xE  }
0x39: {  	[tilespmem:$0x16090] =	vst v0;
	v0 =	vand.u32 $0x3FFF, v1;
	v1 =	vld [tilespmem:$0x13910]  }
0x3a: {  	[tilespmem:$0x16290] =	vst v0;
	v0 =	vshrl.u32 v2, $0xE  }
0x3b: {  	[tilespmem:$0x160A0] =	vst v0;
	v0 =	vand.u32 $0x3FFF, v2  }
0x3c: {  	[tilespmem:$0x162A0] =	vst v0;
	v0 =	vshrl.u32 v3, $0xE  }
0x3d: {  	[tilespmem:$0x160B0] =	vst v0;
	v0 =	vand.u32 $0x3FFF, v3  }
0x3e: {  	[tilespmem:$0x162B0] =	vst v0;
	v0 =	vshrl.u32 v1, $0xE  }
0x3f: {  	[tilespmem:$0x160C0] =	vst v0;
	v0 =	vand.u32 $0x3FFF, v1  }
0x40: {  	[tilespmem:$0x162C0] =	vst v0  }
0x41: {  	[tilespmem:s18], [sflag:$0x2] =	stream.indirect.gather [hbm4b:s0+s14], $0x80, s17, s14, $0xb8;
	[tilespmem:$0x1DC00] =	vst v63  }
0x42: {  	v0 =	vld [tilespmem:$0x13920];
	_ =	sdelay $0x1  }
0x43: {  	v1 =	vld [tilespmem:$0x13930];
	_ =	sdelay $0x1  }
0x44: {  	v2 =	vld [tilespmem:$0x13940]  }
0x45: {  	v3 =	vshrl.u32 v0, $0xE  }
0x46: {  	v0 =	vand.u32 $0x3FFF, v0;
	[tilespmem:$0x16100] =	vst v3;
	v3 =	vld [tilespmem:$0x13950]  }
0x47: {  	[tilespmem:$0x16300] =	vst v0;
	v0 =	vshrl.u32 v1, $0xE  }
0x48: {  	[tilespmem:$0x16110] =	vst v0;
	v0 =	vand.u32 $0x3FFF, v1;
	v1 =	vld [tilespmem:$0x13960]  }
0x49: {  	[tilespmem:$0x16310] =	vst v0;
	v0 =	vshrl.u32 v2, $0xE  }
0x4a: {  	[tilespmem:$0x16120] =	vst v0;
	v0 =	vand.u32 $0x3FFF, v2  }
0x4b: {  	[tilespmem:$0x16320] =	vst v0;
	v0 =	vshrl.u32 v3, $0xE  }
0x4c: {  	[tilespmem:$0x16130] =	vst v0;
	v0 =	vand.u32 $0x3FFF, v3  }
0x4d: {  	[tilespmem:$0x16330] =	vst v0;
	v0 =	vshrl.u32 v1, $0xE  }
0x4e: {  	[tilespmem:$0x16140] =	vst v0;
	v0 =	vand.u32 $0x3FFF, v1  }
0x4f: {  	[tilespmem:$0x16340] =	vst v0  }
0x50: {  	[tilespmem:s20], [sflag:$0x3] =	stream.indirect.gather [hbm4b:s0+s14], $0x80, s19, s14, $0xb8;
	[tilespmem:$0x1DC00] =	vst v63  }
0x51: {  	[spmem:s22], [sflag:s21] =	dma.local [hbm:s4], $0x2700  }
0x52: {  	_ =	swait.ge [sflag:s13], $0x2700  }
0x53: {  	[sflag:s13] =	ssyncset.done $0x0  }
0x54: {  	s9 =	simm.s32 @!p0 $0x7;
	[sflag:s13] =	ssyncadd.s32 $0xFFFFD900  }
0x55: {  	[spmem:s23], [sflag:s21] =	dma.local @!p0 [hbm:s4], $0x100  }
0x56: {  	_ =	swait.ge @!p0 [sflag:s9], $0x100  }
0x57: {  	[sflag:s9] =	ssyncset.done @!p0 $0x0  }
0x58: {  	[sflag:s9] =	ssyncadd.s32 @!p0 $0xFFFFFF00  }
0x59: {  	[bflag:$0x0] =	sbarrier.arrive $0xFFFF  }
0x5a: {  	_ =	swait.ge [sflag:s24], $0x2800  }
0x5b: {  	[sflag:s24] =	ssyncset.done $0x0  }
0x5c: {  	[sflag:s24] =	ssyncadd.s32 $0xFFFFD800  }
0x5d: {  	[spmem:s2] =	stream.indirect.scatter.add.f32 [tilespmem:s16], [sflag:$0x4], $0x80, s25, s14, $0xb8;
	[tilespmem:$0x1DC00] =	vst v63  }
0x5e: {  	_ =	swait.ge [sflag:s26], $0x2800  }
0x5f: {  	[sflag:s26] =	ssyncset.done $0x0  }
0x60: {  	s12 =	simm.s32 $0x0;
	[sflag:s26] =	ssyncadd.s32 $0xFFFFD800  }
0x61: {  	v0 =	vld [tilespmem:s12+$0x13970];
	_ =	sdelay $0x4  }
0x62: {  	v1 =	vshrl.u32 v0, $0xE  }
0x63: {  	v0 =	vand.u32 $0x3FFF, v0;
	[tilespmem:$0x16000] =	vst v1  }
0x64: {  	[tilespmem:$0x16200] =	vst v0  }
0x65: {  	v0 =	vld [tilespmem:s12+$0x13980];
	_ =	sdelay $0x4  }
0x66: {  	v1 =	vshrl.u32 v0, $0xE  }
0x67: {  	v0 =	vand.u32 $0x3FFF, v0;
	[tilespmem:$0x16010] =	vst v1  }
0x68: {  	[tilespmem:$0x16210] =	vst v0  }
0x69: {  	v0 =	vld [tilespmem:s12+$0x13990];
	_ =	sdelay $0x4  }
0x6a: {  	v1 =	vshrl.u32 v0, $0xE  }
0x6b: {  	v0 =	vand.u32 $0x3FFF, v0;
	[tilespmem:$0x16020] =	vst v1  }
0x6c: {  	[tilespmem:$0x16220] =	vst v0  }
0x6d: {  	v0 =	vld [tilespmem:s12+$0x139A0];
	_ =	sdelay $0x4  }
0x6e: {  	v1 =	vshrl.u32 v0, $0xE  }
0x6f: {  	v0 =	vand.u32 $0x3FFF, v0;
	[tilespmem:$0x16030] =	vst v1  }
0x70: {  	[tilespmem:$0x16230] =	vst v0  }
0x71: {  	v0 =	vld [tilespmem:s12+$0x139B0];
	_ =	sdelay $0x4  }
0x72: {  	v1 =	vshrl.u32 v0, $0xE  }
0x73: {  	v0 =	vand.u32 $0x3FFF, v0;
	[tilespmem:$0x16040] =	vst v1  }
0x74: {  	[tilespmem:$0x16240] =	vst v0  }
0x75: {  	[tilespmem:s16], [sflag:$0x1] =	stream.indirect.gather [hbm4b:s0+s14], $0x80, s15, s14, $0xb8;
	[tilespmem:$0x1DC00] =	vst v63  }
0x76: {  	_ =	swait.ge [sflag:s28], $0x2800  }
0x77: {  	[sflag:s28] =	ssyncset.done $0x0  }
0x78: {  	[sflag:s28] =	ssyncadd.s32 $0xFFFFD800  }
0x79: {  	[spmem:s2] =	stream.indirect.scatter.add.f32 [tilespmem:s18], [sflag:$0x5], $0x80, s29, s14, $0xb8;
	[tilespmem:$0x1DC00] =	vst v63  }
0x7a: {  	_ =	swait.ge [sflag:s30], $0x2800  }
0x7b: {  	[sflag:s30] =	ssyncset.done $0x0  }
0x7c: {  	[sflag:s30] =	ssyncadd.s32 $0xFFFFD800  }
0x7d: {  	v0 =	vld [tilespmem:s12+$0x139C0];
	_ =	sdelay $0x4  }
0x7e: {  	v1 =	vshrl.u32 v0, $0xE  }
0x7f: {  	v0 =	vand.u32 $0x3FFF, v0;
	[tilespmem:$0x16080] =	vst v1  }
0x80: {  	[tilespmem:$0x16280] =	vst v0  }
0x81: {  	v0 =	vld [tilespmem:s12+$0x139D0];
	_ =	sdelay $0x4  }
0x82: {  	v1 =	vshrl.u32 v0, $0xE  }
0x83: {  	v0 =	vand.u32 $0x3FFF, v0;
	[tilespmem:$0x16090] =	vst v1  }
0x84: {  	[tilespmem:$0x16290] =	vst v0  }
0x85: {  	v0 =	vld [tilespmem:s12+$0x139E0];
	_ =	sdelay $0x4  }
0x86: {  	v1 =	vshrl.u32 v0, $0xE  }
0x87: {  	v0 =	vand.u32 $0x3FFF, v0;
	[tilespmem:$0x160A0] =	vst v1  }
0x88: {  	[tilespmem:$0x162A0] =	vst v0  }
0x89: {  	v0 =	vld [tilespmem:s12+$0x139F0];
	_ =	sdelay $0x4  }
0x8a: {  	v1 =	vshrl.u32 v0, $0xE  }
0x8b: {  	v0 =	vand.u32 $0x3FFF, v0;
	[tilespmem:$0x160B0] =	vst v1  }
0x8c: {  	[tilespmem:$0x162B0] =	vst v0  }
0x8d: {  	v0 =	vld [tilespmem:s12+$0x13A00];
	_ =	sdelay $0x4  }
0x8e: {  	v1 =	vshrl.u32 v0, $0xE  }
0x8f: {  	v0 =	vand.u32 $0x3FFF, v0;
	[tilespmem:$0x160C0] =	vst v1  }
0x90: {  	[tilespmem:$0x162C0] =	vst v0  }
0x91: {  	[tilespmem:s18], [sflag:$0x2] =	stream.indirect.gather [hbm4b:s0+s14], $0x80, s17, s14, $0xb8;
	[tilespmem:$0x1DC00] =	vst v63  }
0x92: {  	_ =	swait.ge [sflag:s31], $0x2800  }
0x93: {  	[sflag:s31] =	ssyncset.done $0x0  }
0x94: {  	[sflag:s31] =	ssyncadd.s32 $0xFFFFD800  }
0x95: {  	[spmem:s2] =	stream.indirect.scatter.add.f32 [tilespmem:s20], [sflag:$0x6], $0x80, s1, s14, $0xb8;
	[tilespmem:$0x1DC00] =	vst v63  }
0x96: {  	_ =	swait.ge [sflag:s8], $0x2800  }
0x97: {  	[sflag:s8] =	ssyncset.done $0x0  }
0x98: {  	[sflag:s8] =	ssyncadd.s32 $0xFFFFD800  }
0x99: {  	v0 =	vld [tilespmem:s12+$0x13A10];
	_ =	sdelay $0x4  }
0x9a: {  	v1 =	vshrl.u32 v0, $0xE  }
0x9b: {  	v0 =	vand.u32 $0x3FFF, v0;
	[tilespmem:$0x16100] =	vst v1  }
0x9c: {  	[tilespmem:$0x16300] =	vst v0  }
0x9d: {  	v0 =	vld [tilespmem:s12+$0x13A20];
	_ =	sdelay $0x4  }
0x9e: {  	v1 =	vshrl.u32 v0, $0xE  }
0x9f: {  	v0 =	vand.u32 $0x3FFF, v0;
	[tilespmem:$0x16110] =	vst v1  }
0xa0: {  	[tilespmem:$0x16310] =	vst v0  }
0xa1: {  	v0 =	vld [tilespmem:s12+$0x13A30];
	_ =	sdelay $0x4  }
0xa2: {  	v1 =	vshrl.u32 v0, $0xE  }
0xa3: {  	v0 =	vand.u32 $0x3FFF, v0;
	[tilespmem:$0x16120] =	vst v1  }
0xa4: {  	[tilespmem:$0x16320] =	vst v0  }
0xa5: {  	s9 =	simm.s32 $0x3C0;
	v0 =	vld [tilespmem:s12+$0x13A40]  }
.LBB2_2:
0xa6: {  	p3 =	sne.s32 s9, $0x9240;
	s10 =	smov.u32 s9;
	s9 =	sadd.s32 $0x3C0, s9  }
0xa7: {  	_ =	sdelay $0x2  }
0xa8: {  	v1 =	vshrl.u32 v0, $0xE;
	v0 =	vand.u32 $0x3FFF, v0  }
0xa9: {  	[tilespmem:$0x16130] =	vst v1  }
0xaa: {  	[tilespmem:$0x16330] =	vst v0  }
0xab: {  	v0 =	vld [tilespmem:s12+$0x13A50];
	_ =	sdelay $0x4  }
0xac: {  	v1 =	vshrl.u32 v0, $0xE;
	v0 =	vand.u32 $0x3FFF, v0  }
0xad: {  	[tilespmem:$0x16140] =	vst v1  }
0xae: {  	[tilespmem:$0x16340] =	vst v0  }
0xaf: {  	[tilespmem:s20], [sflag:$0x3] =	stream.indirect.gather [hbm4b:s0+s14], $0x80, s19, s14, $0xb8;
	[tilespmem:$0x1DC00] =	vst v63  }
0xb0: {  	_ =	swait.ge [sflag:s24], $0x2800  }
0xb1: {  	[sflag:s24] =	ssyncset.done $0x0  }
0xb2: {  	[sflag:s24] =	ssyncadd.s32 $0xFFFFD800  }
0xb3: {  	[spmem:s2] =	stream.indirect.scatter.add.f32 [tilespmem:s16], [sflag:$0x4], $0x80, s25, s14, $0xb8;
	[tilespmem:$0x1DC00] =	vst v63  }
0xb4: {  	_ =	swait.ge [sflag:s26], $0x2800  }
0xb5: {  	[sflag:s26] =	ssyncset.done $0x0  }
0xb6: {  	s12 =	sshra.s32 s10, $0x2;
	[sflag:s26] =	ssyncadd.s32 $0xFFFFD800  }
0xb7: {  	v0 =	vld [tilespmem:s12+$0x13970];
	_ =	sdelay $0x4  }
0xb8: {  	v1 =	vshrl.u32 v0, $0xE;
	v0 =	vand.u32 $0x3FFF, v0  }
0xb9: {  	[tilespmem:$0x16000] =	vst v1  }
0xba: {  	[tilespmem:$0x16200] =	vst v0  }
0xbb: {  	v0 =	vld [tilespmem:s12+$0x13980];
	_ =	sdelay $0x4  }
0xbc: {  	v1 =	vshrl.u32 v0, $0xE;
	v0 =	vand.u32 $0x3FFF, v0  }
0xbd: {  	[tilespmem:$0x16010] =	vst v1  }
0xbe: {  	[tilespmem:$0x16210] =	vst v0  }
0xbf: {  	v0 =	vld [tilespmem:s12+$0x13990];
	_ =	sdelay $0x4  }
0xc0: {  	v1 =	vshrl.u32 v0, $0xE;
	v0 =	vand.u32 $0x3FFF, v0  }
0xc1: {  	[tilespmem:$0x16020] =	vst v1  }
0xc2: {  	[tilespmem:$0x16220] =	vst v0  }
0xc3: {  	v0 =	vld [tilespmem:s12+$0x139A0];
	_ =	sdelay $0x4  }
0xc4: {  	v1 =	vshrl.u32 v0, $0xE;
	v0 =	vand.u32 $0x3FFF, v0  }
0xc5: {  	[tilespmem:$0x16030] =	vst v1  }
0xc6: {  	[tilespmem:$0x16230] =	vst v0  }
0xc7: {  	v0 =	vld [tilespmem:s12+$0x139B0];
	_ =	sdelay $0x4  }
0xc8: {  	v1 =	vshrl.u32 v0, $0xE;
	v0 =	vand.u32 $0x3FFF, v0  }
0xc9: {  	[tilespmem:$0x16040] =	vst v1  }
0xca: {  	[tilespmem:$0x16240] =	vst v0  }
0xcb: {  	[tilespmem:s16], [sflag:$0x1] =	stream.indirect.gather [hbm4b:s0+s14], $0x80, s15, s14, $0xb8;
	[tilespmem:$0x1DC00] =	vst v63  }
0xcc: {  	_ =	swait.ge [sflag:s28], $0x2800  }
0xcd: {  	[sflag:s28] =	ssyncset.done $0x0  }
0xce: {  	[sflag:s28] =	ssyncadd.s32 $0xFFFFD800  }
0xcf: {  	[spmem:s2] =	stream.indirect.scatter.add.f32 [tilespmem:s18], [sflag:$0x5], $0x80, s29, s14, $0xb8;
	[tilespmem:$0x1DC00] =	vst v63  }
0xd0: {  	_ =	swait.ge [sflag:s30], $0x2800  }
0xd1: {  	[sflag:s30] =	ssyncset.done $0x0  }
0xd2: {  	[sflag:s30] =	ssyncadd.s32 $0xFFFFD800  }
0xd3: {  	v0 =	vld [tilespmem:s12+$0x139C0];
	_ =	sdelay $0x4  }
0xd4: {  	v1 =	vshrl.u32 v0, $0xE;
	v0 =	vand.u32 $0x3FFF, v0  }
0xd5: {  	[tilespmem:$0x16080] =	vst v1  }
0xd6: {  	[tilespmem:$0x16280] =	vst v0  }
0xd7: {  	v0 =	vld [tilespmem:s12+$0x139D0];
	_ =	sdelay $0x4  }
0xd8: {  	v1 =	vshrl.u32 v0, $0xE;
	v0 =	vand.u32 $0x3FFF, v0  }
0xd9: {  	[tilespmem:$0x16090] =	vst v1  }
0xda: {  	[tilespmem:$0x16290] =	vst v0  }
0xdb: {  	v0 =	vld [tilespmem:s12+$0x139E0];
	_ =	sdelay $0x4  }
0xdc: {  	v1 =	vshrl.u32 v0, $0xE;
	v0 =	vand.u32 $0x3FFF, v0  }
0xdd: {  	[tilespmem:$0x160A0] =	vst v1  }
0xde: {  	[tilespmem:$0x162A0] =	vst v0  }
0xdf: {  	v0 =	vld [tilespmem:s12+$0x139F0];
	_ =	sdelay $0x4  }
0xe0: {  	v1 =	vshrl.u32 v0, $0xE;
	v0 =	vand.u32 $0x3FFF, v0  }
0xe1: {  	[tilespmem:$0x160B0] =	vst v1  }
0xe2: {  	[tilespmem:$0x162B0] =	vst v0  }
0xe3: {  	v0 =	vld [tilespmem:s12+$0x13A00];
	_ =	sdelay $0x4  }
0xe4: {  	v1 =	vshrl.u32 v0, $0xE;
	v0 =	vand.u32 $0x3FFF, v0  }
0xe5: {  	[tilespmem:$0x160C0] =	vst v1  }
0xe6: {  	[tilespmem:$0x162C0] =	vst v0  }
0xe7: {  	[tilespmem:s18], [sflag:$0x2] =	stream.indirect.gather [hbm4b:s0+s14], $0x80, s17, s14, $0xb8;
	[tilespmem:$0x1DC00] =	vst v63  }
0xe8: {  	_ =	swait.ge [sflag:s31], $0x2800  }
0xe9: {  	[sflag:s31] =	ssyncset.done $0x0  }
0xea: {  	[sflag:s31] =	ssyncadd.s32 $0xFFFFD800  }
0xeb: {  	[spmem:s2] =	stream.indirect.scatter.add.f32 [tilespmem:s20], [sflag:$0x6], $0x80, s1, s14, $0xb8;
	[tilespmem:$0x1DC00] =	vst v63  }
0xec: {  	_ =	swait.ge [sflag:s8], $0x2800  }
0xed: {  	[sflag:s8] =	ssyncset.done $0x0  }
0xee: {  	[sflag:s8] =	ssyncadd.s32 $0xFFFFD800  }
0xef: {  	v0 =	vld [tilespmem:s12+$0x13A10];
	_ =	sdelay $0x4  }
0xf0: {  	v1 =	vshrl.u32 v0, $0xE;
	v0 =	vand.u32 $0x3FFF, v0  }
0xf1: {  	[tilespmem:$0x16100] =	vst v1  }
0xf2: {  	[tilespmem:$0x16300] =	vst v0  }
0xf3: {  	v0 =	vld [tilespmem:s12+$0x13A20];
	_ =	sdelay $0x4  }
0xf4: {  	v1 =	vshrl.u32 v0, $0xE;
	v0 =	vand.u32 $0x3FFF, v0  }
0xf5: {  	[tilespmem:$0x16110] =	vst v1  }
0xf6: {  	[tilespmem:$0x16310] =	vst v0  }
0xf7: {  	v0 =	vld [tilespmem:s12+$0x13A30];
	_ =	sdelay $0x3  }
.Ltmp2:
0xf8: {  	(pc) =	sbr.rel @p3 .LBB2_2-.Ltmp2, $4  }
0xf9: {  	v1 =	vshrl.u32 v0, $0xE;
	v0 =	vand.u32 $0x3FFF, v0  }
0xfa: {  	[tilespmem:$0x16120] =	vst v1  }
0xfb: {  	[tilespmem:$0x16320] =	vst v0  }
0xfc: {  	v0 =	vld [tilespmem:s12+$0x13A40]  }
0xfd: {  	_ =	sdelay $0x3  }
0xfe: {  	v1 =	vshrl.u32 v0, $0xE  }
0xff: {  	v36 =	vand.u32 $0x3FFF, v0;
	[tilespmem:$0x16130] =	vst v1  }
0x100: {  	[tilespmem:$0x16330] =	vst v36  }
0x101: {  	v0 =	vld [tilespmem:s12+$0x13A50];
	_ =	sdelay $0x4  }
0x102: {  	v37 =	vshrl.u32 v0, $0xE  }
0x103: {  	v0 =	vand.u32 $0x3FFF, v0;
	[tilespmem:$0x16140] =	vst v37  }
0x104: {  	[tilespmem:$0x16340] =	vst v0  }
0x105: {  	[tilespmem:s20], [sflag:$0x3] =	stream.indirect.gather [hbm4b:s0+s14], $0x80, s19, s14, $0xb8;
	[tilespmem:$0x1DC00] =	vst v63  }
0x106: {  	_ =	swait.ge [sflag:s24], $0x2800  }
0x107: {  	[sflag:s24] =	ssyncset.done $0x0  }
0x108: {  	[sflag:s24] =	ssyncadd.s32 $0xFFFFD800  }
0x109: {  	[spmem:s2] =	stream.indirect.scatter.add.f32 [tilespmem:s16], [sflag:$0x4], $0x80, s25, s14, $0xb8;
	[tilespmem:$0x1DC00] =	vst v63  }
0x10a: {  	_ =	swait.ge [sflag:s26], $0x2800  }
0x10b: {  	[sflag:s26] =	ssyncset.done $0x0  }
0x10c: {  	[sflag:s26] =	ssyncadd.s32 $0xFFFFD800  }
0x10d: {  	v38 =	vld [tilespmem:$0x15EF0];
	_ =	sdelay $0x1  }
0x10e: {  	v39 =	vld [tilespmem:$0x15F00];
	_ =	sdelay $0x1  }
0x10f: {  	v2 =	vld [tilespmem:$0x15F10]  }
0x110: {  	v3 =	vshrl.u32 v38, $0xE  }
0x111: {  	v40 =	vld [tilespmem:$0x15F20];
	v0 =	vand.u32 $0x3FFF, v38;
	[tilespmem:$0x16000] =	vst v3  }
0x112: {  	v41 =	vshrl.u32 v39, $0xE;
	[tilespmem:$0x16200] =	vst v0  }
0x113: {  	v43 =	vld [tilespmem:$0x15F30];
	v42 =	vand.u32 $0x3FFF, v39;
	[tilespmem:$0x16010] =	vst v41  }
0x114: {  	v44 =	vshrl.u32 v2, $0xE;
	[tilespmem:$0x16210] =	vst v42  }
0x115: {  	v45 =	vand.u32 $0x3FFF, v2;
	[tilespmem:$0x16020] =	vst v44  }
0x116: {  	v46 =	vshrl.u32 v40, $0xE;
	[tilespmem:$0x16220] =	vst v45  }
0x117: {  	v47 =	vand.u32 $0x3FFF, v40;
	[tilespmem:$0x16030] =	vst v46  }
0x118: {  	v48 =	vshrl.u32 v43, $0xE;
	[tilespmem:$0x16230] =	vst v47  }
0x119: {  	v49 =	vand.u32 $0x3FFF, v43;
	[tilespmem:$0x16040] =	vst v48  }
0x11a: {  	[tilespmem:$0x16240] =	vst v49  }
0x11b: {  	[tilespmem:s16], [sflag:$0x1] =	stream.indirect.gather [hbm4b:s0+s14], $0x80, s15, s14, $0xb8;
	[tilespmem:$0x1DC00] =	vst v63  }
0x11c: {  	_ =	swait.ge [sflag:s28], $0x2800  }
0x11d: {  	[sflag:s28] =	ssyncset.done $0x0  }
0x11e: {  	[sflag:s28] =	ssyncadd.s32 $0xFFFFD800  }
0x11f: {  	[spmem:s2] =	stream.indirect.scatter.add.f32 [tilespmem:s18], [sflag:$0x5], $0x80, s29, s14, $0xb8;
	[tilespmem:$0x1DC00] =	vst v63  }
0x120: {  	_ =	swait.ge [sflag:s30], $0x2800  }
0x121: {  	[sflag:s30] =	ssyncset.done $0x0  }
0x122: {  	[sflag:s30] =	ssyncadd.s32 $0xFFFFD800  }
0x123: {  	v50 =	vld [tilespmem:$0x15F40];
	_ =	sdelay $0x1  }
0x124: {  	v51 =	vld [tilespmem:$0x15F50];
	_ =	sdelay $0x1  }
0x125: {  	v52 =	vld [tilespmem:$0x15F60]  }
0x126: {  	v53 =	vshrl.u32 v50, $0xE  }
0x127: {  	v54 =	vld [tilespmem:$0x15F70];
	v0 =	vand.u32 $0x3FFF, v50;
	[tilespmem:$0x16080] =	vst v53  }
0x128: {  	v55 =	vshrl.u32 v51, $0xE;
	[tilespmem:$0x16280] =	vst v0  }
0x129: {  	v57 =	vld [tilespmem:$0x15F80];
	v56 =	vand.u32 $0x3FFF, v51;
	[tilespmem:$0x16090] =	vst v55  }
0x12a: {  	v58 =	vshrl.u32 v52, $0xE;
	[tilespmem:$0x16290] =	vst v56  }
0x12b: {  	v59 =	vand.u32 $0x3FFF, v52;
	[tilespmem:$0x160A0] =	vst v58  }
0x12c: {  	v60 =	vshrl.u32 v54, $0xE;
	[tilespmem:$0x162A0] =	vst v59  }
0x12d: {  	v61 =	vand.u32 $0x3FFF, v54;
	[tilespmem:$0x160B0] =	vst v60  }
0x12e: {  	v62 =	vshrl.u32 v57, $0xE;
	[tilespmem:$0x162B0] =	vst v61  }
0x12f: {  	v63 =	vand.u32 $0x3FFF, v57;
	[tilespmem:$0x160C0] =	vst v62  }
0x130: {  	[tilespmem:$0x162C0] =	vst v63  }
0x131: {  	[tilespmem:s18], [sflag:$0x2] =	stream.indirect.gather [hbm4b:s0+s14], $0x80, s17, s14, $0xb8;
	[tilespmem:$0x1DC00] =	vst v63  }
0x132: {  	_ =	swait.ge [sflag:s31], $0x2800  }
0x133: {  	[sflag:s31] =	ssyncset.done $0x0  }
0x134: {  	[sflag:s31] =	ssyncadd.s32 $0xFFFFD800  }
0x135: {  	[spmem:s2] =	stream.indirect.scatter.add.f32 [tilespmem:s20], [sflag:$0x6], $0x80, s1, s14, $0xb8;
	[tilespmem:$0x1DC00] =	vst v63  }
0x136: {  	_ =	swait.ge [sflag:s8], $0x2800  }
0x137: {  	[sflag:s8] =	ssyncset.done $0x0  }
0x138: {  	[sflag:s8] =	ssyncadd.s32 $0xFFFFD800  }
0x139: {  	_ =	swait.ge [sflag:s24], $0x2800  }
0x13a: {  	[sflag:s24] =	ssyncset.done $0x0  }
0x13b: {  	[sflag:s24] =	ssyncadd.s32 $0xFFFFD800  }
0x13c: {  	[spmem:s2] =	stream.indirect.scatter.add.f32 [tilespmem:s16], [sflag:$0x4], $0x80, s25, s14, $0xb8;
	[tilespmem:$0x1DC00] =	vst v63  }
0x13d: {  	_ =	swait.ge [sflag:s26], $0x2800  }
0x13e: {  	[sflag:s26] =	ssyncset.done $0x0  }
0x13f: {  	[sflag:s26] =	ssyncadd.s32 $0xFFFFD800  }
0x140: {  	_ =	swait.ge [sflag:s28], $0x2800  }
0x141: {  	[sflag:s28] =	ssyncset.done $0x0  }
0x142: {  	[sflag:s28] =	ssyncadd.s32 $0xFFFFD800  }
0x143: {  	[spmem:s2] =	stream.indirect.scatter.add.f32 [tilespmem:s18], [sflag:$0x5], $0x80, s29, s14, $0xb8;
	[tilespmem:$0x1DC00] =	vst v63  }
.Ltmp3:
0x144: {  	_ =	swait.ge [sflag:s30], $0x2800;
	(pc) =	sbr.rel @!p1 .LBB2_4-.Ltmp3, $3  }
0x145: {  	[sflag:s30] =	ssyncset.done $0x0  }
0x146: {  	[sflag:s30] =	ssyncadd.s32 $0xFFFFD800  }
0x147: {  	[bflag:$0x0] =	sbarrier.arrive $0xFFFF;
	_ =	sdelay $0x1  }
0x148: {  	s9 =	rddreg [dreg:$0x6]  }
0x149: {  	[hbm:s9], [sflag:s21] =	dma.local [spmem:s22], $0x2700  }
.Ltmp4:
0x14a: {  	_ = 	snop;
	(pc) =	sbr.rel @p0 .LBB2_7-.Ltmp4, $4  }
.Ltmp5:
0x14b: {  	_ = 	snop;
	(pc) =	sbr.rel @!p0 .LBB2_6-.Ltmp5, $4  }
0x14c: {  	_ =	swait.ge [sflag:s13], $0x2700  }
0x14d: {  	[sflag:s13] =	ssyncset.done $0x0  }
0x14e: {  	s9 =	smov.u32 s6;
	[sflag:s13] =	ssyncadd.s32 $0xFFFFD900  }
0x14f: {  	_ = 	snop  }
.LBB2_4:
0x150: {  	s9 =	rddreg [dreg:$0x5]  }
0x151: {  	[hbm:s9], [sflag:s21] =	dma.local [spmem:s22], $0x2700  }
.Ltmp6:
0x152: {  	_ = 	snop;
	(pc) =	sbr.rel @!p2 .LBB2_7-.Ltmp6, $4  }
.Ltmp7:
0x153: {  	_ = 	snop;
	(pc) =	sbr.rel @p2 .LBB2_6-.Ltmp7, $4  }
0x154: {  	_ =	swait.ge [sflag:s13], $0x2700  }
0x155: {  	[sflag:s13] =	ssyncset.done $0x0  }
0x156: {  	s9 =	smov.u32 s5;
	[sflag:s13] =	ssyncadd.s32 $0xFFFFD900  }
0x157: {  	_ = 	snop  }
.LBB2_8:
0x158: {  	_ =	sfence.sel $0x180000  }
0x159: {  	[bflag:$0x0] =	sbarrier.arrive $0xFFFF  }
0x15a: {  	_ =	strace $0x90000047  }
0x15b: {  	[bflag:$0x2] =	sbarrier.arrive $0xFFFF  }
0x15c: {  	s0 =	rddreg [dreg:$0x3]  }
0x15d: {  	s0 =	sadd.s32 @!p0 $0x100000, s0  }
0x15e: {  	[sflag:s0] =	ssyncadd.tile.s32 @!p0 $0x1;
	_ =	shalt  }
.Lfunc_end2:
_tile_overlayer_lowered:
.L_overlay_start_2:
0x15f: {  	(tag) =	ssettag $0x2  }
0x160: {  	s0 =	rddreg [dreg:$0x0];
	s2 =	stileid.u32  }
0x161: {  	s1 =	rddreg [dreg:$0x1];
	p0 =	sne.s32 s2, $0x0  }
0x162: {  	s3 =	rddreg [dreg:$0x2];
	[bflag:$0x3] =	sbarrier.arrive $0xFFFF;
	s2 =	simm.s32 @!p0 $0x1C07  }
0x163: {  	[timem:s3], [sflag:s2] =	dma.local @!p0 [hbm:s0], s1  }
0x164: {  	s0 =	simm.s32 @!p0 $0x7  }
0x165: {  	_ =	swait.ge @!p0 [sflag:s0], s1  }
0x166: {  	s1 =	ssub.s32 @!p0 $0x0, s1;
	[sflag:s0] =	ssyncset.done @!p0 $0x0  }
0x167: {  	[sflag:s0] =	ssyncadd.s32 @!p0 s1  }
0x168: {  	[bflag:$0x3] =	sbarrier.arrive $0xFFFF  }
0x169: {  	_ =	shalt  }

</sc_bundles>
